<compile_context>
chip_gen: v7x
topology: tpu7x:2x2x1
jax: 0.10.2.dev20260603
libtpu: 0.0.44.dev20260713+nightly
codegen_flags: <defaults>
</compile_context>

<pallas_src>
import functools

import jax
import jax.numpy as jnp
from jax import lax
from jax.experimental import pallas as pl
from jax.experimental.pallas import tpu as pltpu
from jax.experimental.pallas import tpu_sc as plsc

_B, _D, _C, _E = 4096, 1000, 40, 64
_K = 8
_CP = 48
_NC, _NS = 2, 16
_NW = _NC * _NS
_QPW = _B // _NW
_BB = 256
_NEG = -1e30



def _score_topk_body(dfea_ref, dp_ref, v1_ref, u1_ref, dsim_ref, idx_ref):
    f32 = jnp.float32
    m_mat = lax.dot_general(u1_ref[...], v1_ref[...], (((0,), (0,)), ((), ())),
                            preferred_element_type=f32)
    g = jnp.dot(dfea_ref[...], m_mat, preferred_element_type=f32)
    p = lax.dot_general(g, dp_ref[...], (((1,), (1,)), ((), ())),
                        preferred_element_type=f32)
    p_max = jnp.max(p, axis=1, keepdims=True)
    p_exp = jnp.exp(p - p_max)
    p_sum = jnp.sum(p_exp, axis=1, keepdims=True)
    pd = p_exp / p_sum
    iota = lax.broadcasted_iota(jnp.int32, pd.shape, 1)
    vals, idxs = [], []
    for _ in range(_K):
        mv = jnp.max(pd, axis=1, keepdims=True)
        cand = jnp.where(pd == mv, iota, _D)
        am = jnp.min(cand, axis=1, keepdims=True)
        vals.append(mv)
        idxs.append(am)
        pd = jnp.where(iota == am, -1.0, pd)
    dsim_ref[...] = jnp.concatenate(vals, axis=1)
    idx_ref[...] = jnp.concatenate(idxs, axis=1)


_score_topk = pl.pallas_call(
    _score_topk_body,
    grid=(_B // _BB,),
    in_specs=[
        pl.BlockSpec((_BB, _E), lambda i: (i, 0)),
        pl.BlockSpec((_D, _E), lambda i: (0, 0)),
        pl.BlockSpec((32, _E), lambda i: (0, 0)),
        pl.BlockSpec((32, _E), lambda i: (0, 0)),
    ],
    out_specs=[
        pl.BlockSpec((_BB, _K), lambda i: (i, 0)),
        pl.BlockSpec((_BB, _K), lambda i: (i, 0)),
    ],
    out_shape=[
        jax.ShapeDtypeStruct((_B, _K), jnp.float32),
        jax.ShapeDtypeStruct((_B, _K), jnp.int32),
    ],
)



def _transpose_body(cp_ref, out_ref):
    out_ref[...] = jnp.transpose(cp_ref[...], (0, 2, 1))


_transpose_cp = pl.pallas_call(
    _transpose_body,
    grid=(_D // 8,),
    in_specs=[pl.BlockSpec((8, _C, _E), lambda i: (i, 0, 0))],
    out_specs=pl.BlockSpec((8, _E, _C), lambda i: (i, 0, 0)),
    out_shape=jax.ShapeDtypeStruct((_D, _E, _C), jnp.float32),
)



def _classify_body(cp_hbm, idx_hbm, ds_hbm, cf_hbm, out_hbm,
                   idxv, dsv, cfv, rowbuf0, rowbuf1, outv, sem0, sem1):
    f32 = jnp.float32
    wid = lax.axis_index("s") * _NC + lax.axis_index("c")
    base = wid * _QPW
    pltpu.sync_copy(idx_hbm.at[pl.ds(base, _QPW)], idxv)
    pltpu.sync_copy(ds_hbm.at[pl.ds(base, _QPW)], dsv)
    pltpu.sync_copy(cf_hbm.at[pl.ds(base, _QPW)], cfv)

    lane = lax.iota(jnp.int32, 16)
    padmask = lane < 8
    zero16 = jnp.zeros((16,), f32)
    nvecs = [jnp.full((16,), n, jnp.int32) for n in range(_K)]
    bufs = (rowbuf0, rowbuf1)
    sems = (sem0, sem1)

    pltpu.make_async_copy(
        cp_hbm.at[idxv.at[0]], rowbuf0.at[pl.ds(0, _K)], sem0).start()

    def _compute_q(q, rowbuf):
        ds_row = dsv[q, pl.ds(0, 16)]

        def n_body(n, oacc):
            acc = [zero16, zero16, zero16]
            for ch in range(_E // 16):
                cf_chunk = cfv[q, pl.ds(ch * 16, 16)]
                for k in range(16):
                    ce = cf_chunk.at[jnp.full((16,), k, jnp.int32)].get(
                        mode="promise_in_bounds")
                    off0 = (ch * 16 + k) * _C
                    for j, joff in enumerate((0, 16, 24)):
                        g = rowbuf[n, pl.ds(off0 + joff, 16)]
                        acc[j] = acc[j] + g * ce
            a2 = jnp.where(padmask, _NEG, acc[2])
            m = jnp.max(jnp.maximum(jnp.maximum(acc[0], acc[1]), a2))
            ex = [jnp.exp(acc[0] - m), jnp.exp(acc[1] - m), jnp.exp(a2 - m)]
            s = jnp.sum(ex[0] + ex[1] + ex[2])
            dsb = ds_row.at[jnp.full((16,), n, jnp.int32)].get(
                mode="promise_in_bounds")
            w = dsb / jnp.full((16,), s, f32)
            return (oacc[0] + w * ex[0], oacc[1] + w * ex[1],
                    oacc[2] + w * ex[2])

        oa = list(lax.fori_loop(0, _K, n_body, (zero16, zero16, zero16)))
        oa[2] = jnp.where(padmask, _NEG, oa[2])
        m = jnp.max(jnp.maximum(jnp.maximum(oa[0], oa[1]), oa[2]))
        fx = [jnp.exp(v - m) for v in oa]
        rs = jnp.ones((16,), f32) / jnp.full(
            (16,), jnp.sum(fx[0] + fx[1] + fx[2]), f32)
        f2 = fx[2].at[(lane & 7) + 8].get(mode="promise_in_bounds")
        outv[q, pl.ds(0, 16)] = fx[0] * rs
        outv[q, pl.ds(16, 16)] = fx[1] * rs
        outv[q, pl.ds(32, 16)] = f2 * rs

    def q_body(i, carry):
        for p in range(2):
            q = 2 * i + p
            pltpu.make_async_copy(
                cp_hbm.at[idxv.at[q]], bufs[p].at[pl.ds(0, _K)],
                sems[p]).wait()

            @pl.when(q + 1 < _QPW)
            def _():
                pltpu.make_async_copy(
                    cp_hbm.at[idxv.at[q + 1]], bufs[1 - p].at[pl.ds(0, _K)],
                    sems[1 - p]
                ).start()

            _compute_q(q, bufs[p])
        return carry

    lax.fori_loop(0, _QPW // 2, q_body, 0)
    pltpu.sync_copy(outv, out_hbm.at[pl.ds(base, _QPW)])


@functools.cache
def _make_classify():
    return pl.kernel(
        _classify_body,
        mesh=plsc.VectorSubcoreMesh(core_axis_name="c", subcore_axis_name="s"),
        out_type=jax.ShapeDtypeStruct((_B, _CP), jnp.float32),
        compiler_params=pltpu.CompilerParams(
            use_tc_tiling_on_sc=False, needs_layout_passes=False),
        scratch_types=[
            pltpu.VMEM((_QPW, _K), jnp.int32),
            pltpu.VMEM((_QPW, 16), jnp.float32),
            pltpu.VMEM((_QPW, _E), jnp.float32),
            pltpu.VMEM((_K + 1, _C * _E), jnp.float32),
            pltpu.VMEM((_K + 1, _C * _E), jnp.float32),
            pltpu.VMEM((_QPW, _CP), jnp.float32),
            pltpu.SemaphoreType.DMA,
            pltpu.SemaphoreType.DMA,
        ],
    )


def kernel(c_fea, d_fea, domain_p, class_p, V1, U1, num):
    del num
    dsim, idx = _score_topk(d_fea, domain_p, V1, U1)
    dsim16 = jnp.concatenate(
        [dsim, jnp.zeros((_B, 16 - _K), jnp.float32)], axis=1)
    cpt2d = _transpose_cp(class_p).reshape(_D, _C * _E)
    out48 = _make_classify()(cpt2d, idx, dsim16, c_fea)
    return out48[:, :_C]

# --- scband reference (transcript-rebuilt; emitter-appended) ---
"""Pipeline reference for scband-pairwise-learning-12695923327256 (READ-ONLY COPY).

The authoritative reference and input builder live on the scoring server;
editing this copy changes nothing except your own understanding.
"""

import jax, jax.numpy as jnp
import numpy as np


def setup_inputs(seed: int = 0) -> dict:
    key = jax.random.key(seed)
    k1, k2, k3, k4 = jax.random.split(key, 4)
    B, D, C, E = 4096, 1000, 40, 64
    c_fea = jax.random.normal(k1, (B, E), dtype=jnp.float32)
    d_fea = jax.random.normal(k2, (B, E), dtype=jnp.float32)
    domain_p = jax.random.normal(k3, (D, E), dtype=jnp.float32)
    class_p = jax.random.normal(k4, (D, C, E), dtype=jnp.float32)
    V1 = jnp.ones((32, 64), dtype=jnp.float32)
    U1 = jnp.ones((32, 64), dtype=jnp.float32)
    return {"c_fea": c_fea, "d_fea": d_fea, "domain_p": domain_p, "class_p": class_p, "V1": V1, "U1": U1, "num": 8}


def reference(c_fea, d_fea, domain_p, class_p, V1, U1, num):
    # domain_select: score every query against every domain prototype via bilinear form U1^T V1
    store_mat = jnp.matmul(V1, domain_p.T)                      # (32, D)
    predict = jnp.matmul(jnp.matmul(U1, d_fea.T).T, store_mat)  # (B, D)
    predict = predict + 0 * jnp.asarray(num, dtype=predict.dtype)
    predict_d = jax.nn.softmax(predict, axis=1)
    k_static = 8
    d_sim, indices = jax.lax.top_k(predict_d, k_static)         # (B, num), (B, num)
    # gather selected class prototypes: (B, num, C, E)
    select_p = jnp.take(class_p, indices, axis=0)
    # torch: matmul(select_p, c_fea[:, None, :, None]).squeeze(-1) -> (B, num, C)
    result = jnp.einsum('bnce,be->bnc', select_p, c_fea)
    result = jax.nn.softmax(result, axis=2)
    predict_score = d_sim[..., None] * result                   # (B, num, C)
    out = jnp.sum(predict_score, axis=1)                        # (B, C)
    out = jax.nn.softmax(out, axis=1)
    return out

if __name__ == "__main__":
    import jax
    _d = setup_inputs()
    print(jax.jit(kernel)(*tuple(_d.values())))

</pallas_src>

<mosaic_0001>
#map = affine_map<(d0, d1) -> (0, 0)>
module attributes {stable_mosaic.version = 14 : i64} {
  func.func @_classify_body(%arg0: i32, %arg1: i32, %arg2: memref<1000x2560xf32, #tpu.memory_space<hbm>>, %arg3: memref<4096x8xi32, #tpu.memory_space<hbm>>, %arg4: memref<4096x16xf32, #tpu.memory_space<hbm>>, %arg5: memref<4096x64xf32, #tpu.memory_space<hbm>>, %arg6: memref<4096x48xf32, #tpu.memory_space<hbm>>, %arg7: memref<128x8xi32, #tpu.memory_space<vmem>>, %arg8: memref<128x16xf32, #tpu.memory_space<vmem>>, %arg9: memref<128x64xf32, #tpu.memory_space<vmem>>, %arg10: memref<9x2560xf32, #tpu.memory_space<vmem>>, %arg11: memref<9x2560xf32, #tpu.memory_space<vmem>>, %arg12: memref<128x48xf32, #tpu.memory_space<vmem>>, %arg13: memref<!tpu.dma_semaphore, #tpu.memory_space<semaphore_mem>>, %arg14: memref<!tpu.dma_semaphore, #tpu.memory_space<semaphore_mem>>) attributes {dimension_semantics = [#tpu.dimension_semantics<core_parallel>, #tpu.dimension_semantics<subcore_parallel>], iteration_bounds = array<i64: 2, 16>, scalar_prefetch = 0 : i64, scratch_operands = 8 : i64, tpu.core_type = #tpu.core_type<sc_vector_subcore>, window_params = [{transform_indices = #map}, {transform_indices = #map}, {transform_indices = #map}, {transform_indices = #map}, {transform_indices = #map}]} {
    %mul3A = arith.constant 2 : i32
    %mul3A_0 = arith.muli %arg1, %mul3A : i32
    %add3A = arith.addi %mul3A_0, %arg0 : i32
    %mul3A_1 = arith.constant 128 : i32
    %mul3A_2 = arith.muli %add3A, %mul3A_1 : i32
    "tpu.region"() ({
      %run_scoped3A = tpu.sem_alloc : memref<!tpu.dma_semaphore, #tpu.memory_space<semaphore_mem>>
      %dma_start3A_36 = arith.constant 0 : i32
      %dma_start3A_37 = tpu.memref_slice %arg3[%mul3A_2, %dma_start3A_36] : memref<4096x8xi32, #tpu.memory_space<hbm>> -> memref<128x8xi32, #tpu.memory_space<hbm>>
      %dma_start3A_38 = arith.constant 0 : i32
      %dma_start3A_39 = tpu.memref_slice %arg3[%mul3A_2, %dma_start3A_38] : memref<4096x8xi32, #tpu.memory_space<hbm>> -> memref<128x8xi32, #tpu.memory_space<hbm>>
      tpu.enqueue_dma source(%dma_start3A_39 : memref<128x8xi32, #tpu.memory_space<hbm>>) target(%arg7 : memref<128x8xi32, #tpu.memory_space<vmem>>) target_semaphore(%run_scoped3A : memref<!tpu.dma_semaphore, #tpu.memory_space<semaphore_mem>>)
      %dma_wait3A = arith.constant 0 : i32
      %dma_wait3A_40 = tpu.memref_slice %arg3[%mul3A_2, %dma_wait3A] : memref<4096x8xi32, #tpu.memory_space<hbm>> -> memref<128x8xi32, #tpu.memory_space<hbm>>
      %dma_wait3A_41 = arith.constant 0 : i32
      %dma_wait3A_42 = tpu.memref_slice %arg3[%mul3A_2, %dma_wait3A_41] : memref<4096x8xi32, #tpu.memory_space<hbm>> -> memref<128x8xi32, #tpu.memory_space<hbm>>
      tpu.wait_dma2 semaphore(%run_scoped3A : memref<!tpu.dma_semaphore, #tpu.memory_space<semaphore_mem>>) src(%dma_wait3A_42 : memref<128x8xi32, #tpu.memory_space<hbm>>) dst(%arg7 : memref<128x8xi32, #tpu.memory_space<vmem>>)
      tpu.yield
    }) : () -> ()
    "tpu.region"() ({
      %run_scoped3A = tpu.sem_alloc : memref<!tpu.dma_semaphore, #tpu.memory_space<semaphore_mem>>
      %dma_start3A_36 = arith.constant 0 : i32
      %dma_start3A_37 = tpu.memref_slice %arg4[%mul3A_2, %dma_start3A_36] : memref<4096x16xf32, #tpu.memory_space<hbm>> -> memref<128x16xf32, #tpu.memory_space<hbm>>
      %dma_start3A_38 = arith.constant 0 : i32
      %dma_start3A_39 = tpu.memref_slice %arg4[%mul3A_2, %dma_start3A_38] : memref<4096x16xf32, #tpu.memory_space<hbm>> -> memref<128x16xf32, #tpu.memory_space<hbm>>
      tpu.enqueue_dma source(%dma_start3A_39 : memref<128x16xf32, #tpu.memory_space<hbm>>) target(%arg8 : memref<128x16xf32, #tpu.memory_space<vmem>>) target_semaphore(%run_scoped3A : memref<!tpu.dma_semaphore, #tpu.memory_space<semaphore_mem>>)
      %dma_wait3A = arith.constant 0 : i32
      %dma_wait3A_40 = tpu.memref_slice %arg4[%mul3A_2, %dma_wait3A] : memref<4096x16xf32, #tpu.memory_space<hbm>> -> memref<128x16xf32, #tpu.memory_space<hbm>>
      %dma_wait3A_41 = arith.constant 0 : i32
      %dma_wait3A_42 = tpu.memref_slice %arg4[%mul3A_2, %dma_wait3A_41] : memref<4096x16xf32, #tpu.memory_space<hbm>> -> memref<128x16xf32, #tpu.memory_space<hbm>>
      tpu.wait_dma2 semaphore(%run_scoped3A : memref<!tpu.dma_semaphore, #tpu.memory_space<semaphore_mem>>) src(%dma_wait3A_42 : memref<128x16xf32, #tpu.memory_space<hbm>>) dst(%arg8 : memref<128x16xf32, #tpu.memory_space<vmem>>)
      tpu.yield
    }) : () -> ()
    "tpu.region"() ({
      %run_scoped3A = tpu.sem_alloc : memref<!tpu.dma_semaphore, #tpu.memory_space<semaphore_mem>>
      %dma_start3A_36 = arith.constant 0 : i32
      %dma_start3A_37 = tpu.memref_slice %arg5[%mul3A_2, %dma_start3A_36] : memref<4096x64xf32, #tpu.memory_space<hbm>> -> memref<128x64xf32, #tpu.memory_space<hbm>>
      %dma_start3A_38 = arith.constant 0 : i32
      %dma_start3A_39 = tpu.memref_slice %arg5[%mul3A_2, %dma_start3A_38] : memref<4096x64xf32, #tpu.memory_space<hbm>> -> memref<128x64xf32, #tpu.memory_space<hbm>>
      tpu.enqueue_dma source(%dma_start3A_39 : memref<128x64xf32, #tpu.memory_space<hbm>>) target(%arg9 : memref<128x64xf32, #tpu.memory_space<vmem>>) target_semaphore(%run_scoped3A : memref<!tpu.dma_semaphore, #tpu.memory_space<semaphore_mem>>)
      %dma_wait3A = arith.constant 0 : i32
      %dma_wait3A_40 = tpu.memref_slice %arg5[%mul3A_2, %dma_wait3A] : memref<4096x64xf32, #tpu.memory_space<hbm>> -> memref<128x64xf32, #tpu.memory_space<hbm>>
      %dma_wait3A_41 = arith.constant 0 : i32
      %dma_wait3A_42 = tpu.memref_slice %arg5[%mul3A_2, %dma_wait3A_41] : memref<4096x64xf32, #tpu.memory_space<hbm>> -> memref<128x64xf32, #tpu.memory_space<hbm>>
      tpu.wait_dma2 semaphore(%run_scoped3A : memref<!tpu.dma_semaphore, #tpu.memory_space<semaphore_mem>>) src(%dma_wait3A_42 : memref<128x64xf32, #tpu.memory_space<hbm>>) dst(%arg9 : memref<128x64xf32, #tpu.memory_space<vmem>>)
      tpu.yield
    }) : () -> ()
    %iota3A = tpu.iota {dimensions = array<i32: 0>} : vector<16xi32>
    %lt3A = arith.constant 8 : i32
    %lt3A_3 = vector.broadcast %lt3A : i32 to vector<16xi32>
    %lt3A_4 = arith.cmpi slt, %iota3A, %lt3A_3 : vector<16xi32>
    %broadcast_in_dim3A = arith.constant 0.000000e+00 : f32
    %broadcast_in_dim3A_5 = vector.broadcast %broadcast_in_dim3A : f32 to vector<16xf32>
    %broadcast_in_dim3A_6 = arith.constant 0 : i32
    %broadcast_in_dim3A_7 = vector.broadcast %broadcast_in_dim3A_6 : i32 to vector<16xi32>
    %broadcast_in_dim3A_8 = arith.constant 1 : i32
    %broadcast_in_dim3A_9 = vector.broadcast %broadcast_in_dim3A_8 : i32 to vector<16xi32>
    %broadcast_in_dim3A_10 = arith.constant 2 : i32
    %broadcast_in_dim3A_11 = vector.broadcast %broadcast_in_dim3A_10 : i32 to vector<16xi32>
    %broadcast_in_dim3A_12 = arith.constant 3 : i32
    %broadcast_in_dim3A_13 = vector.broadcast %broadcast_in_dim3A_12 : i32 to vector<16xi32>
    %broadcast_in_dim3A_14 = arith.constant 4 : i32
    %broadcast_in_dim3A_15 = vector.broadcast %broadcast_in_dim3A_14 : i32 to vector<16xi32>
    %broadcast_in_dim3A_16 = arith.constant 5 : i32
    %broadcast_in_dim3A_17 = vector.broadcast %broadcast_in_dim3A_16 : i32 to vector<16xi32>
    %broadcast_in_dim3A_18 = arith.constant 6 : i32
    %broadcast_in_dim3A_19 = vector.broadcast %broadcast_in_dim3A_18 : i32 to vector<16xi32>
    %broadcast_in_dim3A_20 = arith.constant 7 : i32
    %broadcast_in_dim3A_21 = vector.broadcast %broadcast_in_dim3A_20 : i32 to vector<16xi32>
    %dma_start3A = arith.constant 0 : i32
    %dma_start3A_22 = arith.constant 0 : i32
    %dma_start3A_23 = arith.constant 0 : i32
    %dma_start3A_24 = tpu.memref_slice %arg10[%dma_start3A_22, %dma_start3A_23] : memref<9x2560xf32, #tpu.memory_space<vmem>> -> memref<8x2560xf32, #tpu.memory_space<vmem>>
    %dma_start3A_25 = arith.constant 0 : i32
    %dma_start3A_26 = tpu.memref_slice %arg7[%dma_start3A, %dma_start3A_25] : memref<128x8xi32, #tpu.memory_space<vmem>> -> memref<1x8xi32, #tpu.memory_space<vmem>>
    %dma_start3A_27 = tpu.memref_squeeze %dma_start3A_26 : memref<1x8xi32, #tpu.memory_space<vmem>> -> memref<8xi32, #tpu.memory_space<vmem>>
    %dma_start3A_28 = arith.constant 0 : i32
    %dma_start3A_29 = arith.constant 0 : i32
    %dma_start3A_30 = tpu.memref_slice %arg2[%dma_start3A_28, %dma_start3A_29] : memref<1000x2560xf32, #tpu.memory_space<hbm>> -> memref<1000x2560xf32, #tpu.memory_space<hbm>>
    tpu.enqueue_indirect_dma source(%dma_start3A_30 : memref<1000x2560xf32, #tpu.memory_space<hbm>>) target(%dma_start3A_24 : memref<8x2560xf32, #tpu.memory_space<vmem>>) offsets(%dma_start3A_27 : memref<8xi32, #tpu.memory_space<vmem>>) semaphore(%arg13 : memref<!tpu.dma_semaphore, #tpu.memory_space<semaphore_mem>>)
    %scan3A = arith.constant 0 : i32
    %scan3A_31 = arith.constant 0 : i32
    %scan3A_32 = arith.constant 64 : i32
    %scan3A_33 = arith.addi %scan3A_31, %scan3A_32 : i32
    %scan3A_34 = arith.constant 1 : i32
    scf.for %scan3A_36 = %scan3A_31 to %scan3A_33 step %scan3A_34  : i32 {
      %mul3A_37 = arith.constant 2 : i32
      %mul3A_38 = arith.muli %mul3A_37, %scan3A_36 : i32
      %add3A_39 = arith.constant 0 : i32
      %add3A_40 = arith.addi %mul3A_38, %add3A_39 : i32
      %dma_wait3A = arith.constant 0 : i32
      %dma_wait3A_41 = arith.constant 0 : i32
      %dma_wait3A_42 = tpu.memref_slice %arg10[%dma_wait3A, %dma_wait3A_41] : memref<9x2560xf32, #tpu.memory_space<vmem>> -> memref<8x2560xf32, #tpu.memory_space<vmem>>
      %dma_wait3A_43 = arith.constant 0 : i32
      %dma_wait3A_44 = tpu.memref_slice %arg7[%add3A_40, %dma_wait3A_43] : memref<128x8xi32, #tpu.memory_space<vmem>> -> memref<1x8xi32, #tpu.memory_space<vmem>>
      %dma_wait3A_45 = tpu.memref_squeeze %dma_wait3A_44 : memref<1x8xi32, #tpu.memory_space<vmem>> -> memref<8xi32, #tpu.memory_space<vmem>>
      %dma_wait3A_46 = arith.constant 0 : i32
      %dma_wait3A_47 = arith.constant 0 : i32
      %dma_wait3A_48 = tpu.memref_slice %arg2[%dma_wait3A_46, %dma_wait3A_47] : memref<1000x2560xf32, #tpu.memory_space<hbm>> -> memref<1000x2560xf32, #tpu.memory_space<hbm>>
      tpu.wait_indirect_dma semaphore(%arg13 : memref<!tpu.dma_semaphore, #tpu.memory_space<semaphore_mem>>) src(%dma_wait3A_48 : memref<1000x2560xf32, #tpu.memory_space<hbm>>) dst(%dma_wait3A_42 : memref<8x2560xf32, #tpu.memory_space<vmem>>)
      %add3A_49 = arith.constant 1 : i32
      %add3A_50 = arith.addi %add3A_40, %add3A_49 : i32
      %lt3A_51 = arith.constant 128 : i32
      %lt3A_52 = arith.cmpi slt, %add3A_50, %lt3A_51 : i32
      %convert_element_type3A = arith.extui %lt3A_52 : i1 to i32
      %cond3A = arith.constant 0 : i32
      %cond3A_53 = arith.cmpi ne, %convert_element_type3A, %cond3A : i32
      scf.if %cond3A_53 {
        %add3A_192 = arith.constant 1 : i32
        %add3A_193 = arith.addi %add3A_40, %add3A_192 : i32
        %dma_start3A_194 = arith.constant 0 : i32
        %dma_start3A_195 = arith.constant 0 : i32
        %dma_start3A_196 = tpu.memref_slice %arg11[%dma_start3A_194, %dma_start3A_195] : memref<9x2560xf32, #tpu.memory_space<vmem>> -> memref<8x2560xf32, #tpu.memory_space<vmem>>
        %dma_start3A_197 = arith.constant 0 : i32
        %dma_start3A_198 = tpu.memref_slice %arg7[%add3A_193, %dma_start3A_197] : memref<128x8xi32, #tpu.memory_space<vmem>> -> memref<1x8xi32, #tpu.memory_space<vmem>>
        %dma_start3A_199 = tpu.memref_squeeze %dma_start3A_198 : memref<1x8xi32, #tpu.memory_space<vmem>> -> memref<8xi32, #tpu.memory_space<vmem>>
        %dma_start3A_200 = arith.constant 0 : i32
        %dma_start3A_201 = arith.constant 0 : i32
        %dma_start3A_202 = tpu.memref_slice %arg2[%dma_start3A_200, %dma_start3A_201] : memref<1000x2560xf32, #tpu.memory_space<hbm>> -> memref<1000x2560xf32, #tpu.memory_space<hbm>>
        tpu.enqueue_indirect_dma source(%dma_start3A_202 : memref<1000x2560xf32, #tpu.memory_space<hbm>>) target(%dma_start3A_196 : memref<8x2560xf32, #tpu.memory_space<vmem>>) offsets(%dma_start3A_199 : memref<8xi32, #tpu.memory_space<vmem>>) semaphore(%arg14 : memref<!tpu.dma_semaphore, #tpu.memory_space<semaphore_mem>>)
      } else {
      }
      %get3A = arith.index_cast %add3A_40 : i32 to index
      %get3A_54 = arith.constant 0 : index
      %get3A_55 = tpu.vector_load %arg8[%get3A, %get3A_54] {strides = array<i32>} : memref<128x16xf32, #tpu.memory_space<vmem>>, vector<16xf32>,
      %scan3A_56 = arith.constant 0 : i32
      %scan3A_57 = arith.constant 8 : i32
      %scan3A_58 = arith.addi %scan3A_56, %scan3A_57 : i32
      %scan3A_59 = arith.constant 1 : i32
      %scan3A_60:3 = scf.for %scan3A_192 = %scan3A_56 to %scan3A_58 step %scan3A_59 iter_args(%scan3A_193 = %broadcast_in_dim3A_5, %scan3A_194 = %broadcast_in_dim3A_5, %scan3A_195 = %broadcast_in_dim3A_5) -> (vector<16xf32>, vector<16xf32>, vector<16xf32>)  : i32 {
        %get3A_196 = arith.index_cast %add3A_40 : i32 to index
        %get3A_197 = arith.constant 0 : index
        %get3A_198 = tpu.vector_load %arg9[%get3A_196, %get3A_197] {strides = array<i32>} : memref<128x64xf32, #tpu.memory_space<vmem>>, vector<16xf32>,
        %broadcast_in_dim3A_199 = arith.constant 0 : i32
        %broadcast_in_dim3A_200 = vector.broadcast %broadcast_in_dim3A_199 : i32 to vector<16xi32>
        %lt3A_201 = arith.constant 0 : i32
        %lt3A_202 = vector.broadcast %lt3A_201 : i32 to vector<16xi32>
        %lt3A_203 = arith.cmpi slt, %broadcast_in_dim3A_200, %lt3A_202 : vector<16xi32>
        %add3A_204 = arith.constant 16 : i32
        %add3A_205 = vector.broadcast %add3A_204 : i32 to vector<16xi32>
        %add3A_206 = arith.addi %broadcast_in_dim3A_200, %add3A_205 : vector<16xi32>
        %select_n3A_207 = arith.select %lt3A_203, %add3A_206, %broadcast_in_dim3A_200 : vector<16xi1>, vector<16xi32>
        %broadcast_in_dim3A_208 = vector.shape_cast %select_n3A_207 : vector<16xi32> to vector<16x1xi32>
        %gather3A_209 = vector.shape_cast %broadcast_in_dim3A_208 : vector<16x1xi32> to vector<16xi32>
        %gather3A_210 = tpu.dynamic_gather %get3A_198[%gather3A_209] in [0] : vector<16xf32>, vector<16xi32> -> vector<16xf32>
        %get3A_211 = arith.index_cast %scan3A_192 : i32 to index
        %get3A_212 = arith.constant 0 : index
        %get3A_213 = tpu.vector_load %arg10[%get3A_211, %get3A_212] {strides = array<i32>} : memref<9x2560xf32, #tpu.memory_space<vmem>>, vector<16xf32>,
        %mul3A_214 = arith.mulf %get3A_213, %gather3A_210 : vector<16xf32>
        %add3A_215 = arith.addf %broadcast_in_dim3A_5, %mul3A_214 : vector<16xf32>
        %get3A_216 = arith.index_cast %scan3A_192 : i32 to index
        %get3A_217 = arith.constant 16 : index
        %get3A_218 = tpu.vector_load %arg10[%get3A_216, %get3A_217] {strides = array<i32>} : memref<9x2560xf32, #tpu.memory_space<vmem>>, vector<16xf32>,
        %mul3A_219 = arith.mulf %get3A_218, %gather3A_210 : vector<16xf32>
        %add3A_220 = arith.addf %broadcast_in_dim3A_5, %mul3A_219 : vector<16xf32>
        %get3A_221 = arith.index_cast %scan3A_192 : i32 to index
        %get3A_222 = arith.constant 24 : index
        %get3A_223 = tpu.vector_load %arg10[%get3A_221, %get3A_222] {strides = array<i32>} : memref<9x2560xf32, #tpu.memory_space<vmem>>, vector<16xf32>,
        %mul3A_224 = arith.mulf %get3A_223, %gather3A_210 : vector<16xf32>
        %add3A_225 = arith.addf %broadcast_in_dim3A_5, %mul3A_224 : vector<16xf32>
        %broadcast_in_dim3A_226 = arith.constant 1 : i32
        %broadcast_in_dim3A_227 = vector.broadcast %broadcast_in_dim3A_226 : i32 to vector<16xi32>
        %lt3A_228 = arith.constant 0 : i32
        %lt3A_229 = vector.broadcast %lt3A_228 : i32 to vector<16xi32>
        %lt3A_230 = arith.cmpi slt, %broadcast_in_dim3A_227, %lt3A_229 : vector<16xi32>
        %add3A_231 = arith.constant 16 : i32
        %add3A_232 = vector.broadcast %add3A_231 : i32 to vector<16xi32>
        %add3A_233 = arith.addi %broadcast_in_dim3A_227, %add3A_232 : vector<16xi32>
        %select_n3A_234 = arith.select %lt3A_230, %add3A_233, %broadcast_in_dim3A_227 : vector<16xi1>, vector<16xi32>
        %broadcast_in_dim3A_235 = vector.shape_cast %select_n3A_234 : vector<16xi32> to vector<16x1xi32>
        %gather3A_236 = vector.shape_cast %broadcast_in_dim3A_235 : vector<16x1xi32> to vector<16xi32>
        %gather3A_237 = tpu.dynamic_gather %get3A_198[%gather3A_236] in [0] : vector<16xf32>, vector<16xi32> -> vector<16xf32>
        %get3A_238 = arith.index_cast %scan3A_192 : i32 to index
        %get3A_239 = arith.constant 40 : index
        %get3A_240 = tpu.vector_load %arg10[%get3A_238, %get3A_239] {strides = array<i32>} : memref<9x2560xf32, #tpu.memory_space<vmem>>, vector<16xf32>,
        %mul3A_241 = arith.mulf %get3A_240, %gather3A_237 : vector<16xf32>
        %add3A_242 = arith.addf %add3A_215, %mul3A_241 : vector<16xf32>
        %get3A_243 = arith.index_cast %scan3A_192 : i32 to index
        %get3A_244 = arith.constant 56 : index
        %get3A_245 = tpu.vector_load %arg10[%get3A_243, %get3A_244] {strides = array<i32>} : memref<9x2560xf32, #tpu.memory_space<vmem>>, vector<16xf32>,
        %mul3A_246 = arith.mulf %get3A_245, %gather3A_237 : vector<16xf32>
        %add3A_247 = arith.addf %add3A_220, %mul3A_246 : vector<16xf32>
        %get3A_248 = arith.index_cast %scan3A_192 : i32 to index
        %get3A_249 = arith.constant 64 : index
        %get3A_250 = tpu.vector_load %arg10[%get3A_248, %get3A_249] {strides = array<i32>} : memref<9x2560xf32, #tpu.memory_space<vmem>>, vector<16xf32>,
        %mul3A_251 = arith.mulf %get3A_250, %gather3A_237 : vector<16xf32>
        %add3A_252 = arith.addf %add3A_225, %mul3A_251 : vector<16xf32>
        %broadcast_in_dim3A_253 = arith.constant 2 : i32
        %broadcast_in_dim3A_254 = vector.broadcast %broadcast_in_dim3A_253 : i32 to vector<16xi32>
        %lt3A_255 = arith.constant 0 : i32
        %lt3A_256 = vector.broadcast %lt3A_255 : i32 to vector<16xi32>
        %lt3A_257 = arith.cmpi slt, %broadcast_in_dim3A_254, %lt3A_256 : vector<16xi32>
        %add3A_258 = arith.constant 16 : i32
        %add3A_259 = vector.broadcast %add3A_258 : i32 to vector<16xi32>
        %add3A_260 = arith.addi %broadcast_in_dim3A_254, %add3A_259 : vector<16xi32>
        %select_n3A_261 = arith.select %lt3A_257, %add3A_260, %broadcast_in_dim3A_254 : vector<16xi1>, vector<16xi32>
        %broadcast_in_dim3A_262 = vector.shape_cast %select_n3A_261 : vector<16xi32> to vector<16x1xi32>
        %gather3A_263 = vector.shape_cast %broadcast_in_dim3A_262 : vector<16x1xi32> to vector<16xi32>
        %gather3A_264 = tpu.dynamic_gather %get3A_198[%gather3A_263] in [0] : vector<16xf32>, vector<16xi32> -> vector<16xf32>
        %get3A_265 = arith.index_cast %scan3A_192 : i32 to index
        %get3A_266 = arith.constant 80 : index
        %get3A_267 = tpu.vector_load %arg10[%get3A_265, %get3A_266] {strides = array<i32>} : memref<9x2560xf32, #tpu.memory_space<vmem>>, vector<16xf32>,
        %mul3A_268 = arith.mulf %get3A_267, %gather3A_264 : vector<16xf32>
        %add3A_269 = arith.addf %add3A_242, %mul3A_268 : vector<16xf32>
        %get3A_270 = arith.index_cast %scan3A_192 : i32 to index
        %get3A_271 = arith.constant 96 : index
        %get3A_272 = tpu.vector_load %arg10[%get3A_270, %get3A_271] {strides = array<i32>} : memref<9x2560xf32, #tpu.memory_space<vmem>>, vector<16xf32>,
        %mul3A_273 = arith.mulf %get3A_272, %gather3A_264 : vector<16xf32>
        %add3A_274 = arith.addf %add3A_247, %mul3A_273 : vector<16xf32>
        %get3A_275 = arith.index_cast %scan3A_192 : i32 to index
        %get3A_276 = arith.constant 104 : index
        %get3A_277 = tpu.vector_load %arg10[%get3A_275, %get3A_276] {strides = array<i32>} : memref<9x2560xf32, #tpu.memory_space<vmem>>, vector<16xf32>,
        %mul3A_278 = arith.mulf %get3A_277, %gather3A_264 : vector<16xf32>
        %add3A_279 = arith.addf %add3A_252, %mul3A_278 : vector<16xf32>
        %broadcast_in_dim3A_280 = arith.constant 3 : i32
        %broadcast_in_dim3A_281 = vector.broadcast %broadcast_in_dim3A_280 : i32 to vector<16xi32>
        %lt3A_282 = arith.constant 0 : i32
        %lt3A_283 = vector.broadcast %lt3A_282 : i32 to vector<16xi32>
        %lt3A_284 = arith.cmpi slt, %broadcast_in_dim3A_281, %lt3A_283 : vector<16xi32>
        %add3A_285 = arith.constant 16 : i32
        %add3A_286 = vector.broadcast %add3A_285 : i32 to vector<16xi32>
        %add3A_287 = arith.addi %broadcast_in_dim3A_281, %add3A_286 : vector<16xi32>
        %select_n3A_288 = arith.select %lt3A_284, %add3A_287, %broadcast_in_dim3A_281 : vector<16xi1>, vector<16xi32>
        %broadcast_in_dim3A_289 = vector.shape_cast %select_n3A_288 : vector<16xi32> to vector<16x1xi32>
        %gather3A_290 = vector.shape_cast %broadcast_in_dim3A_289 : vector<16x1xi32> to vector<16xi32>
        %gather3A_291 = tpu.dynamic_gather %get3A_198[%gather3A_290] in [0] : vector<16xf32>, vector<16xi32> -> vector<16xf32>
        %get3A_292 = arith.index_cast %scan3A_192 : i32 to index
        %get3A_293 = arith.constant 120 : index
        %get3A_294 = tpu.vector_load %arg10[%get3A_292, %get3A_293] {strides = array<i32>} : memref<9x2560xf32, #tpu.memory_space<vmem>>, vector<16xf32>,
        %mul3A_295 = arith.mulf %get3A_294, %gather3A_291 : vector<16xf32>
        %add3A_296 = arith.addf %add3A_269, %mul3A_295 : vector<16xf32>
        %get3A_297 = arith.index_cast %scan3A_192 : i32 to index
        %get3A_298 = arith.constant 136 : index
        %get3A_299 = tpu.vector_load %arg10[%get3A_297, %get3A_298] {strides = array<i32>} : memref<9x2560xf32, #tpu.memory_space<vmem>>, vector<16xf32>,
        %mul3A_300 = arith.mulf %get3A_299, %gather3A_291 : vector<16xf32>
        %add3A_301 = arith.addf %add3A_274, %mul3A_300 : vector<16xf32>
        %get3A_302 = arith.index_cast %scan3A_192 : i32 to index
        %get3A_303 = arith.constant 144 : index
        %get3A_304 = tpu.vector_load %arg10[%get3A_302, %get3A_303] {strides = array<i32>} : memref<9x2560xf32, #tpu.memory_space<vmem>>, vector<16xf32>,
        %mul3A_305 = arith.mulf %get3A_304, %gather3A_291 : vector<16xf32>
        %add3A_306 = arith.addf %add3A_279, %mul3A_305 : vector<16xf32>
        %broadcast_in_dim3A_307 = arith.constant 4 : i32
        %broadcast_in_dim3A_308 = vector.broadcast %broadcast_in_dim3A_307 : i32 to vector<16xi32>
        %lt3A_309 = arith.constant 0 : i32
        %lt3A_310 = vector.broadcast %lt3A_309 : i32 to vector<16xi32>
        %lt3A_311 = arith.cmpi slt, %broadcast_in_dim3A_308, %lt3A_310 : vector<16xi32>
        %add3A_312 = arith.constant 16 : i32
        %add3A_313 = vector.broadcast %add3A_312 : i32 to vector<16xi32>
        %add3A_314 = arith.addi %broadcast_in_dim3A_308, %add3A_313 : vector<16xi32>
        %select_n3A_315 = arith.select %lt3A_311, %add3A_314, %broadcast_in_dim3A_308 : vector<16xi1>, vector<16xi32>
        %broadcast_in_dim3A_316 = vector.shape_cast %select_n3A_315 : vector<16xi32> to vector<16x1xi32>
        %gather3A_317 = vector.shape_cast %broadcast_in_dim3A_316 : vector<16x1xi32> to vector<16xi32>
        %gather3A_318 = tpu.dynamic_gather %get3A_198[%gather3A_317] in [0] : vector<16xf32>, vector<16xi32> -> vector<16xf32>
        %get3A_319 = arith.index_cast %scan3A_192 : i32 to index
        %get3A_320 = arith.constant 160 : index
        %get3A_321 = tpu.vector_load %arg10[%get3A_319, %get3A_320] {strides = array<i32>} : memref<9x2560xf32, #tpu.memory_space<vmem>>, vector<16xf32>,
        %mul3A_322 = arith.mulf %get3A_321, %gather3A_318 : vector<16xf32>
        %add3A_323 = arith.addf %add3A_296, %mul3A_322 : vector<16xf32>
        %get3A_324 = arith.index_cast %scan3A_192 : i32 to index
        %get3A_325 = arith.constant 176 : index
        %get3A_326 = tpu.vector_load %arg10[%get3A_324, %get3A_325] {strides = array<i32>} : memref<9x2560xf32, #tpu.memory_space<vmem>>, vector<16xf32>,
        %mul3A_327 = arith.mulf %get3A_326, %gather3A_318 : vector<16xf32>
        %add3A_328 = arith.addf %add3A_301, %mul3A_327 : vector<16xf32>
        %get3A_329 = arith.index_cast %scan3A_192 : i32 to index
        %get3A_330 = arith.constant 184 : index
        %get3A_331 = tpu.vector_load %arg10[%get3A_329, %get3A_330] {strides = array<i32>} : memref<9x2560xf32, #tpu.memory_space<vmem>>, vector<16xf32>,
        %mul3A_332 = arith.mulf %get3A_331, %gather3A_318 : vector<16xf32>
        %add3A_333 = arith.addf %add3A_306, %mul3A_332 : vector<16xf32>
        %broadcast_in_dim3A_334 = arith.constant 5 : i32
        %broadcast_in_dim3A_335 = vector.broadcast %broadcast_in_dim3A_334 : i32 to vector<16xi32>
        %lt3A_336 = arith.constant 0 : i32
        %lt3A_337 = vector.broadcast %lt3A_336 : i32 to vector<16xi32>
        %lt3A_338 = arith.cmpi slt, %broadcast_in_dim3A_335, %lt3A_337 : vector<16xi32>
        %add3A_339 = arith.constant 16 : i32
        %add3A_340 = vector.broadcast %add3A_339 : i32 to vector<16xi32>
        %add3A_341 = arith.addi %broadcast_in_dim3A_335, %add3A_340 : vector<16xi32>
        %select_n3A_342 = arith.select %lt3A_338, %add3A_341, %broadcast_in_dim3A_335 : vector<16xi1>, vector<16xi32>
        %broadcast_in_dim3A_343 = vector.shape_cast %select_n3A_342 : vector<16xi32> to vector<16x1xi32>
        %gather3A_344 = vector.shape_cast %broadcast_in_dim3A_343 : vector<16x1xi32> to vector<16xi32>
        %gather3A_345 = tpu.dynamic_gather %get3A_198[%gather3A_344] in [0] : vector<16xf32>, vector<16xi32> -> vector<16xf32>
        %get3A_346 = arith.index_cast %scan3A_192 : i32 to index
        %get3A_347 = arith.constant 200 : index
        %get3A_348 = tpu.vector_load %arg10[%get3A_346, %get3A_347] {strides = array<i32>} : memref<9x2560xf32, #tpu.memory_space<vmem>>, vector<16xf32>,
        %mul3A_349 = arith.mulf %get3A_348, %gather3A_345 : vector<16xf32>
        %add3A_350 = arith.addf %add3A_323, %mul3A_349 : vector<16xf32>
        %get3A_351 = arith.index_cast %scan3A_192 : i32 to index
        %get3A_352 = arith.constant 216 : index
        %get3A_353 = tpu.vector_load %arg10[%get3A_351, %get3A_352] {strides = array<i32>} : memref<9x2560xf32, #tpu.memory_space<vmem>>, vector<16xf32>,
        %mul3A_354 = arith.mulf %get3A_353, %gather3A_345 : vector<16xf32>
        %add3A_355 = arith.addf %add3A_328, %mul3A_354 : vector<16xf32>
        %get3A_356 = arith.index_cast %scan3A_192 : i32 to index
        %get3A_357 = arith.constant 224 : index
        %get3A_358 = tpu.vector_load %arg10[%get3A_356, %get3A_357] {strides = array<i32>} : memref<9x2560xf32, #tpu.memory_space<vmem>>, vector<16xf32>,
        %mul3A_359 = arith.mulf %get3A_358, %gather3A_345 : vector<16xf32>
        %add3A_360 = arith.addf %add3A_333, %mul3A_359 : vector<16xf32>
        %broadcast_in_dim3A_361 = arith.constant 6 : i32
        %broadcast_in_dim3A_362 = vector.broadcast %broadcast_in_dim3A_361 : i32 to vector<16xi32>
        %lt3A_363 = arith.constant 0 : i32
        %lt3A_364 = vector.broadcast %lt3A_363 : i32 to vector<16xi32>
        %lt3A_365 = arith.cmpi slt, %broadcast_in_dim3A_362, %lt3A_364 : vector<16xi32>
        %add3A_366 = arith.constant 16 : i32
        %add3A_367 = vector.broadcast %add3A_366 : i32 to vector<16xi32>
        %add3A_368 = arith.addi %broadcast_in_dim3A_362, %add3A_367 : vector<16xi32>
        %select_n3A_369 = arith.select %lt3A_365, %add3A_368, %broadcast_in_dim3A_362 : vector<16xi1>, vector<16xi32>
        %broadcast_in_dim3A_370 = vector.shape_cast %select_n3A_369 : vector<16xi32> to vector<16x1xi32>
        %gather3A_371 = vector.shape_cast %broadcast_in_dim3A_370 : vector<16x1xi32> to vector<16xi32>
        %gather3A_372 = tpu.dynamic_gather %get3A_198[%gather3A_371] in [0] : vector<16xf32>, vector<16xi32> -> vector<16xf32>
        %get3A_373 = arith.index_cast %scan3A_192 : i32 to index
        %get3A_374 = arith.constant 240 : index
        %get3A_375 = tpu.vector_load %arg10[%get3A_373, %get3A_374] {strides = array<i32>} : memref<9x2560xf32, #tpu.memory_space<vmem>>, vector<16xf32>,
        %mul3A_376 = arith.mulf %get3A_375, %gather3A_372 : vector<16xf32>
        %add3A_377 = arith.addf %add3A_350, %mul3A_376 : vector<16xf32>
        %get3A_378 = arith.index_cast %scan3A_192 : i32 to index
        %get3A_379 = arith.constant 256 : index
        %get3A_380 = tpu.vector_load %arg10[%get3A_378, %get3A_379] {strides = array<i32>} : memref<9x2560xf32, #tpu.memory_space<vmem>>, vector<16xf32>,
        %mul3A_381 = arith.mulf %get3A_380, %gather3A_372 : vector<16xf32>
        %add3A_382 = arith.addf %add3A_355, %mul3A_381 : vector<16xf32>
        %get3A_383 = arith.index_cast %scan3A_192 : i32 to index
        %get3A_384 = arith.constant 264 : index
        %get3A_385 = tpu.vector_load %arg10[%get3A_383, %get3A_384] {strides = array<i32>} : memref<9x2560xf32, #tpu.memory_space<vmem>>, vector<16xf32>,
        %mul3A_386 = arith.mulf %get3A_385, %gather3A_372 : vector<16xf32>
        %add3A_387 = arith.addf %add3A_360, %mul3A_386 : vector<16xf32>
        %broadcast_in_dim3A_388 = arith.constant 7 : i32
        %broadcast_in_dim3A_389 = vector.broadcast %broadcast_in_dim3A_388 : i32 to vector<16xi32>
        %lt3A_390 = arith.constant 0 : i32
        %lt3A_391 = vector.broadcast %lt3A_390 : i32 to vector<16xi32>
        %lt3A_392 = arith.cmpi slt, %broadcast_in_dim3A_389, %lt3A_391 : vector<16xi32>
        %add3A_393 = arith.constant 16 : i32
        %add3A_394 = vector.broadcast %add3A_393 : i32 to vector<16xi32>
        %add3A_395 = arith.addi %broadcast_in_dim3A_389, %add3A_394 : vector<16xi32>
        %select_n3A_396 = arith.select %lt3A_392, %add3A_395, %broadcast_in_dim3A_389 : vector<16xi1>, vector<16xi32>
        %broadcast_in_dim3A_397 = vector.shape_cast %select_n3A_396 : vector<16xi32> to vector<16x1xi32>
        %gather3A_398 = vector.shape_cast %broadcast_in_dim3A_397 : vector<16x1xi32> to vector<16xi32>
        %gather3A_399 = tpu.dynamic_gather %get3A_198[%gather3A_398] in [0] : vector<16xf32>, vector<16xi32> -> vector<16xf32>
        %get3A_400 = arith.index_cast %scan3A_192 : i32 to index
        %get3A_401 = arith.constant 280 : index
        %get3A_402 = tpu.vector_load %arg10[%get3A_400, %get3A_401] {strides = array<i32>} : memref<9x2560xf32, #tpu.memory_space<vmem>>, vector<16xf32>,
        %mul3A_403 = arith.mulf %get3A_402, %gather3A_399 : vector<16xf32>
        %add3A_404 = arith.addf %add3A_377, %mul3A_403 : vector<16xf32>
        %get3A_405 = arith.index_cast %scan3A_192 : i32 to index
        %get3A_406 = arith.constant 296 : index
        %get3A_407 = tpu.vector_load %arg10[%get3A_405, %get3A_406] {strides = array<i32>} : memref<9x2560xf32, #tpu.memory_space<vmem>>, vector<16xf32>,
        %mul3A_408 = arith.mulf %get3A_407, %gather3A_399 : vector<16xf32>
        %add3A_409 = arith.addf %add3A_382, %mul3A_408 : vector<16xf32>
        %get3A_410 = arith.index_cast %scan3A_192 : i32 to index
        %get3A_411 = arith.constant 304 : index
        %get3A_412 = tpu.vector_load %arg10[%get3A_410, %get3A_411] {strides = array<i32>} : memref<9x2560xf32, #tpu.memory_space<vmem>>, vector<16xf32>,
        %mul3A_413 = arith.mulf %get3A_412, %gather3A_399 : vector<16xf32>
        %add3A_414 = arith.addf %add3A_387, %mul3A_413 : vector<16xf32>
        %broadcast_in_dim3A_415 = arith.constant 8 : i32
        %broadcast_in_dim3A_416 = vector.broadcast %broadcast_in_dim3A_415 : i32 to vector<16xi32>
        %lt3A_417 = arith.constant 0 : i32
        %lt3A_418 = vector.broadcast %lt3A_417 : i32 to vector<16xi32>
        %lt3A_419 = arith.cmpi slt, %broadcast_in_dim3A_416, %lt3A_418 : vector<16xi32>
        %add3A_420 = arith.constant 16 : i32
        %add3A_421 = vector.broadcast %add3A_420 : i32 to vector<16xi32>
        %add3A_422 = arith.addi %broadcast_in_dim3A_416, %add3A_421 : vector<16xi32>
        %select_n3A_423 = arith.select %lt3A_419, %add3A_422, %broadcast_in_dim3A_416 : vector<16xi1>, vector<16xi32>
        %broadcast_in_dim3A_424 = vector.shape_cast %select_n3A_423 : vector<16xi32> to vector<16x1xi32>
        %gather3A_425 = vector.shape_cast %broadcast_in_dim3A_424 : vector<16x1xi32> to vector<16xi32>
        %gather3A_426 = tpu.dynamic_gather %get3A_198[%gather3A_425] in [0] : vector<16xf32>, vector<16xi32> -> vector<16xf32>
        %get3A_427 = arith.index_cast %scan3A_192 : i32 to index
        %get3A_428 = arith.constant 320 : index
        %get3A_429 = tpu.vector_load %arg10[%get3A_427, %get3A_428] {strides = array<i32>} : memref<9x2560xf32, #tpu.memory_space<vmem>>, vector<16xf32>,
        %mul3A_430 = arith.mulf %get3A_429, %gather3A_426 : vector<16xf32>
        %add3A_431 = arith.addf %add3A_404, %mul3A_430 : vector<16xf32>
        %get3A_432 = arith.index_cast %scan3A_192 : i32 to index
        %get3A_433 = arith.constant 336 : index
        %get3A_434 = tpu.vector_load %arg10[%get3A_432, %get3A_433] {strides = array<i32>} : memref<9x2560xf32, #tpu.memory_space<vmem>>, vector<16xf32>,
        %mul3A_435 = arith.mulf %get3A_434, %gather3A_426 : vector<16xf32>
        %add3A_436 = arith.addf %add3A_409, %mul3A_435 : vector<16xf32>
        %get3A_437 = arith.index_cast %scan3A_192 : i32 to index
        %get3A_438 = arith.constant 344 : index
        %get3A_439 = tpu.vector_load %arg10[%get3A_437, %get3A_438] {strides = array<i32>} : memref<9x2560xf32, #tpu.memory_space<vmem>>, vector<16xf32>,
        %mul3A_440 = arith.mulf %get3A_439, %gather3A_426 : vector<16xf32>
        %add3A_441 = arith.addf %add3A_414, %mul3A_440 : vector<16xf32>
        %broadcast_in_dim3A_442 = arith.constant 9 : i32
        %broadcast_in_dim3A_443 = vector.broadcast %broadcast_in_dim3A_442 : i32 to vector<16xi32>
        %lt3A_444 = arith.constant 0 : i32
        %lt3A_445 = vector.broadcast %lt3A_444 : i32 to vector<16xi32>
        %lt3A_446 = arith.cmpi slt, %broadcast_in_dim3A_443, %lt3A_445 : vector<16xi32>
        %add3A_447 = arith.constant 16 : i32
        %add3A_448 = vector.broadcast %add3A_447 : i32 to vector<16xi32>
        %add3A_449 = arith.addi %broadcast_in_dim3A_443, %add3A_448 : vector<16xi32>
        %select_n3A_450 = arith.select %lt3A_446, %add3A_449, %broadcast_in_dim3A_443 : vector<16xi1>, vector<16xi32>
        %broadcast_in_dim3A_451 = vector.shape_cast %select_n3A_450 : vector<16xi32> to vector<16x1xi32>
        %gather3A_452 = vector.shape_cast %broadcast_in_dim3A_451 : vector<16x1xi32> to vector<16xi32>
        %gather3A_453 = tpu.dynamic_gather %get3A_198[%gather3A_452] in [0] : vector<16xf32>, vector<16xi32> -> vector<16xf32>
        %get3A_454 = arith.index_cast %scan3A_192 : i32 to index
        %get3A_455 = arith.constant 360 : index
        %get3A_456 = tpu.vector_load %arg10[%get3A_454, %get3A_455] {strides = array<i32>} : memref<9x2560xf32, #tpu.memory_space<vmem>>, vector<16xf32>,
        %mul3A_457 = arith.mulf %get3A_456, %gather3A_453 : vector<16xf32>
        %add3A_458 = arith.addf %add3A_431, %mul3A_457 : vector<16xf32>
        %get3A_459 = arith.index_cast %scan3A_192 : i32 to index
        %get3A_460 = arith.constant 376 : index
        %get3A_461 = tpu.vector_load %arg10[%get3A_459, %get3A_460] {strides = array<i32>} : memref<9x2560xf32, #tpu.memory_space<vmem>>, vector<16xf32>,
        %mul3A_462 = arith.mulf %get3A_461, %gather3A_453 : vector<16xf32>
        %add3A_463 = arith.addf %add3A_436, %mul3A_462 : vector<16xf32>
        %get3A_464 = arith.index_cast %scan3A_192 : i32 to index
        %get3A_465 = arith.constant 384 : index
        %get3A_466 = tpu.vector_load %arg10[%get3A_464, %get3A_465] {strides = array<i32>} : memref<9x2560xf32, #tpu.memory_space<vmem>>, vector<16xf32>,
        %mul3A_467 = arith.mulf %get3A_466, %gather3A_453 : vector<16xf32>
        %add3A_468 = arith.addf %add3A_441, %mul3A_467 : vector<16xf32>
        %broadcast_in_dim3A_469 = arith.constant 10 : i32
        %broadcast_in_dim3A_470 = vector.broadcast %broadcast_in_dim3A_469 : i32 to vector<16xi32>
        %lt3A_471 = arith.constant 0 : i32
        %lt3A_472 = vector.broadcast %lt3A_471 : i32 to vector<16xi32>
        %lt3A_473 = arith.cmpi slt, %broadcast_in_dim3A_470, %lt3A_472 : vector<16xi32>
        %add3A_474 = arith.constant 16 : i32
        %add3A_475 = vector.broadcast %add3A_474 : i32 to vector<16xi32>
        %add3A_476 = arith.addi %broadcast_in_dim3A_470, %add3A_475 : vector<16xi32>
        %select_n3A_477 = arith.select %lt3A_473, %add3A_476, %broadcast_in_dim3A_470 : vector<16xi1>, vector<16xi32>
        %broadcast_in_dim3A_478 = vector.shape_cast %select_n3A_477 : vector<16xi32> to vector<16x1xi32>
        %gather3A_479 = vector.shape_cast %broadcast_in_dim3A_478 : vector<16x1xi32> to vector<16xi32>
        %gather3A_480 = tpu.dynamic_gather %get3A_198[%gather3A_479] in [0] : vector<16xf32>, vector<16xi32> -> vector<16xf32>
        %get3A_481 = arith.index_cast %scan3A_192 : i32 to index
        %get3A_482 = arith.constant 400 : index
        %get3A_483 = tpu.vector_load %arg10[%get3A_481, %get3A_482] {strides = array<i32>} : memref<9x2560xf32, #tpu.memory_space<vmem>>, vector<16xf32>,
        %mul3A_484 = arith.mulf %get3A_483, %gather3A_480 : vector<16xf32>
        %add3A_485 = arith.addf %add3A_458, %mul3A_484 : vector<16xf32>
        %get3A_486 = arith.index_cast %scan3A_192 : i32 to index
        %get3A_487 = arith.constant 416 : index
        %get3A_488 = tpu.vector_load %arg10[%get3A_486, %get3A_487] {strides = array<i32>} : memref<9x2560xf32, #tpu.memory_space<vmem>>, vector<16xf32>,
        %mul3A_489 = arith.mulf %get3A_488, %gather3A_480 : vector<16xf32>
        %add3A_490 = arith.addf %add3A_463, %mul3A_489 : vector<16xf32>
        %get3A_491 = arith.index_cast %scan3A_192 : i32 to index
        %get3A_492 = arith.constant 424 : index
        %get3A_493 = tpu.vector_load %arg10[%get3A_491, %get3A_492] {strides = array<i32>} : memref<9x2560xf32, #tpu.memory_space<vmem>>, vector<16xf32>,
        %mul3A_494 = arith.mulf %get3A_493, %gather3A_480 : vector<16xf32>
        %add3A_495 = arith.addf %add3A_468, %mul3A_494 : vector<16xf32>
        %broadcast_in_dim3A_496 = arith.constant 11 : i32
        %broadcast_in_dim3A_497 = vector.broadcast %broadcast_in_dim3A_496 : i32 to vector<16xi32>
        %lt3A_498 = arith.constant 0 : i32
        %lt3A_499 = vector.broadcast %lt3A_498 : i32 to vector<16xi32>
        %lt3A_500 = arith.cmpi slt, %broadcast_in_dim3A_497, %lt3A_499 : vector<16xi32>
        %add3A_501 = arith.constant 16 : i32
        %add3A_502 = vector.broadcast %add3A_501 : i32 to vector<16xi32>
        %add3A_503 = arith.addi %broadcast_in_dim3A_497, %add3A_502 : vector<16xi32>
        %select_n3A_504 = arith.select %lt3A_500, %add3A_503, %broadcast_in_dim3A_497 : vector<16xi1>, vector<16xi32>
        %broadcast_in_dim3A_505 = vector.shape_cast %select_n3A_504 : vector<16xi32> to vector<16x1xi32>
        %gather3A_506 = vector.shape_cast %broadcast_in_dim3A_505 : vector<16x1xi32> to vector<16xi32>
        %gather3A_507 = tpu.dynamic_gather %get3A_198[%gather3A_506] in [0] : vector<16xf32>, vector<16xi32> -> vector<16xf32>
        %get3A_508 = arith.index_cast %scan3A_192 : i32 to index
        %get3A_509 = arith.constant 440 : index
        %get3A_510 = tpu.vector_load %arg10[%get3A_508, %get3A_509] {strides = array<i32>} : memref<9x2560xf32, #tpu.memory_space<vmem>>, vector<16xf32>,
        %mul3A_511 = arith.mulf %get3A_510, %gather3A_507 : vector<16xf32>
        %add3A_512 = arith.addf %add3A_485, %mul3A_511 : vector<16xf32>
        %get3A_513 = arith.index_cast %scan3A_192 : i32 to index
        %get3A_514 = arith.constant 456 : index
        %get3A_515 = tpu.vector_load %arg10[%get3A_513, %get3A_514] {strides = array<i32>} : memref<9x2560xf32, #tpu.memory_space<vmem>>, vector<16xf32>,
        %mul3A_516 = arith.mulf %get3A_515, %gather3A_507 : vector<16xf32>
        %add3A_517 = arith.addf %add3A_490, %mul3A_516 : vector<16xf32>
        %get3A_518 = arith.index_cast %scan3A_192 : i32 to index
        %get3A_519 = arith.constant 464 : index
        %get3A_520 = tpu.vector_load %arg10[%get3A_518, %get3A_519] {strides = array<i32>} : memref<9x2560xf32, #tpu.memory_space<vmem>>, vector<16xf32>,
        %mul3A_521 = arith.mulf %get3A_520, %gather3A_507 : vector<16xf32>
        %add3A_522 = arith.addf %add3A_495, %mul3A_521 : vector<16xf32>
        %broadcast_in_dim3A_523 = arith.constant 12 : i32
        %broadcast_in_dim3A_524 = vector.broadcast %broadcast_in_dim3A_523 : i32 to vector<16xi32>
        %lt3A_525 = arith.constant 0 : i32
        %lt3A_526 = vector.broadcast %lt3A_525 : i32 to vector<16xi32>
        %lt3A_527 = arith.cmpi slt, %broadcast_in_dim3A_524, %lt3A_526 : vector<16xi32>
        %add3A_528 = arith.constant 16 : i32
        %add3A_529 = vector.broadcast %add3A_528 : i32 to vector<16xi32>
        %add3A_530 = arith.addi %broadcast_in_dim3A_524, %add3A_529 : vector<16xi32>
        %select_n3A_531 = arith.select %lt3A_527, %add3A_530, %broadcast_in_dim3A_524 : vector<16xi1>, vector<16xi32>
        %broadcast_in_dim3A_532 = vector.shape_cast %select_n3A_531 : vector<16xi32> to vector<16x1xi32>
        %gather3A_533 = vector.shape_cast %broadcast_in_dim3A_532 : vector<16x1xi32> to vector<16xi32>
        %gather3A_534 = tpu.dynamic_gather %get3A_198[%gather3A_533] in [0] : vector<16xf32>, vector<16xi32> -> vector<16xf32>
        %get3A_535 = arith.index_cast %scan3A_192 : i32 to index
        %get3A_536 = arith.constant 480 : index
        %get3A_537 = tpu.vector_load %arg10[%get3A_535, %get3A_536] {strides = array<i32>} : memref<9x2560xf32, #tpu.memory_space<vmem>>, vector<16xf32>,
        %mul3A_538 = arith.mulf %get3A_537, %gather3A_534 : vector<16xf32>
        %add3A_539 = arith.addf %add3A_512, %mul3A_538 : vector<16xf32>
        %get3A_540 = arith.index_cast %scan3A_192 : i32 to index
        %get3A_541 = arith.constant 496 : index
        %get3A_542 = tpu.vector_load %arg10[%get3A_540, %get3A_541] {strides = array<i32>} : memref<9x2560xf32, #tpu.memory_space<vmem>>, vector<16xf32>,
        %mul3A_543 = arith.mulf %get3A_542, %gather3A_534 : vector<16xf32>
        %add3A_544 = arith.addf %add3A_517, %mul3A_543 : vector<16xf32>
        %get3A_545 = arith.index_cast %scan3A_192 : i32 to index
        %get3A_546 = arith.constant 504 : index
        %get3A_547 = tpu.vector_load %arg10[%get3A_545, %get3A_546] {strides = array<i32>} : memref<9x2560xf32, #tpu.memory_space<vmem>>, vector<16xf32>,
        %mul3A_548 = arith.mulf %get3A_547, %gather3A_534 : vector<16xf32>
        %add3A_549 = arith.addf %add3A_522, %mul3A_548 : vector<16xf32>
        %broadcast_in_dim3A_550 = arith.constant 13 : i32
        %broadcast_in_dim3A_551 = vector.broadcast %broadcast_in_dim3A_550 : i32 to vector<16xi32>
        %lt3A_552 = arith.constant 0 : i32
        %lt3A_553 = vector.broadcast %lt3A_552 : i32 to vector<16xi32>
        %lt3A_554 = arith.cmpi slt, %broadcast_in_dim3A_551, %lt3A_553 : vector<16xi32>
        %add3A_555 = arith.constant 16 : i32
        %add3A_556 = vector.broadcast %add3A_555 : i32 to vector<16xi32>
        %add3A_557 = arith.addi %broadcast_in_dim3A_551, %add3A_556 : vector<16xi32>
        %select_n3A_558 = arith.select %lt3A_554, %add3A_557, %broadcast_in_dim3A_551 : vector<16xi1>, vector<16xi32>
        %broadcast_in_dim3A_559 = vector.shape_cast %select_n3A_558 : vector<16xi32> to vector<16x1xi32>
        %gather3A_560 = vector.shape_cast %broadcast_in_dim3A_559 : vector<16x1xi32> to vector<16xi32>
        %gather3A_561 = tpu.dynamic_gather %get3A_198[%gather3A_560] in [0] : vector<16xf32>, vector<16xi32> -> vector<16xf32>
        %get3A_562 = arith.index_cast %scan3A_192 : i32 to index
        %get3A_563 = arith.constant 520 : index
        %get3A_564 = tpu.vector_load %arg10[%get3A_562, %get3A_563] {strides = array<i32>} : memref<9x2560xf32, #tpu.memory_space<vmem>>, vector<16xf32>,
        %mul3A_565 = arith.mulf %get3A_564, %gather3A_561 : vector<16xf32>
        %add3A_566 = arith.addf %add3A_539, %mul3A_565 : vector<16xf32>
        %get3A_567 = arith.index_cast %scan3A_192 : i32 to index
        %get3A_568 = arith.constant 536 : index
        %get3A_569 = tpu.vector_load %arg10[%get3A_567, %get3A_568] {strides = array<i32>} : memref<9x2560xf32, #tpu.memory_space<vmem>>, vector<16xf32>,
        %mul3A_570 = arith.mulf %get3A_569, %gather3A_561 : vector<16xf32>
        %add3A_571 = arith.addf %add3A_544, %mul3A_570 : vector<16xf32>
        %get3A_572 = arith.index_cast %scan3A_192 : i32 to index
        %get3A_573 = arith.constant 544 : index
        %get3A_574 = tpu.vector_load %arg10[%get3A_572, %get3A_573] {strides = array<i32>} : memref<9x2560xf32, #tpu.memory_space<vmem>>, vector<16xf32>,
        %mul3A_575 = arith.mulf %get3A_574, %gather3A_561 : vector<16xf32>
        %add3A_576 = arith.addf %add3A_549, %mul3A_575 : vector<16xf32>
        %broadcast_in_dim3A_577 = arith.constant 14 : i32
        %broadcast_in_dim3A_578 = vector.broadcast %broadcast_in_dim3A_577 : i32 to vector<16xi32>
        %lt3A_579 = arith.constant 0 : i32
        %lt3A_580 = vector.broadcast %lt3A_579 : i32 to vector<16xi32>
        %lt3A_581 = arith.cmpi slt, %broadcast_in_dim3A_578, %lt3A_580 : vector<16xi32>
        %add3A_582 = arith.constant 16 : i32
        %add3A_583 = vector.broadcast %add3A_582 : i32 to vector<16xi32>
        %add3A_584 = arith.addi %broadcast_in_dim3A_578, %add3A_583 : vector<16xi32>
        %select_n3A_585 = arith.select %lt3A_581, %add3A_584, %broadcast_in_dim3A_578 : vector<16xi1>, vector<16xi32>
        %broadcast_in_dim3A_586 = vector.shape_cast %select_n3A_585 : vector<16xi32> to vector<16x1xi32>
        %gather3A_587 = vector.shape_cast %broadcast_in_dim3A_586 : vector<16x1xi32> to vector<16xi32>
        %gather3A_588 = tpu.dynamic_gather %get3A_198[%gather3A_587] in [0] : vector<16xf32>, vector<16xi32> -> vector<16xf32>
        %get3A_589 = arith.index_cast %scan3A_192 : i32 to index
        %get3A_590 = arith.constant 560 : index
        %get3A_591 = tpu.vector_load %arg10[%get3A_589, %get3A_590] {strides = array<i32>} : memref<9x2560xf32, #tpu.memory_space<vmem>>, vector<16xf32>,
        %mul3A_592 = arith.mulf %get3A_591, %gather3A_588 : vector<16xf32>
        %add3A_593 = arith.addf %add3A_566, %mul3A_592 : vector<16xf32>
        %get3A_594 = arith.index_cast %scan3A_192 : i32 to index
        %get3A_595 = arith.constant 576 : index
        %get3A_596 = tpu.vector_load %arg10[%get3A_594, %get3A_595] {strides = array<i32>} : memref<9x2560xf32, #tpu.memory_space<vmem>>, vector<16xf32>,
        %mul3A_597 = arith.mulf %get3A_596, %gather3A_588 : vector<16xf32>
        %add3A_598 = arith.addf %add3A_571, %mul3A_597 : vector<16xf32>
        %get3A_599 = arith.index_cast %scan3A_192 : i32 to index
        %get3A_600 = arith.constant 584 : index
        %get3A_601 = tpu.vector_load %arg10[%get3A_599, %get3A_600] {strides = array<i32>} : memref<9x2560xf32, #tpu.memory_space<vmem>>, vector<16xf32>,
        %mul3A_602 = arith.mulf %get3A_601, %gather3A_588 : vector<16xf32>
        %add3A_603 = arith.addf %add3A_576, %mul3A_602 : vector<16xf32>
        %broadcast_in_dim3A_604 = arith.constant 15 : i32
        %broadcast_in_dim3A_605 = vector.broadcast %broadcast_in_dim3A_604 : i32 to vector<16xi32>
        %lt3A_606 = arith.constant 0 : i32
        %lt3A_607 = vector.broadcast %lt3A_606 : i32 to vector<16xi32>
        %lt3A_608 = arith.cmpi slt, %broadcast_in_dim3A_605, %lt3A_607 : vector<16xi32>
        %add3A_609 = arith.constant 16 : i32
        %add3A_610 = vector.broadcast %add3A_609 : i32 to vector<16xi32>
        %add3A_611 = arith.addi %broadcast_in_dim3A_605, %add3A_610 : vector<16xi32>
        %select_n3A_612 = arith.select %lt3A_608, %add3A_611, %broadcast_in_dim3A_605 : vector<16xi1>, vector<16xi32>
        %broadcast_in_dim3A_613 = vector.shape_cast %select_n3A_612 : vector<16xi32> to vector<16x1xi32>
        %gather3A_614 = vector.shape_cast %broadcast_in_dim3A_613 : vector<16x1xi32> to vector<16xi32>
        %gather3A_615 = tpu.dynamic_gather %get3A_198[%gather3A_614] in [0] : vector<16xf32>, vector<16xi32> -> vector<16xf32>
        %get3A_616 = arith.index_cast %scan3A_192 : i32 to index
        %get3A_617 = arith.constant 600 : index
        %get3A_618 = tpu.vector_load %arg10[%get3A_616, %get3A_617] {strides = array<i32>} : memref<9x2560xf32, #tpu.memory_space<vmem>>, vector<16xf32>,
        %mul3A_619 = arith.mulf %get3A_618, %gather3A_615 : vector<16xf32>
        %add3A_620 = arith.addf %add3A_593, %mul3A_619 : vector<16xf32>
        %get3A_621 = arith.index_cast %scan3A_192 : i32 to index
        %get3A_622 = arith.constant 616 : index
        %get3A_623 = tpu.vector_load %arg10[%get3A_621, %get3A_622] {strides = array<i32>} : memref<9x2560xf32, #tpu.memory_space<vmem>>, vector<16xf32>,
        %mul3A_624 = arith.mulf %get3A_623, %gather3A_615 : vector<16xf32>
        %add3A_625 = arith.addf %add3A_598, %mul3A_624 : vector<16xf32>
        %get3A_626 = arith.index_cast %scan3A_192 : i32 to index
        %get3A_627 = arith.constant 624 : index
        %get3A_628 = tpu.vector_load %arg10[%get3A_626, %get3A_627] {strides = array<i32>} : memref<9x2560xf32, #tpu.memory_space<vmem>>, vector<16xf32>,
        %mul3A_629 = arith.mulf %get3A_628, %gather3A_615 : vector<16xf32>
        %add3A_630 = arith.addf %add3A_603, %mul3A_629 : vector<16xf32>
        %get3A_631 = arith.index_cast %add3A_40 : i32 to index
        %get3A_632 = arith.constant 16 : index
        %get3A_633 = tpu.vector_load %arg9[%get3A_631, %get3A_632] {strides = array<i32>} : memref<128x64xf32, #tpu.memory_space<vmem>>, vector<16xf32>,
        %broadcast_in_dim3A_634 = arith.constant 0 : i32
        %broadcast_in_dim3A_635 = vector.broadcast %broadcast_in_dim3A_634 : i32 to vector<16xi32>
        %lt3A_636 = arith.constant 0 : i32
        %lt3A_637 = vector.broadcast %lt3A_636 : i32 to vector<16xi32>
        %lt3A_638 = arith.cmpi slt, %broadcast_in_dim3A_635, %lt3A_637 : vector<16xi32>
        %add3A_639 = arith.constant 16 : i32
        %add3A_640 = vector.broadcast %add3A_639 : i32 to vector<16xi32>
        %add3A_641 = arith.addi %broadcast_in_dim3A_635, %add3A_640 : vector<16xi32>
        %select_n3A_642 = arith.select %lt3A_638, %add3A_641, %broadcast_in_dim3A_635 : vector<16xi1>, vector<16xi32>
        %broadcast_in_dim3A_643 = vector.shape_cast %select_n3A_642 : vector<16xi32> to vector<16x1xi32>
        %gather3A_644 = vector.shape_cast %broadcast_in_dim3A_643 : vector<16x1xi32> to vector<16xi32>
        %gather3A_645 = tpu.dynamic_gather %get3A_633[%gather3A_644] in [0] : vector<16xf32>, vector<16xi32> -> vector<16xf32>
        %get3A_646 = arith.index_cast %scan3A_192 : i32 to index
        %get3A_647 = arith.constant 640 : index
        %get3A_648 = tpu.vector_load %arg10[%get3A_646, %get3A_647] {strides = array<i32>} : memref<9x2560xf32, #tpu.memory_space<vmem>>, vector<16xf32>,
        %mul3A_649 = arith.mulf %get3A_648, %gather3A_645 : vector<16xf32>
        %add3A_650 = arith.addf %add3A_620, %mul3A_649 : vector<16xf32>
        %get3A_651 = arith.index_cast %scan3A_192 : i32 to index
        %get3A_652 = arith.constant 656 : index
        %get3A_653 = tpu.vector_load %arg10[%get3A_651, %get3A_652] {strides = array<i32>} : memref<9x2560xf32, #tpu.memory_space<vmem>>, vector<16xf32>,
        %mul3A_654 = arith.mulf %get3A_653, %gather3A_645 : vector<16xf32>
        %add3A_655 = arith.addf %add3A_625, %mul3A_654 : vector<16xf32>
        %get3A_656 = arith.index_cast %scan3A_192 : i32 to index
        %get3A_657 = arith.constant 664 : index
        %get3A_658 = tpu.vector_load %arg10[%get3A_656, %get3A_657] {strides = array<i32>} : memref<9x2560xf32, #tpu.memory_space<vmem>>, vector<16xf32>,
        %mul3A_659 = arith.mulf %get3A_658, %gather3A_645 : vector<16xf32>
        %add3A_660 = arith.addf %add3A_630, %mul3A_659 : vector<16xf32>
        %broadcast_in_dim3A_661 = arith.constant 1 : i32
        %broadcast_in_dim3A_662 = vector.broadcast %broadcast_in_dim3A_661 : i32 to vector<16xi32>
        %lt3A_663 = arith.constant 0 : i32
        %lt3A_664 = vector.broadcast %lt3A_663 : i32 to vector<16xi32>
        %lt3A_665 = arith.cmpi slt, %broadcast_in_dim3A_662, %lt3A_664 : vector<16xi32>
        %add3A_666 = arith.constant 16 : i32
        %add3A_667 = vector.broadcast %add3A_666 : i32 to vector<16xi32>
        %add3A_668 = arith.addi %broadcast_in_dim3A_662, %add3A_667 : vector<16xi32>
        %select_n3A_669 = arith.select %lt3A_665, %add3A_668, %broadcast_in_dim3A_662 : vector<16xi1>, vector<16xi32>
        %broadcast_in_dim3A_670 = vector.shape_cast %select_n3A_669 : vector<16xi32> to vector<16x1xi32>
        %gather3A_671 = vector.shape_cast %broadcast_in_dim3A_670 : vector<16x1xi32> to vector<16xi32>
        %gather3A_672 = tpu.dynamic_gather %get3A_633[%gather3A_671] in [0] : vector<16xf32>, vector<16xi32> -> vector<16xf32>
        %get3A_673 = arith.index_cast %scan3A_192 : i32 to index
        %get3A_674 = arith.constant 680 : index
        %get3A_675 = tpu.vector_load %arg10[%get3A_673, %get3A_674] {strides = array<i32>} : memref<9x2560xf32, #tpu.memory_space<vmem>>, vector<16xf32>,
        %mul3A_676 = arith.mulf %get3A_675, %gather3A_672 : vector<16xf32>
        %add3A_677 = arith.addf %add3A_650, %mul3A_676 : vector<16xf32>
        %get3A_678 = arith.index_cast %scan3A_192 : i32 to index
        %get3A_679 = arith.constant 696 : index
        %get3A_680 = tpu.vector_load %arg10[%get3A_678, %get3A_679] {strides = array<i32>} : memref<9x2560xf32, #tpu.memory_space<vmem>>, vector<16xf32>,
        %mul3A_681 = arith.mulf %get3A_680, %gather3A_672 : vector<16xf32>
        %add3A_682 = arith.addf %add3A_655, %mul3A_681 : vector<16xf32>
        %get3A_683 = arith.index_cast %scan3A_192 : i32 to index
        %get3A_684 = arith.constant 704 : index
        %get3A_685 = tpu.vector_load %arg10[%get3A_683, %get3A_684] {strides = array<i32>} : memref<9x2560xf32, #tpu.memory_space<vmem>>, vector<16xf32>,
        %mul3A_686 = arith.mulf %get3A_685, %gather3A_672 : vector<16xf32>
        %add3A_687 = arith.addf %add3A_660, %mul3A_686 : vector<16xf32>
        %broadcast_in_dim3A_688 = arith.constant 2 : i32
        %broadcast_in_dim3A_689 = vector.broadcast %broadcast_in_dim3A_688 : i32 to vector<16xi32>
        %lt3A_690 = arith.constant 0 : i32
        %lt3A_691 = vector.broadcast %lt3A_690 : i32 to vector<16xi32>
        %lt3A_692 = arith.cmpi slt, %broadcast_in_dim3A_689, %lt3A_691 : vector<16xi32>
        %add3A_693 = arith.constant 16 : i32
        %add3A_694 = vector.broadcast %add3A_693 : i32 to vector<16xi32>
        %add3A_695 = arith.addi %broadcast_in_dim3A_689, %add3A_694 : vector<16xi32>
        %select_n3A_696 = arith.select %lt3A_692, %add3A_695, %broadcast_in_dim3A_689 : vector<16xi1>, vector<16xi32>
        %broadcast_in_dim3A_697 = vector.shape_cast %select_n3A_696 : vector<16xi32> to vector<16x1xi32>
        %gather3A_698 = vector.shape_cast %broadcast_in_dim3A_697 : vector<16x1xi32> to vector<16xi32>
        %gather3A_699 = tpu.dynamic_gather %get3A_633[%gather3A_698] in [0] : vector<16xf32>, vector<16xi32> -> vector<16xf32>
        %get3A_700 = arith.index_cast %scan3A_192 : i32 to index
        %get3A_701 = arith.constant 720 : index
        %get3A_702 = tpu.vector_load %arg10[%get3A_700, %get3A_701] {strides = array<i32>} : memref<9x2560xf32, #tpu.memory_space<vmem>>, vector<16xf32>,
        %mul3A_703 = arith.mulf %get3A_702, %gather3A_699 : vector<16xf32>
        %add3A_704 = arith.addf %add3A_677, %mul3A_703 : vector<16xf32>
        %get3A_705 = arith.index_cast %scan3A_192 : i32 to index
        %get3A_706 = arith.constant 736 : index
        %get3A_707 = tpu.vector_load %arg10[%get3A_705, %get3A_706] {strides = array<i32>} : memref<9x2560xf32, #tpu.memory_space<vmem>>, vector<16xf32>,
        %mul3A_708 = arith.mulf %get3A_707, %gather3A_699 : vector<16xf32>
        %add3A_709 = arith.addf %add3A_682, %mul3A_708 : vector<16xf32>
        %get3A_710 = arith.index_cast %scan3A_192 : i32 to index
        %get3A_711 = arith.constant 744 : index
        %get3A_712 = tpu.vector_load %arg10[%get3A_710, %get3A_711] {strides = array<i32>} : memref<9x2560xf32, #tpu.memory_space<vmem>>, vector<16xf32>,
        %mul3A_713 = arith.mulf %get3A_712, %gather3A_699 : vector<16xf32>
        %add3A_714 = arith.addf %add3A_687, %mul3A_713 : vector<16xf32>
        %broadcast_in_dim3A_715 = arith.constant 3 : i32
        %broadcast_in_dim3A_716 = vector.broadcast %broadcast_in_dim3A_715 : i32 to vector<16xi32>
        %lt3A_717 = arith.constant 0 : i32
        %lt3A_718 = vector.broadcast %lt3A_717 : i32 to vector<16xi32>
        %lt3A_719 = arith.cmpi slt, %broadcast_in_dim3A_716, %lt3A_718 : vector<16xi32>
        %add3A_720 = arith.constant 16 : i32
        %add3A_721 = vector.broadcast %add3A_720 : i32 to vector<16xi32>
        %add3A_722 = arith.addi %broadcast_in_dim3A_716, %add3A_721 : vector<16xi32>
        %select_n3A_723 = arith.select %lt3A_719, %add3A_722, %broadcast_in_dim3A_716 : vector<16xi1>, vector<16xi32>
        %broadcast_in_dim3A_724 = vector.shape_cast %select_n3A_723 : vector<16xi32> to vector<16x1xi32>
        %gather3A_725 = vector.shape_cast %broadcast_in_dim3A_724 : vector<16x1xi32> to vector<16xi32>
        %gather3A_726 = tpu.dynamic_gather %get3A_633[%gather3A_725] in [0] : vector<16xf32>, vector<16xi32> -> vector<16xf32>
        %get3A_727 = arith.index_cast %scan3A_192 : i32 to index
        %get3A_728 = arith.constant 760 : index
        %get3A_729 = tpu.vector_load %arg10[%get3A_727, %get3A_728] {strides = array<i32>} : memref<9x2560xf32, #tpu.memory_space<vmem>>, vector<16xf32>,
        %mul3A_730 = arith.mulf %get3A_729, %gather3A_726 : vector<16xf32>
        %add3A_731 = arith.addf %add3A_704, %mul3A_730 : vector<16xf32>
        %get3A_732 = arith.index_cast %scan3A_192 : i32 to index
        %get3A_733 = arith.constant 776 : index
        %get3A_734 = tpu.vector_load %arg10[%get3A_732, %get3A_733] {strides = array<i32>} : memref<9x2560xf32, #tpu.memory_space<vmem>>, vector<16xf32>,
        %mul3A_735 = arith.mulf %get3A_734, %gather3A_726 : vector<16xf32>
        %add3A_736 = arith.addf %add3A_709, %mul3A_735 : vector<16xf32>
        %get3A_737 = arith.index_cast %scan3A_192 : i32 to index
        %get3A_738 = arith.constant 784 : index
        %get3A_739 = tpu.vector_load %arg10[%get3A_737, %get3A_738] {strides = array<i32>} : memref<9x2560xf32, #tpu.memory_space<vmem>>, vector<16xf32>,
        %mul3A_740 = arith.mulf %get3A_739, %gather3A_726 : vector<16xf32>
        %add3A_741 = arith.addf %add3A_714, %mul3A_740 : vector<16xf32>
        %broadcast_in_dim3A_742 = arith.constant 4 : i32
        %broadcast_in_dim3A_743 = vector.broadcast %broadcast_in_dim3A_742 : i32 to vector<16xi32>
        %lt3A_744 = arith.constant 0 : i32
        %lt3A_745 = vector.broadcast %lt3A_744 : i32 to vector<16xi32>
        %lt3A_746 = arith.cmpi slt, %broadcast_in_dim3A_743, %lt3A_745 : vector<16xi32>
        %add3A_747 = arith.constant 16 : i32
        %add3A_748 = vector.broadcast %add3A_747 : i32 to vector<16xi32>
        %add3A_749 = arith.addi %broadcast_in_dim3A_743, %add3A_748 : vector<16xi32>
        %select_n3A_750 = arith.select %lt3A_746, %add3A_749, %broadcast_in_dim3A_743 : vector<16xi1>, vector<16xi32>
        %broadcast_in_dim3A_751 = vector.shape_cast %select_n3A_750 : vector<16xi32> to vector<16x1xi32>
        %gather3A_752 = vector.shape_cast %broadcast_in_dim3A_751 : vector<16x1xi32> to vector<16xi32>
        %gather3A_753 = tpu.dynamic_gather %get3A_633[%gather3A_752] in [0] : vector<16xf32>, vector<16xi32> -> vector<16xf32>
        %get3A_754 = arith.index_cast %scan3A_192 : i32 to index
        %get3A_755 = arith.constant 800 : index
        %get3A_756 = tpu.vector_load %arg10[%get3A_754, %get3A_755] {strides = array<i32>} : memref<9x2560xf32, #tpu.memory_space<vmem>>, vector<16xf32>,
        %mul3A_757 = arith.mulf %get3A_756, %gather3A_753 : vector<16xf32>
        %add3A_758 = arith.addf %add3A_731, %mul3A_757 : vector<16xf32>
        %get3A_759 = arith.index_cast %scan3A_192 : i32 to index
        %get3A_760 = arith.constant 816 : index
        %get3A_761 = tpu.vector_load %arg10[%get3A_759, %get3A_760] {strides = array<i32>} : memref<9x2560xf32, #tpu.memory_space<vmem>>, vector<16xf32>,
        %mul3A_762 = arith.mulf %get3A_761, %gather3A_753 : vector<16xf32>
        %add3A_763 = arith.addf %add3A_736, %mul3A_762 : vector<16xf32>
        %get3A_764 = arith.index_cast %scan3A_192 : i32 to index
        %get3A_765 = arith.constant 824 : index
        %get3A_766 = tpu.vector_load %arg10[%get3A_764, %get3A_765] {strides = array<i32>} : memref<9x2560xf32, #tpu.memory_space<vmem>>, vector<16xf32>,
        %mul3A_767 = arith.mulf %get3A_766, %gather3A_753 : vector<16xf32>
        %add3A_768 = arith.addf %add3A_741, %mul3A_767 : vector<16xf32>
        %broadcast_in_dim3A_769 = arith.constant 5 : i32
        %broadcast_in_dim3A_770 = vector.broadcast %broadcast_in_dim3A_769 : i32 to vector<16xi32>
        %lt3A_771 = arith.constant 0 : i32
        %lt3A_772 = vector.broadcast %lt3A_771 : i32 to vector<16xi32>
        %lt3A_773 = arith.cmpi slt, %broadcast_in_dim3A_770, %lt3A_772 : vector<16xi32>
        %add3A_774 = arith.constant 16 : i32
        %add3A_775 = vector.broadcast %add3A_774 : i32 to vector<16xi32>
        %add3A_776 = arith.addi %broadcast_in_dim3A_770, %add3A_775 : vector<16xi32>
        %select_n3A_777 = arith.select %lt3A_773, %add3A_776, %broadcast_in_dim3A_770 : vector<16xi1>, vector<16xi32>
        %broadcast_in_dim3A_778 = vector.shape_cast %select_n3A_777 : vector<16xi32> to vector<16x1xi32>
        %gather3A_779 = vector.shape_cast %broadcast_in_dim3A_778 : vector<16x1xi32> to vector<16xi32>
        %gather3A_780 = tpu.dynamic_gather %get3A_633[%gather3A_779] in [0] : vector<16xf32>, vector<16xi32> -> vector<16xf32>
        %get3A_781 = arith.index_cast %scan3A_192 : i32 to index
        %get3A_782 = arith.constant 840 : index
        %get3A_783 = tpu.vector_load %arg10[%get3A_781, %get3A_782] {strides = array<i32>} : memref<9x2560xf32, #tpu.memory_space<vmem>>, vector<16xf32>,
        %mul3A_784 = arith.mulf %get3A_783, %gather3A_780 : vector<16xf32>
        %add3A_785 = arith.addf %add3A_758, %mul3A_784 : vector<16xf32>
        %get3A_786 = arith.index_cast %scan3A_192 : i32 to index
        %get3A_787 = arith.constant 856 : index
        %get3A_788 = tpu.vector_load %arg10[%get3A_786, %get3A_787] {strides = array<i32>} : memref<9x2560xf32, #tpu.memory_space<vmem>>, vector<16xf32>,
        %mul3A_789 = arith.mulf %get3A_788, %gather3A_780 : vector<16xf32>
        %add3A_790 = arith.addf %add3A_763, %mul3A_789 : vector<16xf32>
        %get3A_791 = arith.index_cast %scan3A_192 : i32 to index
        %get3A_792 = arith.constant 864 : index
        %get3A_793 = tpu.vector_load %arg10[%get3A_791, %get3A_792] {strides = array<i32>} : memref<9x2560xf32, #tpu.memory_space<vmem>>, vector<16xf32>,
        %mul3A_794 = arith.mulf %get3A_793, %gather3A_780 : vector<16xf32>
        %add3A_795 = arith.addf %add3A_768, %mul3A_794 : vector<16xf32>
        %broadcast_in_dim3A_796 = arith.constant 6 : i32
        %broadcast_in_dim3A_797 = vector.broadcast %broadcast_in_dim3A_796 : i32 to vector<16xi32>
        %lt3A_798 = arith.constant 0 : i32
        %lt3A_799 = vector.broadcast %lt3A_798 : i32 to vector<16xi32>
        %lt3A_800 = arith.cmpi slt, %broadcast_in_dim3A_797, %lt3A_799 : vector<16xi32>
        %add3A_801 = arith.constant 16 : i32
        %add3A_802 = vector.broadcast %add3A_801 : i32 to vector<16xi32>
        %add3A_803 = arith.addi %broadcast_in_dim3A_797, %add3A_802 : vector<16xi32>
        %select_n3A_804 = arith.select %lt3A_800, %add3A_803, %broadcast_in_dim3A_797 : vector<16xi1>, vector<16xi32>
        %broadcast_in_dim3A_805 = vector.shape_cast %select_n3A_804 : vector<16xi32> to vector<16x1xi32>
        %gather3A_806 = vector.shape_cast %broadcast_in_dim3A_805 : vector<16x1xi32> to vector<16xi32>
        %gather3A_807 = tpu.dynamic_gather %get3A_633[%gather3A_806] in [0] : vector<16xf32>, vector<16xi32> -> vector<16xf32>
        %get3A_808 = arith.index_cast %scan3A_192 : i32 to index
        %get3A_809 = arith.constant 880 : index
        %get3A_810 = tpu.vector_load %arg10[%get3A_808, %get3A_809] {strides = array<i32>} : memref<9x2560xf32, #tpu.memory_space<vmem>>, vector<16xf32>,
        %mul3A_811 = arith.mulf %get3A_810, %gather3A_807 : vector<16xf32>
        %add3A_812 = arith.addf %add3A_785, %mul3A_811 : vector<16xf32>
        %get3A_813 = arith.index_cast %scan3A_192 : i32 to index
        %get3A_814 = arith.constant 896 : index
        %get3A_815 = tpu.vector_load %arg10[%get3A_813, %get3A_814] {strides = array<i32>} : memref<9x2560xf32, #tpu.memory_space<vmem>>, vector<16xf32>,
        %mul3A_816 = arith.mulf %get3A_815, %gather3A_807 : vector<16xf32>
        %add3A_817 = arith.addf %add3A_790, %mul3A_816 : vector<16xf32>
        %get3A_818 = arith.index_cast %scan3A_192 : i32 to index
        %get3A_819 = arith.constant 904 : index
        %get3A_820 = tpu.vector_load %arg10[%get3A_818, %get3A_819] {strides = array<i32>} : memref<9x2560xf32, #tpu.memory_space<vmem>>, vector<16xf32>,
        %mul3A_821 = arith.mulf %get3A_820, %gather3A_807 : vector<16xf32>
        %add3A_822 = arith.addf %add3A_795, %mul3A_821 : vector<16xf32>
        %broadcast_in_dim3A_823 = arith.constant 7 : i32
        %broadcast_in_dim3A_824 = vector.broadcast %broadcast_in_dim3A_823 : i32 to vector<16xi32>
        %lt3A_825 = arith.constant 0 : i32
        %lt3A_826 = vector.broadcast %lt3A_825 : i32 to vector<16xi32>
        %lt3A_827 = arith.cmpi slt, %broadcast_in_dim3A_824, %lt3A_826 : vector<16xi32>
        %add3A_828 = arith.constant 16 : i32
        %add3A_829 = vector.broadcast %add3A_828 : i32 to vector<16xi32>
        %add3A_830 = arith.addi %broadcast_in_dim3A_824, %add3A_829 : vector<16xi32>
        %select_n3A_831 = arith.select %lt3A_827, %add3A_830, %broadcast_in_dim3A_824 : vector<16xi1>, vector<16xi32>
        %broadcast_in_dim3A_832 = vector.shape_cast %select_n3A_831 : vector<16xi32> to vector<16x1xi32>
        %gather3A_833 = vector.shape_cast %broadcast_in_dim3A_832 : vector<16x1xi32> to vector<16xi32>
        %gather3A_834 = tpu.dynamic_gather %get3A_633[%gather3A_833] in [0] : vector<16xf32>, vector<16xi32> -> vector<16xf32>
        %get3A_835 = arith.index_cast %scan3A_192 : i32 to index
        %get3A_836 = arith.constant 920 : index
        %get3A_837 = tpu.vector_load %arg10[%get3A_835, %get3A_836] {strides = array<i32>} : memref<9x2560xf32, #tpu.memory_space<vmem>>, vector<16xf32>,
        %mul3A_838 = arith.mulf %get3A_837, %gather3A_834 : vector<16xf32>
        %add3A_839 = arith.addf %add3A_812, %mul3A_838 : vector<16xf32>
        %get3A_840 = arith.index_cast %scan3A_192 : i32 to index
        %get3A_841 = arith.constant 936 : index
        %get3A_842 = tpu.vector_load %arg10[%get3A_840, %get3A_841] {strides = array<i32>} : memref<9x2560xf32, #tpu.memory_space<vmem>>, vector<16xf32>,
        %mul3A_843 = arith.mulf %get3A_842, %gather3A_834 : vector<16xf32>
        %add3A_844 = arith.addf %add3A_817, %mul3A_843 : vector<16xf32>
        %get3A_845 = arith.index_cast %scan3A_192 : i32 to index
        %get3A_846 = arith.constant 944 : index
        %get3A_847 = tpu.vector_load %arg10[%get3A_845, %get3A_846] {strides = array<i32>} : memref<9x2560xf32, #tpu.memory_space<vmem>>, vector<16xf32>,
        %mul3A_848 = arith.mulf %get3A_847, %gather3A_834 : vector<16xf32>
        %add3A_849 = arith.addf %add3A_822, %mul3A_848 : vector<16xf32>
        %broadcast_in_dim3A_850 = arith.constant 8 : i32
        %broadcast_in_dim3A_851 = vector.broadcast %broadcast_in_dim3A_850 : i32 to vector<16xi32>
        %lt3A_852 = arith.constant 0 : i32
        %lt3A_853 = vector.broadcast %lt3A_852 : i32 to vector<16xi32>
        %lt3A_854 = arith.cmpi slt, %broadcast_in_dim3A_851, %lt3A_853 : vector<16xi32>
        %add3A_855 = arith.constant 16 : i32
        %add3A_856 = vector.broadcast %add3A_855 : i32 to vector<16xi32>
        %add3A_857 = arith.addi %broadcast_in_dim3A_851, %add3A_856 : vector<16xi32>
        %select_n3A_858 = arith.select %lt3A_854, %add3A_857, %broadcast_in_dim3A_851 : vector<16xi1>, vector<16xi32>
        %broadcast_in_dim3A_859 = vector.shape_cast %select_n3A_858 : vector<16xi32> to vector<16x1xi32>
        %gather3A_860 = vector.shape_cast %broadcast_in_dim3A_859 : vector<16x1xi32> to vector<16xi32>
        %gather3A_861 = tpu.dynamic_gather %get3A_633[%gather3A_860] in [0] : vector<16xf32>, vector<16xi32> -> vector<16xf32>
        %get3A_862 = arith.index_cast %scan3A_192 : i32 to index
        %get3A_863 = arith.constant 960 : index
        %get3A_864 = tpu.vector_load %arg10[%get3A_862, %get3A_863] {strides = array<i32>} : memref<9x2560xf32, #tpu.memory_space<vmem>>, vector<16xf32>,
        %mul3A_865 = arith.mulf %get3A_864, %gather3A_861 : vector<16xf32>
        %add3A_866 = arith.addf %add3A_839, %mul3A_865 : vector<16xf32>
        %get3A_867 = arith.index_cast %scan3A_192 : i32 to index
        %get3A_868 = arith.constant 976 : index
        %get3A_869 = tpu.vector_load %arg10[%get3A_867, %get3A_868] {strides = array<i32>} : memref<9x2560xf32, #tpu.memory_space<vmem>>, vector<16xf32>,
        %mul3A_870 = arith.mulf %get3A_869, %gather3A_861 : vector<16xf32>
        %add3A_871 = arith.addf %add3A_844, %mul3A_870 : vector<16xf32>
        %get3A_872 = arith.index_cast %scan3A_192 : i32 to index
        %get3A_873 = arith.constant 984 : index
        %get3A_874 = tpu.vector_load %arg10[%get3A_872, %get3A_873] {strides = array<i32>} : memref<9x2560xf32, #tpu.memory_space<vmem>>, vector<16xf32>,
        %mul3A_875 = arith.mulf %get3A_874, %gather3A_861 : vector<16xf32>
        %add3A_876 = arith.addf %add3A_849, %mul3A_875 : vector<16xf32>
        %broadcast_in_dim3A_877 = arith.constant 9 : i32
        %broadcast_in_dim3A_878 = vector.broadcast %broadcast_in_dim3A_877 : i32 to vector<16xi32>
        %lt3A_879 = arith.constant 0 : i32
        %lt3A_880 = vector.broadcast %lt3A_879 : i32 to vector<16xi32>
        %lt3A_881 = arith.cmpi slt, %broadcast_in_dim3A_878, %lt3A_880 : vector<16xi32>
        %add3A_882 = arith.constant 16 : i32
        %add3A_883 = vector.broadcast %add3A_882 : i32 to vector<16xi32>
        %add3A_884 = arith.addi %broadcast_in_dim3A_878, %add3A_883 : vector<16xi32>
        %select_n3A_885 = arith.select %lt3A_881, %add3A_884, %broadcast_in_dim3A_878 : vector<16xi1>, vector<16xi32>
        %broadcast_in_dim3A_886 = vector.shape_cast %select_n3A_885 : vector<16xi32> to vector<16x1xi32>
        %gather3A_887 = vector.shape_cast %broadcast_in_dim3A_886 : vector<16x1xi32> to vector<16xi32>
        %gather3A_888 = tpu.dynamic_gather %get3A_633[%gather3A_887] in [0] : vector<16xf32>, vector<16xi32> -> vector<16xf32>
        %get3A_889 = arith.index_cast %scan3A_192 : i32 to index
        %get3A_890 = arith.constant 1000 : index
        %get3A_891 = tpu.vector_load %arg10[%get3A_889, %get3A_890] {strides = array<i32>} : memref<9x2560xf32, #tpu.memory_space<vmem>>, vector<16xf32>,
        %mul3A_892 = arith.mulf %get3A_891, %gather3A_888 : vector<16xf32>
        %add3A_893 = arith.addf %add3A_866, %mul3A_892 : vector<16xf32>
        %get3A_894 = arith.index_cast %scan3A_192 : i32 to index
        %get3A_895 = arith.constant 1016 : index
        %get3A_896 = tpu.vector_load %arg10[%get3A_894, %get3A_895] {strides = array<i32>} : memref<9x2560xf32, #tpu.memory_space<vmem>>, vector<16xf32>,
        %mul3A_897 = arith.mulf %get3A_896, %gather3A_888 : vector<16xf32>
        %add3A_898 = arith.addf %add3A_871, %mul3A_897 : vector<16xf32>
        %get3A_899 = arith.index_cast %scan3A_192 : i32 to index
        %get3A_900 = arith.constant 1024 : index
        %get3A_901 = tpu.vector_load %arg10[%get3A_899, %get3A_900] {strides = array<i32>} : memref<9x2560xf32, #tpu.memory_space<vmem>>, vector<16xf32>,
        %mul3A_902 = arith.mulf %get3A_901, %gather3A_888 : vector<16xf32>
        %add3A_903 = arith.addf %add3A_876, %mul3A_902 : vector<16xf32>
        %broadcast_in_dim3A_904 = arith.constant 10 : i32
        %broadcast_in_dim3A_905 = vector.broadcast %broadcast_in_dim3A_904 : i32 to vector<16xi32>
        %lt3A_906 = arith.constant 0 : i32
        %lt3A_907 = vector.broadcast %lt3A_906 : i32 to vector<16xi32>
        %lt3A_908 = arith.cmpi slt, %broadcast_in_dim3A_905, %lt3A_907 : vector<16xi32>
        %add3A_909 = arith.constant 16 : i32
        %add3A_910 = vector.broadcast %add3A_909 : i32 to vector<16xi32>
        %add3A_911 = arith.addi %broadcast_in_dim3A_905, %add3A_910 : vector<16xi32>
        %select_n3A_912 = arith.select %lt3A_908, %add3A_911, %broadcast_in_dim3A_905 : vector<16xi1>, vector<16xi32>
        %broadcast_in_dim3A_913 = vector.shape_cast %select_n3A_912 : vector<16xi32> to vector<16x1xi32>
        %gather3A_914 = vector.shape_cast %broadcast_in_dim3A_913 : vector<16x1xi32> to vector<16xi32>
        %gather3A_915 = tpu.dynamic_gather %get3A_633[%gather3A_914] in [0] : vector<16xf32>, vector<16xi32> -> vector<16xf32>
        %get3A_916 = arith.index_cast %scan3A_192 : i32 to index
        %get3A_917 = arith.constant 1040 : index
        %get3A_918 = tpu.vector_load %arg10[%get3A_916, %get3A_917] {strides = array<i32>} : memref<9x2560xf32, #tpu.memory_space<vmem>>, vector<16xf32>,
        %mul3A_919 = arith.mulf %get3A_918, %gather3A_915 : vector<16xf32>
        %add3A_920 = arith.addf %add3A_893, %mul3A_919 : vector<16xf32>
        %get3A_921 = arith.index_cast %scan3A_192 : i32 to index
        %get3A_922 = arith.constant 1056 : index
        %get3A_923 = tpu.vector_load %arg10[%get3A_921, %get3A_922] {strides = array<i32>} : memref<9x2560xf32, #tpu.memory_space<vmem>>, vector<16xf32>,
        %mul3A_924 = arith.mulf %get3A_923, %gather3A_915 : vector<16xf32>
        %add3A_925 = arith.addf %add3A_898, %mul3A_924 : vector<16xf32>
        %get3A_926 = arith.index_cast %scan3A_192 : i32 to index
        %get3A_927 = arith.constant 1064 : index
        %get3A_928 = tpu.vector_load %arg10[%get3A_926, %get3A_927] {strides = array<i32>} : memref<9x2560xf32, #tpu.memory_space<vmem>>, vector<16xf32>,
        %mul3A_929 = arith.mulf %get3A_928, %gather3A_915 : vector<16xf32>
        %add3A_930 = arith.addf %add3A_903, %mul3A_929 : vector<16xf32>
        %broadcast_in_dim3A_931 = arith.constant 11 : i32
        %broadcast_in_dim3A_932 = vector.broadcast %broadcast_in_dim3A_931 : i32 to vector<16xi32>
        %lt3A_933 = arith.constant 0 : i32
        %lt3A_934 = vector.broadcast %lt3A_933 : i32 to vector<16xi32>
        %lt3A_935 = arith.cmpi slt, %broadcast_in_dim3A_932, %lt3A_934 : vector<16xi32>
        %add3A_936 = arith.constant 16 : i32
        %add3A_937 = vector.broadcast %add3A_936 : i32 to vector<16xi32>
        %add3A_938 = arith.addi %broadcast_in_dim3A_932, %add3A_937 : vector<16xi32>
        %select_n3A_939 = arith.select %lt3A_935, %add3A_938, %broadcast_in_dim3A_932 : vector<16xi1>, vector<16xi32>
        %broadcast_in_dim3A_940 = vector.shape_cast %select_n3A_939 : vector<16xi32> to vector<16x1xi32>
        %gather3A_941 = vector.shape_cast %broadcast_in_dim3A_940 : vector<16x1xi32> to vector<16xi32>
        %gather3A_942 = tpu.dynamic_gather %get3A_633[%gather3A_941] in [0] : vector<16xf32>, vector<16xi32> -> vector<16xf32>
        %get3A_943 = arith.index_cast %scan3A_192 : i32 to index
        %get3A_944 = arith.constant 1080 : index
        %get3A_945 = tpu.vector_load %arg10[%get3A_943, %get3A_944] {strides = array<i32>} : memref<9x2560xf32, #tpu.memory_space<vmem>>, vector<16xf32>,
        %mul3A_946 = arith.mulf %get3A_945, %gather3A_942 : vector<16xf32>
        %add3A_947 = arith.addf %add3A_920, %mul3A_946 : vector<16xf32>
        %get3A_948 = arith.index_cast %scan3A_192 : i32 to index
        %get3A_949 = arith.constant 1096 : index
        %get3A_950 = tpu.vector_load %arg10[%get3A_948, %get3A_949] {strides = array<i32>} : memref<9x2560xf32, #tpu.memory_space<vmem>>, vector<16xf32>,
        %mul3A_951 = arith.mulf %get3A_950, %gather3A_942 : vector<16xf32>
        %add3A_952 = arith.addf %add3A_925, %mul3A_951 : vector<16xf32>
        %get3A_953 = arith.index_cast %scan3A_192 : i32 to index
        %get3A_954 = arith.constant 1104 : index
        %get3A_955 = tpu.vector_load %arg10[%get3A_953, %get3A_954] {strides = array<i32>} : memref<9x2560xf32, #tpu.memory_space<vmem>>, vector<16xf32>,
        %mul3A_956 = arith.mulf %get3A_955, %gather3A_942 : vector<16xf32>
        %add3A_957 = arith.addf %add3A_930, %mul3A_956 : vector<16xf32>
        %broadcast_in_dim3A_958 = arith.constant 12 : i32
        %broadcast_in_dim3A_959 = vector.broadcast %broadcast_in_dim3A_958 : i32 to vector<16xi32>
        %lt3A_960 = arith.constant 0 : i32
        %lt3A_961 = vector.broadcast %lt3A_960 : i32 to vector<16xi32>
        %lt3A_962 = arith.cmpi slt, %broadcast_in_dim3A_959, %lt3A_961 : vector<16xi32>
        %add3A_963 = arith.constant 16 : i32
        %add3A_964 = vector.broadcast %add3A_963 : i32 to vector<16xi32>
        %add3A_965 = arith.addi %broadcast_in_dim3A_959, %add3A_964 : vector<16xi32>
        %select_n3A_966 = arith.select %lt3A_962, %add3A_965, %broadcast_in_dim3A_959 : vector<16xi1>, vector<16xi32>
        %broadcast_in_dim3A_967 = vector.shape_cast %select_n3A_966 : vector<16xi32> to vector<16x1xi32>
        %gather3A_968 = vector.shape_cast %broadcast_in_dim3A_967 : vector<16x1xi32> to vector<16xi32>
        %gather3A_969 = tpu.dynamic_gather %get3A_633[%gather3A_968] in [0] : vector<16xf32>, vector<16xi32> -> vector<16xf32>
        %get3A_970 = arith.index_cast %scan3A_192 : i32 to index
        %get3A_971 = arith.constant 1120 : index
        %get3A_972 = tpu.vector_load %arg10[%get3A_970, %get3A_971] {strides = array<i32>} : memref<9x2560xf32, #tpu.memory_space<vmem>>, vector<16xf32>,
        %mul3A_973 = arith.mulf %get3A_972, %gather3A_969 : vector<16xf32>
        %add3A_974 = arith.addf %add3A_947, %mul3A_973 : vector<16xf32>
        %get3A_975 = arith.index_cast %scan3A_192 : i32 to index
        %get3A_976 = arith.constant 1136 : index
        %get3A_977 = tpu.vector_load %arg10[%get3A_975, %get3A_976] {strides = array<i32>} : memref<9x2560xf32, #tpu.memory_space<vmem>>, vector<16xf32>,
        %mul3A_978 = arith.mulf %get3A_977, %gather3A_969 : vector<16xf32>
        %add3A_979 = arith.addf %add3A_952, %mul3A_978 : vector<16xf32>
        %get3A_980 = arith.index_cast %scan3A_192 : i32 to index
        %get3A_981 = arith.constant 1144 : index
        %get3A_982 = tpu.vector_load %arg10[%get3A_980, %get3A_981] {strides = array<i32>} : memref<9x2560xf32, #tpu.memory_space<vmem>>, vector<16xf32>,
        %mul3A_983 = arith.mulf %get3A_982, %gather3A_969 : vector<16xf32>
        %add3A_984 = arith.addf %add3A_957, %mul3A_983 : vector<16xf32>
        %broadcast_in_dim3A_985 = arith.constant 13 : i32
        %broadcast_in_dim3A_986 = vector.broadcast %broadcast_in_dim3A_985 : i32 to vector<16xi32>
        %lt3A_987 = arith.constant 0 : i32
        %lt3A_988 = vector.broadcast %lt3A_987 : i32 to vector<16xi32>
        %lt3A_989 = arith.cmpi slt, %broadcast_in_dim3A_986, %lt3A_988 : vector<16xi32>
        %add3A_990 = arith.constant 16 : i32
        %add3A_991 = vector.broadcast %add3A_990 : i32 to vector<16xi32>
        %add3A_992 = arith.addi %broadcast_in_dim3A_986, %add3A_991 : vector<16xi32>
        %select_n3A_993 = arith.select %lt3A_989, %add3A_992, %broadcast_in_dim3A_986 : vector<16xi1>, vector<16xi32>
        %broadcast_in_dim3A_994 = vector.shape_cast %select_n3A_993 : vector<16xi32> to vector<16x1xi32>
        %gather3A_995 = vector.shape_cast %broadcast_in_dim3A_994 : vector<16x1xi32> to vector<16xi32>
        %gather3A_996 = tpu.dynamic_gather %get3A_633[%gather3A_995] in [0] : vector<16xf32>, vector<16xi32> -> vector<16xf32>
        %get3A_997 = arith.index_cast %scan3A_192 : i32 to index
        %get3A_998 = arith.constant 1160 : index
        %get3A_999 = tpu.vector_load %arg10[%get3A_997, %get3A_998] {strides = array<i32>} : memref<9x2560xf32, #tpu.memory_space<vmem>>, vector<16xf32>,
        %mul3A_1000 = arith.mulf %get3A_999, %gather3A_996 : vector<16xf32>
        %add3A_1001 = arith.addf %add3A_974, %mul3A_1000 : vector<16xf32>
        %get3A_1002 = arith.index_cast %scan3A_192 : i32 to index
        %get3A_1003 = arith.constant 1176 : index
        %get3A_1004 = tpu.vector_load %arg10[%get3A_1002, %get3A_1003] {strides = array<i32>} : memref<9x2560xf32, #tpu.memory_space<vmem>>, vector<16xf32>,
        %mul3A_1005 = arith.mulf %get3A_1004, %gather3A_996 : vector<16xf32>
        %add3A_1006 = arith.addf %add3A_979, %mul3A_1005 : vector<16xf32>
        %get3A_1007 = arith.index_cast %scan3A_192 : i32 to index
        %get3A_1008 = arith.constant 1184 : index
        %get3A_1009 = tpu.vector_load %arg10[%get3A_1007, %get3A_1008] {strides = array<i32>} : memref<9x2560xf32, #tpu.memory_space<vmem>>, vector<16xf32>,
        %mul3A_1010 = arith.mulf %get3A_1009, %gather3A_996 : vector<16xf32>
        %add3A_1011 = arith.addf %add3A_984, %mul3A_1010 : vector<16xf32>
        %broadcast_in_dim3A_1012 = arith.constant 14 : i32
        %broadcast_in_dim3A_1013 = vector.broadcast %broadcast_in_dim3A_1012 : i32 to vector<16xi32>
        %lt3A_1014 = arith.constant 0 : i32
        %lt3A_1015 = vector.broadcast %lt3A_1014 : i32 to vector<16xi32>
        %lt3A_1016 = arith.cmpi slt, %broadcast_in_dim3A_1013, %lt3A_1015 : vector<16xi32>
        %add3A_1017 = arith.constant 16 : i32
        %add3A_1018 = vector.broadcast %add3A_1017 : i32 to vector<16xi32>
        %add3A_1019 = arith.addi %broadcast_in_dim3A_1013, %add3A_1018 : vector<16xi32>
        %select_n3A_1020 = arith.select %lt3A_1016, %add3A_1019, %broadcast_in_dim3A_1013 : vector<16xi1>, vector<16xi32>
        %broadcast_in_dim3A_1021 = vector.shape_cast %select_n3A_1020 : vector<16xi32> to vector<16x1xi32>
        %gather3A_1022 = vector.shape_cast %broadcast_in_dim3A_1021 : vector<16x1xi32> to vector<16xi32>
        %gather3A_1023 = tpu.dynamic_gather %get3A_633[%gather3A_1022] in [0] : vector<16xf32>, vector<16xi32> -> vector<16xf32>
        %get3A_1024 = arith.index_cast %scan3A_192 : i32 to index
        %get3A_1025 = arith.constant 1200 : index
        %get3A_1026 = tpu.vector_load %arg10[%get3A_1024, %get3A_1025] {strides = array<i32>} : memref<9x2560xf32, #tpu.memory_space<vmem>>, vector<16xf32>,
        %mul3A_1027 = arith.mulf %get3A_1026, %gather3A_1023 : vector<16xf32>
        %add3A_1028 = arith.addf %add3A_1001, %mul3A_1027 : vector<16xf32>
        %get3A_1029 = arith.index_cast %scan3A_192 : i32 to index
        %get3A_1030 = arith.constant 1216 : index
        %get3A_1031 = tpu.vector_load %arg10[%get3A_1029, %get3A_1030] {strides = array<i32>} : memref<9x2560xf32, #tpu.memory_space<vmem>>, vector<16xf32>,
        %mul3A_1032 = arith.mulf %get3A_1031, %gather3A_1023 : vector<16xf32>
        %add3A_1033 = arith.addf %add3A_1006, %mul3A_1032 : vector<16xf32>
        %get3A_1034 = arith.index_cast %scan3A_192 : i32 to index
        %get3A_1035 = arith.constant 1224 : index
        %get3A_1036 = tpu.vector_load %arg10[%get3A_1034, %get3A_1035] {strides = array<i32>} : memref<9x2560xf32, #tpu.memory_space<vmem>>, vector<16xf32>,
        %mul3A_1037 = arith.mulf %get3A_1036, %gather3A_1023 : vector<16xf32>
        %add3A_1038 = arith.addf %add3A_1011, %mul3A_1037 : vector<16xf32>
        %broadcast_in_dim3A_1039 = arith.constant 15 : i32
        %broadcast_in_dim3A_1040 = vector.broadcast %broadcast_in_dim3A_1039 : i32 to vector<16xi32>
        %lt3A_1041 = arith.constant 0 : i32
        %lt3A_1042 = vector.broadcast %lt3A_1041 : i32 to vector<16xi32>
        %lt3A_1043 = arith.cmpi slt, %broadcast_in_dim3A_1040, %lt3A_1042 : vector<16xi32>
        %add3A_1044 = arith.constant 16 : i32
        %add3A_1045 = vector.broadcast %add3A_1044 : i32 to vector<16xi32>
        %add3A_1046 = arith.addi %broadcast_in_dim3A_1040, %add3A_1045 : vector<16xi32>
        %select_n3A_1047 = arith.select %lt3A_1043, %add3A_1046, %broadcast_in_dim3A_1040 : vector<16xi1>, vector<16xi32>
        %broadcast_in_dim3A_1048 = vector.shape_cast %select_n3A_1047 : vector<16xi32> to vector<16x1xi32>
        %gather3A_1049 = vector.shape_cast %broadcast_in_dim3A_1048 : vector<16x1xi32> to vector<16xi32>
        %gather3A_1050 = tpu.dynamic_gather %get3A_633[%gather3A_1049] in [0] : vector<16xf32>, vector<16xi32> -> vector<16xf32>
        %get3A_1051 = arith.index_cast %scan3A_192 : i32 to index
        %get3A_1052 = arith.constant 1240 : index
        %get3A_1053 = tpu.vector_load %arg10[%get3A_1051, %get3A_1052] {strides = array<i32>} : memref<9x2560xf32, #tpu.memory_space<vmem>>, vector<16xf32>,
        %mul3A_1054 = arith.mulf %get3A_1053, %gather3A_1050 : vector<16xf32>
        %add3A_1055 = arith.addf %add3A_1028, %mul3A_1054 : vector<16xf32>
        %get3A_1056 = arith.index_cast %scan3A_192 : i32 to index
        %get3A_1057 = arith.constant 1256 : index
        %get3A_1058 = tpu.vector_load %arg10[%get3A_1056, %get3A_1057] {strides = array<i32>} : memref<9x2560xf32, #tpu.memory_space<vmem>>, vector<16xf32>,
        %mul3A_1059 = arith.mulf %get3A_1058, %gather3A_1050 : vector<16xf32>
        %add3A_1060 = arith.addf %add3A_1033, %mul3A_1059 : vector<16xf32>
        %get3A_1061 = arith.index_cast %scan3A_192 : i32 to index
        %get3A_1062 = arith.constant 1264 : index
        %get3A_1063 = tpu.vector_load %arg10[%get3A_1061, %get3A_1062] {strides = array<i32>} : memref<9x2560xf32, #tpu.memory_space<vmem>>, vector<16xf32>,
        %mul3A_1064 = arith.mulf %get3A_1063, %gather3A_1050 : vector<16xf32>
        %add3A_1065 = arith.addf %add3A_1038, %mul3A_1064 : vector<16xf32>
        %get3A_1066 = arith.index_cast %add3A_40 : i32 to index
        %get3A_1067 = arith.constant 32 : index
        %get3A_1068 = tpu.vector_load %arg9[%get3A_1066, %get3A_1067] {strides = array<i32>} : memref<128x64xf32, #tpu.memory_space<vmem>>, vector<16xf32>,
        %broadcast_in_dim3A_1069 = arith.constant 0 : i32
        %broadcast_in_dim3A_1070 = vector.broadcast %broadcast_in_dim3A_1069 : i32 to vector<16xi32>
        %lt3A_1071 = arith.constant 0 : i32
        %lt3A_1072 = vector.broadcast %lt3A_1071 : i32 to vector<16xi32>
        %lt3A_1073 = arith.cmpi slt, %broadcast_in_dim3A_1070, %lt3A_1072 : vector<16xi32>
        %add3A_1074 = arith.constant 16 : i32
        %add3A_1075 = vector.broadcast %add3A_1074 : i32 to vector<16xi32>
        %add3A_1076 = arith.addi %broadcast_in_dim3A_1070, %add3A_1075 : vector<16xi32>
        %select_n3A_1077 = arith.select %lt3A_1073, %add3A_1076, %broadcast_in_dim3A_1070 : vector<16xi1>, vector<16xi32>
        %broadcast_in_dim3A_1078 = vector.shape_cast %select_n3A_1077 : vector<16xi32> to vector<16x1xi32>
        %gather3A_1079 = vector.shape_cast %broadcast_in_dim3A_1078 : vector<16x1xi32> to vector<16xi32>
        %gather3A_1080 = tpu.dynamic_gather %get3A_1068[%gather3A_1079] in [0] : vector<16xf32>, vector<16xi32> -> vector<16xf32>
        %get3A_1081 = arith.index_cast %scan3A_192 : i32 to index
        %get3A_1082 = arith.constant 1280 : index
        %get3A_1083 = tpu.vector_load %arg10[%get3A_1081, %get3A_1082] {strides = array<i32>} : memref<9x2560xf32, #tpu.memory_space<vmem>>, vector<16xf32>,
        %mul3A_1084 = arith.mulf %get3A_1083, %gather3A_1080 : vector<16xf32>
        %add3A_1085 = arith.addf %add3A_1055, %mul3A_1084 : vector<16xf32>
        %get3A_1086 = arith.index_cast %scan3A_192 : i32 to index
        %get3A_1087 = arith.constant 1296 : index
        %get3A_1088 = tpu.vector_load %arg10[%get3A_1086, %get3A_1087] {strides = array<i32>} : memref<9x2560xf32, #tpu.memory_space<vmem>>, vector<16xf32>,
        %mul3A_1089 = arith.mulf %get3A_1088, %gather3A_1080 : vector<16xf32>
        %add3A_1090 = arith.addf %add3A_1060, %mul3A_1089 : vector<16xf32>
        %get3A_1091 = arith.index_cast %scan3A_192 : i32 to index
        %get3A_1092 = arith.constant 1304 : index
        %get3A_1093 = tpu.vector_load %arg10[%get3A_1091, %get3A_1092] {strides = array<i32>} : memref<9x2560xf32, #tpu.memory_space<vmem>>, vector<16xf32>,
        %mul3A_1094 = arith.mulf %get3A_1093, %gather3A_1080 : vector<16xf32>
        %add3A_1095 = arith.addf %add3A_1065, %mul3A_1094 : vector<16xf32>
        %broadcast_in_dim3A_1096 = arith.constant 1 : i32
        %broadcast_in_dim3A_1097 = vector.broadcast %broadcast_in_dim3A_1096 : i32 to vector<16xi32>
        %lt3A_1098 = arith.constant 0 : i32
        %lt3A_1099 = vector.broadcast %lt3A_1098 : i32 to vector<16xi32>
        %lt3A_1100 = arith.cmpi slt, %broadcast_in_dim3A_1097, %lt3A_1099 : vector<16xi32>
        %add3A_1101 = arith.constant 16 : i32
        %add3A_1102 = vector.broadcast %add3A_1101 : i32 to vector<16xi32>
        %add3A_1103 = arith.addi %broadcast_in_dim3A_1097, %add3A_1102 : vector<16xi32>
        %select_n3A_1104 = arith.select %lt3A_1100, %add3A_1103, %broadcast_in_dim3A_1097 : vector<16xi1>, vector<16xi32>
        %broadcast_in_dim3A_1105 = vector.shape_cast %select_n3A_1104 : vector<16xi32> to vector<16x1xi32>
        %gather3A_1106 = vector.shape_cast %broadcast_in_dim3A_1105 : vector<16x1xi32> to vector<16xi32>
        %gather3A_1107 = tpu.dynamic_gather %get3A_1068[%gather3A_1106] in [0] : vector<16xf32>, vector<16xi32> -> vector<16xf32>
        %get3A_1108 = arith.index_cast %scan3A_192 : i32 to index
        %get3A_1109 = arith.constant 1320 : index
        %get3A_1110 = tpu.vector_load %arg10[%get3A_1108, %get3A_1109] {strides = array<i32>} : memref<9x2560xf32, #tpu.memory_space<vmem>>, vector<16xf32>,
        %mul3A_1111 = arith.mulf %get3A_1110, %gather3A_1107 : vector<16xf32>
        %add3A_1112 = arith.addf %add3A_1085, %mul3A_1111 : vector<16xf32>
        %get3A_1113 = arith.index_cast %scan3A_192 : i32 to index
        %get3A_1114 = arith.constant 1336 : index
        %get3A_1115 = tpu.vector_load %arg10[%get3A_1113, %get3A_1114] {strides = array<i32>} : memref<9x2560xf32, #tpu.memory_space<vmem>>, vector<16xf32>,
        %mul3A_1116 = arith.mulf %get3A_1115, %gather3A_1107 : vector<16xf32>
        %add3A_1117 = arith.addf %add3A_1090, %mul3A_1116 : vector<16xf32>
        %get3A_1118 = arith.index_cast %scan3A_192 : i32 to index
        %get3A_1119 = arith.constant 1344 : index
        %get3A_1120 = tpu.vector_load %arg10[%get3A_1118, %get3A_1119] {strides = array<i32>} : memref<9x2560xf32, #tpu.memory_space<vmem>>, vector<16xf32>,
        %mul3A_1121 = arith.mulf %get3A_1120, %gather3A_1107 : vector<16xf32>
        %add3A_1122 = arith.addf %add3A_1095, %mul3A_1121 : vector<16xf32>
        %broadcast_in_dim3A_1123 = arith.constant 2 : i32
        %broadcast_in_dim3A_1124 = vector.broadcast %broadcast_in_dim3A_1123 : i32 to vector<16xi32>
        %lt3A_1125 = arith.constant 0 : i32
        %lt3A_1126 = vector.broadcast %lt3A_1125 : i32 to vector<16xi32>
        %lt3A_1127 = arith.cmpi slt, %broadcast_in_dim3A_1124, %lt3A_1126 : vector<16xi32>
        %add3A_1128 = arith.constant 16 : i32
        %add3A_1129 = vector.broadcast %add3A_1128 : i32 to vector<16xi32>
        %add3A_1130 = arith.addi %broadcast_in_dim3A_1124, %add3A_1129 : vector<16xi32>
        %select_n3A_1131 = arith.select %lt3A_1127, %add3A_1130, %broadcast_in_dim3A_1124 : vector<16xi1>, vector<16xi32>
        %broadcast_in_dim3A_1132 = vector.shape_cast %select_n3A_1131 : vector<16xi32> to vector<16x1xi32>
        %gather3A_1133 = vector.shape_cast %broadcast_in_dim3A_1132 : vector<16x1xi32> to vector<16xi32>
        %gather3A_1134 = tpu.dynamic_gather %get3A_1068[%gather3A_1133] in [0] : vector<16xf32>, vector<16xi32> -> vector<16xf32>
        %get3A_1135 = arith.index_cast %scan3A_192 : i32 to index
        %get3A_1136 = arith.constant 1360 : index
        %get3A_1137 = tpu.vector_load %arg10[%get3A_1135, %get3A_1136] {strides = array<i32>} : memref<9x2560xf32, #tpu.memory_space<vmem>>, vector<16xf32>,
        %mul3A_1138 = arith.mulf %get3A_1137, %gather3A_1134 : vector<16xf32>
        %add3A_1139 = arith.addf %add3A_1112, %mul3A_1138 : vector<16xf32>
        %get3A_1140 = arith.index_cast %scan3A_192 : i32 to index
        %get3A_1141 = arith.constant 1376 : index
        %get3A_1142 = tpu.vector_load %arg10[%get3A_1140, %get3A_1141] {strides = array<i32>} : memref<9x2560xf32, #tpu.memory_space<vmem>>, vector<16xf32>,
        %mul3A_1143 = arith.mulf %get3A_1142, %gather3A_1134 : vector<16xf32>
        %add3A_1144 = arith.addf %add3A_1117, %mul3A_1143 : vector<16xf32>
        %get3A_1145 = arith.index_cast %scan3A_192 : i32 to index
        %get3A_1146 = arith.constant 1384 : index
        %get3A_1147 = tpu.vector_load %arg10[%get3A_1145, %get3A_1146] {strides = array<i32>} : memref<9x2560xf32, #tpu.memory_space<vmem>>, vector<16xf32>,
        %mul3A_1148 = arith.mulf %get3A_1147, %gather3A_1134 : vector<16xf32>
        %add3A_1149 = arith.addf %add3A_1122, %mul3A_1148 : vector<16xf32>
        %broadcast_in_dim3A_1150 = arith.constant 3 : i32
        %broadcast_in_dim3A_1151 = vector.broadcast %broadcast_in_dim3A_1150 : i32 to vector<16xi32>
        %lt3A_1152 = arith.constant 0 : i32
        %lt3A_1153 = vector.broadcast %lt3A_1152 : i32 to vector<16xi32>
        %lt3A_1154 = arith.cmpi slt, %broadcast_in_dim3A_1151, %lt3A_1153 : vector<16xi32>
        %add3A_1155 = arith.constant 16 : i32
        %add3A_1156 = vector.broadcast %add3A_1155 : i32 to vector<16xi32>
        %add3A_1157 = arith.addi %broadcast_in_dim3A_1151, %add3A_1156 : vector<16xi32>
        %select_n3A_1158 = arith.select %lt3A_1154, %add3A_1157, %broadcast_in_dim3A_1151 : vector<16xi1>, vector<16xi32>
        %broadcast_in_dim3A_1159 = vector.shape_cast %select_n3A_1158 : vector<16xi32> to vector<16x1xi32>
        %gather3A_1160 = vector.shape_cast %broadcast_in_dim3A_1159 : vector<16x1xi32> to vector<16xi32>
        %gather3A_1161 = tpu.dynamic_gather %get3A_1068[%gather3A_1160] in [0] : vector<16xf32>, vector<16xi32> -> vector<16xf32>
        %get3A_1162 = arith.index_cast %scan3A_192 : i32 to index
        %get3A_1163 = arith.constant 1400 : index
        %get3A_1164 = tpu.vector_load %arg10[%get3A_1162, %get3A_1163] {strides = array<i32>} : memref<9x2560xf32, #tpu.memory_space<vmem>>, vector<16xf32>,
        %mul3A_1165 = arith.mulf %get3A_1164, %gather3A_1161 : vector<16xf32>
        %add3A_1166 = arith.addf %add3A_1139, %mul3A_1165 : vector<16xf32>
        %get3A_1167 = arith.index_cast %scan3A_192 : i32 to index
        %get3A_1168 = arith.constant 1416 : index
        %get3A_1169 = tpu.vector_load %arg10[%get3A_1167, %get3A_1168] {strides = array<i32>} : memref<9x2560xf32, #tpu.memory_space<vmem>>, vector<16xf32>,
        %mul3A_1170 = arith.mulf %get3A_1169, %gather3A_1161 : vector<16xf32>
        %add3A_1171 = arith.addf %add3A_1144, %mul3A_1170 : vector<16xf32>
        %get3A_1172 = arith.index_cast %scan3A_192 : i32 to index
        %get3A_1173 = arith.constant 1424 : index
        %get3A_1174 = tpu.vector_load %arg10[%get3A_1172, %get3A_1173] {strides = array<i32>} : memref<9x2560xf32, #tpu.memory_space<vmem>>, vector<16xf32>,
        %mul3A_1175 = arith.mulf %get3A_1174, %gather3A_1161 : vector<16xf32>
        %add3A_1176 = arith.addf %add3A_1149, %mul3A_1175 : vector<16xf32>
        %broadcast_in_dim3A_1177 = arith.constant 4 : i32
        %broadcast_in_dim3A_1178 = vector.broadcast %broadcast_in_dim3A_1177 : i32 to vector<16xi32>
        %lt3A_1179 = arith.constant 0 : i32
        %lt3A_1180 = vector.broadcast %lt3A_1179 : i32 to vector<16xi32>
        %lt3A_1181 = arith.cmpi slt, %broadcast_in_dim3A_1178, %lt3A_1180 : vector<16xi32>
        %add3A_1182 = arith.constant 16 : i32
        %add3A_1183 = vector.broadcast %add3A_1182 : i32 to vector<16xi32>
        %add3A_1184 = arith.addi %broadcast_in_dim3A_1178, %add3A_1183 : vector<16xi32>
        %select_n3A_1185 = arith.select %lt3A_1181, %add3A_1184, %broadcast_in_dim3A_1178 : vector<16xi1>, vector<16xi32>
        %broadcast_in_dim3A_1186 = vector.shape_cast %select_n3A_1185 : vector<16xi32> to vector<16x1xi32>
        %gather3A_1187 = vector.shape_cast %broadcast_in_dim3A_1186 : vector<16x1xi32> to vector<16xi32>
        %gather3A_1188 = tpu.dynamic_gather %get3A_1068[%gather3A_1187] in [0] : vector<16xf32>, vector<16xi32> -> vector<16xf32>
        %get3A_1189 = arith.index_cast %scan3A_192 : i32 to index
        %get3A_1190 = arith.constant 1440 : index
        %get3A_1191 = tpu.vector_load %arg10[%get3A_1189, %get3A_1190] {strides = array<i32>} : memref<9x2560xf32, #tpu.memory_space<vmem>>, vector<16xf32>,
        %mul3A_1192 = arith.mulf %get3A_1191, %gather3A_1188 : vector<16xf32>
        %add3A_1193 = arith.addf %add3A_1166, %mul3A_1192 : vector<16xf32>
        %get3A_1194 = arith.index_cast %scan3A_192 : i32 to index
        %get3A_1195 = arith.constant 1456 : index
        %get3A_1196 = tpu.vector_load %arg10[%get3A_1194, %get3A_1195] {strides = array<i32>} : memref<9x2560xf32, #tpu.memory_space<vmem>>, vector<16xf32>,
        %mul3A_1197 = arith.mulf %get3A_1196, %gather3A_1188 : vector<16xf32>
        %add3A_1198 = arith.addf %add3A_1171, %mul3A_1197 : vector<16xf32>
        %get3A_1199 = arith.index_cast %scan3A_192 : i32 to index
        %get3A_1200 = arith.constant 1464 : index
        %get3A_1201 = tpu.vector_load %arg10[%get3A_1199, %get3A_1200] {strides = array<i32>} : memref<9x2560xf32, #tpu.memory_space<vmem>>, vector<16xf32>,
        %mul3A_1202 = arith.mulf %get3A_1201, %gather3A_1188 : vector<16xf32>
        %add3A_1203 = arith.addf %add3A_1176, %mul3A_1202 : vector<16xf32>
        %broadcast_in_dim3A_1204 = arith.constant 5 : i32
        %broadcast_in_dim3A_1205 = vector.broadcast %broadcast_in_dim3A_1204 : i32 to vector<16xi32>
        %lt3A_1206 = arith.constant 0 : i32
        %lt3A_1207 = vector.broadcast %lt3A_1206 : i32 to vector<16xi32>
        %lt3A_1208 = arith.cmpi slt, %broadcast_in_dim3A_1205, %lt3A_1207 : vector<16xi32>
        %add3A_1209 = arith.constant 16 : i32
        %add3A_1210 = vector.broadcast %add3A_1209 : i32 to vector<16xi32>
        %add3A_1211 = arith.addi %broadcast_in_dim3A_1205, %add3A_1210 : vector<16xi32>
        %select_n3A_1212 = arith.select %lt3A_1208, %add3A_1211, %broadcast_in_dim3A_1205 : vector<16xi1>, vector<16xi32>
        %broadcast_in_dim3A_1213 = vector.shape_cast %select_n3A_1212 : vector<16xi32> to vector<16x1xi32>
        %gather3A_1214 = vector.shape_cast %broadcast_in_dim3A_1213 : vector<16x1xi32> to vector<16xi32>
        %gather3A_1215 = tpu.dynamic_gather %get3A_1068[%gather3A_1214] in [0] : vector<16xf32>, vector<16xi32> -> vector<16xf32>
        %get3A_1216 = arith.index_cast %scan3A_192 : i32 to index
        %get3A_1217 = arith.constant 1480 : index
        %get3A_1218 = tpu.vector_load %arg10[%get3A_1216, %get3A_1217] {strides = array<i32>} : memref<9x2560xf32, #tpu.memory_space<vmem>>, vector<16xf32>,
        %mul3A_1219 = arith.mulf %get3A_1218, %gather3A_1215 : vector<16xf32>
        %add3A_1220 = arith.addf %add3A_1193, %mul3A_1219 : vector<16xf32>
        %get3A_1221 = arith.index_cast %scan3A_192 : i32 to index
        %get3A_1222 = arith.constant 1496 : index
        %get3A_1223 = tpu.vector_load %arg10[%get3A_1221, %get3A_1222] {strides = array<i32>} : memref<9x2560xf32, #tpu.memory_space<vmem>>, vector<16xf32>,
        %mul3A_1224 = arith.mulf %get3A_1223, %gather3A_1215 : vector<16xf32>
        %add3A_1225 = arith.addf %add3A_1198, %mul3A_1224 : vector<16xf32>
        %get3A_1226 = arith.index_cast %scan3A_192 : i32 to index
        %get3A_1227 = arith.constant 1504 : index
        %get3A_1228 = tpu.vector_load %arg10[%get3A_1226, %get3A_1227] {strides = array<i32>} : memref<9x2560xf32, #tpu.memory_space<vmem>>, vector<16xf32>,
        %mul3A_1229 = arith.mulf %get3A_1228, %gather3A_1215 : vector<16xf32>
        %add3A_1230 = arith.addf %add3A_1203, %mul3A_1229 : vector<16xf32>
        %broadcast_in_dim3A_1231 = arith.constant 6 : i32
        %broadcast_in_dim3A_1232 = vector.broadcast %broadcast_in_dim3A_1231 : i32 to vector<16xi32>
        %lt3A_1233 = arith.constant 0 : i32
        %lt3A_1234 = vector.broadcast %lt3A_1233 : i32 to vector<16xi32>
        %lt3A_1235 = arith.cmpi slt, %broadcast_in_dim3A_1232, %lt3A_1234 : vector<16xi32>
        %add3A_1236 = arith.constant 16 : i32
        %add3A_1237 = vector.broadcast %add3A_1236 : i32 to vector<16xi32>
        %add3A_1238 = arith.addi %broadcast_in_dim3A_1232, %add3A_1237 : vector<16xi32>
        %select_n3A_1239 = arith.select %lt3A_1235, %add3A_1238, %broadcast_in_dim3A_1232 : vector<16xi1>, vector<16xi32>
        %broadcast_in_dim3A_1240 = vector.shape_cast %select_n3A_1239 : vector<16xi32> to vector<16x1xi32>
        %gather3A_1241 = vector.shape_cast %broadcast_in_dim3A_1240 : vector<16x1xi32> to vector<16xi32>
        %gather3A_1242 = tpu.dynamic_gather %get3A_1068[%gather3A_1241] in [0] : vector<16xf32>, vector<16xi32> -> vector<16xf32>
        %get3A_1243 = arith.index_cast %scan3A_192 : i32 to index
        %get3A_1244 = arith.constant 1520 : index
        %get3A_1245 = tpu.vector_load %arg10[%get3A_1243, %get3A_1244] {strides = array<i32>} : memref<9x2560xf32, #tpu.memory_space<vmem>>, vector<16xf32>,
        %mul3A_1246 = arith.mulf %get3A_1245, %gather3A_1242 : vector<16xf32>
        %add3A_1247 = arith.addf %add3A_1220, %mul3A_1246 : vector<16xf32>
        %get3A_1248 = arith.index_cast %scan3A_192 : i32 to index
        %get3A_1249 = arith.constant 1536 : index
        %get3A_1250 = tpu.vector_load %arg10[%get3A_1248, %get3A_1249] {strides = array<i32>} : memref<9x2560xf32, #tpu.memory_space<vmem>>, vector<16xf32>,
        %mul3A_1251 = arith.mulf %get3A_1250, %gather3A_1242 : vector<16xf32>
        %add3A_1252 = arith.addf %add3A_1225, %mul3A_1251 : vector<16xf32>
        %get3A_1253 = arith.index_cast %scan3A_192 : i32 to index
        %get3A_1254 = arith.constant 1544 : index
        %get3A_1255 = tpu.vector_load %arg10[%get3A_1253, %get3A_1254] {strides = array<i32>} : memref<9x2560xf32, #tpu.memory_space<vmem>>, vector<16xf32>,
        %mul3A_1256 = arith.mulf %get3A_1255, %gather3A_1242 : vector<16xf32>
        %add3A_1257 = arith.addf %add3A_1230, %mul3A_1256 : vector<16xf32>
        %broadcast_in_dim3A_1258 = arith.constant 7 : i32
        %broadcast_in_dim3A_1259 = vector.broadcast %broadcast_in_dim3A_1258 : i32 to vector<16xi32>
        %lt3A_1260 = arith.constant 0 : i32
        %lt3A_1261 = vector.broadcast %lt3A_1260 : i32 to vector<16xi32>
        %lt3A_1262 = arith.cmpi slt, %broadcast_in_dim3A_1259, %lt3A_1261 : vector<16xi32>
        %add3A_1263 = arith.constant 16 : i32
        %add3A_1264 = vector.broadcast %add3A_1263 : i32 to vector<16xi32>
        %add3A_1265 = arith.addi %broadcast_in_dim3A_1259, %add3A_1264 : vector<16xi32>
        %select_n3A_1266 = arith.select %lt3A_1262, %add3A_1265, %broadcast_in_dim3A_1259 : vector<16xi1>, vector<16xi32>
        %broadcast_in_dim3A_1267 = vector.shape_cast %select_n3A_1266 : vector<16xi32> to vector<16x1xi32>
        %gather3A_1268 = vector.shape_cast %broadcast_in_dim3A_1267 : vector<16x1xi32> to vector<16xi32>
        %gather3A_1269 = tpu.dynamic_gather %get3A_1068[%gather3A_1268] in [0] : vector<16xf32>, vector<16xi32> -> vector<16xf32>
        %get3A_1270 = arith.index_cast %scan3A_192 : i32 to index
        %get3A_1271 = arith.constant 1560 : index
        %get3A_1272 = tpu.vector_load %arg10[%get3A_1270, %get3A_1271] {strides = array<i32>} : memref<9x2560xf32, #tpu.memory_space<vmem>>, vector<16xf32>,
        %mul3A_1273 = arith.mulf %get3A_1272, %gather3A_1269 : vector<16xf32>
        %add3A_1274 = arith.addf %add3A_1247, %mul3A_1273 : vector<16xf32>
        %get3A_1275 = arith.index_cast %scan3A_192 : i32 to index
        %get3A_1276 = arith.constant 1576 : index
        %get3A_1277 = tpu.vector_load %arg10[%get3A_1275, %get3A_1276] {strides = array<i32>} : memref<9x2560xf32, #tpu.memory_space<vmem>>, vector<16xf32>,
        %mul3A_1278 = arith.mulf %get3A_1277, %gather3A_1269 : vector<16xf32>
        %add3A_1279 = arith.addf %add3A_1252, %mul3A_1278 : vector<16xf32>
        %get3A_1280 = arith.index_cast %scan3A_192 : i32 to index
        %get3A_1281 = arith.constant 1584 : index
        %get3A_1282 = tpu.vector_load %arg10[%get3A_1280, %get3A_1281] {strides = array<i32>} : memref<9x2560xf32, #tpu.memory_space<vmem>>, vector<16xf32>,
        %mul3A_1283 = arith.mulf %get3A_1282, %gather3A_1269 : vector<16xf32>
        %add3A_1284 = arith.addf %add3A_1257, %mul3A_1283 : vector<16xf32>
        %broadcast_in_dim3A_1285 = arith.constant 8 : i32
        %broadcast_in_dim3A_1286 = vector.broadcast %broadcast_in_dim3A_1285 : i32 to vector<16xi32>
        %lt3A_1287 = arith.constant 0 : i32
        %lt3A_1288 = vector.broadcast %lt3A_1287 : i32 to vector<16xi32>
        %lt3A_1289 = arith.cmpi slt, %broadcast_in_dim3A_1286, %lt3A_1288 : vector<16xi32>
        %add3A_1290 = arith.constant 16 : i32
        %add3A_1291 = vector.broadcast %add3A_1290 : i32 to vector<16xi32>
        %add3A_1292 = arith.addi %broadcast_in_dim3A_1286, %add3A_1291 : vector<16xi32>
        %select_n3A_1293 = arith.select %lt3A_1289, %add3A_1292, %broadcast_in_dim3A_1286 : vector<16xi1>, vector<16xi32>
        %broadcast_in_dim3A_1294 = vector.shape_cast %select_n3A_1293 : vector<16xi32> to vector<16x1xi32>
        %gather3A_1295 = vector.shape_cast %broadcast_in_dim3A_1294 : vector<16x1xi32> to vector<16xi32>
        %gather3A_1296 = tpu.dynamic_gather %get3A_1068[%gather3A_1295] in [0] : vector<16xf32>, vector<16xi32> -> vector<16xf32>
        %get3A_1297 = arith.index_cast %scan3A_192 : i32 to index
        %get3A_1298 = arith.constant 1600 : index
        %get3A_1299 = tpu.vector_load %arg10[%get3A_1297, %get3A_1298] {strides = array<i32>} : memref<9x2560xf32, #tpu.memory_space<vmem>>, vector<16xf32>,
        %mul3A_1300 = arith.mulf %get3A_1299, %gather3A_1296 : vector<16xf32>
        %add3A_1301 = arith.addf %add3A_1274, %mul3A_1300 : vector<16xf32>
        %get3A_1302 = arith.index_cast %scan3A_192 : i32 to index
        %get3A_1303 = arith.constant 1616 : index
        %get3A_1304 = tpu.vector_load %arg10[%get3A_1302, %get3A_1303] {strides = array<i32>} : memref<9x2560xf32, #tpu.memory_space<vmem>>, vector<16xf32>,
        %mul3A_1305 = arith.mulf %get3A_1304, %gather3A_1296 : vector<16xf32>
        %add3A_1306 = arith.addf %add3A_1279, %mul3A_1305 : vector<16xf32>
        %get3A_1307 = arith.index_cast %scan3A_192 : i32 to index
        %get3A_1308 = arith.constant 1624 : index
        %get3A_1309 = tpu.vector_load %arg10[%get3A_1307, %get3A_1308] {strides = array<i32>} : memref<9x2560xf32, #tpu.memory_space<vmem>>, vector<16xf32>,
        %mul3A_1310 = arith.mulf %get3A_1309, %gather3A_1296 : vector<16xf32>
        %add3A_1311 = arith.addf %add3A_1284, %mul3A_1310 : vector<16xf32>
        %broadcast_in_dim3A_1312 = arith.constant 9 : i32
        %broadcast_in_dim3A_1313 = vector.broadcast %broadcast_in_dim3A_1312 : i32 to vector<16xi32>
        %lt3A_1314 = arith.constant 0 : i32
        %lt3A_1315 = vector.broadcast %lt3A_1314 : i32 to vector<16xi32>
        %lt3A_1316 = arith.cmpi slt, %broadcast_in_dim3A_1313, %lt3A_1315 : vector<16xi32>
        %add3A_1317 = arith.constant 16 : i32
        %add3A_1318 = vector.broadcast %add3A_1317 : i32 to vector<16xi32>
        %add3A_1319 = arith.addi %broadcast_in_dim3A_1313, %add3A_1318 : vector<16xi32>
        %select_n3A_1320 = arith.select %lt3A_1316, %add3A_1319, %broadcast_in_dim3A_1313 : vector<16xi1>, vector<16xi32>
        %broadcast_in_dim3A_1321 = vector.shape_cast %select_n3A_1320 : vector<16xi32> to vector<16x1xi32>
        %gather3A_1322 = vector.shape_cast %broadcast_in_dim3A_1321 : vector<16x1xi32> to vector<16xi32>
        %gather3A_1323 = tpu.dynamic_gather %get3A_1068[%gather3A_1322] in [0] : vector<16xf32>, vector<16xi32> -> vector<16xf32>
        %get3A_1324 = arith.index_cast %scan3A_192 : i32 to index
        %get3A_1325 = arith.constant 1640 : index
        %get3A_1326 = tpu.vector_load %arg10[%get3A_1324, %get3A_1325] {strides = array<i32>} : memref<9x2560xf32, #tpu.memory_space<vmem>>, vector<16xf32>,
        %mul3A_1327 = arith.mulf %get3A_1326, %gather3A_1323 : vector<16xf32>
        %add3A_1328 = arith.addf %add3A_1301, %mul3A_1327 : vector<16xf32>
        %get3A_1329 = arith.index_cast %scan3A_192 : i32 to index
        %get3A_1330 = arith.constant 1656 : index
        %get3A_1331 = tpu.vector_load %arg10[%get3A_1329, %get3A_1330] {strides = array<i32>} : memref<9x2560xf32, #tpu.memory_space<vmem>>, vector<16xf32>,
        %mul3A_1332 = arith.mulf %get3A_1331, %gather3A_1323 : vector<16xf32>
        %add3A_1333 = arith.addf %add3A_1306, %mul3A_1332 : vector<16xf32>
        %get3A_1334 = arith.index_cast %scan3A_192 : i32 to index
        %get3A_1335 = arith.constant 1664 : index
        %get3A_1336 = tpu.vector_load %arg10[%get3A_1334, %get3A_1335] {strides = array<i32>} : memref<9x2560xf32, #tpu.memory_space<vmem>>, vector<16xf32>,
        %mul3A_1337 = arith.mulf %get3A_1336, %gather3A_1323 : vector<16xf32>
        %add3A_1338 = arith.addf %add3A_1311, %mul3A_1337 : vector<16xf32>
        %broadcast_in_dim3A_1339 = arith.constant 10 : i32
        %broadcast_in_dim3A_1340 = vector.broadcast %broadcast_in_dim3A_1339 : i32 to vector<16xi32>
        %lt3A_1341 = arith.constant 0 : i32
        %lt3A_1342 = vector.broadcast %lt3A_1341 : i32 to vector<16xi32>
        %lt3A_1343 = arith.cmpi slt, %broadcast_in_dim3A_1340, %lt3A_1342 : vector<16xi32>
        %add3A_1344 = arith.constant 16 : i32
        %add3A_1345 = vector.broadcast %add3A_1344 : i32 to vector<16xi32>
        %add3A_1346 = arith.addi %broadcast_in_dim3A_1340, %add3A_1345 : vector<16xi32>
        %select_n3A_1347 = arith.select %lt3A_1343, %add3A_1346, %broadcast_in_dim3A_1340 : vector<16xi1>, vector<16xi32>
        %broadcast_in_dim3A_1348 = vector.shape_cast %select_n3A_1347 : vector<16xi32> to vector<16x1xi32>
        %gather3A_1349 = vector.shape_cast %broadcast_in_dim3A_1348 : vector<16x1xi32> to vector<16xi32>
        %gather3A_1350 = tpu.dynamic_gather %get3A_1068[%gather3A_1349] in [0] : vector<16xf32>, vector<16xi32> -> vector<16xf32>
        %get3A_1351 = arith.index_cast %scan3A_192 : i32 to index
        %get3A_1352 = arith.constant 1680 : index
        %get3A_1353 = tpu.vector_load %arg10[%get3A_1351, %get3A_1352] {strides = array<i32>} : memref<9x2560xf32, #tpu.memory_space<vmem>>, vector<16xf32>,
        %mul3A_1354 = arith.mulf %get3A_1353, %gather3A_1350 : vector<16xf32>
        %add3A_1355 = arith.addf %add3A_1328, %mul3A_1354 : vector<16xf32>
        %get3A_1356 = arith.index_cast %scan3A_192 : i32 to index
        %get3A_1357 = arith.constant 1696 : index
        %get3A_1358 = tpu.vector_load %arg10[%get3A_1356, %get3A_1357] {strides = array<i32>} : memref<9x2560xf32, #tpu.memory_space<vmem>>, vector<16xf32>,
        %mul3A_1359 = arith.mulf %get3A_1358, %gather3A_1350 : vector<16xf32>
        %add3A_1360 = arith.addf %add3A_1333, %mul3A_1359 : vector<16xf32>
        %get3A_1361 = arith.index_cast %scan3A_192 : i32 to index
        %get3A_1362 = arith.constant 1704 : index
        %get3A_1363 = tpu.vector_load %arg10[%get3A_1361, %get3A_1362] {strides = array<i32>} : memref<9x2560xf32, #tpu.memory_space<vmem>>, vector<16xf32>,
        %mul3A_1364 = arith.mulf %get3A_1363, %gather3A_1350 : vector<16xf32>
        %add3A_1365 = arith.addf %add3A_1338, %mul3A_1364 : vector<16xf32>
        %broadcast_in_dim3A_1366 = arith.constant 11 : i32
        %broadcast_in_dim3A_1367 = vector.broadcast %broadcast_in_dim3A_1366 : i32 to vector<16xi32>
        %lt3A_1368 = arith.constant 0 : i32
        %lt3A_1369 = vector.broadcast %lt3A_1368 : i32 to vector<16xi32>
        %lt3A_1370 = arith.cmpi slt, %broadcast_in_dim3A_1367, %lt3A_1369 : vector<16xi32>
        %add3A_1371 = arith.constant 16 : i32
        %add3A_1372 = vector.broadcast %add3A_1371 : i32 to vector<16xi32>
        %add3A_1373 = arith.addi %broadcast_in_dim3A_1367, %add3A_1372 : vector<16xi32>
        %select_n3A_1374 = arith.select %lt3A_1370, %add3A_1373, %broadcast_in_dim3A_1367 : vector<16xi1>, vector<16xi32>
        %broadcast_in_dim3A_1375 = vector.shape_cast %select_n3A_1374 : vector<16xi32> to vector<16x1xi32>
        %gather3A_1376 = vector.shape_cast %broadcast_in_dim3A_1375 : vector<16x1xi32> to vector<16xi32>
        %gather3A_1377 = tpu.dynamic_gather %get3A_1068[%gather3A_1376] in [0] : vector<16xf32>, vector<16xi32> -> vector<16xf32>
        %get3A_1378 = arith.index_cast %scan3A_192 : i32 to index
        %get3A_1379 = arith.constant 1720 : index
        %get3A_1380 = tpu.vector_load %arg10[%get3A_1378, %get3A_1379] {strides = array<i32>} : memref<9x2560xf32, #tpu.memory_space<vmem>>, vector<16xf32>,
        %mul3A_1381 = arith.mulf %get3A_1380, %gather3A_1377 : vector<16xf32>
        %add3A_1382 = arith.addf %add3A_1355, %mul3A_1381 : vector<16xf32>
        %get3A_1383 = arith.index_cast %scan3A_192 : i32 to index
        %get3A_1384 = arith.constant 1736 : index
        %get3A_1385 = tpu.vector_load %arg10[%get3A_1383, %get3A_1384] {strides = array<i32>} : memref<9x2560xf32, #tpu.memory_space<vmem>>, vector<16xf32>,
        %mul3A_1386 = arith.mulf %get3A_1385, %gather3A_1377 : vector<16xf32>
        %add3A_1387 = arith.addf %add3A_1360, %mul3A_1386 : vector<16xf32>
        %get3A_1388 = arith.index_cast %scan3A_192 : i32 to index
        %get3A_1389 = arith.constant 1744 : index
        %get3A_1390 = tpu.vector_load %arg10[%get3A_1388, %get3A_1389] {strides = array<i32>} : memref<9x2560xf32, #tpu.memory_space<vmem>>, vector<16xf32>,
        %mul3A_1391 = arith.mulf %get3A_1390, %gather3A_1377 : vector<16xf32>
        %add3A_1392 = arith.addf %add3A_1365, %mul3A_1391 : vector<16xf32>
        %broadcast_in_dim3A_1393 = arith.constant 12 : i32
        %broadcast_in_dim3A_1394 = vector.broadcast %broadcast_in_dim3A_1393 : i32 to vector<16xi32>
        %lt3A_1395 = arith.constant 0 : i32
        %lt3A_1396 = vector.broadcast %lt3A_1395 : i32 to vector<16xi32>
        %lt3A_1397 = arith.cmpi slt, %broadcast_in_dim3A_1394, %lt3A_1396 : vector<16xi32>
        %add3A_1398 = arith.constant 16 : i32
        %add3A_1399 = vector.broadcast %add3A_1398 : i32 to vector<16xi32>
        %add3A_1400 = arith.addi %broadcast_in_dim3A_1394, %add3A_1399 : vector<16xi32>
        %select_n3A_1401 = arith.select %lt3A_1397, %add3A_1400, %broadcast_in_dim3A_1394 : vector<16xi1>, vector<16xi32>
        %broadcast_in_dim3A_1402 = vector.shape_cast %select_n3A_1401 : vector<16xi32> to vector<16x1xi32>
        %gather3A_1403 = vector.shape_cast %broadcast_in_dim3A_1402 : vector<16x1xi32> to vector<16xi32>
        %gather3A_1404 = tpu.dynamic_gather %get3A_1068[%gather3A_1403] in [0] : vector<16xf32>, vector<16xi32> -> vector<16xf32>
        %get3A_1405 = arith.index_cast %scan3A_192 : i32 to index
        %get3A_1406 = arith.constant 1760 : index
        %get3A_1407 = tpu.vector_load %arg10[%get3A_1405, %get3A_1406] {strides = array<i32>} : memref<9x2560xf32, #tpu.memory_space<vmem>>, vector<16xf32>,
        %mul3A_1408 = arith.mulf %get3A_1407, %gather3A_1404 : vector<16xf32>
        %add3A_1409 = arith.addf %add3A_1382, %mul3A_1408 : vector<16xf32>
        %get3A_1410 = arith.index_cast %scan3A_192 : i32 to index
        %get3A_1411 = arith.constant 1776 : index
        %get3A_1412 = tpu.vector_load %arg10[%get3A_1410, %get3A_1411] {strides = array<i32>} : memref<9x2560xf32, #tpu.memory_space<vmem>>, vector<16xf32>,
        %mul3A_1413 = arith.mulf %get3A_1412, %gather3A_1404 : vector<16xf32>
        %add3A_1414 = arith.addf %add3A_1387, %mul3A_1413 : vector<16xf32>
        %get3A_1415 = arith.index_cast %scan3A_192 : i32 to index
        %get3A_1416 = arith.constant 1784 : index
        %get3A_1417 = tpu.vector_load %arg10[%get3A_1415, %get3A_1416] {strides = array<i32>} : memref<9x2560xf32, #tpu.memory_space<vmem>>, vector<16xf32>,
        %mul3A_1418 = arith.mulf %get3A_1417, %gather3A_1404 : vector<16xf32>
        %add3A_1419 = arith.addf %add3A_1392, %mul3A_1418 : vector<16xf32>
        %broadcast_in_dim3A_1420 = arith.constant 13 : i32
        %broadcast_in_dim3A_1421 = vector.broadcast %broadcast_in_dim3A_1420 : i32 to vector<16xi32>
        %lt3A_1422 = arith.constant 0 : i32
        %lt3A_1423 = vector.broadcast %lt3A_1422 : i32 to vector<16xi32>
        %lt3A_1424 = arith.cmpi slt, %broadcast_in_dim3A_1421, %lt3A_1423 : vector<16xi32>
        %add3A_1425 = arith.constant 16 : i32
        %add3A_1426 = vector.broadcast %add3A_1425 : i32 to vector<16xi32>
        %add3A_1427 = arith.addi %broadcast_in_dim3A_1421, %add3A_1426 : vector<16xi32>
        %select_n3A_1428 = arith.select %lt3A_1424, %add3A_1427, %broadcast_in_dim3A_1421 : vector<16xi1>, vector<16xi32>
        %broadcast_in_dim3A_1429 = vector.shape_cast %select_n3A_1428 : vector<16xi32> to vector<16x1xi32>
        %gather3A_1430 = vector.shape_cast %broadcast_in_dim3A_1429 : vector<16x1xi32> to vector<16xi32>
        %gather3A_1431 = tpu.dynamic_gather %get3A_1068[%gather3A_1430] in [0] : vector<16xf32>, vector<16xi32> -> vector<16xf32>
        %get3A_1432 = arith.index_cast %scan3A_192 : i32 to index
        %get3A_1433 = arith.constant 1800 : index
        %get3A_1434 = tpu.vector_load %arg10[%get3A_1432, %get3A_1433] {strides = array<i32>} : memref<9x2560xf32, #tpu.memory_space<vmem>>, vector<16xf32>,
        %mul3A_1435 = arith.mulf %get3A_1434, %gather3A_1431 : vector<16xf32>
        %add3A_1436 = arith.addf %add3A_1409, %mul3A_1435 : vector<16xf32>
        %get3A_1437 = arith.index_cast %scan3A_192 : i32 to index
        %get3A_1438 = arith.constant 1816 : index
        %get3A_1439 = tpu.vector_load %arg10[%get3A_1437, %get3A_1438] {strides = array<i32>} : memref<9x2560xf32, #tpu.memory_space<vmem>>, vector<16xf32>,
        %mul3A_1440 = arith.mulf %get3A_1439, %gather3A_1431 : vector<16xf32>
        %add3A_1441 = arith.addf %add3A_1414, %mul3A_1440 : vector<16xf32>
        %get3A_1442 = arith.index_cast %scan3A_192 : i32 to index
        %get3A_1443 = arith.constant 1824 : index
        %get3A_1444 = tpu.vector_load %arg10[%get3A_1442, %get3A_1443] {strides = array<i32>} : memref<9x2560xf32, #tpu.memory_space<vmem>>, vector<16xf32>,
        %mul3A_1445 = arith.mulf %get3A_1444, %gather3A_1431 : vector<16xf32>
        %add3A_1446 = arith.addf %add3A_1419, %mul3A_1445 : vector<16xf32>
        %broadcast_in_dim3A_1447 = arith.constant 14 : i32
        %broadcast_in_dim3A_1448 = vector.broadcast %broadcast_in_dim3A_1447 : i32 to vector<16xi32>
        %lt3A_1449 = arith.constant 0 : i32
        %lt3A_1450 = vector.broadcast %lt3A_1449 : i32 to vector<16xi32>
        %lt3A_1451 = arith.cmpi slt, %broadcast_in_dim3A_1448, %lt3A_1450 : vector<16xi32>
        %add3A_1452 = arith.constant 16 : i32
        %add3A_1453 = vector.broadcast %add3A_1452 : i32 to vector<16xi32>
        %add3A_1454 = arith.addi %broadcast_in_dim3A_1448, %add3A_1453 : vector<16xi32>
        %select_n3A_1455 = arith.select %lt3A_1451, %add3A_1454, %broadcast_in_dim3A_1448 : vector<16xi1>, vector<16xi32>
        %broadcast_in_dim3A_1456 = vector.shape_cast %select_n3A_1455 : vector<16xi32> to vector<16x1xi32>
        %gather3A_1457 = vector.shape_cast %broadcast_in_dim3A_1456 : vector<16x1xi32> to vector<16xi32>
        %gather3A_1458 = tpu.dynamic_gather %get3A_1068[%gather3A_1457] in [0] : vector<16xf32>, vector<16xi32> -> vector<16xf32>
        %get3A_1459 = arith.index_cast %scan3A_192 : i32 to index
        %get3A_1460 = arith.constant 1840 : index
        %get3A_1461 = tpu.vector_load %arg10[%get3A_1459, %get3A_1460] {strides = array<i32>} : memref<9x2560xf32, #tpu.memory_space<vmem>>, vector<16xf32>,
        %mul3A_1462 = arith.mulf %get3A_1461, %gather3A_1458 : vector<16xf32>
        %add3A_1463 = arith.addf %add3A_1436, %mul3A_1462 : vector<16xf32>
        %get3A_1464 = arith.index_cast %scan3A_192 : i32 to index
        %get3A_1465 = arith.constant 1856 : index
        %get3A_1466 = tpu.vector_load %arg10[%get3A_1464, %get3A_1465] {strides = array<i32>} : memref<9x2560xf32, #tpu.memory_space<vmem>>, vector<16xf32>,
        %mul3A_1467 = arith.mulf %get3A_1466, %gather3A_1458 : vector<16xf32>
        %add3A_1468 = arith.addf %add3A_1441, %mul3A_1467 : vector<16xf32>
        %get3A_1469 = arith.index_cast %scan3A_192 : i32 to index
        %get3A_1470 = arith.constant 1864 : index
        %get3A_1471 = tpu.vector_load %arg10[%get3A_1469, %get3A_1470] {strides = array<i32>} : memref<9x2560xf32, #tpu.memory_space<vmem>>, vector<16xf32>,
        %mul3A_1472 = arith.mulf %get3A_1471, %gather3A_1458 : vector<16xf32>
        %add3A_1473 = arith.addf %add3A_1446, %mul3A_1472 : vector<16xf32>
        %broadcast_in_dim3A_1474 = arith.constant 15 : i32
        %broadcast_in_dim3A_1475 = vector.broadcast %broadcast_in_dim3A_1474 : i32 to vector<16xi32>
        %lt3A_1476 = arith.constant 0 : i32
        %lt3A_1477 = vector.broadcast %lt3A_1476 : i32 to vector<16xi32>
        %lt3A_1478 = arith.cmpi slt, %broadcast_in_dim3A_1475, %lt3A_1477 : vector<16xi32>
        %add3A_1479 = arith.constant 16 : i32
        %add3A_1480 = vector.broadcast %add3A_1479 : i32 to vector<16xi32>
        %add3A_1481 = arith.addi %broadcast_in_dim3A_1475, %add3A_1480 : vector<16xi32>
        %select_n3A_1482 = arith.select %lt3A_1478, %add3A_1481, %broadcast_in_dim3A_1475 : vector<16xi1>, vector<16xi32>
        %broadcast_in_dim3A_1483 = vector.shape_cast %select_n3A_1482 : vector<16xi32> to vector<16x1xi32>
        %gather3A_1484 = vector.shape_cast %broadcast_in_dim3A_1483 : vector<16x1xi32> to vector<16xi32>
        %gather3A_1485 = tpu.dynamic_gather %get3A_1068[%gather3A_1484] in [0] : vector<16xf32>, vector<16xi32> -> vector<16xf32>
        %get3A_1486 = arith.index_cast %scan3A_192 : i32 to index
        %get3A_1487 = arith.constant 1880 : index
        %get3A_1488 = tpu.vector_load %arg10[%get3A_1486, %get3A_1487] {strides = array<i32>} : memref<9x2560xf32, #tpu.memory_space<vmem>>, vector<16xf32>,
        %mul3A_1489 = arith.mulf %get3A_1488, %gather3A_1485 : vector<16xf32>
        %add3A_1490 = arith.addf %add3A_1463, %mul3A_1489 : vector<16xf32>
        %get3A_1491 = arith.index_cast %scan3A_192 : i32 to index
        %get3A_1492 = arith.constant 1896 : index
        %get3A_1493 = tpu.vector_load %arg10[%get3A_1491, %get3A_1492] {strides = array<i32>} : memref<9x2560xf32, #tpu.memory_space<vmem>>, vector<16xf32>,
        %mul3A_1494 = arith.mulf %get3A_1493, %gather3A_1485 : vector<16xf32>
        %add3A_1495 = arith.addf %add3A_1468, %mul3A_1494 : vector<16xf32>
        %get3A_1496 = arith.index_cast %scan3A_192 : i32 to index
        %get3A_1497 = arith.constant 1904 : index
        %get3A_1498 = tpu.vector_load %arg10[%get3A_1496, %get3A_1497] {strides = array<i32>} : memref<9x2560xf32, #tpu.memory_space<vmem>>, vector<16xf32>,
        %mul3A_1499 = arith.mulf %get3A_1498, %gather3A_1485 : vector<16xf32>
        %add3A_1500 = arith.addf %add3A_1473, %mul3A_1499 : vector<16xf32>
        %get3A_1501 = arith.index_cast %add3A_40 : i32 to index
        %get3A_1502 = arith.constant 48 : index
        %get3A_1503 = tpu.vector_load %arg9[%get3A_1501, %get3A_1502] {strides = array<i32>} : memref<128x64xf32, #tpu.memory_space<vmem>>, vector<16xf32>,
        %broadcast_in_dim3A_1504 = arith.constant 0 : i32
        %broadcast_in_dim3A_1505 = vector.broadcast %broadcast_in_dim3A_1504 : i32 to vector<16xi32>
        %lt3A_1506 = arith.constant 0 : i32
        %lt3A_1507 = vector.broadcast %lt3A_1506 : i32 to vector<16xi32>
        %lt3A_1508 = arith.cmpi slt, %broadcast_in_dim3A_1505, %lt3A_1507 : vector<16xi32>
        %add3A_1509 = arith.constant 16 : i32
        %add3A_1510 = vector.broadcast %add3A_1509 : i32 to vector<16xi32>
        %add3A_1511 = arith.addi %broadcast_in_dim3A_1505, %add3A_1510 : vector<16xi32>
        %select_n3A_1512 = arith.select %lt3A_1508, %add3A_1511, %broadcast_in_dim3A_1505 : vector<16xi1>, vector<16xi32>
        %broadcast_in_dim3A_1513 = vector.shape_cast %select_n3A_1512 : vector<16xi32> to vector<16x1xi32>
        %gather3A_1514 = vector.shape_cast %broadcast_in_dim3A_1513 : vector<16x1xi32> to vector<16xi32>
        %gather3A_1515 = tpu.dynamic_gather %get3A_1503[%gather3A_1514] in [0] : vector<16xf32>, vector<16xi32> -> vector<16xf32>
        %get3A_1516 = arith.index_cast %scan3A_192 : i32 to index
        %get3A_1517 = arith.constant 1920 : index
        %get3A_1518 = tpu.vector_load %arg10[%get3A_1516, %get3A_1517] {strides = array<i32>} : memref<9x2560xf32, #tpu.memory_space<vmem>>, vector<16xf32>,
        %mul3A_1519 = arith.mulf %get3A_1518, %gather3A_1515 : vector<16xf32>
        %add3A_1520 = arith.addf %add3A_1490, %mul3A_1519 : vector<16xf32>
        %get3A_1521 = arith.index_cast %scan3A_192 : i32 to index
        %get3A_1522 = arith.constant 1936 : index
        %get3A_1523 = tpu.vector_load %arg10[%get3A_1521, %get3A_1522] {strides = array<i32>} : memref<9x2560xf32, #tpu.memory_space<vmem>>, vector<16xf32>,
        %mul3A_1524 = arith.mulf %get3A_1523, %gather3A_1515 : vector<16xf32>
        %add3A_1525 = arith.addf %add3A_1495, %mul3A_1524 : vector<16xf32>
        %get3A_1526 = arith.index_cast %scan3A_192 : i32 to index
        %get3A_1527 = arith.constant 1944 : index
        %get3A_1528 = tpu.vector_load %arg10[%get3A_1526, %get3A_1527] {strides = array<i32>} : memref<9x2560xf32, #tpu.memory_space<vmem>>, vector<16xf32>,
        %mul3A_1529 = arith.mulf %get3A_1528, %gather3A_1515 : vector<16xf32>
        %add3A_1530 = arith.addf %add3A_1500, %mul3A_1529 : vector<16xf32>
        %broadcast_in_dim3A_1531 = arith.constant 1 : i32
        %broadcast_in_dim3A_1532 = vector.broadcast %broadcast_in_dim3A_1531 : i32 to vector<16xi32>
        %lt3A_1533 = arith.constant 0 : i32
        %lt3A_1534 = vector.broadcast %lt3A_1533 : i32 to vector<16xi32>
        %lt3A_1535 = arith.cmpi slt, %broadcast_in_dim3A_1532, %lt3A_1534 : vector<16xi32>
        %add3A_1536 = arith.constant 16 : i32
        %add3A_1537 = vector.broadcast %add3A_1536 : i32 to vector<16xi32>
        %add3A_1538 = arith.addi %broadcast_in_dim3A_1532, %add3A_1537 : vector<16xi32>
        %select_n3A_1539 = arith.select %lt3A_1535, %add3A_1538, %broadcast_in_dim3A_1532 : vector<16xi1>, vector<16xi32>
        %broadcast_in_dim3A_1540 = vector.shape_cast %select_n3A_1539 : vector<16xi32> to vector<16x1xi32>
        %gather3A_1541 = vector.shape_cast %broadcast_in_dim3A_1540 : vector<16x1xi32> to vector<16xi32>
        %gather3A_1542 = tpu.dynamic_gather %get3A_1503[%gather3A_1541] in [0] : vector<16xf32>, vector<16xi32> -> vector<16xf32>
        %get3A_1543 = arith.index_cast %scan3A_192 : i32 to index
        %get3A_1544 = arith.constant 1960 : index
        %get3A_1545 = tpu.vector_load %arg10[%get3A_1543, %get3A_1544] {strides = array<i32>} : memref<9x2560xf32, #tpu.memory_space<vmem>>, vector<16xf32>,
        %mul3A_1546 = arith.mulf %get3A_1545, %gather3A_1542 : vector<16xf32>
        %add3A_1547 = arith.addf %add3A_1520, %mul3A_1546 : vector<16xf32>
        %get3A_1548 = arith.index_cast %scan3A_192 : i32 to index
        %get3A_1549 = arith.constant 1976 : index
        %get3A_1550 = tpu.vector_load %arg10[%get3A_1548, %get3A_1549] {strides = array<i32>} : memref<9x2560xf32, #tpu.memory_space<vmem>>, vector<16xf32>,
        %mul3A_1551 = arith.mulf %get3A_1550, %gather3A_1542 : vector<16xf32>
        %add3A_1552 = arith.addf %add3A_1525, %mul3A_1551 : vector<16xf32>
        %get3A_1553 = arith.index_cast %scan3A_192 : i32 to index
        %get3A_1554 = arith.constant 1984 : index
        %get3A_1555 = tpu.vector_load %arg10[%get3A_1553, %get3A_1554] {strides = array<i32>} : memref<9x2560xf32, #tpu.memory_space<vmem>>, vector<16xf32>,
        %mul3A_1556 = arith.mulf %get3A_1555, %gather3A_1542 : vector<16xf32>
        %add3A_1557 = arith.addf %add3A_1530, %mul3A_1556 : vector<16xf32>
        %broadcast_in_dim3A_1558 = arith.constant 2 : i32
        %broadcast_in_dim3A_1559 = vector.broadcast %broadcast_in_dim3A_1558 : i32 to vector<16xi32>
        %lt3A_1560 = arith.constant 0 : i32
        %lt3A_1561 = vector.broadcast %lt3A_1560 : i32 to vector<16xi32>
        %lt3A_1562 = arith.cmpi slt, %broadcast_in_dim3A_1559, %lt3A_1561 : vector<16xi32>
        %add3A_1563 = arith.constant 16 : i32
        %add3A_1564 = vector.broadcast %add3A_1563 : i32 to vector<16xi32>
        %add3A_1565 = arith.addi %broadcast_in_dim3A_1559, %add3A_1564 : vector<16xi32>
        %select_n3A_1566 = arith.select %lt3A_1562, %add3A_1565, %broadcast_in_dim3A_1559 : vector<16xi1>, vector<16xi32>
        %broadcast_in_dim3A_1567 = vector.shape_cast %select_n3A_1566 : vector<16xi32> to vector<16x1xi32>
        %gather3A_1568 = vector.shape_cast %broadcast_in_dim3A_1567 : vector<16x1xi32> to vector<16xi32>
        %gather3A_1569 = tpu.dynamic_gather %get3A_1503[%gather3A_1568] in [0] : vector<16xf32>, vector<16xi32> -> vector<16xf32>
        %get3A_1570 = arith.index_cast %scan3A_192 : i32 to index
        %get3A_1571 = arith.constant 2000 : index
        %get3A_1572 = tpu.vector_load %arg10[%get3A_1570, %get3A_1571] {strides = array<i32>} : memref<9x2560xf32, #tpu.memory_space<vmem>>, vector<16xf32>,
        %mul3A_1573 = arith.mulf %get3A_1572, %gather3A_1569 : vector<16xf32>
        %add3A_1574 = arith.addf %add3A_1547, %mul3A_1573 : vector<16xf32>
        %get3A_1575 = arith.index_cast %scan3A_192 : i32 to index
        %get3A_1576 = arith.constant 2016 : index
        %get3A_1577 = tpu.vector_load %arg10[%get3A_1575, %get3A_1576] {strides = array<i32>} : memref<9x2560xf32, #tpu.memory_space<vmem>>, vector<16xf32>,
        %mul3A_1578 = arith.mulf %get3A_1577, %gather3A_1569 : vector<16xf32>
        %add3A_1579 = arith.addf %add3A_1552, %mul3A_1578 : vector<16xf32>
        %get3A_1580 = arith.index_cast %scan3A_192 : i32 to index
        %get3A_1581 = arith.constant 2024 : index
        %get3A_1582 = tpu.vector_load %arg10[%get3A_1580, %get3A_1581] {strides = array<i32>} : memref<9x2560xf32, #tpu.memory_space<vmem>>, vector<16xf32>,
        %mul3A_1583 = arith.mulf %get3A_1582, %gather3A_1569 : vector<16xf32>
        %add3A_1584 = arith.addf %add3A_1557, %mul3A_1583 : vector<16xf32>
        %broadcast_in_dim3A_1585 = arith.constant 3 : i32
        %broadcast_in_dim3A_1586 = vector.broadcast %broadcast_in_dim3A_1585 : i32 to vector<16xi32>
        %lt3A_1587 = arith.constant 0 : i32
        %lt3A_1588 = vector.broadcast %lt3A_1587 : i32 to vector<16xi32>
        %lt3A_1589 = arith.cmpi slt, %broadcast_in_dim3A_1586, %lt3A_1588 : vector<16xi32>
        %add3A_1590 = arith.constant 16 : i32
        %add3A_1591 = vector.broadcast %add3A_1590 : i32 to vector<16xi32>
        %add3A_1592 = arith.addi %broadcast_in_dim3A_1586, %add3A_1591 : vector<16xi32>
        %select_n3A_1593 = arith.select %lt3A_1589, %add3A_1592, %broadcast_in_dim3A_1586 : vector<16xi1>, vector<16xi32>
        %broadcast_in_dim3A_1594 = vector.shape_cast %select_n3A_1593 : vector<16xi32> to vector<16x1xi32>
        %gather3A_1595 = vector.shape_cast %broadcast_in_dim3A_1594 : vector<16x1xi32> to vector<16xi32>
        %gather3A_1596 = tpu.dynamic_gather %get3A_1503[%gather3A_1595] in [0] : vector<16xf32>, vector<16xi32> -> vector<16xf32>
        %get3A_1597 = arith.index_cast %scan3A_192 : i32 to index
        %get3A_1598 = arith.constant 2040 : index
        %get3A_1599 = tpu.vector_load %arg10[%get3A_1597, %get3A_1598] {strides = array<i32>} : memref<9x2560xf32, #tpu.memory_space<vmem>>, vector<16xf32>,
        %mul3A_1600 = arith.mulf %get3A_1599, %gather3A_1596 : vector<16xf32>
        %add3A_1601 = arith.addf %add3A_1574, %mul3A_1600 : vector<16xf32>
        %get3A_1602 = arith.index_cast %scan3A_192 : i32 to index
        %get3A_1603 = arith.constant 2056 : index
        %get3A_1604 = tpu.vector_load %arg10[%get3A_1602, %get3A_1603] {strides = array<i32>} : memref<9x2560xf32, #tpu.memory_space<vmem>>, vector<16xf32>,
        %mul3A_1605 = arith.mulf %get3A_1604, %gather3A_1596 : vector<16xf32>
        %add3A_1606 = arith.addf %add3A_1579, %mul3A_1605 : vector<16xf32>
        %get3A_1607 = arith.index_cast %scan3A_192 : i32 to index
        %get3A_1608 = arith.constant 2064 : index
        %get3A_1609 = tpu.vector_load %arg10[%get3A_1607, %get3A_1608] {strides = array<i32>} : memref<9x2560xf32, #tpu.memory_space<vmem>>, vector<16xf32>,
        %mul3A_1610 = arith.mulf %get3A_1609, %gather3A_1596 : vector<16xf32>
        %add3A_1611 = arith.addf %add3A_1584, %mul3A_1610 : vector<16xf32>
        %broadcast_in_dim3A_1612 = arith.constant 4 : i32
        %broadcast_in_dim3A_1613 = vector.broadcast %broadcast_in_dim3A_1612 : i32 to vector<16xi32>
        %lt3A_1614 = arith.constant 0 : i32
        %lt3A_1615 = vector.broadcast %lt3A_1614 : i32 to vector<16xi32>
        %lt3A_1616 = arith.cmpi slt, %broadcast_in_dim3A_1613, %lt3A_1615 : vector<16xi32>
        %add3A_1617 = arith.constant 16 : i32
        %add3A_1618 = vector.broadcast %add3A_1617 : i32 to vector<16xi32>
        %add3A_1619 = arith.addi %broadcast_in_dim3A_1613, %add3A_1618 : vector<16xi32>
        %select_n3A_1620 = arith.select %lt3A_1616, %add3A_1619, %broadcast_in_dim3A_1613 : vector<16xi1>, vector<16xi32>
        %broadcast_in_dim3A_1621 = vector.shape_cast %select_n3A_1620 : vector<16xi32> to vector<16x1xi32>
        %gather3A_1622 = vector.shape_cast %broadcast_in_dim3A_1621 : vector<16x1xi32> to vector<16xi32>
        %gather3A_1623 = tpu.dynamic_gather %get3A_1503[%gather3A_1622] in [0] : vector<16xf32>, vector<16xi32> -> vector<16xf32>
        %get3A_1624 = arith.index_cast %scan3A_192 : i32 to index
        %get3A_1625 = arith.constant 2080 : index
        %get3A_1626 = tpu.vector_load %arg10[%get3A_1624, %get3A_1625] {strides = array<i32>} : memref<9x2560xf32, #tpu.memory_space<vmem>>, vector<16xf32>,
        %mul3A_1627 = arith.mulf %get3A_1626, %gather3A_1623 : vector<16xf32>
        %add3A_1628 = arith.addf %add3A_1601, %mul3A_1627 : vector<16xf32>
        %get3A_1629 = arith.index_cast %scan3A_192 : i32 to index
        %get3A_1630 = arith.constant 2096 : index
        %get3A_1631 = tpu.vector_load %arg10[%get3A_1629, %get3A_1630] {strides = array<i32>} : memref<9x2560xf32, #tpu.memory_space<vmem>>, vector<16xf32>,
        %mul3A_1632 = arith.mulf %get3A_1631, %gather3A_1623 : vector<16xf32>
        %add3A_1633 = arith.addf %add3A_1606, %mul3A_1632 : vector<16xf32>
        %get3A_1634 = arith.index_cast %scan3A_192 : i32 to index
        %get3A_1635 = arith.constant 2104 : index
        %get3A_1636 = tpu.vector_load %arg10[%get3A_1634, %get3A_1635] {strides = array<i32>} : memref<9x2560xf32, #tpu.memory_space<vmem>>, vector<16xf32>,
        %mul3A_1637 = arith.mulf %get3A_1636, %gather3A_1623 : vector<16xf32>
        %add3A_1638 = arith.addf %add3A_1611, %mul3A_1637 : vector<16xf32>
        %broadcast_in_dim3A_1639 = arith.constant 5 : i32
        %broadcast_in_dim3A_1640 = vector.broadcast %broadcast_in_dim3A_1639 : i32 to vector<16xi32>
        %lt3A_1641 = arith.constant 0 : i32
        %lt3A_1642 = vector.broadcast %lt3A_1641 : i32 to vector<16xi32>
        %lt3A_1643 = arith.cmpi slt, %broadcast_in_dim3A_1640, %lt3A_1642 : vector<16xi32>
        %add3A_1644 = arith.constant 16 : i32
        %add3A_1645 = vector.broadcast %add3A_1644 : i32 to vector<16xi32>
        %add3A_1646 = arith.addi %broadcast_in_dim3A_1640, %add3A_1645 : vector<16xi32>
        %select_n3A_1647 = arith.select %lt3A_1643, %add3A_1646, %broadcast_in_dim3A_1640 : vector<16xi1>, vector<16xi32>
        %broadcast_in_dim3A_1648 = vector.shape_cast %select_n3A_1647 : vector<16xi32> to vector<16x1xi32>
        %gather3A_1649 = vector.shape_cast %broadcast_in_dim3A_1648 : vector<16x1xi32> to vector<16xi32>
        %gather3A_1650 = tpu.dynamic_gather %get3A_1503[%gather3A_1649] in [0] : vector<16xf32>, vector<16xi32> -> vector<16xf32>
        %get3A_1651 = arith.index_cast %scan3A_192 : i32 to index
        %get3A_1652 = arith.constant 2120 : index
        %get3A_1653 = tpu.vector_load %arg10[%get3A_1651, %get3A_1652] {strides = array<i32>} : memref<9x2560xf32, #tpu.memory_space<vmem>>, vector<16xf32>,
        %mul3A_1654 = arith.mulf %get3A_1653, %gather3A_1650 : vector<16xf32>
        %add3A_1655 = arith.addf %add3A_1628, %mul3A_1654 : vector<16xf32>
        %get3A_1656 = arith.index_cast %scan3A_192 : i32 to index
        %get3A_1657 = arith.constant 2136 : index
        %get3A_1658 = tpu.vector_load %arg10[%get3A_1656, %get3A_1657] {strides = array<i32>} : memref<9x2560xf32, #tpu.memory_space<vmem>>, vector<16xf32>,
        %mul3A_1659 = arith.mulf %get3A_1658, %gather3A_1650 : vector<16xf32>
        %add3A_1660 = arith.addf %add3A_1633, %mul3A_1659 : vector<16xf32>
        %get3A_1661 = arith.index_cast %scan3A_192 : i32 to index
        %get3A_1662 = arith.constant 2144 : index
        %get3A_1663 = tpu.vector_load %arg10[%get3A_1661, %get3A_1662] {strides = array<i32>} : memref<9x2560xf32, #tpu.memory_space<vmem>>, vector<16xf32>,
        %mul3A_1664 = arith.mulf %get3A_1663, %gather3A_1650 : vector<16xf32>
        %add3A_1665 = arith.addf %add3A_1638, %mul3A_1664 : vector<16xf32>
        %broadcast_in_dim3A_1666 = arith.constant 6 : i32
        %broadcast_in_dim3A_1667 = vector.broadcast %broadcast_in_dim3A_1666 : i32 to vector<16xi32>
        %lt3A_1668 = arith.constant 0 : i32
        %lt3A_1669 = vector.broadcast %lt3A_1668 : i32 to vector<16xi32>
        %lt3A_1670 = arith.cmpi slt, %broadcast_in_dim3A_1667, %lt3A_1669 : vector<16xi32>
        %add3A_1671 = arith.constant 16 : i32
        %add3A_1672 = vector.broadcast %add3A_1671 : i32 to vector<16xi32>
        %add3A_1673 = arith.addi %broadcast_in_dim3A_1667, %add3A_1672 : vector<16xi32>
        %select_n3A_1674 = arith.select %lt3A_1670, %add3A_1673, %broadcast_in_dim3A_1667 : vector<16xi1>, vector<16xi32>
        %broadcast_in_dim3A_1675 = vector.shape_cast %select_n3A_1674 : vector<16xi32> to vector<16x1xi32>
        %gather3A_1676 = vector.shape_cast %broadcast_in_dim3A_1675 : vector<16x1xi32> to vector<16xi32>
        %gather3A_1677 = tpu.dynamic_gather %get3A_1503[%gather3A_1676] in [0] : vector<16xf32>, vector<16xi32> -> vector<16xf32>
        %get3A_1678 = arith.index_cast %scan3A_192 : i32 to index
        %get3A_1679 = arith.constant 2160 : index
        %get3A_1680 = tpu.vector_load %arg10[%get3A_1678, %get3A_1679] {strides = array<i32>} : memref<9x2560xf32, #tpu.memory_space<vmem>>, vector<16xf32>,
        %mul3A_1681 = arith.mulf %get3A_1680, %gather3A_1677 : vector<16xf32>
        %add3A_1682 = arith.addf %add3A_1655, %mul3A_1681 : vector<16xf32>
        %get3A_1683 = arith.index_cast %scan3A_192 : i32 to index
        %get3A_1684 = arith.constant 2176 : index
        %get3A_1685 = tpu.vector_load %arg10[%get3A_1683, %get3A_1684] {strides = array<i32>} : memref<9x2560xf32, #tpu.memory_space<vmem>>, vector<16xf32>,
        %mul3A_1686 = arith.mulf %get3A_1685, %gather3A_1677 : vector<16xf32>
        %add3A_1687 = arith.addf %add3A_1660, %mul3A_1686 : vector<16xf32>
        %get3A_1688 = arith.index_cast %scan3A_192 : i32 to index
        %get3A_1689 = arith.constant 2184 : index
        %get3A_1690 = tpu.vector_load %arg10[%get3A_1688, %get3A_1689] {strides = array<i32>} : memref<9x2560xf32, #tpu.memory_space<vmem>>, vector<16xf32>,
        %mul3A_1691 = arith.mulf %get3A_1690, %gather3A_1677 : vector<16xf32>
        %add3A_1692 = arith.addf %add3A_1665, %mul3A_1691 : vector<16xf32>
        %broadcast_in_dim3A_1693 = arith.constant 7 : i32
        %broadcast_in_dim3A_1694 = vector.broadcast %broadcast_in_dim3A_1693 : i32 to vector<16xi32>
        %lt3A_1695 = arith.constant 0 : i32
        %lt3A_1696 = vector.broadcast %lt3A_1695 : i32 to vector<16xi32>
        %lt3A_1697 = arith.cmpi slt, %broadcast_in_dim3A_1694, %lt3A_1696 : vector<16xi32>
        %add3A_1698 = arith.constant 16 : i32
        %add3A_1699 = vector.broadcast %add3A_1698 : i32 to vector<16xi32>
        %add3A_1700 = arith.addi %broadcast_in_dim3A_1694, %add3A_1699 : vector<16xi32>
        %select_n3A_1701 = arith.select %lt3A_1697, %add3A_1700, %broadcast_in_dim3A_1694 : vector<16xi1>, vector<16xi32>
        %broadcast_in_dim3A_1702 = vector.shape_cast %select_n3A_1701 : vector<16xi32> to vector<16x1xi32>
        %gather3A_1703 = vector.shape_cast %broadcast_in_dim3A_1702 : vector<16x1xi32> to vector<16xi32>
        %gather3A_1704 = tpu.dynamic_gather %get3A_1503[%gather3A_1703] in [0] : vector<16xf32>, vector<16xi32> -> vector<16xf32>
        %get3A_1705 = arith.index_cast %scan3A_192 : i32 to index
        %get3A_1706 = arith.constant 2200 : index
        %get3A_1707 = tpu.vector_load %arg10[%get3A_1705, %get3A_1706] {strides = array<i32>} : memref<9x2560xf32, #tpu.memory_space<vmem>>, vector<16xf32>,
        %mul3A_1708 = arith.mulf %get3A_1707, %gather3A_1704 : vector<16xf32>
        %add3A_1709 = arith.addf %add3A_1682, %mul3A_1708 : vector<16xf32>
        %get3A_1710 = arith.index_cast %scan3A_192 : i32 to index
        %get3A_1711 = arith.constant 2216 : index
        %get3A_1712 = tpu.vector_load %arg10[%get3A_1710, %get3A_1711] {strides = array<i32>} : memref<9x2560xf32, #tpu.memory_space<vmem>>, vector<16xf32>,
        %mul3A_1713 = arith.mulf %get3A_1712, %gather3A_1704 : vector<16xf32>
        %add3A_1714 = arith.addf %add3A_1687, %mul3A_1713 : vector<16xf32>
        %get3A_1715 = arith.index_cast %scan3A_192 : i32 to index
        %get3A_1716 = arith.constant 2224 : index
        %get3A_1717 = tpu.vector_load %arg10[%get3A_1715, %get3A_1716] {strides = array<i32>} : memref<9x2560xf32, #tpu.memory_space<vmem>>, vector<16xf32>,
        %mul3A_1718 = arith.mulf %get3A_1717, %gather3A_1704 : vector<16xf32>
        %add3A_1719 = arith.addf %add3A_1692, %mul3A_1718 : vector<16xf32>
        %broadcast_in_dim3A_1720 = arith.constant 8 : i32
        %broadcast_in_dim3A_1721 = vector.broadcast %broadcast_in_dim3A_1720 : i32 to vector<16xi32>
        %lt3A_1722 = arith.constant 0 : i32
        %lt3A_1723 = vector.broadcast %lt3A_1722 : i32 to vector<16xi32>
        %lt3A_1724 = arith.cmpi slt, %broadcast_in_dim3A_1721, %lt3A_1723 : vector<16xi32>
        %add3A_1725 = arith.constant 16 : i32
        %add3A_1726 = vector.broadcast %add3A_1725 : i32 to vector<16xi32>
        %add3A_1727 = arith.addi %broadcast_in_dim3A_1721, %add3A_1726 : vector<16xi32>
        %select_n3A_1728 = arith.select %lt3A_1724, %add3A_1727, %broadcast_in_dim3A_1721 : vector<16xi1>, vector<16xi32>
        %broadcast_in_dim3A_1729 = vector.shape_cast %select_n3A_1728 : vector<16xi32> to vector<16x1xi32>
        %gather3A_1730 = vector.shape_cast %broadcast_in_dim3A_1729 : vector<16x1xi32> to vector<16xi32>
        %gather3A_1731 = tpu.dynamic_gather %get3A_1503[%gather3A_1730] in [0] : vector<16xf32>, vector<16xi32> -> vector<16xf32>
        %get3A_1732 = arith.index_cast %scan3A_192 : i32 to index
        %get3A_1733 = arith.constant 2240 : index
        %get3A_1734 = tpu.vector_load %arg10[%get3A_1732, %get3A_1733] {strides = array<i32>} : memref<9x2560xf32, #tpu.memory_space<vmem>>, vector<16xf32>,
        %mul3A_1735 = arith.mulf %get3A_1734, %gather3A_1731 : vector<16xf32>
        %add3A_1736 = arith.addf %add3A_1709, %mul3A_1735 : vector<16xf32>
        %get3A_1737 = arith.index_cast %scan3A_192 : i32 to index
        %get3A_1738 = arith.constant 2256 : index
        %get3A_1739 = tpu.vector_load %arg10[%get3A_1737, %get3A_1738] {strides = array<i32>} : memref<9x2560xf32, #tpu.memory_space<vmem>>, vector<16xf32>,
        %mul3A_1740 = arith.mulf %get3A_1739, %gather3A_1731 : vector<16xf32>
        %add3A_1741 = arith.addf %add3A_1714, %mul3A_1740 : vector<16xf32>
        %get3A_1742 = arith.index_cast %scan3A_192 : i32 to index
        %get3A_1743 = arith.constant 2264 : index
        %get3A_1744 = tpu.vector_load %arg10[%get3A_1742, %get3A_1743] {strides = array<i32>} : memref<9x2560xf32, #tpu.memory_space<vmem>>, vector<16xf32>,
        %mul3A_1745 = arith.mulf %get3A_1744, %gather3A_1731 : vector<16xf32>
        %add3A_1746 = arith.addf %add3A_1719, %mul3A_1745 : vector<16xf32>
        %broadcast_in_dim3A_1747 = arith.constant 9 : i32
        %broadcast_in_dim3A_1748 = vector.broadcast %broadcast_in_dim3A_1747 : i32 to vector<16xi32>
        %lt3A_1749 = arith.constant 0 : i32
        %lt3A_1750 = vector.broadcast %lt3A_1749 : i32 to vector<16xi32>
        %lt3A_1751 = arith.cmpi slt, %broadcast_in_dim3A_1748, %lt3A_1750 : vector<16xi32>
        %add3A_1752 = arith.constant 16 : i32
        %add3A_1753 = vector.broadcast %add3A_1752 : i32 to vector<16xi32>
        %add3A_1754 = arith.addi %broadcast_in_dim3A_1748, %add3A_1753 : vector<16xi32>
        %select_n3A_1755 = arith.select %lt3A_1751, %add3A_1754, %broadcast_in_dim3A_1748 : vector<16xi1>, vector<16xi32>
        %broadcast_in_dim3A_1756 = vector.shape_cast %select_n3A_1755 : vector<16xi32> to vector<16x1xi32>
        %gather3A_1757 = vector.shape_cast %broadcast_in_dim3A_1756 : vector<16x1xi32> to vector<16xi32>
        %gather3A_1758 = tpu.dynamic_gather %get3A_1503[%gather3A_1757] in [0] : vector<16xf32>, vector<16xi32> -> vector<16xf32>
        %get3A_1759 = arith.index_cast %scan3A_192 : i32 to index
        %get3A_1760 = arith.constant 2280 : index
        %get3A_1761 = tpu.vector_load %arg10[%get3A_1759, %get3A_1760] {strides = array<i32>} : memref<9x2560xf32, #tpu.memory_space<vmem>>, vector<16xf32>,
        %mul3A_1762 = arith.mulf %get3A_1761, %gather3A_1758 : vector<16xf32>
        %add3A_1763 = arith.addf %add3A_1736, %mul3A_1762 : vector<16xf32>
        %get3A_1764 = arith.index_cast %scan3A_192 : i32 to index
        %get3A_1765 = arith.constant 2296 : index
        %get3A_1766 = tpu.vector_load %arg10[%get3A_1764, %get3A_1765] {strides = array<i32>} : memref<9x2560xf32, #tpu.memory_space<vmem>>, vector<16xf32>,
        %mul3A_1767 = arith.mulf %get3A_1766, %gather3A_1758 : vector<16xf32>
        %add3A_1768 = arith.addf %add3A_1741, %mul3A_1767 : vector<16xf32>
        %get3A_1769 = arith.index_cast %scan3A_192 : i32 to index
        %get3A_1770 = arith.constant 2304 : index
        %get3A_1771 = tpu.vector_load %arg10[%get3A_1769, %get3A_1770] {strides = array<i32>} : memref<9x2560xf32, #tpu.memory_space<vmem>>, vector<16xf32>,
        %mul3A_1772 = arith.mulf %get3A_1771, %gather3A_1758 : vector<16xf32>
        %add3A_1773 = arith.addf %add3A_1746, %mul3A_1772 : vector<16xf32>
        %broadcast_in_dim3A_1774 = arith.constant 10 : i32
        %broadcast_in_dim3A_1775 = vector.broadcast %broadcast_in_dim3A_1774 : i32 to vector<16xi32>
        %lt3A_1776 = arith.constant 0 : i32
        %lt3A_1777 = vector.broadcast %lt3A_1776 : i32 to vector<16xi32>
        %lt3A_1778 = arith.cmpi slt, %broadcast_in_dim3A_1775, %lt3A_1777 : vector<16xi32>
        %add3A_1779 = arith.constant 16 : i32
        %add3A_1780 = vector.broadcast %add3A_1779 : i32 to vector<16xi32>
        %add3A_1781 = arith.addi %broadcast_in_dim3A_1775, %add3A_1780 : vector<16xi32>
        %select_n3A_1782 = arith.select %lt3A_1778, %add3A_1781, %broadcast_in_dim3A_1775 : vector<16xi1>, vector<16xi32>
        %broadcast_in_dim3A_1783 = vector.shape_cast %select_n3A_1782 : vector<16xi32> to vector<16x1xi32>
        %gather3A_1784 = vector.shape_cast %broadcast_in_dim3A_1783 : vector<16x1xi32> to vector<16xi32>
        %gather3A_1785 = tpu.dynamic_gather %get3A_1503[%gather3A_1784] in [0] : vector<16xf32>, vector<16xi32> -> vector<16xf32>
        %get3A_1786 = arith.index_cast %scan3A_192 : i32 to index
        %get3A_1787 = arith.constant 2320 : index
        %get3A_1788 = tpu.vector_load %arg10[%get3A_1786, %get3A_1787] {strides = array<i32>} : memref<9x2560xf32, #tpu.memory_space<vmem>>, vector<16xf32>,
        %mul3A_1789 = arith.mulf %get3A_1788, %gather3A_1785 : vector<16xf32>
        %add3A_1790 = arith.addf %add3A_1763, %mul3A_1789 : vector<16xf32>
        %get3A_1791 = arith.index_cast %scan3A_192 : i32 to index
        %get3A_1792 = arith.constant 2336 : index
        %get3A_1793 = tpu.vector_load %arg10[%get3A_1791, %get3A_1792] {strides = array<i32>} : memref<9x2560xf32, #tpu.memory_space<vmem>>, vector<16xf32>,
        %mul3A_1794 = arith.mulf %get3A_1793, %gather3A_1785 : vector<16xf32>
        %add3A_1795 = arith.addf %add3A_1768, %mul3A_1794 : vector<16xf32>
        %get3A_1796 = arith.index_cast %scan3A_192 : i32 to index
        %get3A_1797 = arith.constant 2344 : index
        %get3A_1798 = tpu.vector_load %arg10[%get3A_1796, %get3A_1797] {strides = array<i32>} : memref<9x2560xf32, #tpu.memory_space<vmem>>, vector<16xf32>,
        %mul3A_1799 = arith.mulf %get3A_1798, %gather3A_1785 : vector<16xf32>
        %add3A_1800 = arith.addf %add3A_1773, %mul3A_1799 : vector<16xf32>
        %broadcast_in_dim3A_1801 = arith.constant 11 : i32
        %broadcast_in_dim3A_1802 = vector.broadcast %broadcast_in_dim3A_1801 : i32 to vector<16xi32>
        %lt3A_1803 = arith.constant 0 : i32
        %lt3A_1804 = vector.broadcast %lt3A_1803 : i32 to vector<16xi32>
        %lt3A_1805 = arith.cmpi slt, %broadcast_in_dim3A_1802, %lt3A_1804 : vector<16xi32>
        %add3A_1806 = arith.constant 16 : i32
        %add3A_1807 = vector.broadcast %add3A_1806 : i32 to vector<16xi32>
        %add3A_1808 = arith.addi %broadcast_in_dim3A_1802, %add3A_1807 : vector<16xi32>
        %select_n3A_1809 = arith.select %lt3A_1805, %add3A_1808, %broadcast_in_dim3A_1802 : vector<16xi1>, vector<16xi32>
        %broadcast_in_dim3A_1810 = vector.shape_cast %select_n3A_1809 : vector<16xi32> to vector<16x1xi32>
        %gather3A_1811 = vector.shape_cast %broadcast_in_dim3A_1810 : vector<16x1xi32> to vector<16xi32>
        %gather3A_1812 = tpu.dynamic_gather %get3A_1503[%gather3A_1811] in [0] : vector<16xf32>, vector<16xi32> -> vector<16xf32>
        %get3A_1813 = arith.index_cast %scan3A_192 : i32 to index
        %get3A_1814 = arith.constant 2360 : index
        %get3A_1815 = tpu.vector_load %arg10[%get3A_1813, %get3A_1814] {strides = array<i32>} : memref<9x2560xf32, #tpu.memory_space<vmem>>, vector<16xf32>,
        %mul3A_1816 = arith.mulf %get3A_1815, %gather3A_1812 : vector<16xf32>
        %add3A_1817 = arith.addf %add3A_1790, %mul3A_1816 : vector<16xf32>
        %get3A_1818 = arith.index_cast %scan3A_192 : i32 to index
        %get3A_1819 = arith.constant 2376 : index
        %get3A_1820 = tpu.vector_load %arg10[%get3A_1818, %get3A_1819] {strides = array<i32>} : memref<9x2560xf32, #tpu.memory_space<vmem>>, vector<16xf32>,
        %mul3A_1821 = arith.mulf %get3A_1820, %gather3A_1812 : vector<16xf32>
        %add3A_1822 = arith.addf %add3A_1795, %mul3A_1821 : vector<16xf32>
        %get3A_1823 = arith.index_cast %scan3A_192 : i32 to index
        %get3A_1824 = arith.constant 2384 : index
        %get3A_1825 = tpu.vector_load %arg10[%get3A_1823, %get3A_1824] {strides = array<i32>} : memref<9x2560xf32, #tpu.memory_space<vmem>>, vector<16xf32>,
        %mul3A_1826 = arith.mulf %get3A_1825, %gather3A_1812 : vector<16xf32>
        %add3A_1827 = arith.addf %add3A_1800, %mul3A_1826 : vector<16xf32>
        %broadcast_in_dim3A_1828 = arith.constant 12 : i32
        %broadcast_in_dim3A_1829 = vector.broadcast %broadcast_in_dim3A_1828 : i32 to vector<16xi32>
        %lt3A_1830 = arith.constant 0 : i32
        %lt3A_1831 = vector.broadcast %lt3A_1830 : i32 to vector<16xi32>
        %lt3A_1832 = arith.cmpi slt, %broadcast_in_dim3A_1829, %lt3A_1831 : vector<16xi32>
        %add3A_1833 = arith.constant 16 : i32
        %add3A_1834 = vector.broadcast %add3A_1833 : i32 to vector<16xi32>
        %add3A_1835 = arith.addi %broadcast_in_dim3A_1829, %add3A_1834 : vector<16xi32>
        %select_n3A_1836 = arith.select %lt3A_1832, %add3A_1835, %broadcast_in_dim3A_1829 : vector<16xi1>, vector<16xi32>
        %broadcast_in_dim3A_1837 = vector.shape_cast %select_n3A_1836 : vector<16xi32> to vector<16x1xi32>
        %gather3A_1838 = vector.shape_cast %broadcast_in_dim3A_1837 : vector<16x1xi32> to vector<16xi32>
        %gather3A_1839 = tpu.dynamic_gather %get3A_1503[%gather3A_1838] in [0] : vector<16xf32>, vector<16xi32> -> vector<16xf32>
        %get3A_1840 = arith.index_cast %scan3A_192 : i32 to index
        %get3A_1841 = arith.constant 2400 : index
        %get3A_1842 = tpu.vector_load %arg10[%get3A_1840, %get3A_1841] {strides = array<i32>} : memref<9x2560xf32, #tpu.memory_space<vmem>>, vector<16xf32>,
        %mul3A_1843 = arith.mulf %get3A_1842, %gather3A_1839 : vector<16xf32>
        %add3A_1844 = arith.addf %add3A_1817, %mul3A_1843 : vector<16xf32>
        %get3A_1845 = arith.index_cast %scan3A_192 : i32 to index
        %get3A_1846 = arith.constant 2416 : index
        %get3A_1847 = tpu.vector_load %arg10[%get3A_1845, %get3A_1846] {strides = array<i32>} : memref<9x2560xf32, #tpu.memory_space<vmem>>, vector<16xf32>,
        %mul3A_1848 = arith.mulf %get3A_1847, %gather3A_1839 : vector<16xf32>
        %add3A_1849 = arith.addf %add3A_1822, %mul3A_1848 : vector<16xf32>
        %get3A_1850 = arith.index_cast %scan3A_192 : i32 to index
        %get3A_1851 = arith.constant 2424 : index
        %get3A_1852 = tpu.vector_load %arg10[%get3A_1850, %get3A_1851] {strides = array<i32>} : memref<9x2560xf32, #tpu.memory_space<vmem>>, vector<16xf32>,
        %mul3A_1853 = arith.mulf %get3A_1852, %gather3A_1839 : vector<16xf32>
        %add3A_1854 = arith.addf %add3A_1827, %mul3A_1853 : vector<16xf32>
        %broadcast_in_dim3A_1855 = arith.constant 13 : i32
        %broadcast_in_dim3A_1856 = vector.broadcast %broadcast_in_dim3A_1855 : i32 to vector<16xi32>
        %lt3A_1857 = arith.constant 0 : i32
        %lt3A_1858 = vector.broadcast %lt3A_1857 : i32 to vector<16xi32>
        %lt3A_1859 = arith.cmpi slt, %broadcast_in_dim3A_1856, %lt3A_1858 : vector<16xi32>
        %add3A_1860 = arith.constant 16 : i32
        %add3A_1861 = vector.broadcast %add3A_1860 : i32 to vector<16xi32>
        %add3A_1862 = arith.addi %broadcast_in_dim3A_1856, %add3A_1861 : vector<16xi32>
        %select_n3A_1863 = arith.select %lt3A_1859, %add3A_1862, %broadcast_in_dim3A_1856 : vector<16xi1>, vector<16xi32>
        %broadcast_in_dim3A_1864 = vector.shape_cast %select_n3A_1863 : vector<16xi32> to vector<16x1xi32>
        %gather3A_1865 = vector.shape_cast %broadcast_in_dim3A_1864 : vector<16x1xi32> to vector<16xi32>
        %gather3A_1866 = tpu.dynamic_gather %get3A_1503[%gather3A_1865] in [0] : vector<16xf32>, vector<16xi32> -> vector<16xf32>
        %get3A_1867 = arith.index_cast %scan3A_192 : i32 to index
        %get3A_1868 = arith.constant 2440 : index
        %get3A_1869 = tpu.vector_load %arg10[%get3A_1867, %get3A_1868] {strides = array<i32>} : memref<9x2560xf32, #tpu.memory_space<vmem>>, vector<16xf32>,
        %mul3A_1870 = arith.mulf %get3A_1869, %gather3A_1866 : vector<16xf32>
        %add3A_1871 = arith.addf %add3A_1844, %mul3A_1870 : vector<16xf32>
        %get3A_1872 = arith.index_cast %scan3A_192 : i32 to index
        %get3A_1873 = arith.constant 2456 : index
        %get3A_1874 = tpu.vector_load %arg10[%get3A_1872, %get3A_1873] {strides = array<i32>} : memref<9x2560xf32, #tpu.memory_space<vmem>>, vector<16xf32>,
        %mul3A_1875 = arith.mulf %get3A_1874, %gather3A_1866 : vector<16xf32>
        %add3A_1876 = arith.addf %add3A_1849, %mul3A_1875 : vector<16xf32>
        %get3A_1877 = arith.index_cast %scan3A_192 : i32 to index
        %get3A_1878 = arith.constant 2464 : index
        %get3A_1879 = tpu.vector_load %arg10[%get3A_1877, %get3A_1878] {strides = array<i32>} : memref<9x2560xf32, #tpu.memory_space<vmem>>, vector<16xf32>,
        %mul3A_1880 = arith.mulf %get3A_1879, %gather3A_1866 : vector<16xf32>
        %add3A_1881 = arith.addf %add3A_1854, %mul3A_1880 : vector<16xf32>
        %broadcast_in_dim3A_1882 = arith.constant 14 : i32
        %broadcast_in_dim3A_1883 = vector.broadcast %broadcast_in_dim3A_1882 : i32 to vector<16xi32>
        %lt3A_1884 = arith.constant 0 : i32
        %lt3A_1885 = vector.broadcast %lt3A_1884 : i32 to vector<16xi32>
        %lt3A_1886 = arith.cmpi slt, %broadcast_in_dim3A_1883, %lt3A_1885 : vector<16xi32>
        %add3A_1887 = arith.constant 16 : i32
        %add3A_1888 = vector.broadcast %add3A_1887 : i32 to vector<16xi32>
        %add3A_1889 = arith.addi %broadcast_in_dim3A_1883, %add3A_1888 : vector<16xi32>
        %select_n3A_1890 = arith.select %lt3A_1886, %add3A_1889, %broadcast_in_dim3A_1883 : vector<16xi1>, vector<16xi32>
        %broadcast_in_dim3A_1891 = vector.shape_cast %select_n3A_1890 : vector<16xi32> to vector<16x1xi32>
        %gather3A_1892 = vector.shape_cast %broadcast_in_dim3A_1891 : vector<16x1xi32> to vector<16xi32>
        %gather3A_1893 = tpu.dynamic_gather %get3A_1503[%gather3A_1892] in [0] : vector<16xf32>, vector<16xi32> -> vector<16xf32>
        %get3A_1894 = arith.index_cast %scan3A_192 : i32 to index
        %get3A_1895 = arith.constant 2480 : index
        %get3A_1896 = tpu.vector_load %arg10[%get3A_1894, %get3A_1895] {strides = array<i32>} : memref<9x2560xf32, #tpu.memory_space<vmem>>, vector<16xf32>,
        %mul3A_1897 = arith.mulf %get3A_1896, %gather3A_1893 : vector<16xf32>
        %add3A_1898 = arith.addf %add3A_1871, %mul3A_1897 : vector<16xf32>
        %get3A_1899 = arith.index_cast %scan3A_192 : i32 to index
        %get3A_1900 = arith.constant 2496 : index
        %get3A_1901 = tpu.vector_load %arg10[%get3A_1899, %get3A_1900] {strides = array<i32>} : memref<9x2560xf32, #tpu.memory_space<vmem>>, vector<16xf32>,
        %mul3A_1902 = arith.mulf %get3A_1901, %gather3A_1893 : vector<16xf32>
        %add3A_1903 = arith.addf %add3A_1876, %mul3A_1902 : vector<16xf32>
        %get3A_1904 = arith.index_cast %scan3A_192 : i32 to index
        %get3A_1905 = arith.constant 2504 : index
        %get3A_1906 = tpu.vector_load %arg10[%get3A_1904, %get3A_1905] {strides = array<i32>} : memref<9x2560xf32, #tpu.memory_space<vmem>>, vector<16xf32>,
        %mul3A_1907 = arith.mulf %get3A_1906, %gather3A_1893 : vector<16xf32>
        %add3A_1908 = arith.addf %add3A_1881, %mul3A_1907 : vector<16xf32>
        %broadcast_in_dim3A_1909 = arith.constant 15 : i32
        %broadcast_in_dim3A_1910 = vector.broadcast %broadcast_in_dim3A_1909 : i32 to vector<16xi32>
        %lt3A_1911 = arith.constant 0 : i32
        %lt3A_1912 = vector.broadcast %lt3A_1911 : i32 to vector<16xi32>
        %lt3A_1913 = arith.cmpi slt, %broadcast_in_dim3A_1910, %lt3A_1912 : vector<16xi32>
        %add3A_1914 = arith.constant 16 : i32
        %add3A_1915 = vector.broadcast %add3A_1914 : i32 to vector<16xi32>
        %add3A_1916 = arith.addi %broadcast_in_dim3A_1910, %add3A_1915 : vector<16xi32>
        %select_n3A_1917 = arith.select %lt3A_1913, %add3A_1916, %broadcast_in_dim3A_1910 : vector<16xi1>, vector<16xi32>
        %broadcast_in_dim3A_1918 = vector.shape_cast %select_n3A_1917 : vector<16xi32> to vector<16x1xi32>
        %gather3A_1919 = vector.shape_cast %broadcast_in_dim3A_1918 : vector<16x1xi32> to vector<16xi32>
        %gather3A_1920 = tpu.dynamic_gather %get3A_1503[%gather3A_1919] in [0] : vector<16xf32>, vector<16xi32> -> vector<16xf32>
        %get3A_1921 = arith.index_cast %scan3A_192 : i32 to index
        %get3A_1922 = arith.constant 2520 : index
        %get3A_1923 = tpu.vector_load %arg10[%get3A_1921, %get3A_1922] {strides = array<i32>} : memref<9x2560xf32, #tpu.memory_space<vmem>>, vector<16xf32>,
        %mul3A_1924 = arith.mulf %get3A_1923, %gather3A_1920 : vector<16xf32>
        %add3A_1925 = arith.addf %add3A_1898, %mul3A_1924 : vector<16xf32>
        %get3A_1926 = arith.index_cast %scan3A_192 : i32 to index
        %get3A_1927 = arith.constant 2536 : index
        %get3A_1928 = tpu.vector_load %arg10[%get3A_1926, %get3A_1927] {strides = array<i32>} : memref<9x2560xf32, #tpu.memory_space<vmem>>, vector<16xf32>,
        %mul3A_1929 = arith.mulf %get3A_1928, %gather3A_1920 : vector<16xf32>
        %add3A_1930 = arith.addf %add3A_1903, %mul3A_1929 : vector<16xf32>
        %get3A_1931 = arith.index_cast %scan3A_192 : i32 to index
        %get3A_1932 = arith.constant 2544 : index
        %get3A_1933 = tpu.vector_load %arg10[%get3A_1931, %get3A_1932] {strides = array<i32>} : memref<9x2560xf32, #tpu.memory_space<vmem>>, vector<16xf32>,
        %mul3A_1934 = arith.mulf %get3A_1933, %gather3A_1920 : vector<16xf32>
        %add3A_1935 = arith.addf %add3A_1908, %mul3A_1934 : vector<16xf32>
        %jit3A_1936 = arith.constant -1.000000e+30 : f32
        %broadcast_in_dim3A_1937 = vector.broadcast %jit3A_1936 : f32 to vector<16xf32>
        %select_n3A_1938 = arith.select %lt3A_4, %broadcast_in_dim3A_1937, %add3A_1935 : vector<16xi1>, vector<16xf32>
        %max3A_1939 = arith.maximumf %add3A_1925, %add3A_1930 : vector<16xf32>
        %max3A_1940 = arith.maximumf %max3A_1939, %select_n3A_1938 : vector<16xf32>
        %reduce_max3A_1941 = arith.constant true
        %reduce_max3A_1942 = vector.broadcast %reduce_max3A_1941 : i1 to vector<16xi1>
        %reduce_max3A_1943 = tpu.scan <max>, %max3A_1940 masked %reduce_max3A_1942 : vector<16xf32>, vector<16xi1> -> vector<16xf32>
        %reduce_max3A_1944 = vector.extract %reduce_max3A_1943[15] : f32 from vector<16xf32>
        %sub3A_1945 = vector.broadcast %reduce_max3A_1944 : f32 to vector<16xf32>
        %sub3A_1946 = arith.subf %add3A_1925, %sub3A_1945 : vector<16xf32>
        %exp3A_1947 = math.exp %sub3A_1946 : vector<16xf32>
        %sub3A_1948 = vector.broadcast %reduce_max3A_1944 : f32 to vector<16xf32>
        %sub3A_1949 = arith.subf %add3A_1930, %sub3A_1948 : vector<16xf32>
        %exp3A_1950 = math.exp %sub3A_1949 : vector<16xf32>
        %sub3A_1951 = vector.broadcast %reduce_max3A_1944 : f32 to vector<16xf32>
        %sub3A_1952 = arith.subf %select_n3A_1938, %sub3A_1951 : vector<16xf32>
        %exp3A_1953 = math.exp %sub3A_1952 : vector<16xf32>
        %add3A_1954 = arith.addf %exp3A_1947, %exp3A_1950 : vector<16xf32>
        %add3A_1955 = arith.addf %add3A_1954, %exp3A_1953 : vector<16xf32>
        %reduce_sum3A_1956 = arith.constant true
        %reduce_sum3A_1957 = vector.broadcast %reduce_sum3A_1956 : i1 to vector<16xi1>
        %reduce_sum3A_1958 = tpu.scan <sum>, %add3A_1955 masked %reduce_sum3A_1957 : vector<16xf32>, vector<16xi1> -> vector<16xf32>
        %reduce_sum3A_1959 = vector.extract %reduce_sum3A_1958[15] : f32 from vector<16xf32>
        %broadcast_in_dim3A_1960 = vector.broadcast %scan3A_192 : i32 to vector<16xi32>
        %lt3A_1961 = arith.constant 0 : i32
        %lt3A_1962 = vector.broadcast %lt3A_1961 : i32 to vector<16xi32>
        %lt3A_1963 = arith.cmpi slt, %broadcast_in_dim3A_1960, %lt3A_1962 : vector<16xi32>
        %add3A_1964 = arith.constant 16 : i32
        %add3A_1965 = vector.broadcast %add3A_1964 : i32 to vector<16xi32>
        %add3A_1966 = arith.addi %broadcast_in_dim3A_1960, %add3A_1965 : vector<16xi32>
        %select_n3A_1967 = arith.select %lt3A_1963, %add3A_1966, %broadcast_in_dim3A_1960 : vector<16xi1>, vector<16xi32>
        %broadcast_in_dim3A_1968 = vector.shape_cast %select_n3A_1967 : vector<16xi32> to vector<16x1xi32>
        %gather3A_1969 = vector.shape_cast %broadcast_in_dim3A_1968 : vector<16x1xi32> to vector<16xi32>
        %gather3A_1970 = tpu.dynamic_gather %get3A_55[%gather3A_1969] in [0] : vector<16xf32>, vector<16xi32> -> vector<16xf32>
        %broadcast_in_dim3A_1971 = vector.broadcast %reduce_sum3A_1959 : f32 to vector<16xf32>
        %div3A_1972 = arith.divf %gather3A_1970, %broadcast_in_dim3A_1971 : vector<16xf32>
        %mul3A_1973 = arith.mulf %div3A_1972, %exp3A_1947 : vector<16xf32>
        %add3A_1974 = arith.addf %scan3A_193, %mul3A_1973 : vector<16xf32>
        %mul3A_1975 = arith.mulf %div3A_1972, %exp3A_1950 : vector<16xf32>
        %add3A_1976 = arith.addf %scan3A_194, %mul3A_1975 : vector<16xf32>
        %mul3A_1977 = arith.mulf %div3A_1972, %exp3A_1953 : vector<16xf32>
        %add3A_1978 = arith.addf %scan3A_195, %mul3A_1977 : vector<16xf32>
        scf.yield %add3A_1974, %add3A_1976, %add3A_1978 : vector<16xf32>, vector<16xf32>, vector<16xf32>
      }
      %scan3A_61 = arith.constant 8 : i32
      %jit3A = arith.constant -1.000000e+30 : f32
      %broadcast_in_dim3A_62 = vector.broadcast %jit3A : f32 to vector<16xf32>
      %select_n3A = arith.select %lt3A_4, %broadcast_in_dim3A_62, %scan3A_60#2 : vector<16xi1>, vector<16xf32>
      %max3A = arith.maximumf %scan3A_60#0, %scan3A_60#1 : vector<16xf32>
      %max3A_63 = arith.maximumf %max3A, %select_n3A : vector<16xf32>
      %reduce_max3A = arith.constant true
      %reduce_max3A_64 = vector.broadcast %reduce_max3A : i1 to vector<16xi1>
      %reduce_max3A_65 = tpu.scan <max>, %max3A_63 masked %reduce_max3A_64 : vector<16xf32>, vector<16xi1> -> vector<16xf32>
      %reduce_max3A_66 = vector.extract %reduce_max3A_65[15] : f32 from vector<16xf32>
      %sub3A = vector.broadcast %reduce_max3A_66 : f32 to vector<16xf32>
      %sub3A_67 = arith.subf %scan3A_60#0, %sub3A : vector<16xf32>
      %exp3A = math.exp %sub3A_67 : vector<16xf32>
      %sub3A_68 = vector.broadcast %reduce_max3A_66 : f32 to vector<16xf32>
      %sub3A_69 = arith.subf %scan3A_60#1, %sub3A_68 : vector<16xf32>
      %exp3A_70 = math.exp %sub3A_69 : vector<16xf32>
      %sub3A_71 = vector.broadcast %reduce_max3A_66 : f32 to vector<16xf32>
      %sub3A_72 = arith.subf %select_n3A, %sub3A_71 : vector<16xf32>
      %exp3A_73 = math.exp %sub3A_72 : vector<16xf32>
      %broadcast_in_dim3A_74 = arith.constant 1.000000e+00 : f32
      %broadcast_in_dim3A_75 = vector.broadcast %broadcast_in_dim3A_74 : f32 to vector<16xf32>
      %add3A_76 = arith.addf %exp3A, %exp3A_70 : vector<16xf32>
      %add3A_77 = arith.addf %add3A_76, %exp3A_73 : vector<16xf32>
      %reduce_sum3A = arith.constant true
      %reduce_sum3A_78 = vector.broadcast %reduce_sum3A : i1 to vector<16xi1>
      %reduce_sum3A_79 = tpu.scan <sum>, %add3A_77 masked %reduce_sum3A_78 : vector<16xf32>, vector<16xi1> -> vector<16xf32>
      %reduce_sum3A_80 = vector.extract %reduce_sum3A_79[15] : f32 from vector<16xf32>
      %broadcast_in_dim3A_81 = vector.broadcast %reduce_sum3A_80 : f32 to vector<16xf32>
      %div3A = arith.divf %broadcast_in_dim3A_75, %broadcast_in_dim3A_81 : vector<16xf32>
      %and3A = arith.constant 7 : i32
      %and3A_82 = vector.broadcast %and3A : i32 to vector<16xi32>
      %and3A_83 = arith.andi %iota3A, %and3A_82 : vector<16xi32>
      %add3A_84 = arith.constant 8 : i32
      %add3A_85 = vector.broadcast %add3A_84 : i32 to vector<16xi32>
      %add3A_86 = arith.addi %and3A_83, %add3A_85 : vector<16xi32>
      %lt3A_87 = arith.constant 0 : i32
      %lt3A_88 = vector.broadcast %lt3A_87 : i32 to vector<16xi32>
      %lt3A_89 = arith.cmpi slt, %add3A_86, %lt3A_88 : vector<16xi32>
      %add3A_90 = arith.constant 16 : i32
      %add3A_91 = vector.broadcast %add3A_90 : i32 to vector<16xi32>
      %add3A_92 = arith.addi %add3A_86, %add3A_91 : vector<16xi32>
      %select_n3A_93 = arith.select %lt3A_89, %add3A_92, %add3A_86 : vector<16xi1>, vector<16xi32>
      %broadcast_in_dim3A_94 = vector.shape_cast %select_n3A_93 : vector<16xi32> to vector<16x1xi32>
      %gather3A = vector.shape_cast %broadcast_in_dim3A_94 : vector<16x1xi32> to vector<16xi32>
      %gather3A_95 = tpu.dynamic_gather %exp3A_73[%gather3A] in [0] : vector<16xf32>, vector<16xi32> -> vector<16xf32>
      %mul3A_96 = arith.mulf %exp3A, %div3A : vector<16xf32>
      %swap3A = arith.index_cast %add3A_40 : i32 to index
      %swap3A_97 = arith.constant 0 : index
      %swap3A_98 = tpu.vector_load %arg12[%swap3A, %swap3A_97] {strides = array<i32>} : memref<128x48xf32, #tpu.memory_space<vmem>>, vector<16xf32>,
      tpu.vector_store %arg12[%swap3A, %swap3A_97], %mul3A_96 {strides = array<i32>} : memref<128x48xf32, #tpu.memory_space<vmem>>, vector<16xf32>,
      %mul3A_99 = arith.mulf %exp3A_70, %div3A : vector<16xf32>
      %swap3A_100 = arith.index_cast %add3A_40 : i32 to index
      %swap3A_101 = arith.constant 16 : index
      %swap3A_102 = tpu.vector_load %arg12[%swap3A_100, %swap3A_101] {strides = array<i32>} : memref<128x48xf32, #tpu.memory_space<vmem>>, vector<16xf32>,
      tpu.vector_store %arg12[%swap3A_100, %swap3A_101], %mul3A_99 {strides = array<i32>} : memref<128x48xf32, #tpu.memory_space<vmem>>, vector<16xf32>,
      %mul3A_103 = arith.mulf %gather3A_95, %div3A : vector<16xf32>
      %swap3A_104 = arith.index_cast %add3A_40 : i32 to index
      %swap3A_105 = arith.constant 32 : index
      %swap3A_106 = tpu.vector_load %arg12[%swap3A_104, %swap3A_105] {strides = array<i32>} : memref<128x48xf32, #tpu.memory_space<vmem>>, vector<16xf32>,
      tpu.vector_store %arg12[%swap3A_104, %swap3A_105], %mul3A_103 {strides = array<i32>} : memref<128x48xf32, #tpu.memory_space<vmem>>, vector<16xf32>,
      %mul3A_107 = arith.constant 2 : i32
      %mul3A_108 = arith.muli %mul3A_107, %scan3A_36 : i32
      %add3A_109 = arith.constant 1 : i32
      %add3A_110 = arith.addi %mul3A_108, %add3A_109 : i32
      %dma_wait3A_111 = arith.constant 0 : i32
      %dma_wait3A_112 = arith.constant 0 : i32
      %dma_wait3A_113 = tpu.memref_slice %arg11[%dma_wait3A_111, %dma_wait3A_112] : memref<9x2560xf32, #tpu.memory_space<vmem>> -> memref<8x2560xf32, #tpu.memory_space<vmem>>
      %dma_wait3A_114 = arith.constant 0 : i32
      %dma_wait3A_115 = tpu.memref_slice %arg7[%add3A_110, %dma_wait3A_114] : memref<128x8xi32, #tpu.memory_space<vmem>> -> memref<1x8xi32, #tpu.memory_space<vmem>>
      %dma_wait3A_116 = tpu.memref_squeeze %dma_wait3A_115 : memref<1x8xi32, #tpu.memory_space<vmem>> -> memref<8xi32, #tpu.memory_space<vmem>>
      %dma_wait3A_117 = arith.constant 0 : i32
      %dma_wait3A_118 = arith.constant 0 : i32
      %dma_wait3A_119 = tpu.memref_slice %arg2[%dma_wait3A_117, %dma_wait3A_118] : memref<1000x2560xf32, #tpu.memory_space<hbm>> -> memref<1000x2560xf32, #tpu.memory_space<hbm>>
      tpu.wait_indirect_dma semaphore(%arg14 : memref<!tpu.dma_semaphore, #tpu.memory_space<semaphore_mem>>) src(%dma_wait3A_119 : memref<1000x2560xf32, #tpu.memory_space<hbm>>) dst(%dma_wait3A_113 : memref<8x2560xf32, #tpu.memory_space<vmem>>)
      %add3A_120 = arith.constant 1 : i32
      %add3A_121 = arith.addi %add3A_110, %add3A_120 : i32
      %lt3A_122 = arith.constant 128 : i32
      %lt3A_123 = arith.cmpi slt, %add3A_121, %lt3A_122 : i32
      %convert_element_type3A_124 = arith.extui %lt3A_123 : i1 to i32
      %cond3A_125 = arith.constant 0 : i32
      %cond3A_126 = arith.cmpi ne, %convert_element_type3A_124, %cond3A_125 : i32
      scf.if %cond3A_126 {
        %add3A_192 = arith.constant 1 : i32
        %add3A_193 = arith.addi %add3A_110, %add3A_192 : i32
        %dma_start3A_194 = arith.constant 0 : i32
        %dma_start3A_195 = arith.constant 0 : i32
        %dma_start3A_196 = tpu.memref_slice %arg10[%dma_start3A_194, %dma_start3A_195] : memref<9x2560xf32, #tpu.memory_space<vmem>> -> memref<8x2560xf32, #tpu.memory_space<vmem>>
        %dma_start3A_197 = arith.constant 0 : i32
        %dma_start3A_198 = tpu.memref_slice %arg7[%add3A_193, %dma_start3A_197] : memref<128x8xi32, #tpu.memory_space<vmem>> -> memref<1x8xi32, #tpu.memory_space<vmem>>
        %dma_start3A_199 = tpu.memref_squeeze %dma_start3A_198 : memref<1x8xi32, #tpu.memory_space<vmem>> -> memref<8xi32, #tpu.memory_space<vmem>>
        %dma_start3A_200 = arith.constant 0 : i32
        %dma_start3A_201 = arith.constant 0 : i32
        %dma_start3A_202 = tpu.memref_slice %arg2[%dma_start3A_200, %dma_start3A_201] : memref<1000x2560xf32, #tpu.memory_space<hbm>> -> memref<1000x2560xf32, #tpu.memory_space<hbm>>
        tpu.enqueue_indirect_dma source(%dma_start3A_202 : memref<1000x2560xf32, #tpu.memory_space<hbm>>) target(%dma_start3A_196 : memref<8x2560xf32, #tpu.memory_space<vmem>>) offsets(%dma_start3A_199 : memref<8xi32, #tpu.memory_space<vmem>>) semaphore(%arg13 : memref<!tpu.dma_semaphore, #tpu.memory_space<semaphore_mem>>)
      } else {
      }
      %get3A_127 = arith.index_cast %add3A_110 : i32 to index
      %get3A_128 = arith.constant 0 : index
      %get3A_129 = tpu.vector_load %arg8[%get3A_127, %get3A_128] {strides = array<i32>} : memref<128x16xf32, #tpu.memory_space<vmem>>, vector<16xf32>,
      %scan3A_130 = arith.constant 0 : i32
      %scan3A_131 = arith.constant 8 : i32
      %scan3A_132 = arith.addi %scan3A_130, %scan3A_131 : i32
      %scan3A_133 = arith.constant 1 : i32
      %scan3A_134:3 = scf.for %scan3A_192 = %scan3A_130 to %scan3A_132 step %scan3A_133 iter_args(%scan3A_193 = %broadcast_in_dim3A_5, %scan3A_194 = %broadcast_in_dim3A_5, %scan3A_195 = %broadcast_in_dim3A_5) -> (vector<16xf32>, vector<16xf32>, vector<16xf32>)  : i32 {
        %get3A_196 = arith.index_cast %add3A_110 : i32 to index
        %get3A_197 = arith.constant 0 : index
        %get3A_198 = tpu.vector_load %arg9[%get3A_196, %get3A_197] {strides = array<i32>} : memref<128x64xf32, #tpu.memory_space<vmem>>, vector<16xf32>,
        %broadcast_in_dim3A_199 = arith.constant 0 : i32
        %broadcast_in_dim3A_200 = vector.broadcast %broadcast_in_dim3A_199 : i32 to vector<16xi32>
        %lt3A_201 = arith.constant 0 : i32
        %lt3A_202 = vector.broadcast %lt3A_201 : i32 to vector<16xi32>
        %lt3A_203 = arith.cmpi slt, %broadcast_in_dim3A_200, %lt3A_202 : vector<16xi32>
        %add3A_204 = arith.constant 16 : i32
        %add3A_205 = vector.broadcast %add3A_204 : i32 to vector<16xi32>
        %add3A_206 = arith.addi %broadcast_in_dim3A_200, %add3A_205 : vector<16xi32>
        %select_n3A_207 = arith.select %lt3A_203, %add3A_206, %broadcast_in_dim3A_200 : vector<16xi1>, vector<16xi32>
        %broadcast_in_dim3A_208 = vector.shape_cast %select_n3A_207 : vector<16xi32> to vector<16x1xi32>
        %gather3A_209 = vector.shape_cast %broadcast_in_dim3A_208 : vector<16x1xi32> to vector<16xi32>
        %gather3A_210 = tpu.dynamic_gather %get3A_198[%gather3A_209] in [0] : vector<16xf32>, vector<16xi32> -> vector<16xf32>
        %get3A_211 = arith.index_cast %scan3A_192 : i32 to index
        %get3A_212 = arith.constant 0 : index
        %get3A_213 = tpu.vector_load %arg11[%get3A_211, %get3A_212] {strides = array<i32>} : memref<9x2560xf32, #tpu.memory_space<vmem>>, vector<16xf32>,
        %mul3A_214 = arith.mulf %get3A_213, %gather3A_210 : vector<16xf32>
        %add3A_215 = arith.addf %broadcast_in_dim3A_5, %mul3A_214 : vector<16xf32>
        %get3A_216 = arith.index_cast %scan3A_192 : i32 to index
        %get3A_217 = arith.constant 16 : index
        %get3A_218 = tpu.vector_load %arg11[%get3A_216, %get3A_217] {strides = array<i32>} : memref<9x2560xf32, #tpu.memory_space<vmem>>, vector<16xf32>,
        %mul3A_219 = arith.mulf %get3A_218, %gather3A_210 : vector<16xf32>
        %add3A_220 = arith.addf %broadcast_in_dim3A_5, %mul3A_219 : vector<16xf32>
        %get3A_221 = arith.index_cast %scan3A_192 : i32 to index
        %get3A_222 = arith.constant 24 : index
        %get3A_223 = tpu.vector_load %arg11[%get3A_221, %get3A_222] {strides = array<i32>} : memref<9x2560xf32, #tpu.memory_space<vmem>>, vector<16xf32>,
        %mul3A_224 = arith.mulf %get3A_223, %gather3A_210 : vector<16xf32>
        %add3A_225 = arith.addf %broadcast_in_dim3A_5, %mul3A_224 : vector<16xf32>
        %broadcast_in_dim3A_226 = arith.constant 1 : i32
        %broadcast_in_dim3A_227 = vector.broadcast %broadcast_in_dim3A_226 : i32 to vector<16xi32>
        %lt3A_228 = arith.constant 0 : i32
        %lt3A_229 = vector.broadcast %lt3A_228 : i32 to vector<16xi32>
        %lt3A_230 = arith.cmpi slt, %broadcast_in_dim3A_227, %lt3A_229 : vector<16xi32>
        %add3A_231 = arith.constant 16 : i32
        %add3A_232 = vector.broadcast %add3A_231 : i32 to vector<16xi32>
        %add3A_233 = arith.addi %broadcast_in_dim3A_227, %add3A_232 : vector<16xi32>
        %select_n3A_234 = arith.select %lt3A_230, %add3A_233, %broadcast_in_dim3A_227 : vector<16xi1>, vector<16xi32>
        %broadcast_in_dim3A_235 = vector.shape_cast %select_n3A_234 : vector<16xi32> to vector<16x1xi32>
        %gather3A_236 = vector.shape_cast %broadcast_in_dim3A_235 : vector<16x1xi32> to vector<16xi32>
        %gather3A_237 = tpu.dynamic_gather %get3A_198[%gather3A_236] in [0] : vector<16xf32>, vector<16xi32> -> vector<16xf32>
        %get3A_238 = arith.index_cast %scan3A_192 : i32 to index
        %get3A_239 = arith.constant 40 : index
        %get3A_240 = tpu.vector_load %arg11[%get3A_238, %get3A_239] {strides = array<i32>} : memref<9x2560xf32, #tpu.memory_space<vmem>>, vector<16xf32>,
        %mul3A_241 = arith.mulf %get3A_240, %gather3A_237 : vector<16xf32>
        %add3A_242 = arith.addf %add3A_215, %mul3A_241 : vector<16xf32>
        %get3A_243 = arith.index_cast %scan3A_192 : i32 to index
        %get3A_244 = arith.constant 56 : index
        %get3A_245 = tpu.vector_load %arg11[%get3A_243, %get3A_244] {strides = array<i32>} : memref<9x2560xf32, #tpu.memory_space<vmem>>, vector<16xf32>,
        %mul3A_246 = arith.mulf %get3A_245, %gather3A_237 : vector<16xf32>
        %add3A_247 = arith.addf %add3A_220, %mul3A_246 : vector<16xf32>
        %get3A_248 = arith.index_cast %scan3A_192 : i32 to index
        %get3A_249 = arith.constant 64 : index
        %get3A_250 = tpu.vector_load %arg11[%get3A_248, %get3A_249] {strides = array<i32>} : memref<9x2560xf32, #tpu.memory_space<vmem>>, vector<16xf32>,
        %mul3A_251 = arith.mulf %get3A_250, %gather3A_237 : vector<16xf32>
        %add3A_252 = arith.addf %add3A_225, %mul3A_251 : vector<16xf32>
        %broadcast_in_dim3A_253 = arith.constant 2 : i32
        %broadcast_in_dim3A_254 = vector.broadcast %broadcast_in_dim3A_253 : i32 to vector<16xi32>
        %lt3A_255 = arith.constant 0 : i32
        %lt3A_256 = vector.broadcast %lt3A_255 : i32 to vector<16xi32>
        %lt3A_257 = arith.cmpi slt, %broadcast_in_dim3A_254, %lt3A_256 : vector<16xi32>
        %add3A_258 = arith.constant 16 : i32
        %add3A_259 = vector.broadcast %add3A_258 : i32 to vector<16xi32>
        %add3A_260 = arith.addi %broadcast_in_dim3A_254, %add3A_259 : vector<16xi32>
        %select_n3A_261 = arith.select %lt3A_257, %add3A_260, %broadcast_in_dim3A_254 : vector<16xi1>, vector<16xi32>
        %broadcast_in_dim3A_262 = vector.shape_cast %select_n3A_261 : vector<16xi32> to vector<16x1xi32>
        %gather3A_263 = vector.shape_cast %broadcast_in_dim3A_262 : vector<16x1xi32> to vector<16xi32>
        %gather3A_264 = tpu.dynamic_gather %get3A_198[%gather3A_263] in [0] : vector<16xf32>, vector<16xi32> -> vector<16xf32>
        %get3A_265 = arith.index_cast %scan3A_192 : i32 to index
        %get3A_266 = arith.constant 80 : index
        %get3A_267 = tpu.vector_load %arg11[%get3A_265, %get3A_266] {strides = array<i32>} : memref<9x2560xf32, #tpu.memory_space<vmem>>, vector<16xf32>,
        %mul3A_268 = arith.mulf %get3A_267, %gather3A_264 : vector<16xf32>
        %add3A_269 = arith.addf %add3A_242, %mul3A_268 : vector<16xf32>
        %get3A_270 = arith.index_cast %scan3A_192 : i32 to index
        %get3A_271 = arith.constant 96 : index
        %get3A_272 = tpu.vector_load %arg11[%get3A_270, %get3A_271] {strides = array<i32>} : memref<9x2560xf32, #tpu.memory_space<vmem>>, vector<16xf32>,
        %mul3A_273 = arith.mulf %get3A_272, %gather3A_264 : vector<16xf32>
        %add3A_274 = arith.addf %add3A_247, %mul3A_273 : vector<16xf32>
        %get3A_275 = arith.index_cast %scan3A_192 : i32 to index
        %get3A_276 = arith.constant 104 : index
        %get3A_277 = tpu.vector_load %arg11[%get3A_275, %get3A_276] {strides = array<i32>} : memref<9x2560xf32, #tpu.memory_space<vmem>>, vector<16xf32>,
        %mul3A_278 = arith.mulf %get3A_277, %gather3A_264 : vector<16xf32>
        %add3A_279 = arith.addf %add3A_252, %mul3A_278 : vector<16xf32>
        %broadcast_in_dim3A_280 = arith.constant 3 : i32
        %broadcast_in_dim3A_281 = vector.broadcast %broadcast_in_dim3A_280 : i32 to vector<16xi32>
        %lt3A_282 = arith.constant 0 : i32
        %lt3A_283 = vector.broadcast %lt3A_282 : i32 to vector<16xi32>
        %lt3A_284 = arith.cmpi slt, %broadcast_in_dim3A_281, %lt3A_283 : vector<16xi32>
        %add3A_285 = arith.constant 16 : i32
        %add3A_286 = vector.broadcast %add3A_285 : i32 to vector<16xi32>
        %add3A_287 = arith.addi %broadcast_in_dim3A_281, %add3A_286 : vector<16xi32>
        %select_n3A_288 = arith.select %lt3A_284, %add3A_287, %broadcast_in_dim3A_281 : vector<16xi1>, vector<16xi32>
        %broadcast_in_dim3A_289 = vector.shape_cast %select_n3A_288 : vector<16xi32> to vector<16x1xi32>
        %gather3A_290 = vector.shape_cast %broadcast_in_dim3A_289 : vector<16x1xi32> to vector<16xi32>
        %gather3A_291 = tpu.dynamic_gather %get3A_198[%gather3A_290] in [0] : vector<16xf32>, vector<16xi32> -> vector<16xf32>
        %get3A_292 = arith.index_cast %scan3A_192 : i32 to index
        %get3A_293 = arith.constant 120 : index
        %get3A_294 = tpu.vector_load %arg11[%get3A_292, %get3A_293] {strides = array<i32>} : memref<9x2560xf32, #tpu.memory_space<vmem>>, vector<16xf32>,
        %mul3A_295 = arith.mulf %get3A_294, %gather3A_291 : vector<16xf32>
        %add3A_296 = arith.addf %add3A_269, %mul3A_295 : vector<16xf32>
        %get3A_297 = arith.index_cast %scan3A_192 : i32 to index
        %get3A_298 = arith.constant 136 : index
        %get3A_299 = tpu.vector_load %arg11[%get3A_297, %get3A_298] {strides = array<i32>} : memref<9x2560xf32, #tpu.memory_space<vmem>>, vector<16xf32>,
        %mul3A_300 = arith.mulf %get3A_299, %gather3A_291 : vector<16xf32>
        %add3A_301 = arith.addf %add3A_274, %mul3A_300 : vector<16xf32>
        %get3A_302 = arith.index_cast %scan3A_192 : i32 to index
        %get3A_303 = arith.constant 144 : index
        %get3A_304 = tpu.vector_load %arg11[%get3A_302, %get3A_303] {strides = array<i32>} : memref<9x2560xf32, #tpu.memory_space<vmem>>, vector<16xf32>,
        %mul3A_305 = arith.mulf %get3A_304, %gather3A_291 : vector<16xf32>
        %add3A_306 = arith.addf %add3A_279, %mul3A_305 : vector<16xf32>
        %broadcast_in_dim3A_307 = arith.constant 4 : i32
        %broadcast_in_dim3A_308 = vector.broadcast %broadcast_in_dim3A_307 : i32 to vector<16xi32>
        %lt3A_309 = arith.constant 0 : i32
        %lt3A_310 = vector.broadcast %lt3A_309 : i32 to vector<16xi32>
        %lt3A_311 = arith.cmpi slt, %broadcast_in_dim3A_308, %lt3A_310 : vector<16xi32>
        %add3A_312 = arith.constant 16 : i32
        %add3A_313 = vector.broadcast %add3A_312 : i32 to vector<16xi32>
        %add3A_314 = arith.addi %broadcast_in_dim3A_308, %add3A_313 : vector<16xi32>
        %select_n3A_315 = arith.select %lt3A_311, %add3A_314, %broadcast_in_dim3A_308 : vector<16xi1>, vector<16xi32>
        %broadcast_in_dim3A_316 = vector.shape_cast %select_n3A_315 : vector<16xi32> to vector<16x1xi32>
        %gather3A_317 = vector.shape_cast %broadcast_in_dim3A_316 : vector<16x1xi32> to vector<16xi32>
        %gather3A_318 = tpu.dynamic_gather %get3A_198[%gather3A_317] in [0] : vector<16xf32>, vector<16xi32> -> vector<16xf32>
        %get3A_319 = arith.index_cast %scan3A_192 : i32 to index
        %get3A_320 = arith.constant 160 : index
        %get3A_321 = tpu.vector_load %arg11[%get3A_319, %get3A_320] {strides = array<i32>} : memref<9x2560xf32, #tpu.memory_space<vmem>>, vector<16xf32>,
        %mul3A_322 = arith.mulf %get3A_321, %gather3A_318 : vector<16xf32>
        %add3A_323 = arith.addf %add3A_296, %mul3A_322 : vector<16xf32>
        %get3A_324 = arith.index_cast %scan3A_192 : i32 to index
        %get3A_325 = arith.constant 176 : index
        %get3A_326 = tpu.vector_load %arg11[%get3A_324, %get3A_325] {strides = array<i32>} : memref<9x2560xf32, #tpu.memory_space<vmem>>, vector<16xf32>,
        %mul3A_327 = arith.mulf %get3A_326, %gather3A_318 : vector<16xf32>
        %add3A_328 = arith.addf %add3A_301, %mul3A_327 : vector<16xf32>
        %get3A_329 = arith.index_cast %scan3A_192 : i32 to index
        %get3A_330 = arith.constant 184 : index
        %get3A_331 = tpu.vector_load %arg11[%get3A_329, %get3A_330] {strides = array<i32>} : memref<9x2560xf32, #tpu.memory_space<vmem>>, vector<16xf32>,
        %mul3A_332 = arith.mulf %get3A_331, %gather3A_318 : vector<16xf32>
        %add3A_333 = arith.addf %add3A_306, %mul3A_332 : vector<16xf32>
        %broadcast_in_dim3A_334 = arith.constant 5 : i32
        %broadcast_in_dim3A_335 = vector.broadcast %broadcast_in_dim3A_334 : i32 to vector<16xi32>
        %lt3A_336 = arith.constant 0 : i32
        %lt3A_337 = vector.broadcast %lt3A_336 : i32 to vector<16xi32>
        %lt3A_338 = arith.cmpi slt, %broadcast_in_dim3A_335, %lt3A_337 : vector<16xi32>
        %add3A_339 = arith.constant 16 : i32
        %add3A_340 = vector.broadcast %add3A_339 : i32 to vector<16xi32>
        %add3A_341 = arith.addi %broadcast_in_dim3A_335, %add3A_340 : vector<16xi32>
        %select_n3A_342 = arith.select %lt3A_338, %add3A_341, %broadcast_in_dim3A_335 : vector<16xi1>, vector<16xi32>
        %broadcast_in_dim3A_343 = vector.shape_cast %select_n3A_342 : vector<16xi32> to vector<16x1xi32>
        %gather3A_344 = vector.shape_cast %broadcast_in_dim3A_343 : vector<16x1xi32> to vector<16xi32>
        %gather3A_345 = tpu.dynamic_gather %get3A_198[%gather3A_344] in [0] : vector<16xf32>, vector<16xi32> -> vector<16xf32>
        %get3A_346 = arith.index_cast %scan3A_192 : i32 to index
        %get3A_347 = arith.constant 200 : index
        %get3A_348 = tpu.vector_load %arg11[%get3A_346, %get3A_347] {strides = array<i32>} : memref<9x2560xf32, #tpu.memory_space<vmem>>, vector<16xf32>,
        %mul3A_349 = arith.mulf %get3A_348, %gather3A_345 : vector<16xf32>
        %add3A_350 = arith.addf %add3A_323, %mul3A_349 : vector<16xf32>
        %get3A_351 = arith.index_cast %scan3A_192 : i32 to index
        %get3A_352 = arith.constant 216 : index
        %get3A_353 = tpu.vector_load %arg11[%get3A_351, %get3A_352] {strides = array<i32>} : memref<9x2560xf32, #tpu.memory_space<vmem>>, vector<16xf32>,
        %mul3A_354 = arith.mulf %get3A_353, %gather3A_345 : vector<16xf32>
        %add3A_355 = arith.addf %add3A_328, %mul3A_354 : vector<16xf32>
        %get3A_356 = arith.index_cast %scan3A_192 : i32 to index
        %get3A_357 = arith.constant 224 : index
        %get3A_358 = tpu.vector_load %arg11[%get3A_356, %get3A_357] {strides = array<i32>} : memref<9x2560xf32, #tpu.memory_space<vmem>>, vector<16xf32>,
        %mul3A_359 = arith.mulf %get3A_358, %gather3A_345 : vector<16xf32>
        %add3A_360 = arith.addf %add3A_333, %mul3A_359 : vector<16xf32>
        %broadcast_in_dim3A_361 = arith.constant 6 : i32
        %broadcast_in_dim3A_362 = vector.broadcast %broadcast_in_dim3A_361 : i32 to vector<16xi32>
        %lt3A_363 = arith.constant 0 : i32
        %lt3A_364 = vector.broadcast %lt3A_363 : i32 to vector<16xi32>
        %lt3A_365 = arith.cmpi slt, %broadcast_in_dim3A_362, %lt3A_364 : vector<16xi32>
        %add3A_366 = arith.constant 16 : i32
        %add3A_367 = vector.broadcast %add3A_366 : i32 to vector<16xi32>
        %add3A_368 = arith.addi %broadcast_in_dim3A_362, %add3A_367 : vector<16xi32>
        %select_n3A_369 = arith.select %lt3A_365, %add3A_368, %broadcast_in_dim3A_362 : vector<16xi1>, vector<16xi32>
        %broadcast_in_dim3A_370 = vector.shape_cast %select_n3A_369 : vector<16xi32> to vector<16x1xi32>
        %gather3A_371 = vector.shape_cast %broadcast_in_dim3A_370 : vector<16x1xi32> to vector<16xi32>
        %gather3A_372 = tpu.dynamic_gather %get3A_198[%gather3A_371] in [0] : vector<16xf32>, vector<16xi32> -> vector<16xf32>
        %get3A_373 = arith.index_cast %scan3A_192 : i32 to index
        %get3A_374 = arith.constant 240 : index
        %get3A_375 = tpu.vector_load %arg11[%get3A_373, %get3A_374] {strides = array<i32>} : memref<9x2560xf32, #tpu.memory_space<vmem>>, vector<16xf32>,
        %mul3A_376 = arith.mulf %get3A_375, %gather3A_372 : vector<16xf32>
        %add3A_377 = arith.addf %add3A_350, %mul3A_376 : vector<16xf32>
        %get3A_378 = arith.index_cast %scan3A_192 : i32 to index
        %get3A_379 = arith.constant 256 : index
        %get3A_380 = tpu.vector_load %arg11[%get3A_378, %get3A_379] {strides = array<i32>} : memref<9x2560xf32, #tpu.memory_space<vmem>>, vector<16xf32>,
        %mul3A_381 = arith.mulf %get3A_380, %gather3A_372 : vector<16xf32>
        %add3A_382 = arith.addf %add3A_355, %mul3A_381 : vector<16xf32>
        %get3A_383 = arith.index_cast %scan3A_192 : i32 to index
        %get3A_384 = arith.constant 264 : index
        %get3A_385 = tpu.vector_load %arg11[%get3A_383, %get3A_384] {strides = array<i32>} : memref<9x2560xf32, #tpu.memory_space<vmem>>, vector<16xf32>,
        %mul3A_386 = arith.mulf %get3A_385, %gather3A_372 : vector<16xf32>
        %add3A_387 = arith.addf %add3A_360, %mul3A_386 : vector<16xf32>
        %broadcast_in_dim3A_388 = arith.constant 7 : i32
        %broadcast_in_dim3A_389 = vector.broadcast %broadcast_in_dim3A_388 : i32 to vector<16xi32>
        %lt3A_390 = arith.constant 0 : i32
        %lt3A_391 = vector.broadcast %lt3A_390 : i32 to vector<16xi32>
        %lt3A_392 = arith.cmpi slt, %broadcast_in_dim3A_389, %lt3A_391 : vector<16xi32>
        %add3A_393 = arith.constant 16 : i32
        %add3A_394 = vector.broadcast %add3A_393 : i32 to vector<16xi32>
        %add3A_395 = arith.addi %broadcast_in_dim3A_389, %add3A_394 : vector<16xi32>
        %select_n3A_396 = arith.select %lt3A_392, %add3A_395, %broadcast_in_dim3A_389 : vector<16xi1>, vector<16xi32>
        %broadcast_in_dim3A_397 = vector.shape_cast %select_n3A_396 : vector<16xi32> to vector<16x1xi32>
        %gather3A_398 = vector.shape_cast %broadcast_in_dim3A_397 : vector<16x1xi32> to vector<16xi32>
        %gather3A_399 = tpu.dynamic_gather %get3A_198[%gather3A_398] in [0] : vector<16xf32>, vector<16xi32> -> vector<16xf32>
        %get3A_400 = arith.index_cast %scan3A_192 : i32 to index
        %get3A_401 = arith.constant 280 : index
        %get3A_402 = tpu.vector_load %arg11[%get3A_400, %get3A_401] {strides = array<i32>} : memref<9x2560xf32, #tpu.memory_space<vmem>>, vector<16xf32>,
        %mul3A_403 = arith.mulf %get3A_402, %gather3A_399 : vector<16xf32>
        %add3A_404 = arith.addf %add3A_377, %mul3A_403 : vector<16xf32>
        %get3A_405 = arith.index_cast %scan3A_192 : i32 to index
        %get3A_406 = arith.constant 296 : index
        %get3A_407 = tpu.vector_load %arg11[%get3A_405, %get3A_406] {strides = array<i32>} : memref<9x2560xf32, #tpu.memory_space<vmem>>, vector<16xf32>,
        %mul3A_408 = arith.mulf %get3A_407, %gather3A_399 : vector<16xf32>
        %add3A_409 = arith.addf %add3A_382, %mul3A_408 : vector<16xf32>
        %get3A_410 = arith.index_cast %scan3A_192 : i32 to index
        %get3A_411 = arith.constant 304 : index
        %get3A_412 = tpu.vector_load %arg11[%get3A_410, %get3A_411] {strides = array<i32>} : memref<9x2560xf32, #tpu.memory_space<vmem>>, vector<16xf32>,
        %mul3A_413 = arith.mulf %get3A_412, %gather3A_399 : vector<16xf32>
        %add3A_414 = arith.addf %add3A_387, %mul3A_413 : vector<16xf32>
        %broadcast_in_dim3A_415 = arith.constant 8 : i32
        %broadcast_in_dim3A_416 = vector.broadcast %broadcast_in_dim3A_415 : i32 to vector<16xi32>
        %lt3A_417 = arith.constant 0 : i32
        %lt3A_418 = vector.broadcast %lt3A_417 : i32 to vector<16xi32>
        %lt3A_419 = arith.cmpi slt, %broadcast_in_dim3A_416, %lt3A_418 : vector<16xi32>
        %add3A_420 = arith.constant 16 : i32
        %add3A_421 = vector.broadcast %add3A_420 : i32 to vector<16xi32>
        %add3A_422 = arith.addi %broadcast_in_dim3A_416, %add3A_421 : vector<16xi32>
        %select_n3A_423 = arith.select %lt3A_419, %add3A_422, %broadcast_in_dim3A_416 : vector<16xi1>, vector<16xi32>
        %broadcast_in_dim3A_424 = vector.shape_cast %select_n3A_423 : vector<16xi32> to vector<16x1xi32>
        %gather3A_425 = vector.shape_cast %broadcast_in_dim3A_424 : vector<16x1xi32> to vector<16xi32>
        %gather3A_426 = tpu.dynamic_gather %get3A_198[%gather3A_425] in [0] : vector<16xf32>, vector<16xi32> -> vector<16xf32>
        %get3A_427 = arith.index_cast %scan3A_192 : i32 to index
        %get3A_428 = arith.constant 320 : index
        %get3A_429 = tpu.vector_load %arg11[%get3A_427, %get3A_428] {strides = array<i32>} : memref<9x2560xf32, #tpu.memory_space<vmem>>, vector<16xf32>,
        %mul3A_430 = arith.mulf %get3A_429, %gather3A_426 : vector<16xf32>
        %add3A_431 = arith.addf %add3A_404, %mul3A_430 : vector<16xf32>
        %get3A_432 = arith.index_cast %scan3A_192 : i32 to index
        %get3A_433 = arith.constant 336 : index
        %get3A_434 = tpu.vector_load %arg11[%get3A_432, %get3A_433] {strides = array<i32>} : memref<9x2560xf32, #tpu.memory_space<vmem>>, vector<16xf32>,
        %mul3A_435 = arith.mulf %get3A_434, %gather3A_426 : vector<16xf32>
        %add3A_436 = arith.addf %add3A_409, %mul3A_435 : vector<16xf32>
        %get3A_437 = arith.index_cast %scan3A_192 : i32 to index
        %get3A_438 = arith.constant 344 : index
        %get3A_439 = tpu.vector_load %arg11[%get3A_437, %get3A_438] {strides = array<i32>} : memref<9x2560xf32, #tpu.memory_space<vmem>>, vector<16xf32>,
        %mul3A_440 = arith.mulf %get3A_439, %gather3A_426 : vector<16xf32>
        %add3A_441 = arith.addf %add3A_414, %mul3A_440 : vector<16xf32>
        %broadcast_in_dim3A_442 = arith.constant 9 : i32
        %broadcast_in_dim3A_443 = vector.broadcast %broadcast_in_dim3A_442 : i32 to vector<16xi32>
        %lt3A_444 = arith.constant 0 : i32
        %lt3A_445 = vector.broadcast %lt3A_444 : i32 to vector<16xi32>
        %lt3A_446 = arith.cmpi slt, %broadcast_in_dim3A_443, %lt3A_445 : vector<16xi32>
        %add3A_447 = arith.constant 16 : i32
        %add3A_448 = vector.broadcast %add3A_447 : i32 to vector<16xi32>
        %add3A_449 = arith.addi %broadcast_in_dim3A_443, %add3A_448 : vector<16xi32>
        %select_n3A_450 = arith.select %lt3A_446, %add3A_449, %broadcast_in_dim3A_443 : vector<16xi1>, vector<16xi32>
        %broadcast_in_dim3A_451 = vector.shape_cast %select_n3A_450 : vector<16xi32> to vector<16x1xi32>
        %gather3A_452 = vector.shape_cast %broadcast_in_dim3A_451 : vector<16x1xi32> to vector<16xi32>
        %gather3A_453 = tpu.dynamic_gather %get3A_198[%gather3A_452] in [0] : vector<16xf32>, vector<16xi32> -> vector<16xf32>
        %get3A_454 = arith.index_cast %scan3A_192 : i32 to index
        %get3A_455 = arith.constant 360 : index
        %get3A_456 = tpu.vector_load %arg11[%get3A_454, %get3A_455] {strides = array<i32>} : memref<9x2560xf32, #tpu.memory_space<vmem>>, vector<16xf32>,
        %mul3A_457 = arith.mulf %get3A_456, %gather3A_453 : vector<16xf32>
        %add3A_458 = arith.addf %add3A_431, %mul3A_457 : vector<16xf32>
        %get3A_459 = arith.index_cast %scan3A_192 : i32 to index
        %get3A_460 = arith.constant 376 : index
        %get3A_461 = tpu.vector_load %arg11[%get3A_459, %get3A_460] {strides = array<i32>} : memref<9x2560xf32, #tpu.memory_space<vmem>>, vector<16xf32>,
        %mul3A_462 = arith.mulf %get3A_461, %gather3A_453 : vector<16xf32>
        %add3A_463 = arith.addf %add3A_436, %mul3A_462 : vector<16xf32>
        %get3A_464 = arith.index_cast %scan3A_192 : i32 to index
        %get3A_465 = arith.constant 384 : index
        %get3A_466 = tpu.vector_load %arg11[%get3A_464, %get3A_465] {strides = array<i32>} : memref<9x2560xf32, #tpu.memory_space<vmem>>, vector<16xf32>,
        %mul3A_467 = arith.mulf %get3A_466, %gather3A_453 : vector<16xf32>
        %add3A_468 = arith.addf %add3A_441, %mul3A_467 : vector<16xf32>
        %broadcast_in_dim3A_469 = arith.constant 10 : i32
        %broadcast_in_dim3A_470 = vector.broadcast %broadcast_in_dim3A_469 : i32 to vector<16xi32>
        %lt3A_471 = arith.constant 0 : i32
        %lt3A_472 = vector.broadcast %lt3A_471 : i32 to vector<16xi32>
        %lt3A_473 = arith.cmpi slt, %broadcast_in_dim3A_470, %lt3A_472 : vector<16xi32>
        %add3A_474 = arith.constant 16 : i32
        %add3A_475 = vector.broadcast %add3A_474 : i32 to vector<16xi32>
        %add3A_476 = arith.addi %broadcast_in_dim3A_470, %add3A_475 : vector<16xi32>
        %select_n3A_477 = arith.select %lt3A_473, %add3A_476, %broadcast_in_dim3A_470 : vector<16xi1>, vector<16xi32>
        %broadcast_in_dim3A_478 = vector.shape_cast %select_n3A_477 : vector<16xi32> to vector<16x1xi32>
        %gather3A_479 = vector.shape_cast %broadcast_in_dim3A_478 : vector<16x1xi32> to vector<16xi32>
        %gather3A_480 = tpu.dynamic_gather %get3A_198[%gather3A_479] in [0] : vector<16xf32>, vector<16xi32> -> vector<16xf32>
        %get3A_481 = arith.index_cast %scan3A_192 : i32 to index
        %get3A_482 = arith.constant 400 : index
        %get3A_483 = tpu.vector_load %arg11[%get3A_481, %get3A_482] {strides = array<i32>} : memref<9x2560xf32, #tpu.memory_space<vmem>>, vector<16xf32>,
        %mul3A_484 = arith.mulf %get3A_483, %gather3A_480 : vector<16xf32>
        %add3A_485 = arith.addf %add3A_458, %mul3A_484 : vector<16xf32>
        %get3A_486 = arith.index_cast %scan3A_192 : i32 to index
        %get3A_487 = arith.constant 416 : index
        %get3A_488 = tpu.vector_load %arg11[%get3A_486, %get3A_487] {strides = array<i32>} : memref<9x2560xf32, #tpu.memory_space<vmem>>, vector<16xf32>,
        %mul3A_489 = arith.mulf %get3A_488, %gather3A_480 : vector<16xf32>
        %add3A_490 = arith.addf %add3A_463, %mul3A_489 : vector<16xf32>
        %get3A_491 = arith.index_cast %scan3A_192 : i32 to index
        %get3A_492 = arith.constant 424 : index
        %get3A_493 = tpu.vector_load %arg11[%get3A_491, %get3A_492] {strides = array<i32>} : memref<9x2560xf32, #tpu.memory_space<vmem>>, vector<16xf32>,
        %mul3A_494 = arith.mulf %get3A_493, %gather3A_480 : vector<16xf32>
        %add3A_495 = arith.addf %add3A_468, %mul3A_494 : vector<16xf32>
        %broadcast_in_dim3A_496 = arith.constant 11 : i32
        %broadcast_in_dim3A_497 = vector.broadcast %broadcast_in_dim3A_496 : i32 to vector<16xi32>
        %lt3A_498 = arith.constant 0 : i32
        %lt3A_499 = vector.broadcast %lt3A_498 : i32 to vector<16xi32>
        %lt3A_500 = arith.cmpi slt, %broadcast_in_dim3A_497, %lt3A_499 : vector<16xi32>
        %add3A_501 = arith.constant 16 : i32
        %add3A_502 = vector.broadcast %add3A_501 : i32 to vector<16xi32>
        %add3A_503 = arith.addi %broadcast_in_dim3A_497, %add3A_502 : vector<16xi32>
        %select_n3A_504 = arith.select %lt3A_500, %add3A_503, %broadcast_in_dim3A_497 : vector<16xi1>, vector<16xi32>
        %broadcast_in_dim3A_505 = vector.shape_cast %select_n3A_504 : vector<16xi32> to vector<16x1xi32>
        %gather3A_506 = vector.shape_cast %broadcast_in_dim3A_505 : vector<16x1xi32> to vector<16xi32>
        %gather3A_507 = tpu.dynamic_gather %get3A_198[%gather3A_506] in [0] : vector<16xf32>, vector<16xi32> -> vector<16xf32>
        %get3A_508 = arith.index_cast %scan3A_192 : i32 to index
        %get3A_509 = arith.constant 440 : index
        %get3A_510 = tpu.vector_load %arg11[%get3A_508, %get3A_509] {strides = array<i32>} : memref<9x2560xf32, #tpu.memory_space<vmem>>, vector<16xf32>,
        %mul3A_511 = arith.mulf %get3A_510, %gather3A_507 : vector<16xf32>
        %add3A_512 = arith.addf %add3A_485, %mul3A_511 : vector<16xf32>
        %get3A_513 = arith.index_cast %scan3A_192 : i32 to index
        %get3A_514 = arith.constant 456 : index
        %get3A_515 = tpu.vector_load %arg11[%get3A_513, %get3A_514] {strides = array<i32>} : memref<9x2560xf32, #tpu.memory_space<vmem>>, vector<16xf32>,
        %mul3A_516 = arith.mulf %get3A_515, %gather3A_507 : vector<16xf32>
        %add3A_517 = arith.addf %add3A_490, %mul3A_516 : vector<16xf32>
        %get3A_518 = arith.index_cast %scan3A_192 : i32 to index
        %get3A_519 = arith.constant 464 : index
        %get3A_520 = tpu.vector_load %arg11[%get3A_518, %get3A_519] {strides = array<i32>} : memref<9x2560xf32, #tpu.memory_space<vmem>>, vector<16xf32>,
        %mul3A_521 = arith.mulf %get3A_520, %gather3A_507 : vector<16xf32>
        %add3A_522 = arith.addf %add3A_495, %mul3A_521 : vector<16xf32>
        %broadcast_in_dim3A_523 = arith.constant 12 : i32
        %broadcast_in_dim3A_524 = vector.broadcast %broadcast_in_dim3A_523 : i32 to vector<16xi32>
        %lt3A_525 = arith.constant 0 : i32
        %lt3A_526 = vector.broadcast %lt3A_525 : i32 to vector<16xi32>
        %lt3A_527 = arith.cmpi slt, %broadcast_in_dim3A_524, %lt3A_526 : vector<16xi32>
        %add3A_528 = arith.constant 16 : i32
        %add3A_529 = vector.broadcast %add3A_528 : i32 to vector<16xi32>
        %add3A_530 = arith.addi %broadcast_in_dim3A_524, %add3A_529 : vector<16xi32>
        %select_n3A_531 = arith.select %lt3A_527, %add3A_530, %broadcast_in_dim3A_524 : vector<16xi1>, vector<16xi32>
        %broadcast_in_dim3A_532 = vector.shape_cast %select_n3A_531 : vector<16xi32> to vector<16x1xi32>
        %gather3A_533 = vector.shape_cast %broadcast_in_dim3A_532 : vector<16x1xi32> to vector<16xi32>
        %gather3A_534 = tpu.dynamic_gather %get3A_198[%gather3A_533] in [0] : vector<16xf32>, vector<16xi32> -> vector<16xf32>
        %get3A_535 = arith.index_cast %scan3A_192 : i32 to index
        %get3A_536 = arith.constant 480 : index
        %get3A_537 = tpu.vector_load %arg11[%get3A_535, %get3A_536] {strides = array<i32>} : memref<9x2560xf32, #tpu.memory_space<vmem>>, vector<16xf32>,
        %mul3A_538 = arith.mulf %get3A_537, %gather3A_534 : vector<16xf32>
        %add3A_539 = arith.addf %add3A_512, %mul3A_538 : vector<16xf32>
        %get3A_540 = arith.index_cast %scan3A_192 : i32 to index
        %get3A_541 = arith.constant 496 : index
        %get3A_542 = tpu.vector_load %arg11[%get3A_540, %get3A_541] {strides = array<i32>} : memref<9x2560xf32, #tpu.memory_space<vmem>>, vector<16xf32>,
        %mul3A_543 = arith.mulf %get3A_542, %gather3A_534 : vector<16xf32>
        %add3A_544 = arith.addf %add3A_517, %mul3A_543 : vector<16xf32>
        %get3A_545 = arith.index_cast %scan3A_192 : i32 to index
        %get3A_546 = arith.constant 504 : index
        %get3A_547 = tpu.vector_load %arg11[%get3A_545, %get3A_546] {strides = array<i32>} : memref<9x2560xf32, #tpu.memory_space<vmem>>, vector<16xf32>,
        %mul3A_548 = arith.mulf %get3A_547, %gather3A_534 : vector<16xf32>
        %add3A_549 = arith.addf %add3A_522, %mul3A_548 : vector<16xf32>
        %broadcast_in_dim3A_550 = arith.constant 13 : i32
        %broadcast_in_dim3A_551 = vector.broadcast %broadcast_in_dim3A_550 : i32 to vector<16xi32>
        %lt3A_552 = arith.constant 0 : i32
        %lt3A_553 = vector.broadcast %lt3A_552 : i32 to vector<16xi32>
        %lt3A_554 = arith.cmpi slt, %broadcast_in_dim3A_551, %lt3A_553 : vector<16xi32>
        %add3A_555 = arith.constant 16 : i32
        %add3A_556 = vector.broadcast %add3A_555 : i32 to vector<16xi32>
        %add3A_557 = arith.addi %broadcast_in_dim3A_551, %add3A_556 : vector<16xi32>
        %select_n3A_558 = arith.select %lt3A_554, %add3A_557, %broadcast_in_dim3A_551 : vector<16xi1>, vector<16xi32>
        %broadcast_in_dim3A_559 = vector.shape_cast %select_n3A_558 : vector<16xi32> to vector<16x1xi32>
        %gather3A_560 = vector.shape_cast %broadcast_in_dim3A_559 : vector<16x1xi32> to vector<16xi32>
        %gather3A_561 = tpu.dynamic_gather %get3A_198[%gather3A_560] in [0] : vector<16xf32>, vector<16xi32> -> vector<16xf32>
        %get3A_562 = arith.index_cast %scan3A_192 : i32 to index
        %get3A_563 = arith.constant 520 : index
        %get3A_564 = tpu.vector_load %arg11[%get3A_562, %get3A_563] {strides = array<i32>} : memref<9x2560xf32, #tpu.memory_space<vmem>>, vector<16xf32>,
        %mul3A_565 = arith.mulf %get3A_564, %gather3A_561 : vector<16xf32>
        %add3A_566 = arith.addf %add3A_539, %mul3A_565 : vector<16xf32>
        %get3A_567 = arith.index_cast %scan3A_192 : i32 to index
        %get3A_568 = arith.constant 536 : index
        %get3A_569 = tpu.vector_load %arg11[%get3A_567, %get3A_568] {strides = array<i32>} : memref<9x2560xf32, #tpu.memory_space<vmem>>, vector<16xf32>,
        %mul3A_570 = arith.mulf %get3A_569, %gather3A_561 : vector<16xf32>
        %add3A_571 = arith.addf %add3A_544, %mul3A_570 : vector<16xf32>
        %get3A_572 = arith.index_cast %scan3A_192 : i32 to index
        %get3A_573 = arith.constant 544 : index
        %get3A_574 = tpu.vector_load %arg11[%get3A_572, %get3A_573] {strides = array<i32>} : memref<9x2560xf32, #tpu.memory_space<vmem>>, vector<16xf32>,
        %mul3A_575 = arith.mulf %get3A_574, %gather3A_561 : vector<16xf32>
        %add3A_576 = arith.addf %add3A_549, %mul3A_575 : vector<16xf32>
        %broadcast_in_dim3A_577 = arith.constant 14 : i32
        %broadcast_in_dim3A_578 = vector.broadcast %broadcast_in_dim3A_577 : i32 to vector<16xi32>
        %lt3A_579 = arith.constant 0 : i32
        %lt3A_580 = vector.broadcast %lt3A_579 : i32 to vector<16xi32>
        %lt3A_581 = arith.cmpi slt, %broadcast_in_dim3A_578, %lt3A_580 : vector<16xi32>
        %add3A_582 = arith.constant 16 : i32
        %add3A_583 = vector.broadcast %add3A_582 : i32 to vector<16xi32>
        %add3A_584 = arith.addi %broadcast_in_dim3A_578, %add3A_583 : vector<16xi32>
        %select_n3A_585 = arith.select %lt3A_581, %add3A_584, %broadcast_in_dim3A_578 : vector<16xi1>, vector<16xi32>
        %broadcast_in_dim3A_586 = vector.shape_cast %select_n3A_585 : vector<16xi32> to vector<16x1xi32>
        %gather3A_587 = vector.shape_cast %broadcast_in_dim3A_586 : vector<16x1xi32> to vector<16xi32>
        %gather3A_588 = tpu.dynamic_gather %get3A_198[%gather3A_587] in [0] : vector<16xf32>, vector<16xi32> -> vector<16xf32>
        %get3A_589 = arith.index_cast %scan3A_192 : i32 to index
        %get3A_590 = arith.constant 560 : index
        %get3A_591 = tpu.vector_load %arg11[%get3A_589, %get3A_590] {strides = array<i32>} : memref<9x2560xf32, #tpu.memory_space<vmem>>, vector<16xf32>,
        %mul3A_592 = arith.mulf %get3A_591, %gather3A_588 : vector<16xf32>
        %add3A_593 = arith.addf %add3A_566, %mul3A_592 : vector<16xf32>
        %get3A_594 = arith.index_cast %scan3A_192 : i32 to index
        %get3A_595 = arith.constant 576 : index
        %get3A_596 = tpu.vector_load %arg11[%get3A_594, %get3A_595] {strides = array<i32>} : memref<9x2560xf32, #tpu.memory_space<vmem>>, vector<16xf32>,
        %mul3A_597 = arith.mulf %get3A_596, %gather3A_588 : vector<16xf32>
        %add3A_598 = arith.addf %add3A_571, %mul3A_597 : vector<16xf32>
        %get3A_599 = arith.index_cast %scan3A_192 : i32 to index
        %get3A_600 = arith.constant 584 : index
        %get3A_601 = tpu.vector_load %arg11[%get3A_599, %get3A_600] {strides = array<i32>} : memref<9x2560xf32, #tpu.memory_space<vmem>>, vector<16xf32>,
        %mul3A_602 = arith.mulf %get3A_601, %gather3A_588 : vector<16xf32>
        %add3A_603 = arith.addf %add3A_576, %mul3A_602 : vector<16xf32>
        %broadcast_in_dim3A_604 = arith.constant 15 : i32
        %broadcast_in_dim3A_605 = vector.broadcast %broadcast_in_dim3A_604 : i32 to vector<16xi32>
        %lt3A_606 = arith.constant 0 : i32
        %lt3A_607 = vector.broadcast %lt3A_606 : i32 to vector<16xi32>
        %lt3A_608 = arith.cmpi slt, %broadcast_in_dim3A_605, %lt3A_607 : vector<16xi32>
        %add3A_609 = arith.constant 16 : i32
        %add3A_610 = vector.broadcast %add3A_609 : i32 to vector<16xi32>
        %add3A_611 = arith.addi %broadcast_in_dim3A_605, %add3A_610 : vector<16xi32>
        %select_n3A_612 = arith.select %lt3A_608, %add3A_611, %broadcast_in_dim3A_605 : vector<16xi1>, vector<16xi32>
        %broadcast_in_dim3A_613 = vector.shape_cast %select_n3A_612 : vector<16xi32> to vector<16x1xi32>
        %gather3A_614 = vector.shape_cast %broadcast_in_dim3A_613 : vector<16x1xi32> to vector<16xi32>
        %gather3A_615 = tpu.dynamic_gather %get3A_198[%gather3A_614] in [0] : vector<16xf32>, vector<16xi32> -> vector<16xf32>
        %get3A_616 = arith.index_cast %scan3A_192 : i32 to index
        %get3A_617 = arith.constant 600 : index
        %get3A_618 = tpu.vector_load %arg11[%get3A_616, %get3A_617] {strides = array<i32>} : memref<9x2560xf32, #tpu.memory_space<vmem>>, vector<16xf32>,
        %mul3A_619 = arith.mulf %get3A_618, %gather3A_615 : vector<16xf32>
        %add3A_620 = arith.addf %add3A_593, %mul3A_619 : vector<16xf32>
        %get3A_621 = arith.index_cast %scan3A_192 : i32 to index
        %get3A_622 = arith.constant 616 : index
        %get3A_623 = tpu.vector_load %arg11[%get3A_621, %get3A_622] {strides = array<i32>} : memref<9x2560xf32, #tpu.memory_space<vmem>>, vector<16xf32>,
        %mul3A_624 = arith.mulf %get3A_623, %gather3A_615 : vector<16xf32>
        %add3A_625 = arith.addf %add3A_598, %mul3A_624 : vector<16xf32>
        %get3A_626 = arith.index_cast %scan3A_192 : i32 to index
        %get3A_627 = arith.constant 624 : index
        %get3A_628 = tpu.vector_load %arg11[%get3A_626, %get3A_627] {strides = array<i32>} : memref<9x2560xf32, #tpu.memory_space<vmem>>, vector<16xf32>,
        %mul3A_629 = arith.mulf %get3A_628, %gather3A_615 : vector<16xf32>
        %add3A_630 = arith.addf %add3A_603, %mul3A_629 : vector<16xf32>
        %get3A_631 = arith.index_cast %add3A_110 : i32 to index
        %get3A_632 = arith.constant 16 : index
        %get3A_633 = tpu.vector_load %arg9[%get3A_631, %get3A_632] {strides = array<i32>} : memref<128x64xf32, #tpu.memory_space<vmem>>, vector<16xf32>,
        %broadcast_in_dim3A_634 = arith.constant 0 : i32
        %broadcast_in_dim3A_635 = vector.broadcast %broadcast_in_dim3A_634 : i32 to vector<16xi32>
        %lt3A_636 = arith.constant 0 : i32
        %lt3A_637 = vector.broadcast %lt3A_636 : i32 to vector<16xi32>
        %lt3A_638 = arith.cmpi slt, %broadcast_in_dim3A_635, %lt3A_637 : vector<16xi32>
        %add3A_639 = arith.constant 16 : i32
        %add3A_640 = vector.broadcast %add3A_639 : i32 to vector<16xi32>
        %add3A_641 = arith.addi %broadcast_in_dim3A_635, %add3A_640 : vector<16xi32>
        %select_n3A_642 = arith.select %lt3A_638, %add3A_641, %broadcast_in_dim3A_635 : vector<16xi1>, vector<16xi32>
        %broadcast_in_dim3A_643 = vector.shape_cast %select_n3A_642 : vector<16xi32> to vector<16x1xi32>
        %gather3A_644 = vector.shape_cast %broadcast_in_dim3A_643 : vector<16x1xi32> to vector<16xi32>
        %gather3A_645 = tpu.dynamic_gather %get3A_633[%gather3A_644] in [0] : vector<16xf32>, vector<16xi32> -> vector<16xf32>
        %get3A_646 = arith.index_cast %scan3A_192 : i32 to index
        %get3A_647 = arith.constant 640 : index
        %get3A_648 = tpu.vector_load %arg11[%get3A_646, %get3A_647] {strides = array<i32>} : memref<9x2560xf32, #tpu.memory_space<vmem>>, vector<16xf32>,
        %mul3A_649 = arith.mulf %get3A_648, %gather3A_645 : vector<16xf32>
        %add3A_650 = arith.addf %add3A_620, %mul3A_649 : vector<16xf32>
        %get3A_651 = arith.index_cast %scan3A_192 : i32 to index
        %get3A_652 = arith.constant 656 : index
        %get3A_653 = tpu.vector_load %arg11[%get3A_651, %get3A_652] {strides = array<i32>} : memref<9x2560xf32, #tpu.memory_space<vmem>>, vector<16xf32>,
        %mul3A_654 = arith.mulf %get3A_653, %gather3A_645 : vector<16xf32>
        %add3A_655 = arith.addf %add3A_625, %mul3A_654 : vector<16xf32>
        %get3A_656 = arith.index_cast %scan3A_192 : i32 to index
        %get3A_657 = arith.constant 664 : index
        %get3A_658 = tpu.vector_load %arg11[%get3A_656, %get3A_657] {strides = array<i32>} : memref<9x2560xf32, #tpu.memory_space<vmem>>, vector<16xf32>,
        %mul3A_659 = arith.mulf %get3A_658, %gather3A_645 : vector<16xf32>
        %add3A_660 = arith.addf %add3A_630, %mul3A_659 : vector<16xf32>
        %broadcast_in_dim3A_661 = arith.constant 1 : i32
        %broadcast_in_dim3A_662 = vector.broadcast %broadcast_in_dim3A_661 : i32 to vector<16xi32>
        %lt3A_663 = arith.constant 0 : i32
        %lt3A_664 = vector.broadcast %lt3A_663 : i32 to vector<16xi32>
        %lt3A_665 = arith.cmpi slt, %broadcast_in_dim3A_662, %lt3A_664 : vector<16xi32>
        %add3A_666 = arith.constant 16 : i32
        %add3A_667 = vector.broadcast %add3A_666 : i32 to vector<16xi32>
        %add3A_668 = arith.addi %broadcast_in_dim3A_662, %add3A_667 : vector<16xi32>
        %select_n3A_669 = arith.select %lt3A_665, %add3A_668, %broadcast_in_dim3A_662 : vector<16xi1>, vector<16xi32>
        %broadcast_in_dim3A_670 = vector.shape_cast %select_n3A_669 : vector<16xi32> to vector<16x1xi32>
        %gather3A_671 = vector.shape_cast %broadcast_in_dim3A_670 : vector<16x1xi32> to vector<16xi32>
        %gather3A_672 = tpu.dynamic_gather %get3A_633[%gather3A_671] in [0] : vector<16xf32>, vector<16xi32> -> vector<16xf32>
        %get3A_673 = arith.index_cast %scan3A_192 : i32 to index
        %get3A_674 = arith.constant 680 : index
        %get3A_675 = tpu.vector_load %arg11[%get3A_673, %get3A_674] {strides = array<i32>} : memref<9x2560xf32, #tpu.memory_space<vmem>>, vector<16xf32>,
        %mul3A_676 = arith.mulf %get3A_675, %gather3A_672 : vector<16xf32>
        %add3A_677 = arith.addf %add3A_650, %mul3A_676 : vector<16xf32>
        %get3A_678 = arith.index_cast %scan3A_192 : i32 to index
        %get3A_679 = arith.constant 696 : index
        %get3A_680 = tpu.vector_load %arg11[%get3A_678, %get3A_679] {strides = array<i32>} : memref<9x2560xf32, #tpu.memory_space<vmem>>, vector<16xf32>,
        %mul3A_681 = arith.mulf %get3A_680, %gather3A_672 : vector<16xf32>
        %add3A_682 = arith.addf %add3A_655, %mul3A_681 : vector<16xf32>
        %get3A_683 = arith.index_cast %scan3A_192 : i32 to index
        %get3A_684 = arith.constant 704 : index
        %get3A_685 = tpu.vector_load %arg11[%get3A_683, %get3A_684] {strides = array<i32>} : memref<9x2560xf32, #tpu.memory_space<vmem>>, vector<16xf32>,
        %mul3A_686 = arith.mulf %get3A_685, %gather3A_672 : vector<16xf32>
        %add3A_687 = arith.addf %add3A_660, %mul3A_686 : vector<16xf32>
        %broadcast_in_dim3A_688 = arith.constant 2 : i32
        %broadcast_in_dim3A_689 = vector.broadcast %broadcast_in_dim3A_688 : i32 to vector<16xi32>
        %lt3A_690 = arith.constant 0 : i32
        %lt3A_691 = vector.broadcast %lt3A_690 : i32 to vector<16xi32>
        %lt3A_692 = arith.cmpi slt, %broadcast_in_dim3A_689, %lt3A_691 : vector<16xi32>
        %add3A_693 = arith.constant 16 : i32
        %add3A_694 = vector.broadcast %add3A_693 : i32 to vector<16xi32>
        %add3A_695 = arith.addi %broadcast_in_dim3A_689, %add3A_694 : vector<16xi32>
        %select_n3A_696 = arith.select %lt3A_692, %add3A_695, %broadcast_in_dim3A_689 : vector<16xi1>, vector<16xi32>
        %broadcast_in_dim3A_697 = vector.shape_cast %select_n3A_696 : vector<16xi32> to vector<16x1xi32>
        %gather3A_698 = vector.shape_cast %broadcast_in_dim3A_697 : vector<16x1xi32> to vector<16xi32>
        %gather3A_699 = tpu.dynamic_gather %get3A_633[%gather3A_698] in [0] : vector<16xf32>, vector<16xi32> -> vector<16xf32>
        %get3A_700 = arith.index_cast %scan3A_192 : i32 to index
        %get3A_701 = arith.constant 720 : index
        %get3A_702 = tpu.vector_load %arg11[%get3A_700, %get3A_701] {strides = array<i32>} : memref<9x2560xf32, #tpu.memory_space<vmem>>, vector<16xf32>,
        %mul3A_703 = arith.mulf %get3A_702, %gather3A_699 : vector<16xf32>
        %add3A_704 = arith.addf %add3A_677, %mul3A_703 : vector<16xf32>
        %get3A_705 = arith.index_cast %scan3A_192 : i32 to index
        %get3A_706 = arith.constant 736 : index
        %get3A_707 = tpu.vector_load %arg11[%get3A_705, %get3A_706] {strides = array<i32>} : memref<9x2560xf32, #tpu.memory_space<vmem>>, vector<16xf32>,
        %mul3A_708 = arith.mulf %get3A_707, %gather3A_699 : vector<16xf32>
        %add3A_709 = arith.addf %add3A_682, %mul3A_708 : vector<16xf32>
        %get3A_710 = arith.index_cast %scan3A_192 : i32 to index
        %get3A_711 = arith.constant 744 : index
        %get3A_712 = tpu.vector_load %arg11[%get3A_710, %get3A_711] {strides = array<i32>} : memref<9x2560xf32, #tpu.memory_space<vmem>>, vector<16xf32>,
        %mul3A_713 = arith.mulf %get3A_712, %gather3A_699 : vector<16xf32>
        %add3A_714 = arith.addf %add3A_687, %mul3A_713 : vector<16xf32>
        %broadcast_in_dim3A_715 = arith.constant 3 : i32
        %broadcast_in_dim3A_716 = vector.broadcast %broadcast_in_dim3A_715 : i32 to vector<16xi32>
        %lt3A_717 = arith.constant 0 : i32
        %lt3A_718 = vector.broadcast %lt3A_717 : i32 to vector<16xi32>
        %lt3A_719 = arith.cmpi slt, %broadcast_in_dim3A_716, %lt3A_718 : vector<16xi32>
        %add3A_720 = arith.constant 16 : i32
        %add3A_721 = vector.broadcast %add3A_720 : i32 to vector<16xi32>
        %add3A_722 = arith.addi %broadcast_in_dim3A_716, %add3A_721 : vector<16xi32>
        %select_n3A_723 = arith.select %lt3A_719, %add3A_722, %broadcast_in_dim3A_716 : vector<16xi1>, vector<16xi32>
        %broadcast_in_dim3A_724 = vector.shape_cast %select_n3A_723 : vector<16xi32> to vector<16x1xi32>
        %gather3A_725 = vector.shape_cast %broadcast_in_dim3A_724 : vector<16x1xi32> to vector<16xi32>
        %gather3A_726 = tpu.dynamic_gather %get3A_633[%gather3A_725] in [0] : vector<16xf32>, vector<16xi32> -> vector<16xf32>
        %get3A_727 = arith.index_cast %scan3A_192 : i32 to index
        %get3A_728 = arith.constant 760 : index
        %get3A_729 = tpu.vector_load %arg11[%get3A_727, %get3A_728] {strides = array<i32>} : memref<9x2560xf32, #tpu.memory_space<vmem>>, vector<16xf32>,
        %mul3A_730 = arith.mulf %get3A_729, %gather3A_726 : vector<16xf32>
        %add3A_731 = arith.addf %add3A_704, %mul3A_730 : vector<16xf32>
        %get3A_732 = arith.index_cast %scan3A_192 : i32 to index
        %get3A_733 = arith.constant 776 : index
        %get3A_734 = tpu.vector_load %arg11[%get3A_732, %get3A_733] {strides = array<i32>} : memref<9x2560xf32, #tpu.memory_space<vmem>>, vector<16xf32>,
        %mul3A_735 = arith.mulf %get3A_734, %gather3A_726 : vector<16xf32>
        %add3A_736 = arith.addf %add3A_709, %mul3A_735 : vector<16xf32>
        %get3A_737 = arith.index_cast %scan3A_192 : i32 to index
        %get3A_738 = arith.constant 784 : index
        %get3A_739 = tpu.vector_load %arg11[%get3A_737, %get3A_738] {strides = array<i32>} : memref<9x2560xf32, #tpu.memory_space<vmem>>, vector<16xf32>,
        %mul3A_740 = arith.mulf %get3A_739, %gather3A_726 : vector<16xf32>
        %add3A_741 = arith.addf %add3A_714, %mul3A_740 : vector<16xf32>
        %broadcast_in_dim3A_742 = arith.constant 4 : i32
        %broadcast_in_dim3A_743 = vector.broadcast %broadcast_in_dim3A_742 : i32 to vector<16xi32>
        %lt3A_744 = arith.constant 0 : i32
        %lt3A_745 = vector.broadcast %lt3A_744 : i32 to vector<16xi32>
        %lt3A_746 = arith.cmpi slt, %broadcast_in_dim3A_743, %lt3A_745 : vector<16xi32>
        %add3A_747 = arith.constant 16 : i32
        %add3A_748 = vector.broadcast %add3A_747 : i32 to vector<16xi32>
        %add3A_749 = arith.addi %broadcast_in_dim3A_743, %add3A_748 : vector<16xi32>
        %select_n3A_750 = arith.select %lt3A_746, %add3A_749, %broadcast_in_dim3A_743 : vector<16xi1>, vector<16xi32>
        %broadcast_in_dim3A_751 = vector.shape_cast %select_n3A_750 : vector<16xi32> to vector<16x1xi32>
        %gather3A_752 = vector.shape_cast %broadcast_in_dim3A_751 : vector<16x1xi32> to vector<16xi32>
        %gather3A_753 = tpu.dynamic_gather %get3A_633[%gather3A_752] in [0] : vector<16xf32>, vector<16xi32> -> vector<16xf32>
        %get3A_754 = arith.index_cast %scan3A_192 : i32 to index
        %get3A_755 = arith.constant 800 : index
        %get3A_756 = tpu.vector_load %arg11[%get3A_754, %get3A_755] {strides = array<i32>} : memref<9x2560xf32, #tpu.memory_space<vmem>>, vector<16xf32>,
        %mul3A_757 = arith.mulf %get3A_756, %gather3A_753 : vector<16xf32>
        %add3A_758 = arith.addf %add3A_731, %mul3A_757 : vector<16xf32>
        %get3A_759 = arith.index_cast %scan3A_192 : i32 to index
        %get3A_760 = arith.constant 816 : index
        %get3A_761 = tpu.vector_load %arg11[%get3A_759, %get3A_760] {strides = array<i32>} : memref<9x2560xf32, #tpu.memory_space<vmem>>, vector<16xf32>,
        %mul3A_762 = arith.mulf %get3A_761, %gather3A_753 : vector<16xf32>
        %add3A_763 = arith.addf %add3A_736, %mul3A_762 : vector<16xf32>
        %get3A_764 = arith.index_cast %scan3A_192 : i32 to index
        %get3A_765 = arith.constant 824 : index
        %get3A_766 = tpu.vector_load %arg11[%get3A_764, %get3A_765] {strides = array<i32>} : memref<9x2560xf32, #tpu.memory_space<vmem>>, vector<16xf32>,
        %mul3A_767 = arith.mulf %get3A_766, %gather3A_753 : vector<16xf32>
        %add3A_768 = arith.addf %add3A_741, %mul3A_767 : vector<16xf32>
        %broadcast_in_dim3A_769 = arith.constant 5 : i32
        %broadcast_in_dim3A_770 = vector.broadcast %broadcast_in_dim3A_769 : i32 to vector<16xi32>
        %lt3A_771 = arith.constant 0 : i32
        %lt3A_772 = vector.broadcast %lt3A_771 : i32 to vector<16xi32>
        %lt3A_773 = arith.cmpi slt, %broadcast_in_dim3A_770, %lt3A_772 : vector<16xi32>
        %add3A_774 = arith.constant 16 : i32
        %add3A_775 = vector.broadcast %add3A_774 : i32 to vector<16xi32>
        %add3A_776 = arith.addi %broadcast_in_dim3A_770, %add3A_775 : vector<16xi32>
        %select_n3A_777 = arith.select %lt3A_773, %add3A_776, %broadcast_in_dim3A_770 : vector<16xi1>, vector<16xi32>
        %broadcast_in_dim3A_778 = vector.shape_cast %select_n3A_777 : vector<16xi32> to vector<16x1xi32>
        %gather3A_779 = vector.shape_cast %broadcast_in_dim3A_778 : vector<16x1xi32> to vector<16xi32>
        %gather3A_780 = tpu.dynamic_gather %get3A_633[%gather3A_779] in [0] : vector<16xf32>, vector<16xi32> -> vector<16xf32>
        %get3A_781 = arith.index_cast %scan3A_192 : i32 to index
        %get3A_782 = arith.constant 840 : index
        %get3A_783 = tpu.vector_load %arg11[%get3A_781, %get3A_782] {strides = array<i32>} : memref<9x2560xf32, #tpu.memory_space<vmem>>, vector<16xf32>,
        %mul3A_784 = arith.mulf %get3A_783, %gather3A_780 : vector<16xf32>
        %add3A_785 = arith.addf %add3A_758, %mul3A_784 : vector<16xf32>
        %get3A_786 = arith.index_cast %scan3A_192 : i32 to index
        %get3A_787 = arith.constant 856 : index
        %get3A_788 = tpu.vector_load %arg11[%get3A_786, %get3A_787] {strides = array<i32>} : memref<9x2560xf32, #tpu.memory_space<vmem>>, vector<16xf32>,
        %mul3A_789 = arith.mulf %get3A_788, %gather3A_780 : vector<16xf32>
        %add3A_790 = arith.addf %add3A_763, %mul3A_789 : vector<16xf32>
        %get3A_791 = arith.index_cast %scan3A_192 : i32 to index
        %get3A_792 = arith.constant 864 : index
        %get3A_793 = tpu.vector_load %arg11[%get3A_791, %get3A_792] {strides = array<i32>} : memref<9x2560xf32, #tpu.memory_space<vmem>>, vector<16xf32>,
        %mul3A_794 = arith.mulf %get3A_793, %gather3A_780 : vector<16xf32>
        %add3A_795 = arith.addf %add3A_768, %mul3A_794 : vector<16xf32>
        %broadcast_in_dim3A_796 = arith.constant 6 : i32
        %broadcast_in_dim3A_797 = vector.broadcast %broadcast_in_dim3A_796 : i32 to vector<16xi32>
        %lt3A_798 = arith.constant 0 : i32
        %lt3A_799 = vector.broadcast %lt3A_798 : i32 to vector<16xi32>
        %lt3A_800 = arith.cmpi slt, %broadcast_in_dim3A_797, %lt3A_799 : vector<16xi32>
        %add3A_801 = arith.constant 16 : i32
        %add3A_802 = vector.broadcast %add3A_801 : i32 to vector<16xi32>
        %add3A_803 = arith.addi %broadcast_in_dim3A_797, %add3A_802 : vector<16xi32>
        %select_n3A_804 = arith.select %lt3A_800, %add3A_803, %broadcast_in_dim3A_797 : vector<16xi1>, vector<16xi32>
        %broadcast_in_dim3A_805 = vector.shape_cast %select_n3A_804 : vector<16xi32> to vector<16x1xi32>
        %gather3A_806 = vector.shape_cast %broadcast_in_dim3A_805 : vector<16x1xi32> to vector<16xi32>
        %gather3A_807 = tpu.dynamic_gather %get3A_633[%gather3A_806] in [0] : vector<16xf32>, vector<16xi32> -> vector<16xf32>
        %get3A_808 = arith.index_cast %scan3A_192 : i32 to index
        %get3A_809 = arith.constant 880 : index
        %get3A_810 = tpu.vector_load %arg11[%get3A_808, %get3A_809] {strides = array<i32>} : memref<9x2560xf32, #tpu.memory_space<vmem>>, vector<16xf32>,
        %mul3A_811 = arith.mulf %get3A_810, %gather3A_807 : vector<16xf32>
        %add3A_812 = arith.addf %add3A_785, %mul3A_811 : vector<16xf32>
        %get3A_813 = arith.index_cast %scan3A_192 : i32 to index
        %get3A_814 = arith.constant 896 : index
        %get3A_815 = tpu.vector_load %arg11[%get3A_813, %get3A_814] {strides = array<i32>} : memref<9x2560xf32, #tpu.memory_space<vmem>>, vector<16xf32>,
        %mul3A_816 = arith.mulf %get3A_815, %gather3A_807 : vector<16xf32>
        %add3A_817 = arith.addf %add3A_790, %mul3A_816 : vector<16xf32>
        %get3A_818 = arith.index_cast %scan3A_192 : i32 to index
        %get3A_819 = arith.constant 904 : index
        %get3A_820 = tpu.vector_load %arg11[%get3A_818, %get3A_819] {strides = array<i32>} : memref<9x2560xf32, #tpu.memory_space<vmem>>, vector<16xf32>,
        %mul3A_821 = arith.mulf %get3A_820, %gather3A_807 : vector<16xf32>
        %add3A_822 = arith.addf %add3A_795, %mul3A_821 : vector<16xf32>
        %broadcast_in_dim3A_823 = arith.constant 7 : i32
        %broadcast_in_dim3A_824 = vector.broadcast %broadcast_in_dim3A_823 : i32 to vector<16xi32>
        %lt3A_825 = arith.constant 0 : i32
        %lt3A_826 = vector.broadcast %lt3A_825 : i32 to vector<16xi32>
        %lt3A_827 = arith.cmpi slt, %broadcast_in_dim3A_824, %lt3A_826 : vector<16xi32>
        %add3A_828 = arith.constant 16 : i32
        %add3A_829 = vector.broadcast %add3A_828 : i32 to vector<16xi32>
        %add3A_830 = arith.addi %broadcast_in_dim3A_824, %add3A_829 : vector<16xi32>
        %select_n3A_831 = arith.select %lt3A_827, %add3A_830, %broadcast_in_dim3A_824 : vector<16xi1>, vector<16xi32>
        %broadcast_in_dim3A_832 = vector.shape_cast %select_n3A_831 : vector<16xi32> to vector<16x1xi32>
        %gather3A_833 = vector.shape_cast %broadcast_in_dim3A_832 : vector<16x1xi32> to vector<16xi32>
        %gather3A_834 = tpu.dynamic_gather %get3A_633[%gather3A_833] in [0] : vector<16xf32>, vector<16xi32> -> vector<16xf32>
        %get3A_835 = arith.index_cast %scan3A_192 : i32 to index
        %get3A_836 = arith.constant 920 : index
        %get3A_837 = tpu.vector_load %arg11[%get3A_835, %get3A_836] {strides = array<i32>} : memref<9x2560xf32, #tpu.memory_space<vmem>>, vector<16xf32>,
        %mul3A_838 = arith.mulf %get3A_837, %gather3A_834 : vector<16xf32>
        %add3A_839 = arith.addf %add3A_812, %mul3A_838 : vector<16xf32>
        %get3A_840 = arith.index_cast %scan3A_192 : i32 to index
        %get3A_841 = arith.constant 936 : index
        %get3A_842 = tpu.vector_load %arg11[%get3A_840, %get3A_841] {strides = array<i32>} : memref<9x2560xf32, #tpu.memory_space<vmem>>, vector<16xf32>,
        %mul3A_843 = arith.mulf %get3A_842, %gather3A_834 : vector<16xf32>
        %add3A_844 = arith.addf %add3A_817, %mul3A_843 : vector<16xf32>
        %get3A_845 = arith.index_cast %scan3A_192 : i32 to index
        %get3A_846 = arith.constant 944 : index
        %get3A_847 = tpu.vector_load %arg11[%get3A_845, %get3A_846] {strides = array<i32>} : memref<9x2560xf32, #tpu.memory_space<vmem>>, vector<16xf32>,
        %mul3A_848 = arith.mulf %get3A_847, %gather3A_834 : vector<16xf32>
        %add3A_849 = arith.addf %add3A_822, %mul3A_848 : vector<16xf32>
        %broadcast_in_dim3A_850 = arith.constant 8 : i32
        %broadcast_in_dim3A_851 = vector.broadcast %broadcast_in_dim3A_850 : i32 to vector<16xi32>
        %lt3A_852 = arith.constant 0 : i32
        %lt3A_853 = vector.broadcast %lt3A_852 : i32 to vector<16xi32>
        %lt3A_854 = arith.cmpi slt, %broadcast_in_dim3A_851, %lt3A_853 : vector<16xi32>
        %add3A_855 = arith.constant 16 : i32
        %add3A_856 = vector.broadcast %add3A_855 : i32 to vector<16xi32>
        %add3A_857 = arith.addi %broadcast_in_dim3A_851, %add3A_856 : vector<16xi32>
        %select_n3A_858 = arith.select %lt3A_854, %add3A_857, %broadcast_in_dim3A_851 : vector<16xi1>, vector<16xi32>
        %broadcast_in_dim3A_859 = vector.shape_cast %select_n3A_858 : vector<16xi32> to vector<16x1xi32>
        %gather3A_860 = vector.shape_cast %broadcast_in_dim3A_859 : vector<16x1xi32> to vector<16xi32>
        %gather3A_861 = tpu.dynamic_gather %get3A_633[%gather3A_860] in [0] : vector<16xf32>, vector<16xi32> -> vector<16xf32>
        %get3A_862 = arith.index_cast %scan3A_192 : i32 to index
        %get3A_863 = arith.constant 960 : index
        %get3A_864 = tpu.vector_load %arg11[%get3A_862, %get3A_863] {strides = array<i32>} : memref<9x2560xf32, #tpu.memory_space<vmem>>, vector<16xf32>,
        %mul3A_865 = arith.mulf %get3A_864, %gather3A_861 : vector<16xf32>
        %add3A_866 = arith.addf %add3A_839, %mul3A_865 : vector<16xf32>
        %get3A_867 = arith.index_cast %scan3A_192 : i32 to index
        %get3A_868 = arith.constant 976 : index
        %get3A_869 = tpu.vector_load %arg11[%get3A_867, %get3A_868] {strides = array<i32>} : memref<9x2560xf32, #tpu.memory_space<vmem>>, vector<16xf32>,
        %mul3A_870 = arith.mulf %get3A_869, %gather3A_861 : vector<16xf32>
        %add3A_871 = arith.addf %add3A_844, %mul3A_870 : vector<16xf32>
        %get3A_872 = arith.index_cast %scan3A_192 : i32 to index
        %get3A_873 = arith.constant 984 : index
        %get3A_874 = tpu.vector_load %arg11[%get3A_872, %get3A_873] {strides = array<i32>} : memref<9x2560xf32, #tpu.memory_space<vmem>>, vector<16xf32>,
        %mul3A_875 = arith.mulf %get3A_874, %gather3A_861 : vector<16xf32>
        %add3A_876 = arith.addf %add3A_849, %mul3A_875 : vector<16xf32>
        %broadcast_in_dim3A_877 = arith.constant 9 : i32
        %broadcast_in_dim3A_878 = vector.broadcast %broadcast_in_dim3A_877 : i32 to vector<16xi32>
        %lt3A_879 = arith.constant 0 : i32
        %lt3A_880 = vector.broadcast %lt3A_879 : i32 to vector<16xi32>
        %lt3A_881 = arith.cmpi slt, %broadcast_in_dim3A_878, %lt3A_880 : vector<16xi32>
        %add3A_882 = arith.constant 16 : i32
        %add3A_883 = vector.broadcast %add3A_882 : i32 to vector<16xi32>
        %add3A_884 = arith.addi %broadcast_in_dim3A_878, %add3A_883 : vector<16xi32>
        %select_n3A_885 = arith.select %lt3A_881, %add3A_884, %broadcast_in_dim3A_878 : vector<16xi1>, vector<16xi32>
        %broadcast_in_dim3A_886 = vector.shape_cast %select_n3A_885 : vector<16xi32> to vector<16x1xi32>
        %gather3A_887 = vector.shape_cast %broadcast_in_dim3A_886 : vector<16x1xi32> to vector<16xi32>
        %gather3A_888 = tpu.dynamic_gather %get3A_633[%gather3A_887] in [0] : vector<16xf32>, vector<16xi32> -> vector<16xf32>
        %get3A_889 = arith.index_cast %scan3A_192 : i32 to index
        %get3A_890 = arith.constant 1000 : index
        %get3A_891 = tpu.vector_load %arg11[%get3A_889, %get3A_890] {strides = array<i32>} : memref<9x2560xf32, #tpu.memory_space<vmem>>, vector<16xf32>,
        %mul3A_892 = arith.mulf %get3A_891, %gather3A_888 : vector<16xf32>
        %add3A_893 = arith.addf %add3A_866, %mul3A_892 : vector<16xf32>
        %get3A_894 = arith.index_cast %scan3A_192 : i32 to index
        %get3A_895 = arith.constant 1016 : index
        %get3A_896 = tpu.vector_load %arg11[%get3A_894, %get3A_895] {strides = array<i32>} : memref<9x2560xf32, #tpu.memory_space<vmem>>, vector<16xf32>,
        %mul3A_897 = arith.mulf %get3A_896, %gather3A_888 : vector<16xf32>
        %add3A_898 = arith.addf %add3A_871, %mul3A_897 : vector<16xf32>
        %get3A_899 = arith.index_cast %scan3A_192 : i32 to index
        %get3A_900 = arith.constant 1024 : index
        %get3A_901 = tpu.vector_load %arg11[%get3A_899, %get3A_900] {strides = array<i32>} : memref<9x2560xf32, #tpu.memory_space<vmem>>, vector<16xf32>,
        %mul3A_902 = arith.mulf %get3A_901, %gather3A_888 : vector<16xf32>
        %add3A_903 = arith.addf %add3A_876, %mul3A_902 : vector<16xf32>
        %broadcast_in_dim3A_904 = arith.constant 10 : i32
        %broadcast_in_dim3A_905 = vector.broadcast %broadcast_in_dim3A_904 : i32 to vector<16xi32>
        %lt3A_906 = arith.constant 0 : i32
        %lt3A_907 = vector.broadcast %lt3A_906 : i32 to vector<16xi32>
        %lt3A_908 = arith.cmpi slt, %broadcast_in_dim3A_905, %lt3A_907 : vector<16xi32>
        %add3A_909 = arith.constant 16 : i32
        %add3A_910 = vector.broadcast %add3A_909 : i32 to vector<16xi32>
        %add3A_911 = arith.addi %broadcast_in_dim3A_905, %add3A_910 : vector<16xi32>
        %select_n3A_912 = arith.select %lt3A_908, %add3A_911, %broadcast_in_dim3A_905 : vector<16xi1>, vector<16xi32>
        %broadcast_in_dim3A_913 = vector.shape_cast %select_n3A_912 : vector<16xi32> to vector<16x1xi32>
        %gather3A_914 = vector.shape_cast %broadcast_in_dim3A_913 : vector<16x1xi32> to vector<16xi32>
        %gather3A_915 = tpu.dynamic_gather %get3A_633[%gather3A_914] in [0] : vector<16xf32>, vector<16xi32> -> vector<16xf32>
        %get3A_916 = arith.index_cast %scan3A_192 : i32 to index
        %get3A_917 = arith.constant 1040 : index
        %get3A_918 = tpu.vector_load %arg11[%get3A_916, %get3A_917] {strides = array<i32>} : memref<9x2560xf32, #tpu.memory_space<vmem>>, vector<16xf32>,
        %mul3A_919 = arith.mulf %get3A_918, %gather3A_915 : vector<16xf32>
        %add3A_920 = arith.addf %add3A_893, %mul3A_919 : vector<16xf32>
        %get3A_921 = arith.index_cast %scan3A_192 : i32 to index
        %get3A_922 = arith.constant 1056 : index
        %get3A_923 = tpu.vector_load %arg11[%get3A_921, %get3A_922] {strides = array<i32>} : memref<9x2560xf32, #tpu.memory_space<vmem>>, vector<16xf32>,
        %mul3A_924 = arith.mulf %get3A_923, %gather3A_915 : vector<16xf32>
        %add3A_925 = arith.addf %add3A_898, %mul3A_924 : vector<16xf32>
        %get3A_926 = arith.index_cast %scan3A_192 : i32 to index
        %get3A_927 = arith.constant 1064 : index
        %get3A_928 = tpu.vector_load %arg11[%get3A_926, %get3A_927] {strides = array<i32>} : memref<9x2560xf32, #tpu.memory_space<vmem>>, vector<16xf32>,
        %mul3A_929 = arith.mulf %get3A_928, %gather3A_915 : vector<16xf32>
        %add3A_930 = arith.addf %add3A_903, %mul3A_929 : vector<16xf32>
        %broadcast_in_dim3A_931 = arith.constant 11 : i32
        %broadcast_in_dim3A_932 = vector.broadcast %broadcast_in_dim3A_931 : i32 to vector<16xi32>
        %lt3A_933 = arith.constant 0 : i32
        %lt3A_934 = vector.broadcast %lt3A_933 : i32 to vector<16xi32>
        %lt3A_935 = arith.cmpi slt, %broadcast_in_dim3A_932, %lt3A_934 : vector<16xi32>
        %add3A_936 = arith.constant 16 : i32
        %add3A_937 = vector.broadcast %add3A_936 : i32 to vector<16xi32>
        %add3A_938 = arith.addi %broadcast_in_dim3A_932, %add3A_937 : vector<16xi32>
        %select_n3A_939 = arith.select %lt3A_935, %add3A_938, %broadcast_in_dim3A_932 : vector<16xi1>, vector<16xi32>
        %broadcast_in_dim3A_940 = vector.shape_cast %select_n3A_939 : vector<16xi32> to vector<16x1xi32>
        %gather3A_941 = vector.shape_cast %broadcast_in_dim3A_940 : vector<16x1xi32> to vector<16xi32>
        %gather3A_942 = tpu.dynamic_gather %get3A_633[%gather3A_941] in [0] : vector<16xf32>, vector<16xi32> -> vector<16xf32>
        %get3A_943 = arith.index_cast %scan3A_192 : i32 to index
        %get3A_944 = arith.constant 1080 : index
        %get3A_945 = tpu.vector_load %arg11[%get3A_943, %get3A_944] {strides = array<i32>} : memref<9x2560xf32, #tpu.memory_space<vmem>>, vector<16xf32>,
        %mul3A_946 = arith.mulf %get3A_945, %gather3A_942 : vector<16xf32>
        %add3A_947 = arith.addf %add3A_920, %mul3A_946 : vector<16xf32>
        %get3A_948 = arith.index_cast %scan3A_192 : i32 to index
        %get3A_949 = arith.constant 1096 : index
        %get3A_950 = tpu.vector_load %arg11[%get3A_948, %get3A_949] {strides = array<i32>} : memref<9x2560xf32, #tpu.memory_space<vmem>>, vector<16xf32>,
        %mul3A_951 = arith.mulf %get3A_950, %gather3A_942 : vector<16xf32>
        %add3A_952 = arith.addf %add3A_925, %mul3A_951 : vector<16xf32>
        %get3A_953 = arith.index_cast %scan3A_192 : i32 to index
        %get3A_954 = arith.constant 1104 : index
        %get3A_955 = tpu.vector_load %arg11[%get3A_953, %get3A_954] {strides = array<i32>} : memref<9x2560xf32, #tpu.memory_space<vmem>>, vector<16xf32>,
        %mul3A_956 = arith.mulf %get3A_955, %gather3A_942 : vector<16xf32>
        %add3A_957 = arith.addf %add3A_930, %mul3A_956 : vector<16xf32>
        %broadcast_in_dim3A_958 = arith.constant 12 : i32
        %broadcast_in_dim3A_959 = vector.broadcast %broadcast_in_dim3A_958 : i32 to vector<16xi32>
        %lt3A_960 = arith.constant 0 : i32
        %lt3A_961 = vector.broadcast %lt3A_960 : i32 to vector<16xi32>
        %lt3A_962 = arith.cmpi slt, %broadcast_in_dim3A_959, %lt3A_961 : vector<16xi32>
        %add3A_963 = arith.constant 16 : i32
        %add3A_964 = vector.broadcast %add3A_963 : i32 to vector<16xi32>
        %add3A_965 = arith.addi %broadcast_in_dim3A_959, %add3A_964 : vector<16xi32>
        %select_n3A_966 = arith.select %lt3A_962, %add3A_965, %broadcast_in_dim3A_959 : vector<16xi1>, vector<16xi32>
        %broadcast_in_dim3A_967 = vector.shape_cast %select_n3A_966 : vector<16xi32> to vector<16x1xi32>
        %gather3A_968 = vector.shape_cast %broadcast_in_dim3A_967 : vector<16x1xi32> to vector<16xi32>
        %gather3A_969 = tpu.dynamic_gather %get3A_633[%gather3A_968] in [0] : vector<16xf32>, vector<16xi32> -> vector<16xf32>
        %get3A_970 = arith.index_cast %scan3A_192 : i32 to index
        %get3A_971 = arith.constant 1120 : index
        %get3A_972 = tpu.vector_load %arg11[%get3A_970, %get3A_971] {strides = array<i32>} : memref<9x2560xf32, #tpu.memory_space<vmem>>, vector<16xf32>,
        %mul3A_973 = arith.mulf %get3A_972, %gather3A_969 : vector<16xf32>
        %add3A_974 = arith.addf %add3A_947, %mul3A_973 : vector<16xf32>
        %get3A_975 = arith.index_cast %scan3A_192 : i32 to index
        %get3A_976 = arith.constant 1136 : index
        %get3A_977 = tpu.vector_load %arg11[%get3A_975, %get3A_976] {strides = array<i32>} : memref<9x2560xf32, #tpu.memory_space<vmem>>, vector<16xf32>,
        %mul3A_978 = arith.mulf %get3A_977, %gather3A_969 : vector<16xf32>
        %add3A_979 = arith.addf %add3A_952, %mul3A_978 : vector<16xf32>
        %get3A_980 = arith.index_cast %scan3A_192 : i32 to index
        %get3A_981 = arith.constant 1144 : index
        %get3A_982 = tpu.vector_load %arg11[%get3A_980, %get3A_981] {strides = array<i32>} : memref<9x2560xf32, #tpu.memory_space<vmem>>, vector<16xf32>,
        %mul3A_983 = arith.mulf %get3A_982, %gather3A_969 : vector<16xf32>
        %add3A_984 = arith.addf %add3A_957, %mul3A_983 : vector<16xf32>
        %broadcast_in_dim3A_985 = arith.constant 13 : i32
        %broadcast_in_dim3A_986 = vector.broadcast %broadcast_in_dim3A_985 : i32 to vector<16xi32>
        %lt3A_987 = arith.constant 0 : i32
        %lt3A_988 = vector.broadcast %lt3A_987 : i32 to vector<16xi32>
        %lt3A_989 = arith.cmpi slt, %broadcast_in_dim3A_986, %lt3A_988 : vector<16xi32>
        %add3A_990 = arith.constant 16 : i32
        %add3A_991 = vector.broadcast %add3A_990 : i32 to vector<16xi32>
        %add3A_992 = arith.addi %broadcast_in_dim3A_986, %add3A_991 : vector<16xi32>
        %select_n3A_993 = arith.select %lt3A_989, %add3A_992, %broadcast_in_dim3A_986 : vector<16xi1>, vector<16xi32>
        %broadcast_in_dim3A_994 = vector.shape_cast %select_n3A_993 : vector<16xi32> to vector<16x1xi32>
        %gather3A_995 = vector.shape_cast %broadcast_in_dim3A_994 : vector<16x1xi32> to vector<16xi32>
        %gather3A_996 = tpu.dynamic_gather %get3A_633[%gather3A_995] in [0] : vector<16xf32>, vector<16xi32> -> vector<16xf32>
        %get3A_997 = arith.index_cast %scan3A_192 : i32 to index
        %get3A_998 = arith.constant 1160 : index
        %get3A_999 = tpu.vector_load %arg11[%get3A_997, %get3A_998] {strides = array<i32>} : memref<9x2560xf32, #tpu.memory_space<vmem>>, vector<16xf32>,
        %mul3A_1000 = arith.mulf %get3A_999, %gather3A_996 : vector<16xf32>
        %add3A_1001 = arith.addf %add3A_974, %mul3A_1000 : vector<16xf32>
        %get3A_1002 = arith.index_cast %scan3A_192 : i32 to index
        %get3A_1003 = arith.constant 1176 : index
        %get3A_1004 = tpu.vector_load %arg11[%get3A_1002, %get3A_1003] {strides = array<i32>} : memref<9x2560xf32, #tpu.memory_space<vmem>>, vector<16xf32>,
        %mul3A_1005 = arith.mulf %get3A_1004, %gather3A_996 : vector<16xf32>
        %add3A_1006 = arith.addf %add3A_979, %mul3A_1005 : vector<16xf32>
        %get3A_1007 = arith.index_cast %scan3A_192 : i32 to index
        %get3A_1008 = arith.constant 1184 : index
        %get3A_1009 = tpu.vector_load %arg11[%get3A_1007, %get3A_1008] {strides = array<i32>} : memref<9x2560xf32, #tpu.memory_space<vmem>>, vector<16xf32>,
        %mul3A_1010 = arith.mulf %get3A_1009, %gather3A_996 : vector<16xf32>
        %add3A_1011 = arith.addf %add3A_984, %mul3A_1010 : vector<16xf32>
        %broadcast_in_dim3A_1012 = arith.constant 14 : i32
        %broadcast_in_dim3A_1013 = vector.broadcast %broadcast_in_dim3A_1012 : i32 to vector<16xi32>
        %lt3A_1014 = arith.constant 0 : i32
        %lt3A_1015 = vector.broadcast %lt3A_1014 : i32 to vector<16xi32>
        %lt3A_1016 = arith.cmpi slt, %broadcast_in_dim3A_1013, %lt3A_1015 : vector<16xi32>
        %add3A_1017 = arith.constant 16 : i32
        %add3A_1018 = vector.broadcast %add3A_1017 : i32 to vector<16xi32>
        %add3A_1019 = arith.addi %broadcast_in_dim3A_1013, %add3A_1018 : vector<16xi32>
        %select_n3A_1020 = arith.select %lt3A_1016, %add3A_1019, %broadcast_in_dim3A_1013 : vector<16xi1>, vector<16xi32>
        %broadcast_in_dim3A_1021 = vector.shape_cast %select_n3A_1020 : vector<16xi32> to vector<16x1xi32>
        %gather3A_1022 = vector.shape_cast %broadcast_in_dim3A_1021 : vector<16x1xi32> to vector<16xi32>
        %gather3A_1023 = tpu.dynamic_gather %get3A_633[%gather3A_1022] in [0] : vector<16xf32>, vector<16xi32> -> vector<16xf32>
        %get3A_1024 = arith.index_cast %scan3A_192 : i32 to index
        %get3A_1025 = arith.constant 1200 : index
        %get3A_1026 = tpu.vector_load %arg11[%get3A_1024, %get3A_1025] {strides = array<i32>} : memref<9x2560xf32, #tpu.memory_space<vmem>>, vector<16xf32>,
        %mul3A_1027 = arith.mulf %get3A_1026, %gather3A_1023 : vector<16xf32>
        %add3A_1028 = arith.addf %add3A_1001, %mul3A_1027 : vector<16xf32>
        %get3A_1029 = arith.index_cast %scan3A_192 : i32 to index
        %get3A_1030 = arith.constant 1216 : index
        %get3A_1031 = tpu.vector_load %arg11[%get3A_1029, %get3A_1030] {strides = array<i32>} : memref<9x2560xf32, #tpu.memory_space<vmem>>, vector<16xf32>,
        %mul3A_1032 = arith.mulf %get3A_1031, %gather3A_1023 : vector<16xf32>
        %add3A_1033 = arith.addf %add3A_1006, %mul3A_1032 : vector<16xf32>
        %get3A_1034 = arith.index_cast %scan3A_192 : i32 to index
        %get3A_1035 = arith.constant 1224 : index
        %get3A_1036 = tpu.vector_load %arg11[%get3A_1034, %get3A_1035] {strides = array<i32>} : memref<9x2560xf32, #tpu.memory_space<vmem>>, vector<16xf32>,
        %mul3A_1037 = arith.mulf %get3A_1036, %gather3A_1023 : vector<16xf32>
        %add3A_1038 = arith.addf %add3A_1011, %mul3A_1037 : vector<16xf32>
        %broadcast_in_dim3A_1039 = arith.constant 15 : i32
        %broadcast_in_dim3A_1040 = vector.broadcast %broadcast_in_dim3A_1039 : i32 to vector<16xi32>
        %lt3A_1041 = arith.constant 0 : i32
        %lt3A_1042 = vector.broadcast %lt3A_1041 : i32 to vector<16xi32>
        %lt3A_1043 = arith.cmpi slt, %broadcast_in_dim3A_1040, %lt3A_1042 : vector<16xi32>
        %add3A_1044 = arith.constant 16 : i32
        %add3A_1045 = vector.broadcast %add3A_1044 : i32 to vector<16xi32>
        %add3A_1046 = arith.addi %broadcast_in_dim3A_1040, %add3A_1045 : vector<16xi32>
        %select_n3A_1047 = arith.select %lt3A_1043, %add3A_1046, %broadcast_in_dim3A_1040 : vector<16xi1>, vector<16xi32>
        %broadcast_in_dim3A_1048 = vector.shape_cast %select_n3A_1047 : vector<16xi32> to vector<16x1xi32>
        %gather3A_1049 = vector.shape_cast %broadcast_in_dim3A_1048 : vector<16x1xi32> to vector<16xi32>
        %gather3A_1050 = tpu.dynamic_gather %get3A_633[%gather3A_1049] in [0] : vector<16xf32>, vector<16xi32> -> vector<16xf32>
        %get3A_1051 = arith.index_cast %scan3A_192 : i32 to index
        %get3A_1052 = arith.constant 1240 : index
        %get3A_1053 = tpu.vector_load %arg11[%get3A_1051, %get3A_1052] {strides = array<i32>} : memref<9x2560xf32, #tpu.memory_space<vmem>>, vector<16xf32>,
        %mul3A_1054 = arith.mulf %get3A_1053, %gather3A_1050 : vector<16xf32>
        %add3A_1055 = arith.addf %add3A_1028, %mul3A_1054 : vector<16xf32>
        %get3A_1056 = arith.index_cast %scan3A_192 : i32 to index
        %get3A_1057 = arith.constant 1256 : index
        %get3A_1058 = tpu.vector_load %arg11[%get3A_1056, %get3A_1057] {strides = array<i32>} : memref<9x2560xf32, #tpu.memory_space<vmem>>, vector<16xf32>,
        %mul3A_1059 = arith.mulf %get3A_1058, %gather3A_1050 : vector<16xf32>
        %add3A_1060 = arith.addf %add3A_1033, %mul3A_1059 : vector<16xf32>
        %get3A_1061 = arith.index_cast %scan3A_192 : i32 to index
        %get3A_1062 = arith.constant 1264 : index
        %get3A_1063 = tpu.vector_load %arg11[%get3A_1061, %get3A_1062] {strides = array<i32>} : memref<9x2560xf32, #tpu.memory_space<vmem>>, vector<16xf32>,
        %mul3A_1064 = arith.mulf %get3A_1063, %gather3A_1050 : vector<16xf32>
        %add3A_1065 = arith.addf %add3A_1038, %mul3A_1064 : vector<16xf32>
        %get3A_1066 = arith.index_cast %add3A_110 : i32 to index
        %get3A_1067 = arith.constant 32 : index
        %get3A_1068 = tpu.vector_load %arg9[%get3A_1066, %get3A_1067] {strides = array<i32>} : memref<128x64xf32, #tpu.memory_space<vmem>>, vector<16xf32>,
        %broadcast_in_dim3A_1069 = arith.constant 0 : i32
        %broadcast_in_dim3A_1070 = vector.broadcast %broadcast_in_dim3A_1069 : i32 to vector<16xi32>
        %lt3A_1071 = arith.constant 0 : i32
        %lt3A_1072 = vector.broadcast %lt3A_1071 : i32 to vector<16xi32>
        %lt3A_1073 = arith.cmpi slt, %broadcast_in_dim3A_1070, %lt3A_1072 : vector<16xi32>
        %add3A_1074 = arith.constant 16 : i32
        %add3A_1075 = vector.broadcast %add3A_1074 : i32 to vector<16xi32>
        %add3A_1076 = arith.addi %broadcast_in_dim3A_1070, %add3A_1075 : vector<16xi32>
        %select_n3A_1077 = arith.select %lt3A_1073, %add3A_1076, %broadcast_in_dim3A_1070 : vector<16xi1>, vector<16xi32>
        %broadcast_in_dim3A_1078 = vector.shape_cast %select_n3A_1077 : vector<16xi32> to vector<16x1xi32>
        %gather3A_1079 = vector.shape_cast %broadcast_in_dim3A_1078 : vector<16x1xi32> to vector<16xi32>
        %gather3A_1080 = tpu.dynamic_gather %get3A_1068[%gather3A_1079] in [0] : vector<16xf32>, vector<16xi32> -> vector<16xf32>
        %get3A_1081 = arith.index_cast %scan3A_192 : i32 to index
        %get3A_1082 = arith.constant 1280 : index
        %get3A_1083 = tpu.vector_load %arg11[%get3A_1081, %get3A_1082] {strides = array<i32>} : memref<9x2560xf32, #tpu.memory_space<vmem>>, vector<16xf32>,
        %mul3A_1084 = arith.mulf %get3A_1083, %gather3A_1080 : vector<16xf32>
        %add3A_1085 = arith.addf %add3A_1055, %mul3A_1084 : vector<16xf32>
        %get3A_1086 = arith.index_cast %scan3A_192 : i32 to index
        %get3A_1087 = arith.constant 1296 : index
        %get3A_1088 = tpu.vector_load %arg11[%get3A_1086, %get3A_1087] {strides = array<i32>} : memref<9x2560xf32, #tpu.memory_space<vmem>>, vector<16xf32>,
        %mul3A_1089 = arith.mulf %get3A_1088, %gather3A_1080 : vector<16xf32>
        %add3A_1090 = arith.addf %add3A_1060, %mul3A_1089 : vector<16xf32>
        %get3A_1091 = arith.index_cast %scan3A_192 : i32 to index
        %get3A_1092 = arith.constant 1304 : index
        %get3A_1093 = tpu.vector_load %arg11[%get3A_1091, %get3A_1092] {strides = array<i32>} : memref<9x2560xf32, #tpu.memory_space<vmem>>, vector<16xf32>,
        %mul3A_1094 = arith.mulf %get3A_1093, %gather3A_1080 : vector<16xf32>
        %add3A_1095 = arith.addf %add3A_1065, %mul3A_1094 : vector<16xf32>
        %broadcast_in_dim3A_1096 = arith.constant 1 : i32
        %broadcast_in_dim3A_1097 = vector.broadcast %broadcast_in_dim3A_1096 : i32 to vector<16xi32>
        %lt3A_1098 = arith.constant 0 : i32
        %lt3A_1099 = vector.broadcast %lt3A_1098 : i32 to vector<16xi32>
        %lt3A_1100 = arith.cmpi slt, %broadcast_in_dim3A_1097, %lt3A_1099 : vector<16xi32>
        %add3A_1101 = arith.constant 16 : i32
        %add3A_1102 = vector.broadcast %add3A_1101 : i32 to vector<16xi32>
        %add3A_1103 = arith.addi %broadcast_in_dim3A_1097, %add3A_1102 : vector<16xi32>
        %select_n3A_1104 = arith.select %lt3A_1100, %add3A_1103, %broadcast_in_dim3A_1097 : vector<16xi1>, vector<16xi32>
        %broadcast_in_dim3A_1105 = vector.shape_cast %select_n3A_1104 : vector<16xi32> to vector<16x1xi32>
        %gather3A_1106 = vector.shape_cast %broadcast_in_dim3A_1105 : vector<16x1xi32> to vector<16xi32>
        %gather3A_1107 = tpu.dynamic_gather %get3A_1068[%gather3A_1106] in [0] : vector<16xf32>, vector<16xi32> -> vector<16xf32>
        %get3A_1108 = arith.index_cast %scan3A_192 : i32 to index
        %get3A_1109 = arith.constant 1320 : index
        %get3A_1110 = tpu.vector_load %arg11[%get3A_1108, %get3A_1109] {strides = array<i32>} : memref<9x2560xf32, #tpu.memory_space<vmem>>, vector<16xf32>,
        %mul3A_1111 = arith.mulf %get3A_1110, %gather3A_1107 : vector<16xf32>
        %add3A_1112 = arith.addf %add3A_1085, %mul3A_1111 : vector<16xf32>
        %get3A_1113 = arith.index_cast %scan3A_192 : i32 to index
        %get3A_1114 = arith.constant 1336 : index
        %get3A_1115 = tpu.vector_load %arg11[%get3A_1113, %get3A_1114] {strides = array<i32>} : memref<9x2560xf32, #tpu.memory_space<vmem>>, vector<16xf32>,
        %mul3A_1116 = arith.mulf %get3A_1115, %gather3A_1107 : vector<16xf32>
        %add3A_1117 = arith.addf %add3A_1090, %mul3A_1116 : vector<16xf32>
        %get3A_1118 = arith.index_cast %scan3A_192 : i32 to index
        %get3A_1119 = arith.constant 1344 : index
        %get3A_1120 = tpu.vector_load %arg11[%get3A_1118, %get3A_1119] {strides = array<i32>} : memref<9x2560xf32, #tpu.memory_space<vmem>>, vector<16xf32>,
        %mul3A_1121 = arith.mulf %get3A_1120, %gather3A_1107 : vector<16xf32>
        %add3A_1122 = arith.addf %add3A_1095, %mul3A_1121 : vector<16xf32>
        %broadcast_in_dim3A_1123 = arith.constant 2 : i32
        %broadcast_in_dim3A_1124 = vector.broadcast %broadcast_in_dim3A_1123 : i32 to vector<16xi32>
        %lt3A_1125 = arith.constant 0 : i32
        %lt3A_1126 = vector.broadcast %lt3A_1125 : i32 to vector<16xi32>
        %lt3A_1127 = arith.cmpi slt, %broadcast_in_dim3A_1124, %lt3A_1126 : vector<16xi32>
        %add3A_1128 = arith.constant 16 : i32
        %add3A_1129 = vector.broadcast %add3A_1128 : i32 to vector<16xi32>
        %add3A_1130 = arith.addi %broadcast_in_dim3A_1124, %add3A_1129 : vector<16xi32>
        %select_n3A_1131 = arith.select %lt3A_1127, %add3A_1130, %broadcast_in_dim3A_1124 : vector<16xi1>, vector<16xi32>
        %broadcast_in_dim3A_1132 = vector.shape_cast %select_n3A_1131 : vector<16xi32> to vector<16x1xi32>
        %gather3A_1133 = vector.shape_cast %broadcast_in_dim3A_1132 : vector<16x1xi32> to vector<16xi32>
        %gather3A_1134 = tpu.dynamic_gather %get3A_1068[%gather3A_1133] in [0] : vector<16xf32>, vector<16xi32> -> vector<16xf32>
        %get3A_1135 = arith.index_cast %scan3A_192 : i32 to index
        %get3A_1136 = arith.constant 1360 : index
        %get3A_1137 = tpu.vector_load %arg11[%get3A_1135, %get3A_1136] {strides = array<i32>} : memref<9x2560xf32, #tpu.memory_space<vmem>>, vector<16xf32>,
        %mul3A_1138 = arith.mulf %get3A_1137, %gather3A_1134 : vector<16xf32>
        %add3A_1139 = arith.addf %add3A_1112, %mul3A_1138 : vector<16xf32>
        %get3A_1140 = arith.index_cast %scan3A_192 : i32 to index
        %get3A_1141 = arith.constant 1376 : index
        %get3A_1142 = tpu.vector_load %arg11[%get3A_1140, %get3A_1141] {strides = array<i32>} : memref<9x2560xf32, #tpu.memory_space<vmem>>, vector<16xf32>,
        %mul3A_1143 = arith.mulf %get3A_1142, %gather3A_1134 : vector<16xf32>
        %add3A_1144 = arith.addf %add3A_1117, %mul3A_1143 : vector<16xf32>
        %get3A_1145 = arith.index_cast %scan3A_192 : i32 to index
        %get3A_1146 = arith.constant 1384 : index
        %get3A_1147 = tpu.vector_load %arg11[%get3A_1145, %get3A_1146] {strides = array<i32>} : memref<9x2560xf32, #tpu.memory_space<vmem>>, vector<16xf32>,
        %mul3A_1148 = arith.mulf %get3A_1147, %gather3A_1134 : vector<16xf32>
        %add3A_1149 = arith.addf %add3A_1122, %mul3A_1148 : vector<16xf32>
        %broadcast_in_dim3A_1150 = arith.constant 3 : i32
        %broadcast_in_dim3A_1151 = vector.broadcast %broadcast_in_dim3A_1150 : i32 to vector<16xi32>
        %lt3A_1152 = arith.constant 0 : i32
        %lt3A_1153 = vector.broadcast %lt3A_1152 : i32 to vector<16xi32>
        %lt3A_1154 = arith.cmpi slt, %broadcast_in_dim3A_1151, %lt3A_1153 : vector<16xi32>
        %add3A_1155 = arith.constant 16 : i32
        %add3A_1156 = vector.broadcast %add3A_1155 : i32 to vector<16xi32>
        %add3A_1157 = arith.addi %broadcast_in_dim3A_1151, %add3A_1156 : vector<16xi32>
        %select_n3A_1158 = arith.select %lt3A_1154, %add3A_1157, %broadcast_in_dim3A_1151 : vector<16xi1>, vector<16xi32>
        %broadcast_in_dim3A_1159 = vector.shape_cast %select_n3A_1158 : vector<16xi32> to vector<16x1xi32>
        %gather3A_1160 = vector.shape_cast %broadcast_in_dim3A_1159 : vector<16x1xi32> to vector<16xi32>
        %gather3A_1161 = tpu.dynamic_gather %get3A_1068[%gather3A_1160] in [0] : vector<16xf32>, vector<16xi32> -> vector<16xf32>
        %get3A_1162 = arith.index_cast %scan3A_192 : i32 to index
        %get3A_1163 = arith.constant 1400 : index
        %get3A_1164 = tpu.vector_load %arg11[%get3A_1162, %get3A_1163] {strides = array<i32>} : memref<9x2560xf32, #tpu.memory_space<vmem>>, vector<16xf32>,
        %mul3A_1165 = arith.mulf %get3A_1164, %gather3A_1161 : vector<16xf32>
        %add3A_1166 = arith.addf %add3A_1139, %mul3A_1165 : vector<16xf32>
        %get3A_1167 = arith.index_cast %scan3A_192 : i32 to index
        %get3A_1168 = arith.constant 1416 : index
        %get3A_1169 = tpu.vector_load %arg11[%get3A_1167, %get3A_1168] {strides = array<i32>} : memref<9x2560xf32, #tpu.memory_space<vmem>>, vector<16xf32>,
        %mul3A_1170 = arith.mulf %get3A_1169, %gather3A_1161 : vector<16xf32>
        %add3A_1171 = arith.addf %add3A_1144, %mul3A_1170 : vector<16xf32>
        %get3A_1172 = arith.index_cast %scan3A_192 : i32 to index
        %get3A_1173 = arith.constant 1424 : index
        %get3A_1174 = tpu.vector_load %arg11[%get3A_1172, %get3A_1173] {strides = array<i32>} : memref<9x2560xf32, #tpu.memory_space<vmem>>, vector<16xf32>,
        %mul3A_1175 = arith.mulf %get3A_1174, %gather3A_1161 : vector<16xf32>
        %add3A_1176 = arith.addf %add3A_1149, %mul3A_1175 : vector<16xf32>
        %broadcast_in_dim3A_1177 = arith.constant 4 : i32
        %broadcast_in_dim3A_1178 = vector.broadcast %broadcast_in_dim3A_1177 : i32 to vector<16xi32>
        %lt3A_1179 = arith.constant 0 : i32
        %lt3A_1180 = vector.broadcast %lt3A_1179 : i32 to vector<16xi32>
        %lt3A_1181 = arith.cmpi slt, %broadcast_in_dim3A_1178, %lt3A_1180 : vector<16xi32>
        %add3A_1182 = arith.constant 16 : i32
        %add3A_1183 = vector.broadcast %add3A_1182 : i32 to vector<16xi32>
        %add3A_1184 = arith.addi %broadcast_in_dim3A_1178, %add3A_1183 : vector<16xi32>
        %select_n3A_1185 = arith.select %lt3A_1181, %add3A_1184, %broadcast_in_dim3A_1178 : vector<16xi1>, vector<16xi32>
        %broadcast_in_dim3A_1186 = vector.shape_cast %select_n3A_1185 : vector<16xi32> to vector<16x1xi32>
        %gather3A_1187 = vector.shape_cast %broadcast_in_dim3A_1186 : vector<16x1xi32> to vector<16xi32>
        %gather3A_1188 = tpu.dynamic_gather %get3A_1068[%gather3A_1187] in [0] : vector<16xf32>, vector<16xi32> -> vector<16xf32>
        %get3A_1189 = arith.index_cast %scan3A_192 : i32 to index
        %get3A_1190 = arith.constant 1440 : index
        %get3A_1191 = tpu.vector_load %arg11[%get3A_1189, %get3A_1190] {strides = array<i32>} : memref<9x2560xf32, #tpu.memory_space<vmem>>, vector<16xf32>,
        %mul3A_1192 = arith.mulf %get3A_1191, %gather3A_1188 : vector<16xf32>
        %add3A_1193 = arith.addf %add3A_1166, %mul3A_1192 : vector<16xf32>
        %get3A_1194 = arith.index_cast %scan3A_192 : i32 to index
        %get3A_1195 = arith.constant 1456 : index
        %get3A_1196 = tpu.vector_load %arg11[%get3A_1194, %get3A_1195] {strides = array<i32>} : memref<9x2560xf32, #tpu.memory_space<vmem>>, vector<16xf32>,
        %mul3A_1197 = arith.mulf %get3A_1196, %gather3A_1188 : vector<16xf32>
        %add3A_1198 = arith.addf %add3A_1171, %mul3A_1197 : vector<16xf32>
        %get3A_1199 = arith.index_cast %scan3A_192 : i32 to index
        %get3A_1200 = arith.constant 1464 : index
        %get3A_1201 = tpu.vector_load %arg11[%get3A_1199, %get3A_1200] {strides = array<i32>} : memref<9x2560xf32, #tpu.memory_space<vmem>>, vector<16xf32>,
        %mul3A_1202 = arith.mulf %get3A_1201, %gather3A_1188 : vector<16xf32>
        %add3A_1203 = arith.addf %add3A_1176, %mul3A_1202 : vector<16xf32>
        %broadcast_in_dim3A_1204 = arith.constant 5 : i32
        %broadcast_in_dim3A_1205 = vector.broadcast %broadcast_in_dim3A_1204 : i32 to vector<16xi32>
        %lt3A_1206 = arith.constant 0 : i32
        %lt3A_1207 = vector.broadcast %lt3A_1206 : i32 to vector<16xi32>
        %lt3A_1208 = arith.cmpi slt, %broadcast_in_dim3A_1205, %lt3A_1207 : vector<16xi32>
        %add3A_1209 = arith.constant 16 : i32
        %add3A_1210 = vector.broadcast %add3A_1209 : i32 to vector<16xi32>
        %add3A_1211 = arith.addi %broadcast_in_dim3A_1205, %add3A_1210 : vector<16xi32>
        %select_n3A_1212 = arith.select %lt3A_1208, %add3A_1211, %broadcast_in_dim3A_1205 : vector<16xi1>, vector<16xi32>
        %broadcast_in_dim3A_1213 = vector.shape_cast %select_n3A_1212 : vector<16xi32> to vector<16x1xi32>
        %gather3A_1214 = vector.shape_cast %broadcast_in_dim3A_1213 : vector<16x1xi32> to vector<16xi32>
        %gather3A_1215 = tpu.dynamic_gather %get3A_1068[%gather3A_1214] in [0] : vector<16xf32>, vector<16xi32> -> vector<16xf32>
        %get3A_1216 = arith.index_cast %scan3A_192 : i32 to index
        %get3A_1217 = arith.constant 1480 : index
        %get3A_1218 = tpu.vector_load %arg11[%get3A_1216, %get3A_1217] {strides = array<i32>} : memref<9x2560xf32, #tpu.memory_space<vmem>>, vector<16xf32>,
        %mul3A_1219 = arith.mulf %get3A_1218, %gather3A_1215 : vector<16xf32>
        %add3A_1220 = arith.addf %add3A_1193, %mul3A_1219 : vector<16xf32>
        %get3A_1221 = arith.index_cast %scan3A_192 : i32 to index
        %get3A_1222 = arith.constant 1496 : index
        %get3A_1223 = tpu.vector_load %arg11[%get3A_1221, %get3A_1222] {strides = array<i32>} : memref<9x2560xf32, #tpu.memory_space<vmem>>, vector<16xf32>,
        %mul3A_1224 = arith.mulf %get3A_1223, %gather3A_1215 : vector<16xf32>
        %add3A_1225 = arith.addf %add3A_1198, %mul3A_1224 : vector<16xf32>
        %get3A_1226 = arith.index_cast %scan3A_192 : i32 to index
        %get3A_1227 = arith.constant 1504 : index
        %get3A_1228 = tpu.vector_load %arg11[%get3A_1226, %get3A_1227] {strides = array<i32>} : memref<9x2560xf32, #tpu.memory_space<vmem>>, vector<16xf32>,
        %mul3A_1229 = arith.mulf %get3A_1228, %gather3A_1215 : vector<16xf32>
        %add3A_1230 = arith.addf %add3A_1203, %mul3A_1229 : vector<16xf32>
        %broadcast_in_dim3A_1231 = arith.constant 6 : i32
        %broadcast_in_dim3A_1232 = vector.broadcast %broadcast_in_dim3A_1231 : i32 to vector<16xi32>
        %lt3A_1233 = arith.constant 0 : i32
        %lt3A_1234 = vector.broadcast %lt3A_1233 : i32 to vector<16xi32>
        %lt3A_1235 = arith.cmpi slt, %broadcast_in_dim3A_1232, %lt3A_1234 : vector<16xi32>
        %add3A_1236 = arith.constant 16 : i32
        %add3A_1237 = vector.broadcast %add3A_1236 : i32 to vector<16xi32>
        %add3A_1238 = arith.addi %broadcast_in_dim3A_1232, %add3A_1237 : vector<16xi32>
        %select_n3A_1239 = arith.select %lt3A_1235, %add3A_1238, %broadcast_in_dim3A_1232 : vector<16xi1>, vector<16xi32>
        %broadcast_in_dim3A_1240 = vector.shape_cast %select_n3A_1239 : vector<16xi32> to vector<16x1xi32>
        %gather3A_1241 = vector.shape_cast %broadcast_in_dim3A_1240 : vector<16x1xi32> to vector<16xi32>
        %gather3A_1242 = tpu.dynamic_gather %get3A_1068[%gather3A_1241] in [0] : vector<16xf32>, vector<16xi32> -> vector<16xf32>
        %get3A_1243 = arith.index_cast %scan3A_192 : i32 to index
        %get3A_1244 = arith.constant 1520 : index
        %get3A_1245 = tpu.vector_load %arg11[%get3A_1243, %get3A_1244] {strides = array<i32>} : memref<9x2560xf32, #tpu.memory_space<vmem>>, vector<16xf32>,
        %mul3A_1246 = arith.mulf %get3A_1245, %gather3A_1242 : vector<16xf32>
        %add3A_1247 = arith.addf %add3A_1220, %mul3A_1246 : vector<16xf32>
        %get3A_1248 = arith.index_cast %scan3A_192 : i32 to index
        %get3A_1249 = arith.constant 1536 : index
        %get3A_1250 = tpu.vector_load %arg11[%get3A_1248, %get3A_1249] {strides = array<i32>} : memref<9x2560xf32, #tpu.memory_space<vmem>>, vector<16xf32>,
        %mul3A_1251 = arith.mulf %get3A_1250, %gather3A_1242 : vector<16xf32>
        %add3A_1252 = arith.addf %add3A_1225, %mul3A_1251 : vector<16xf32>
        %get3A_1253 = arith.index_cast %scan3A_192 : i32 to index
        %get3A_1254 = arith.constant 1544 : index
        %get3A_1255 = tpu.vector_load %arg11[%get3A_1253, %get3A_1254] {strides = array<i32>} : memref<9x2560xf32, #tpu.memory_space<vmem>>, vector<16xf32>,
        %mul3A_1256 = arith.mulf %get3A_1255, %gather3A_1242 : vector<16xf32>
        %add3A_1257 = arith.addf %add3A_1230, %mul3A_1256 : vector<16xf32>
        %broadcast_in_dim3A_1258 = arith.constant 7 : i32
        %broadcast_in_dim3A_1259 = vector.broadcast %broadcast_in_dim3A_1258 : i32 to vector<16xi32>
        %lt3A_1260 = arith.constant 0 : i32
        %lt3A_1261 = vector.broadcast %lt3A_1260 : i32 to vector<16xi32>
        %lt3A_1262 = arith.cmpi slt, %broadcast_in_dim3A_1259, %lt3A_1261 : vector<16xi32>
        %add3A_1263 = arith.constant 16 : i32
        %add3A_1264 = vector.broadcast %add3A_1263 : i32 to vector<16xi32>
        %add3A_1265 = arith.addi %broadcast_in_dim3A_1259, %add3A_1264 : vector<16xi32>
        %select_n3A_1266 = arith.select %lt3A_1262, %add3A_1265, %broadcast_in_dim3A_1259 : vector<16xi1>, vector<16xi32>
        %broadcast_in_dim3A_1267 = vector.shape_cast %select_n3A_1266 : vector<16xi32> to vector<16x1xi32>
        %gather3A_1268 = vector.shape_cast %broadcast_in_dim3A_1267 : vector<16x1xi32> to vector<16xi32>
        %gather3A_1269 = tpu.dynamic_gather %get3A_1068[%gather3A_1268] in [0] : vector<16xf32>, vector<16xi32> -> vector<16xf32>
        %get3A_1270 = arith.index_cast %scan3A_192 : i32 to index
        %get3A_1271 = arith.constant 1560 : index
        %get3A_1272 = tpu.vector_load %arg11[%get3A_1270, %get3A_1271] {strides = array<i32>} : memref<9x2560xf32, #tpu.memory_space<vmem>>, vector<16xf32>,
        %mul3A_1273 = arith.mulf %get3A_1272, %gather3A_1269 : vector<16xf32>
        %add3A_1274 = arith.addf %add3A_1247, %mul3A_1273 : vector<16xf32>
        %get3A_1275 = arith.index_cast %scan3A_192 : i32 to index
        %get3A_1276 = arith.constant 1576 : index
        %get3A_1277 = tpu.vector_load %arg11[%get3A_1275, %get3A_1276] {strides = array<i32>} : memref<9x2560xf32, #tpu.memory_space<vmem>>, vector<16xf32>,
        %mul3A_1278 = arith.mulf %get3A_1277, %gather3A_1269 : vector<16xf32>
        %add3A_1279 = arith.addf %add3A_1252, %mul3A_1278 : vector<16xf32>
        %get3A_1280 = arith.index_cast %scan3A_192 : i32 to index
        %get3A_1281 = arith.constant 1584 : index
        %get3A_1282 = tpu.vector_load %arg11[%get3A_1280, %get3A_1281] {strides = array<i32>} : memref<9x2560xf32, #tpu.memory_space<vmem>>, vector<16xf32>,
        %mul3A_1283 = arith.mulf %get3A_1282, %gather3A_1269 : vector<16xf32>
        %add3A_1284 = arith.addf %add3A_1257, %mul3A_1283 : vector<16xf32>
        %broadcast_in_dim3A_1285 = arith.constant 8 : i32
        %broadcast_in_dim3A_1286 = vector.broadcast %broadcast_in_dim3A_1285 : i32 to vector<16xi32>
        %lt3A_1287 = arith.constant 0 : i32
        %lt3A_1288 = vector.broadcast %lt3A_1287 : i32 to vector<16xi32>
        %lt3A_1289 = arith.cmpi slt, %broadcast_in_dim3A_1286, %lt3A_1288 : vector<16xi32>
        %add3A_1290 = arith.constant 16 : i32
        %add3A_1291 = vector.broadcast %add3A_1290 : i32 to vector<16xi32>
        %add3A_1292 = arith.addi %broadcast_in_dim3A_1286, %add3A_1291 : vector<16xi32>
        %select_n3A_1293 = arith.select %lt3A_1289, %add3A_1292, %broadcast_in_dim3A_1286 : vector<16xi1>, vector<16xi32>
        %broadcast_in_dim3A_1294 = vector.shape_cast %select_n3A_1293 : vector<16xi32> to vector<16x1xi32>
        %gather3A_1295 = vector.shape_cast %broadcast_in_dim3A_1294 : vector<16x1xi32> to vector<16xi32>
        %gather3A_1296 = tpu.dynamic_gather %get3A_1068[%gather3A_1295] in [0] : vector<16xf32>, vector<16xi32> -> vector<16xf32>
        %get3A_1297 = arith.index_cast %scan3A_192 : i32 to index
        %get3A_1298 = arith.constant 1600 : index
        %get3A_1299 = tpu.vector_load %arg11[%get3A_1297, %get3A_1298] {strides = array<i32>} : memref<9x2560xf32, #tpu.memory_space<vmem>>, vector<16xf32>,
        %mul3A_1300 = arith.mulf %get3A_1299, %gather3A_1296 : vector<16xf32>
        %add3A_1301 = arith.addf %add3A_1274, %mul3A_1300 : vector<16xf32>
        %get3A_1302 = arith.index_cast %scan3A_192 : i32 to index
        %get3A_1303 = arith.constant 1616 : index
        %get3A_1304 = tpu.vector_load %arg11[%get3A_1302, %get3A_1303] {strides = array<i32>} : memref<9x2560xf32, #tpu.memory_space<vmem>>, vector<16xf32>,
        %mul3A_1305 = arith.mulf %get3A_1304, %gather3A_1296 : vector<16xf32>
        %add3A_1306 = arith.addf %add3A_1279, %mul3A_1305 : vector<16xf32>
        %get3A_1307 = arith.index_cast %scan3A_192 : i32 to index
        %get3A_1308 = arith.constant 1624 : index
        %get3A_1309 = tpu.vector_load %arg11[%get3A_1307, %get3A_1308] {strides = array<i32>} : memref<9x2560xf32, #tpu.memory_space<vmem>>, vector<16xf32>,
        %mul3A_1310 = arith.mulf %get3A_1309, %gather3A_1296 : vector<16xf32>
        %add3A_1311 = arith.addf %add3A_1284, %mul3A_1310 : vector<16xf32>
        %broadcast_in_dim3A_1312 = arith.constant 9 : i32
        %broadcast_in_dim3A_1313 = vector.broadcast %broadcast_in_dim3A_1312 : i32 to vector<16xi32>
        %lt3A_1314 = arith.constant 0 : i32
        %lt3A_1315 = vector.broadcast %lt3A_1314 : i32 to vector<16xi32>
        %lt3A_1316 = arith.cmpi slt, %broadcast_in_dim3A_1313, %lt3A_1315 : vector<16xi32>
        %add3A_1317 = arith.constant 16 : i32
        %add3A_1318 = vector.broadcast %add3A_1317 : i32 to vector<16xi32>
        %add3A_1319 = arith.addi %broadcast_in_dim3A_1313, %add3A_1318 : vector<16xi32>
        %select_n3A_1320 = arith.select %lt3A_1316, %add3A_1319, %broadcast_in_dim3A_1313 : vector<16xi1>, vector<16xi32>
        %broadcast_in_dim3A_1321 = vector.shape_cast %select_n3A_1320 : vector<16xi32> to vector<16x1xi32>
        %gather3A_1322 = vector.shape_cast %broadcast_in_dim3A_1321 : vector<16x1xi32> to vector<16xi32>
        %gather3A_1323 = tpu.dynamic_gather %get3A_1068[%gather3A_1322] in [0] : vector<16xf32>, vector<16xi32> -> vector<16xf32>
        %get3A_1324 = arith.index_cast %scan3A_192 : i32 to index
        %get3A_1325 = arith.constant 1640 : index
        %get3A_1326 = tpu.vector_load %arg11[%get3A_1324, %get3A_1325] {strides = array<i32>} : memref<9x2560xf32, #tpu.memory_space<vmem>>, vector<16xf32>,
        %mul3A_1327 = arith.mulf %get3A_1326, %gather3A_1323 : vector<16xf32>
        %add3A_1328 = arith.addf %add3A_1301, %mul3A_1327 : vector<16xf32>
        %get3A_1329 = arith.index_cast %scan3A_192 : i32 to index
        %get3A_1330 = arith.constant 1656 : index
        %get3A_1331 = tpu.vector_load %arg11[%get3A_1329, %get3A_1330] {strides = array<i32>} : memref<9x2560xf32, #tpu.memory_space<vmem>>, vector<16xf32>,
        %mul3A_1332 = arith.mulf %get3A_1331, %gather3A_1323 : vector<16xf32>
        %add3A_1333 = arith.addf %add3A_1306, %mul3A_1332 : vector<16xf32>
        %get3A_1334 = arith.index_cast %scan3A_192 : i32 to index
        %get3A_1335 = arith.constant 1664 : index
        %get3A_1336 = tpu.vector_load %arg11[%get3A_1334, %get3A_1335] {strides = array<i32>} : memref<9x2560xf32, #tpu.memory_space<vmem>>, vector<16xf32>,
        %mul3A_1337 = arith.mulf %get3A_1336, %gather3A_1323 : vector<16xf32>
        %add3A_1338 = arith.addf %add3A_1311, %mul3A_1337 : vector<16xf32>
        %broadcast_in_dim3A_1339 = arith.constant 10 : i32
        %broadcast_in_dim3A_1340 = vector.broadcast %broadcast_in_dim3A_1339 : i32 to vector<16xi32>
        %lt3A_1341 = arith.constant 0 : i32
        %lt3A_1342 = vector.broadcast %lt3A_1341 : i32 to vector<16xi32>
        %lt3A_1343 = arith.cmpi slt, %broadcast_in_dim3A_1340, %lt3A_1342 : vector<16xi32>
        %add3A_1344 = arith.constant 16 : i32
        %add3A_1345 = vector.broadcast %add3A_1344 : i32 to vector<16xi32>
        %add3A_1346 = arith.addi %broadcast_in_dim3A_1340, %add3A_1345 : vector<16xi32>
        %select_n3A_1347 = arith.select %lt3A_1343, %add3A_1346, %broadcast_in_dim3A_1340 : vector<16xi1>, vector<16xi32>
        %broadcast_in_dim3A_1348 = vector.shape_cast %select_n3A_1347 : vector<16xi32> to vector<16x1xi32>
        %gather3A_1349 = vector.shape_cast %broadcast_in_dim3A_1348 : vector<16x1xi32> to vector<16xi32>
        %gather3A_1350 = tpu.dynamic_gather %get3A_1068[%gather3A_1349] in [0] : vector<16xf32>, vector<16xi32> -> vector<16xf32>
        %get3A_1351 = arith.index_cast %scan3A_192 : i32 to index
        %get3A_1352 = arith.constant 1680 : index
        %get3A_1353 = tpu.vector_load %arg11[%get3A_1351, %get3A_1352] {strides = array<i32>} : memref<9x2560xf32, #tpu.memory_space<vmem>>, vector<16xf32>,
        %mul3A_1354 = arith.mulf %get3A_1353, %gather3A_1350 : vector<16xf32>
        %add3A_1355 = arith.addf %add3A_1328, %mul3A_1354 : vector<16xf32>
        %get3A_1356 = arith.index_cast %scan3A_192 : i32 to index
        %get3A_1357 = arith.constant 1696 : index
        %get3A_1358 = tpu.vector_load %arg11[%get3A_1356, %get3A_1357] {strides = array<i32>} : memref<9x2560xf32, #tpu.memory_space<vmem>>, vector<16xf32>,
        %mul3A_1359 = arith.mulf %get3A_1358, %gather3A_1350 : vector<16xf32>
        %add3A_1360 = arith.addf %add3A_1333, %mul3A_1359 : vector<16xf32>
        %get3A_1361 = arith.index_cast %scan3A_192 : i32 to index
        %get3A_1362 = arith.constant 1704 : index
        %get3A_1363 = tpu.vector_load %arg11[%get3A_1361, %get3A_1362] {strides = array<i32>} : memref<9x2560xf32, #tpu.memory_space<vmem>>, vector<16xf32>,
        %mul3A_1364 = arith.mulf %get3A_1363, %gather3A_1350 : vector<16xf32>
        %add3A_1365 = arith.addf %add3A_1338, %mul3A_1364 : vector<16xf32>
        %broadcast_in_dim3A_1366 = arith.constant 11 : i32
        %broadcast_in_dim3A_1367 = vector.broadcast %broadcast_in_dim3A_1366 : i32 to vector<16xi32>
        %lt3A_1368 = arith.constant 0 : i32
        %lt3A_1369 = vector.broadcast %lt3A_1368 : i32 to vector<16xi32>
        %lt3A_1370 = arith.cmpi slt, %broadcast_in_dim3A_1367, %lt3A_1369 : vector<16xi32>
        %add3A_1371 = arith.constant 16 : i32
        %add3A_1372 = vector.broadcast %add3A_1371 : i32 to vector<16xi32>
        %add3A_1373 = arith.addi %broadcast_in_dim3A_1367, %add3A_1372 : vector<16xi32>
        %select_n3A_1374 = arith.select %lt3A_1370, %add3A_1373, %broadcast_in_dim3A_1367 : vector<16xi1>, vector<16xi32>
        %broadcast_in_dim3A_1375 = vector.shape_cast %select_n3A_1374 : vector<16xi32> to vector<16x1xi32>
        %gather3A_1376 = vector.shape_cast %broadcast_in_dim3A_1375 : vector<16x1xi32> to vector<16xi32>
        %gather3A_1377 = tpu.dynamic_gather %get3A_1068[%gather3A_1376] in [0] : vector<16xf32>, vector<16xi32> -> vector<16xf32>
        %get3A_1378 = arith.index_cast %scan3A_192 : i32 to index
        %get3A_1379 = arith.constant 1720 : index
        %get3A_1380 = tpu.vector_load %arg11[%get3A_1378, %get3A_1379] {strides = array<i32>} : memref<9x2560xf32, #tpu.memory_space<vmem>>, vector<16xf32>,
        %mul3A_1381 = arith.mulf %get3A_1380, %gather3A_1377 : vector<16xf32>
        %add3A_1382 = arith.addf %add3A_1355, %mul3A_1381 : vector<16xf32>
        %get3A_1383 = arith.index_cast %scan3A_192 : i32 to index
        %get3A_1384 = arith.constant 1736 : index
        %get3A_1385 = tpu.vector_load %arg11[%get3A_1383, %get3A_1384] {strides = array<i32>} : memref<9x2560xf32, #tpu.memory_space<vmem>>, vector<16xf32>,
        %mul3A_1386 = arith.mulf %get3A_1385, %gather3A_1377 : vector<16xf32>
        %add3A_1387 = arith.addf %add3A_1360, %mul3A_1386 : vector<16xf32>
        %get3A_1388 = arith.index_cast %scan3A_192 : i32 to index
        %get3A_1389 = arith.constant 1744 : index
        %get3A_1390 = tpu.vector_load %arg11[%get3A_1388, %get3A_1389] {strides = array<i32>} : memref<9x2560xf32, #tpu.memory_space<vmem>>, vector<16xf32>,
        %mul3A_1391 = arith.mulf %get3A_1390, %gather3A_1377 : vector<16xf32>
        %add3A_1392 = arith.addf %add3A_1365, %mul3A_1391 : vector<16xf32>
        %broadcast_in_dim3A_1393 = arith.constant 12 : i32
        %broadcast_in_dim3A_1394 = vector.broadcast %broadcast_in_dim3A_1393 : i32 to vector<16xi32>
        %lt3A_1395 = arith.constant 0 : i32
        %lt3A_1396 = vector.broadcast %lt3A_1395 : i32 to vector<16xi32>
        %lt3A_1397 = arith.cmpi slt, %broadcast_in_dim3A_1394, %lt3A_1396 : vector<16xi32>
        %add3A_1398 = arith.constant 16 : i32
        %add3A_1399 = vector.broadcast %add3A_1398 : i32 to vector<16xi32>
        %add3A_1400 = arith.addi %broadcast_in_dim3A_1394, %add3A_1399 : vector<16xi32>
        %select_n3A_1401 = arith.select %lt3A_1397, %add3A_1400, %broadcast_in_dim3A_1394 : vector<16xi1>, vector<16xi32>
        %broadcast_in_dim3A_1402 = vector.shape_cast %select_n3A_1401 : vector<16xi32> to vector<16x1xi32>
        %gather3A_1403 = vector.shape_cast %broadcast_in_dim3A_1402 : vector<16x1xi32> to vector<16xi32>
        %gather3A_1404 = tpu.dynamic_gather %get3A_1068[%gather3A_1403] in [0] : vector<16xf32>, vector<16xi32> -> vector<16xf32>
        %get3A_1405 = arith.index_cast %scan3A_192 : i32 to index
        %get3A_1406 = arith.constant 1760 : index
        %get3A_1407 = tpu.vector_load %arg11[%get3A_1405, %get3A_1406] {strides = array<i32>} : memref<9x2560xf32, #tpu.memory_space<vmem>>, vector<16xf32>,
        %mul3A_1408 = arith.mulf %get3A_1407, %gather3A_1404 : vector<16xf32>
        %add3A_1409 = arith.addf %add3A_1382, %mul3A_1408 : vector<16xf32>
        %get3A_1410 = arith.index_cast %scan3A_192 : i32 to index
        %get3A_1411 = arith.constant 1776 : index
        %get3A_1412 = tpu.vector_load %arg11[%get3A_1410, %get3A_1411] {strides = array<i32>} : memref<9x2560xf32, #tpu.memory_space<vmem>>, vector<16xf32>,
        %mul3A_1413 = arith.mulf %get3A_1412, %gather3A_1404 : vector<16xf32>
        %add3A_1414 = arith.addf %add3A_1387, %mul3A_1413 : vector<16xf32>
        %get3A_1415 = arith.index_cast %scan3A_192 : i32 to index
        %get3A_1416 = arith.constant 1784 : index
        %get3A_1417 = tpu.vector_load %arg11[%get3A_1415, %get3A_1416] {strides = array<i32>} : memref<9x2560xf32, #tpu.memory_space<vmem>>, vector<16xf32>,
        %mul3A_1418 = arith.mulf %get3A_1417, %gather3A_1404 : vector<16xf32>
        %add3A_1419 = arith.addf %add3A_1392, %mul3A_1418 : vector<16xf32>
        %broadcast_in_dim3A_1420 = arith.constant 13 : i32
        %broadcast_in_dim3A_1421 = vector.broadcast %broadcast_in_dim3A_1420 : i32 to vector<16xi32>
        %lt3A_1422 = arith.constant 0 : i32
        %lt3A_1423 = vector.broadcast %lt3A_1422 : i32 to vector<16xi32>
        %lt3A_1424 = arith.cmpi slt, %broadcast_in_dim3A_1421, %lt3A_1423 : vector<16xi32>
        %add3A_1425 = arith.constant 16 : i32
        %add3A_1426 = vector.broadcast %add3A_1425 : i32 to vector<16xi32>
        %add3A_1427 = arith.addi %broadcast_in_dim3A_1421, %add3A_1426 : vector<16xi32>
        %select_n3A_1428 = arith.select %lt3A_1424, %add3A_1427, %broadcast_in_dim3A_1421 : vector<16xi1>, vector<16xi32>
        %broadcast_in_dim3A_1429 = vector.shape_cast %select_n3A_1428 : vector<16xi32> to vector<16x1xi32>
        %gather3A_1430 = vector.shape_cast %broadcast_in_dim3A_1429 : vector<16x1xi32> to vector<16xi32>
        %gather3A_1431 = tpu.dynamic_gather %get3A_1068[%gather3A_1430] in [0] : vector<16xf32>, vector<16xi32> -> vector<16xf32>
        %get3A_1432 = arith.index_cast %scan3A_192 : i32 to index
        %get3A_1433 = arith.constant 1800 : index
        %get3A_1434 = tpu.vector_load %arg11[%get3A_1432, %get3A_1433] {strides = array<i32>} : memref<9x2560xf32, #tpu.memory_space<vmem>>, vector<16xf32>,
        %mul3A_1435 = arith.mulf %get3A_1434, %gather3A_1431 : vector<16xf32>
        %add3A_1436 = arith.addf %add3A_1409, %mul3A_1435 : vector<16xf32>
        %get3A_1437 = arith.index_cast %scan3A_192 : i32 to index
        %get3A_1438 = arith.constant 1816 : index
        %get3A_1439 = tpu.vector_load %arg11[%get3A_1437, %get3A_1438] {strides = array<i32>} : memref<9x2560xf32, #tpu.memory_space<vmem>>, vector<16xf32>,
        %mul3A_1440 = arith.mulf %get3A_1439, %gather3A_1431 : vector<16xf32>
        %add3A_1441 = arith.addf %add3A_1414, %mul3A_1440 : vector<16xf32>
        %get3A_1442 = arith.index_cast %scan3A_192 : i32 to index
        %get3A_1443 = arith.constant 1824 : index
        %get3A_1444 = tpu.vector_load %arg11[%get3A_1442, %get3A_1443] {strides = array<i32>} : memref<9x2560xf32, #tpu.memory_space<vmem>>, vector<16xf32>,
        %mul3A_1445 = arith.mulf %get3A_1444, %gather3A_1431 : vector<16xf32>
        %add3A_1446 = arith.addf %add3A_1419, %mul3A_1445 : vector<16xf32>
        %broadcast_in_dim3A_1447 = arith.constant 14 : i32
        %broadcast_in_dim3A_1448 = vector.broadcast %broadcast_in_dim3A_1447 : i32 to vector<16xi32>
        %lt3A_1449 = arith.constant 0 : i32
        %lt3A_1450 = vector.broadcast %lt3A_1449 : i32 to vector<16xi32>
        %lt3A_1451 = arith.cmpi slt, %broadcast_in_dim3A_1448, %lt3A_1450 : vector<16xi32>
        %add3A_1452 = arith.constant 16 : i32
        %add3A_1453 = vector.broadcast %add3A_1452 : i32 to vector<16xi32>
        %add3A_1454 = arith.addi %broadcast_in_dim3A_1448, %add3A_1453 : vector<16xi32>
        %select_n3A_1455 = arith.select %lt3A_1451, %add3A_1454, %broadcast_in_dim3A_1448 : vector<16xi1>, vector<16xi32>
        %broadcast_in_dim3A_1456 = vector.shape_cast %select_n3A_1455 : vector<16xi32> to vector<16x1xi32>
        %gather3A_1457 = vector.shape_cast %broadcast_in_dim3A_1456 : vector<16x1xi32> to vector<16xi32>
        %gather3A_1458 = tpu.dynamic_gather %get3A_1068[%gather3A_1457] in [0] : vector<16xf32>, vector<16xi32> -> vector<16xf32>
        %get3A_1459 = arith.index_cast %scan3A_192 : i32 to index
        %get3A_1460 = arith.constant 1840 : index
        %get3A_1461 = tpu.vector_load %arg11[%get3A_1459, %get3A_1460] {strides = array<i32>} : memref<9x2560xf32, #tpu.memory_space<vmem>>, vector<16xf32>,
        %mul3A_1462 = arith.mulf %get3A_1461, %gather3A_1458 : vector<16xf32>
        %add3A_1463 = arith.addf %add3A_1436, %mul3A_1462 : vector<16xf32>
        %get3A_1464 = arith.index_cast %scan3A_192 : i32 to index
        %get3A_1465 = arith.constant 1856 : index
        %get3A_1466 = tpu.vector_load %arg11[%get3A_1464, %get3A_1465] {strides = array<i32>} : memref<9x2560xf32, #tpu.memory_space<vmem>>, vector<16xf32>,
        %mul3A_1467 = arith.mulf %get3A_1466, %gather3A_1458 : vector<16xf32>
        %add3A_1468 = arith.addf %add3A_1441, %mul3A_1467 : vector<16xf32>
        %get3A_1469 = arith.index_cast %scan3A_192 : i32 to index
        %get3A_1470 = arith.constant 1864 : index
        %get3A_1471 = tpu.vector_load %arg11[%get3A_1469, %get3A_1470] {strides = array<i32>} : memref<9x2560xf32, #tpu.memory_space<vmem>>, vector<16xf32>,
        %mul3A_1472 = arith.mulf %get3A_1471, %gather3A_1458 : vector<16xf32>
        %add3A_1473 = arith.addf %add3A_1446, %mul3A_1472 : vector<16xf32>
        %broadcast_in_dim3A_1474 = arith.constant 15 : i32
        %broadcast_in_dim3A_1475 = vector.broadcast %broadcast_in_dim3A_1474 : i32 to vector<16xi32>
        %lt3A_1476 = arith.constant 0 : i32
        %lt3A_1477 = vector.broadcast %lt3A_1476 : i32 to vector<16xi32>
        %lt3A_1478 = arith.cmpi slt, %broadcast_in_dim3A_1475, %lt3A_1477 : vector<16xi32>
        %add3A_1479 = arith.constant 16 : i32
        %add3A_1480 = vector.broadcast %add3A_1479 : i32 to vector<16xi32>
        %add3A_1481 = arith.addi %broadcast_in_dim3A_1475, %add3A_1480 : vector<16xi32>
        %select_n3A_1482 = arith.select %lt3A_1478, %add3A_1481, %broadcast_in_dim3A_1475 : vector<16xi1>, vector<16xi32>
        %broadcast_in_dim3A_1483 = vector.shape_cast %select_n3A_1482 : vector<16xi32> to vector<16x1xi32>
        %gather3A_1484 = vector.shape_cast %broadcast_in_dim3A_1483 : vector<16x1xi32> to vector<16xi32>
        %gather3A_1485 = tpu.dynamic_gather %get3A_1068[%gather3A_1484] in [0] : vector<16xf32>, vector<16xi32> -> vector<16xf32>
        %get3A_1486 = arith.index_cast %scan3A_192 : i32 to index
        %get3A_1487 = arith.constant 1880 : index
        %get3A_1488 = tpu.vector_load %arg11[%get3A_1486, %get3A_1487] {strides = array<i32>} : memref<9x2560xf32, #tpu.memory_space<vmem>>, vector<16xf32>,
        %mul3A_1489 = arith.mulf %get3A_1488, %gather3A_1485 : vector<16xf32>
        %add3A_1490 = arith.addf %add3A_1463, %mul3A_1489 : vector<16xf32>
        %get3A_1491 = arith.index_cast %scan3A_192 : i32 to index
        %get3A_1492 = arith.constant 1896 : index
        %get3A_1493 = tpu.vector_load %arg11[%get3A_1491, %get3A_1492] {strides = array<i32>} : memref<9x2560xf32, #tpu.memory_space<vmem>>, vector<16xf32>,
        %mul3A_1494 = arith.mulf %get3A_1493, %gather3A_1485 : vector<16xf32>
        %add3A_1495 = arith.addf %add3A_1468, %mul3A_1494 : vector<16xf32>
        %get3A_1496 = arith.index_cast %scan3A_192 : i32 to index
        %get3A_1497 = arith.constant 1904 : index
        %get3A_1498 = tpu.vector_load %arg11[%get3A_1496, %get3A_1497] {strides = array<i32>} : memref<9x2560xf32, #tpu.memory_space<vmem>>, vector<16xf32>,
        %mul3A_1499 = arith.mulf %get3A_1498, %gather3A_1485 : vector<16xf32>
        %add3A_1500 = arith.addf %add3A_1473, %mul3A_1499 : vector<16xf32>
        %get3A_1501 = arith.index_cast %add3A_110 : i32 to index
        %get3A_1502 = arith.constant 48 : index
        %get3A_1503 = tpu.vector_load %arg9[%get3A_1501, %get3A_1502] {strides = array<i32>} : memref<128x64xf32, #tpu.memory_space<vmem>>, vector<16xf32>,
        %broadcast_in_dim3A_1504 = arith.constant 0 : i32
        %broadcast_in_dim3A_1505 = vector.broadcast %broadcast_in_dim3A_1504 : i32 to vector<16xi32>
        %lt3A_1506 = arith.constant 0 : i32
        %lt3A_1507 = vector.broadcast %lt3A_1506 : i32 to vector<16xi32>
        %lt3A_1508 = arith.cmpi slt, %broadcast_in_dim3A_1505, %lt3A_1507 : vector<16xi32>
        %add3A_1509 = arith.constant 16 : i32
        %add3A_1510 = vector.broadcast %add3A_1509 : i32 to vector<16xi32>
        %add3A_1511 = arith.addi %broadcast_in_dim3A_1505, %add3A_1510 : vector<16xi32>
        %select_n3A_1512 = arith.select %lt3A_1508, %add3A_1511, %broadcast_in_dim3A_1505 : vector<16xi1>, vector<16xi32>
        %broadcast_in_dim3A_1513 = vector.shape_cast %select_n3A_1512 : vector<16xi32> to vector<16x1xi32>
        %gather3A_1514 = vector.shape_cast %broadcast_in_dim3A_1513 : vector<16x1xi32> to vector<16xi32>
        %gather3A_1515 = tpu.dynamic_gather %get3A_1503[%gather3A_1514] in [0] : vector<16xf32>, vector<16xi32> -> vector<16xf32>
        %get3A_1516 = arith.index_cast %scan3A_192 : i32 to index
        %get3A_1517 = arith.constant 1920 : index
        %get3A_1518 = tpu.vector_load %arg11[%get3A_1516, %get3A_1517] {strides = array<i32>} : memref<9x2560xf32, #tpu.memory_space<vmem>>, vector<16xf32>,
        %mul3A_1519 = arith.mulf %get3A_1518, %gather3A_1515 : vector<16xf32>
        %add3A_1520 = arith.addf %add3A_1490, %mul3A_1519 : vector<16xf32>
        %get3A_1521 = arith.index_cast %scan3A_192 : i32 to index
        %get3A_1522 = arith.constant 1936 : index
        %get3A_1523 = tpu.vector_load %arg11[%get3A_1521, %get3A_1522] {strides = array<i32>} : memref<9x2560xf32, #tpu.memory_space<vmem>>, vector<16xf32>,
        %mul3A_1524 = arith.mulf %get3A_1523, %gather3A_1515 : vector<16xf32>
        %add3A_1525 = arith.addf %add3A_1495, %mul3A_1524 : vector<16xf32>
        %get3A_1526 = arith.index_cast %scan3A_192 : i32 to index
        %get3A_1527 = arith.constant 1944 : index
        %get3A_1528 = tpu.vector_load %arg11[%get3A_1526, %get3A_1527] {strides = array<i32>} : memref<9x2560xf32, #tpu.memory_space<vmem>>, vector<16xf32>,
        %mul3A_1529 = arith.mulf %get3A_1528, %gather3A_1515 : vector<16xf32>
        %add3A_1530 = arith.addf %add3A_1500, %mul3A_1529 : vector<16xf32>
        %broadcast_in_dim3A_1531 = arith.constant 1 : i32
        %broadcast_in_dim3A_1532 = vector.broadcast %broadcast_in_dim3A_1531 : i32 to vector<16xi32>
        %lt3A_1533 = arith.constant 0 : i32
        %lt3A_1534 = vector.broadcast %lt3A_1533 : i32 to vector<16xi32>
        %lt3A_1535 = arith.cmpi slt, %broadcast_in_dim3A_1532, %lt3A_1534 : vector<16xi32>
        %add3A_1536 = arith.constant 16 : i32
        %add3A_1537 = vector.broadcast %add3A_1536 : i32 to vector<16xi32>
        %add3A_1538 = arith.addi %broadcast_in_dim3A_1532, %add3A_1537 : vector<16xi32>
        %select_n3A_1539 = arith.select %lt3A_1535, %add3A_1538, %broadcast_in_dim3A_1532 : vector<16xi1>, vector<16xi32>
        %broadcast_in_dim3A_1540 = vector.shape_cast %select_n3A_1539 : vector<16xi32> to vector<16x1xi32>
        %gather3A_1541 = vector.shape_cast %broadcast_in_dim3A_1540 : vector<16x1xi32> to vector<16xi32>
        %gather3A_1542 = tpu.dynamic_gather %get3A_1503[%gather3A_1541] in [0] : vector<16xf32>, vector<16xi32> -> vector<16xf32>
        %get3A_1543 = arith.index_cast %scan3A_192 : i32 to index
        %get3A_1544 = arith.constant 1960 : index
        %get3A_1545 = tpu.vector_load %arg11[%get3A_1543, %get3A_1544] {strides = array<i32>} : memref<9x2560xf32, #tpu.memory_space<vmem>>, vector<16xf32>,
        %mul3A_1546 = arith.mulf %get3A_1545, %gather3A_1542 : vector<16xf32>
        %add3A_1547 = arith.addf %add3A_1520, %mul3A_1546 : vector<16xf32>
        %get3A_1548 = arith.index_cast %scan3A_192 : i32 to index
        %get3A_1549 = arith.constant 1976 : index
        %get3A_1550 = tpu.vector_load %arg11[%get3A_1548, %get3A_1549] {strides = array<i32>} : memref<9x2560xf32, #tpu.memory_space<vmem>>, vector<16xf32>,
        %mul3A_1551 = arith.mulf %get3A_1550, %gather3A_1542 : vector<16xf32>
        %add3A_1552 = arith.addf %add3A_1525, %mul3A_1551 : vector<16xf32>
        %get3A_1553 = arith.index_cast %scan3A_192 : i32 to index
        %get3A_1554 = arith.constant 1984 : index
        %get3A_1555 = tpu.vector_load %arg11[%get3A_1553, %get3A_1554] {strides = array<i32>} : memref<9x2560xf32, #tpu.memory_space<vmem>>, vector<16xf32>,
        %mul3A_1556 = arith.mulf %get3A_1555, %gather3A_1542 : vector<16xf32>
        %add3A_1557 = arith.addf %add3A_1530, %mul3A_1556 : vector<16xf32>
        %broadcast_in_dim3A_1558 = arith.constant 2 : i32
        %broadcast_in_dim3A_1559 = vector.broadcast %broadcast_in_dim3A_1558 : i32 to vector<16xi32>
        %lt3A_1560 = arith.constant 0 : i32
        %lt3A_1561 = vector.broadcast %lt3A_1560 : i32 to vector<16xi32>
        %lt3A_1562 = arith.cmpi slt, %broadcast_in_dim3A_1559, %lt3A_1561 : vector<16xi32>
        %add3A_1563 = arith.constant 16 : i32
        %add3A_1564 = vector.broadcast %add3A_1563 : i32 to vector<16xi32>
        %add3A_1565 = arith.addi %broadcast_in_dim3A_1559, %add3A_1564 : vector<16xi32>
        %select_n3A_1566 = arith.select %lt3A_1562, %add3A_1565, %broadcast_in_dim3A_1559 : vector<16xi1>, vector<16xi32>
        %broadcast_in_dim3A_1567 = vector.shape_cast %select_n3A_1566 : vector<16xi32> to vector<16x1xi32>
        %gather3A_1568 = vector.shape_cast %broadcast_in_dim3A_1567 : vector<16x1xi32> to vector<16xi32>
        %gather3A_1569 = tpu.dynamic_gather %get3A_1503[%gather3A_1568] in [0] : vector<16xf32>, vector<16xi32> -> vector<16xf32>
        %get3A_1570 = arith.index_cast %scan3A_192 : i32 to index
        %get3A_1571 = arith.constant 2000 : index
        %get3A_1572 = tpu.vector_load %arg11[%get3A_1570, %get3A_1571] {strides = array<i32>} : memref<9x2560xf32, #tpu.memory_space<vmem>>, vector<16xf32>,
        %mul3A_1573 = arith.mulf %get3A_1572, %gather3A_1569 : vector<16xf32>
        %add3A_1574 = arith.addf %add3A_1547, %mul3A_1573 : vector<16xf32>
        %get3A_1575 = arith.index_cast %scan3A_192 : i32 to index
        %get3A_1576 = arith.constant 2016 : index
        %get3A_1577 = tpu.vector_load %arg11[%get3A_1575, %get3A_1576] {strides = array<i32>} : memref<9x2560xf32, #tpu.memory_space<vmem>>, vector<16xf32>,
        %mul3A_1578 = arith.mulf %get3A_1577, %gather3A_1569 : vector<16xf32>
        %add3A_1579 = arith.addf %add3A_1552, %mul3A_1578 : vector<16xf32>
        %get3A_1580 = arith.index_cast %scan3A_192 : i32 to index
        %get3A_1581 = arith.constant 2024 : index
        %get3A_1582 = tpu.vector_load %arg11[%get3A_1580, %get3A_1581] {strides = array<i32>} : memref<9x2560xf32, #tpu.memory_space<vmem>>, vector<16xf32>,
        %mul3A_1583 = arith.mulf %get3A_1582, %gather3A_1569 : vector<16xf32>
        %add3A_1584 = arith.addf %add3A_1557, %mul3A_1583 : vector<16xf32>
        %broadcast_in_dim3A_1585 = arith.constant 3 : i32
        %broadcast_in_dim3A_1586 = vector.broadcast %broadcast_in_dim3A_1585 : i32 to vector<16xi32>
        %lt3A_1587 = arith.constant 0 : i32
        %lt3A_1588 = vector.broadcast %lt3A_1587 : i32 to vector<16xi32>
        %lt3A_1589 = arith.cmpi slt, %broadcast_in_dim3A_1586, %lt3A_1588 : vector<16xi32>
        %add3A_1590 = arith.constant 16 : i32
        %add3A_1591 = vector.broadcast %add3A_1590 : i32 to vector<16xi32>
        %add3A_1592 = arith.addi %broadcast_in_dim3A_1586, %add3A_1591 : vector<16xi32>
        %select_n3A_1593 = arith.select %lt3A_1589, %add3A_1592, %broadcast_in_dim3A_1586 : vector<16xi1>, vector<16xi32>
        %broadcast_in_dim3A_1594 = vector.shape_cast %select_n3A_1593 : vector<16xi32> to vector<16x1xi32>
        %gather3A_1595 = vector.shape_cast %broadcast_in_dim3A_1594 : vector<16x1xi32> to vector<16xi32>
        %gather3A_1596 = tpu.dynamic_gather %get3A_1503[%gather3A_1595] in [0] : vector<16xf32>, vector<16xi32> -> vector<16xf32>
        %get3A_1597 = arith.index_cast %scan3A_192 : i32 to index
        %get3A_1598 = arith.constant 2040 : index
        %get3A_1599 = tpu.vector_load %arg11[%get3A_1597, %get3A_1598] {strides = array<i32>} : memref<9x2560xf32, #tpu.memory_space<vmem>>, vector<16xf32>,
        %mul3A_1600 = arith.mulf %get3A_1599, %gather3A_1596 : vector<16xf32>
        %add3A_1601 = arith.addf %add3A_1574, %mul3A_1600 : vector<16xf32>
        %get3A_1602 = arith.index_cast %scan3A_192 : i32 to index
        %get3A_1603 = arith.constant 2056 : index
        %get3A_1604 = tpu.vector_load %arg11[%get3A_1602, %get3A_1603] {strides = array<i32>} : memref<9x2560xf32, #tpu.memory_space<vmem>>, vector<16xf32>,
        %mul3A_1605 = arith.mulf %get3A_1604, %gather3A_1596 : vector<16xf32>
        %add3A_1606 = arith.addf %add3A_1579, %mul3A_1605 : vector<16xf32>
        %get3A_1607 = arith.index_cast %scan3A_192 : i32 to index
        %get3A_1608 = arith.constant 2064 : index
        %get3A_1609 = tpu.vector_load %arg11[%get3A_1607, %get3A_1608] {strides = array<i32>} : memref<9x2560xf32, #tpu.memory_space<vmem>>, vector<16xf32>,
        %mul3A_1610 = arith.mulf %get3A_1609, %gather3A_1596 : vector<16xf32>
        %add3A_1611 = arith.addf %add3A_1584, %mul3A_1610 : vector<16xf32>
        %broadcast_in_dim3A_1612 = arith.constant 4 : i32
        %broadcast_in_dim3A_1613 = vector.broadcast %broadcast_in_dim3A_1612 : i32 to vector<16xi32>
        %lt3A_1614 = arith.constant 0 : i32
        %lt3A_1615 = vector.broadcast %lt3A_1614 : i32 to vector<16xi32>
        %lt3A_1616 = arith.cmpi slt, %broadcast_in_dim3A_1613, %lt3A_1615 : vector<16xi32>
        %add3A_1617 = arith.constant 16 : i32
        %add3A_1618 = vector.broadcast %add3A_1617 : i32 to vector<16xi32>
        %add3A_1619 = arith.addi %broadcast_in_dim3A_1613, %add3A_1618 : vector<16xi32>
        %select_n3A_1620 = arith.select %lt3A_1616, %add3A_1619, %broadcast_in_dim3A_1613 : vector<16xi1>, vector<16xi32>
        %broadcast_in_dim3A_1621 = vector.shape_cast %select_n3A_1620 : vector<16xi32> to vector<16x1xi32>
        %gather3A_1622 = vector.shape_cast %broadcast_in_dim3A_1621 : vector<16x1xi32> to vector<16xi32>
        %gather3A_1623 = tpu.dynamic_gather %get3A_1503[%gather3A_1622] in [0] : vector<16xf32>, vector<16xi32> -> vector<16xf32>
        %get3A_1624 = arith.index_cast %scan3A_192 : i32 to index
        %get3A_1625 = arith.constant 2080 : index
        %get3A_1626 = tpu.vector_load %arg11[%get3A_1624, %get3A_1625] {strides = array<i32>} : memref<9x2560xf32, #tpu.memory_space<vmem>>, vector<16xf32>,
        %mul3A_1627 = arith.mulf %get3A_1626, %gather3A_1623 : vector<16xf32>
        %add3A_1628 = arith.addf %add3A_1601, %mul3A_1627 : vector<16xf32>
        %get3A_1629 = arith.index_cast %scan3A_192 : i32 to index
        %get3A_1630 = arith.constant 2096 : index
        %get3A_1631 = tpu.vector_load %arg11[%get3A_1629, %get3A_1630] {strides = array<i32>} : memref<9x2560xf32, #tpu.memory_space<vmem>>, vector<16xf32>,
        %mul3A_1632 = arith.mulf %get3A_1631, %gather3A_1623 : vector<16xf32>
        %add3A_1633 = arith.addf %add3A_1606, %mul3A_1632 : vector<16xf32>
        %get3A_1634 = arith.index_cast %scan3A_192 : i32 to index
        %get3A_1635 = arith.constant 2104 : index
        %get3A_1636 = tpu.vector_load %arg11[%get3A_1634, %get3A_1635] {strides = array<i32>} : memref<9x2560xf32, #tpu.memory_space<vmem>>, vector<16xf32>,
        %mul3A_1637 = arith.mulf %get3A_1636, %gather3A_1623 : vector<16xf32>
        %add3A_1638 = arith.addf %add3A_1611, %mul3A_1637 : vector<16xf32>
        %broadcast_in_dim3A_1639 = arith.constant 5 : i32
        %broadcast_in_dim3A_1640 = vector.broadcast %broadcast_in_dim3A_1639 : i32 to vector<16xi32>
        %lt3A_1641 = arith.constant 0 : i32
        %lt3A_1642 = vector.broadcast %lt3A_1641 : i32 to vector<16xi32>
        %lt3A_1643 = arith.cmpi slt, %broadcast_in_dim3A_1640, %lt3A_1642 : vector<16xi32>
        %add3A_1644 = arith.constant 16 : i32
        %add3A_1645 = vector.broadcast %add3A_1644 : i32 to vector<16xi32>
        %add3A_1646 = arith.addi %broadcast_in_dim3A_1640, %add3A_1645 : vector<16xi32>
        %select_n3A_1647 = arith.select %lt3A_1643, %add3A_1646, %broadcast_in_dim3A_1640 : vector<16xi1>, vector<16xi32>
        %broadcast_in_dim3A_1648 = vector.shape_cast %select_n3A_1647 : vector<16xi32> to vector<16x1xi32>
        %gather3A_1649 = vector.shape_cast %broadcast_in_dim3A_1648 : vector<16x1xi32> to vector<16xi32>
        %gather3A_1650 = tpu.dynamic_gather %get3A_1503[%gather3A_1649] in [0] : vector<16xf32>, vector<16xi32> -> vector<16xf32>
        %get3A_1651 = arith.index_cast %scan3A_192 : i32 to index
        %get3A_1652 = arith.constant 2120 : index
        %get3A_1653 = tpu.vector_load %arg11[%get3A_1651, %get3A_1652] {strides = array<i32>} : memref<9x2560xf32, #tpu.memory_space<vmem>>, vector<16xf32>,
        %mul3A_1654 = arith.mulf %get3A_1653, %gather3A_1650 : vector<16xf32>
        %add3A_1655 = arith.addf %add3A_1628, %mul3A_1654 : vector<16xf32>
        %get3A_1656 = arith.index_cast %scan3A_192 : i32 to index
        %get3A_1657 = arith.constant 2136 : index
        %get3A_1658 = tpu.vector_load %arg11[%get3A_1656, %get3A_1657] {strides = array<i32>} : memref<9x2560xf32, #tpu.memory_space<vmem>>, vector<16xf32>,
        %mul3A_1659 = arith.mulf %get3A_1658, %gather3A_1650 : vector<16xf32>
        %add3A_1660 = arith.addf %add3A_1633, %mul3A_1659 : vector<16xf32>
        %get3A_1661 = arith.index_cast %scan3A_192 : i32 to index
        %get3A_1662 = arith.constant 2144 : index
        %get3A_1663 = tpu.vector_load %arg11[%get3A_1661, %get3A_1662] {strides = array<i32>} : memref<9x2560xf32, #tpu.memory_space<vmem>>, vector<16xf32>,
        %mul3A_1664 = arith.mulf %get3A_1663, %gather3A_1650 : vector<16xf32>
        %add3A_1665 = arith.addf %add3A_1638, %mul3A_1664 : vector<16xf32>
        %broadcast_in_dim3A_1666 = arith.constant 6 : i32
        %broadcast_in_dim3A_1667 = vector.broadcast %broadcast_in_dim3A_1666 : i32 to vector<16xi32>
        %lt3A_1668 = arith.constant 0 : i32
        %lt3A_1669 = vector.broadcast %lt3A_1668 : i32 to vector<16xi32>
        %lt3A_1670 = arith.cmpi slt, %broadcast_in_dim3A_1667, %lt3A_1669 : vector<16xi32>
        %add3A_1671 = arith.constant 16 : i32
        %add3A_1672 = vector.broadcast %add3A_1671 : i32 to vector<16xi32>
        %add3A_1673 = arith.addi %broadcast_in_dim3A_1667, %add3A_1672 : vector<16xi32>
        %select_n3A_1674 = arith.select %lt3A_1670, %add3A_1673, %broadcast_in_dim3A_1667 : vector<16xi1>, vector<16xi32>
        %broadcast_in_dim3A_1675 = vector.shape_cast %select_n3A_1674 : vector<16xi32> to vector<16x1xi32>
        %gather3A_1676 = vector.shape_cast %broadcast_in_dim3A_1675 : vector<16x1xi32> to vector<16xi32>
        %gather3A_1677 = tpu.dynamic_gather %get3A_1503[%gather3A_1676] in [0] : vector<16xf32>, vector<16xi32> -> vector<16xf32>
        %get3A_1678 = arith.index_cast %scan3A_192 : i32 to index
        %get3A_1679 = arith.constant 2160 : index
        %get3A_1680 = tpu.vector_load %arg11[%get3A_1678, %get3A_1679] {strides = array<i32>} : memref<9x2560xf32, #tpu.memory_space<vmem>>, vector<16xf32>,
        %mul3A_1681 = arith.mulf %get3A_1680, %gather3A_1677 : vector<16xf32>
        %add3A_1682 = arith.addf %add3A_1655, %mul3A_1681 : vector<16xf32>
        %get3A_1683 = arith.index_cast %scan3A_192 : i32 to index
        %get3A_1684 = arith.constant 2176 : index
        %get3A_1685 = tpu.vector_load %arg11[%get3A_1683, %get3A_1684] {strides = array<i32>} : memref<9x2560xf32, #tpu.memory_space<vmem>>, vector<16xf32>,
        %mul3A_1686 = arith.mulf %get3A_1685, %gather3A_1677 : vector<16xf32>
        %add3A_1687 = arith.addf %add3A_1660, %mul3A_1686 : vector<16xf32>
        %get3A_1688 = arith.index_cast %scan3A_192 : i32 to index
        %get3A_1689 = arith.constant 2184 : index
        %get3A_1690 = tpu.vector_load %arg11[%get3A_1688, %get3A_1689] {strides = array<i32>} : memref<9x2560xf32, #tpu.memory_space<vmem>>, vector<16xf32>,
        %mul3A_1691 = arith.mulf %get3A_1690, %gather3A_1677 : vector<16xf32>
        %add3A_1692 = arith.addf %add3A_1665, %mul3A_1691 : vector<16xf32>
        %broadcast_in_dim3A_1693 = arith.constant 7 : i32
        %broadcast_in_dim3A_1694 = vector.broadcast %broadcast_in_dim3A_1693 : i32 to vector<16xi32>
        %lt3A_1695 = arith.constant 0 : i32
        %lt3A_1696 = vector.broadcast %lt3A_1695 : i32 to vector<16xi32>
        %lt3A_1697 = arith.cmpi slt, %broadcast_in_dim3A_1694, %lt3A_1696 : vector<16xi32>
        %add3A_1698 = arith.constant 16 : i32
        %add3A_1699 = vector.broadcast %add3A_1698 : i32 to vector<16xi32>
        %add3A_1700 = arith.addi %broadcast_in_dim3A_1694, %add3A_1699 : vector<16xi32>
        %select_n3A_1701 = arith.select %lt3A_1697, %add3A_1700, %broadcast_in_dim3A_1694 : vector<16xi1>, vector<16xi32>
        %broadcast_in_dim3A_1702 = vector.shape_cast %select_n3A_1701 : vector<16xi32> to vector<16x1xi32>
        %gather3A_1703 = vector.shape_cast %broadcast_in_dim3A_1702 : vector<16x1xi32> to vector<16xi32>
        %gather3A_1704 = tpu.dynamic_gather %get3A_1503[%gather3A_1703] in [0] : vector<16xf32>, vector<16xi32> -> vector<16xf32>
        %get3A_1705 = arith.index_cast %scan3A_192 : i32 to index
        %get3A_1706 = arith.constant 2200 : index
        %get3A_1707 = tpu.vector_load %arg11[%get3A_1705, %get3A_1706] {strides = array<i32>} : memref<9x2560xf32, #tpu.memory_space<vmem>>, vector<16xf32>,
        %mul3A_1708 = arith.mulf %get3A_1707, %gather3A_1704 : vector<16xf32>
        %add3A_1709 = arith.addf %add3A_1682, %mul3A_1708 : vector<16xf32>
        %get3A_1710 = arith.index_cast %scan3A_192 : i32 to index
        %get3A_1711 = arith.constant 2216 : index
        %get3A_1712 = tpu.vector_load %arg11[%get3A_1710, %get3A_1711] {strides = array<i32>} : memref<9x2560xf32, #tpu.memory_space<vmem>>, vector<16xf32>,
        %mul3A_1713 = arith.mulf %get3A_1712, %gather3A_1704 : vector<16xf32>
        %add3A_1714 = arith.addf %add3A_1687, %mul3A_1713 : vector<16xf32>
        %get3A_1715 = arith.index_cast %scan3A_192 : i32 to index
        %get3A_1716 = arith.constant 2224 : index
        %get3A_1717 = tpu.vector_load %arg11[%get3A_1715, %get3A_1716] {strides = array<i32>} : memref<9x2560xf32, #tpu.memory_space<vmem>>, vector<16xf32>,
        %mul3A_1718 = arith.mulf %get3A_1717, %gather3A_1704 : vector<16xf32>
        %add3A_1719 = arith.addf %add3A_1692, %mul3A_1718 : vector<16xf32>
        %broadcast_in_dim3A_1720 = arith.constant 8 : i32
        %broadcast_in_dim3A_1721 = vector.broadcast %broadcast_in_dim3A_1720 : i32 to vector<16xi32>
        %lt3A_1722 = arith.constant 0 : i32
        %lt3A_1723 = vector.broadcast %lt3A_1722 : i32 to vector<16xi32>
        %lt3A_1724 = arith.cmpi slt, %broadcast_in_dim3A_1721, %lt3A_1723 : vector<16xi32>
        %add3A_1725 = arith.constant 16 : i32
        %add3A_1726 = vector.broadcast %add3A_1725 : i32 to vector<16xi32>
        %add3A_1727 = arith.addi %broadcast_in_dim3A_1721, %add3A_1726 : vector<16xi32>
        %select_n3A_1728 = arith.select %lt3A_1724, %add3A_1727, %broadcast_in_dim3A_1721 : vector<16xi1>, vector<16xi32>
        %broadcast_in_dim3A_1729 = vector.shape_cast %select_n3A_1728 : vector<16xi32> to vector<16x1xi32>
        %gather3A_1730 = vector.shape_cast %broadcast_in_dim3A_1729 : vector<16x1xi32> to vector<16xi32>
        %gather3A_1731 = tpu.dynamic_gather %get3A_1503[%gather3A_1730] in [0] : vector<16xf32>, vector<16xi32> -> vector<16xf32>
        %get3A_1732 = arith.index_cast %scan3A_192 : i32 to index
        %get3A_1733 = arith.constant 2240 : index
        %get3A_1734 = tpu.vector_load %arg11[%get3A_1732, %get3A_1733] {strides = array<i32>} : memref<9x2560xf32, #tpu.memory_space<vmem>>, vector<16xf32>,
        %mul3A_1735 = arith.mulf %get3A_1734, %gather3A_1731 : vector<16xf32>
        %add3A_1736 = arith.addf %add3A_1709, %mul3A_1735 : vector<16xf32>
        %get3A_1737 = arith.index_cast %scan3A_192 : i32 to index
        %get3A_1738 = arith.constant 2256 : index
        %get3A_1739 = tpu.vector_load %arg11[%get3A_1737, %get3A_1738] {strides = array<i32>} : memref<9x2560xf32, #tpu.memory_space<vmem>>, vector<16xf32>,
        %mul3A_1740 = arith.mulf %get3A_1739, %gather3A_1731 : vector<16xf32>
        %add3A_1741 = arith.addf %add3A_1714, %mul3A_1740 : vector<16xf32>
        %get3A_1742 = arith.index_cast %scan3A_192 : i32 to index
        %get3A_1743 = arith.constant 2264 : index
        %get3A_1744 = tpu.vector_load %arg11[%get3A_1742, %get3A_1743] {strides = array<i32>} : memref<9x2560xf32, #tpu.memory_space<vmem>>, vector<16xf32>,
        %mul3A_1745 = arith.mulf %get3A_1744, %gather3A_1731 : vector<16xf32>
        %add3A_1746 = arith.addf %add3A_1719, %mul3A_1745 : vector<16xf32>
        %broadcast_in_dim3A_1747 = arith.constant 9 : i32
        %broadcast_in_dim3A_1748 = vector.broadcast %broadcast_in_dim3A_1747 : i32 to vector<16xi32>
        %lt3A_1749 = arith.constant 0 : i32
        %lt3A_1750 = vector.broadcast %lt3A_1749 : i32 to vector<16xi32>
        %lt3A_1751 = arith.cmpi slt, %broadcast_in_dim3A_1748, %lt3A_1750 : vector<16xi32>
        %add3A_1752 = arith.constant 16 : i32
        %add3A_1753 = vector.broadcast %add3A_1752 : i32 to vector<16xi32>
        %add3A_1754 = arith.addi %broadcast_in_dim3A_1748, %add3A_1753 : vector<16xi32>
        %select_n3A_1755 = arith.select %lt3A_1751, %add3A_1754, %broadcast_in_dim3A_1748 : vector<16xi1>, vector<16xi32>
        %broadcast_in_dim3A_1756 = vector.shape_cast %select_n3A_1755 : vector<16xi32> to vector<16x1xi32>
        %gather3A_1757 = vector.shape_cast %broadcast_in_dim3A_1756 : vector<16x1xi32> to vector<16xi32>
        %gather3A_1758 = tpu.dynamic_gather %get3A_1503[%gather3A_1757] in [0] : vector<16xf32>, vector<16xi32> -> vector<16xf32>
        %get3A_1759 = arith.index_cast %scan3A_192 : i32 to index
        %get3A_1760 = arith.constant 2280 : index
        %get3A_1761 = tpu.vector_load %arg11[%get3A_1759, %get3A_1760] {strides = array<i32>} : memref<9x2560xf32, #tpu.memory_space<vmem>>, vector<16xf32>,
        %mul3A_1762 = arith.mulf %get3A_1761, %gather3A_1758 : vector<16xf32>
        %add3A_1763 = arith.addf %add3A_1736, %mul3A_1762 : vector<16xf32>
        %get3A_1764 = arith.index_cast %scan3A_192 : i32 to index
        %get3A_1765 = arith.constant 2296 : index
        %get3A_1766 = tpu.vector_load %arg11[%get3A_1764, %get3A_1765] {strides = array<i32>} : memref<9x2560xf32, #tpu.memory_space<vmem>>, vector<16xf32>,
        %mul3A_1767 = arith.mulf %get3A_1766, %gather3A_1758 : vector<16xf32>
        %add3A_1768 = arith.addf %add3A_1741, %mul3A_1767 : vector<16xf32>
        %get3A_1769 = arith.index_cast %scan3A_192 : i32 to index
        %get3A_1770 = arith.constant 2304 : index
        %get3A_1771 = tpu.vector_load %arg11[%get3A_1769, %get3A_1770] {strides = array<i32>} : memref<9x2560xf32, #tpu.memory_space<vmem>>, vector<16xf32>,
        %mul3A_1772 = arith.mulf %get3A_1771, %gather3A_1758 : vector<16xf32>
        %add3A_1773 = arith.addf %add3A_1746, %mul3A_1772 : vector<16xf32>
        %broadcast_in_dim3A_1774 = arith.constant 10 : i32
        %broadcast_in_dim3A_1775 = vector.broadcast %broadcast_in_dim3A_1774 : i32 to vector<16xi32>
        %lt3A_1776 = arith.constant 0 : i32
        %lt3A_1777 = vector.broadcast %lt3A_1776 : i32 to vector<16xi32>
        %lt3A_1778 = arith.cmpi slt, %broadcast_in_dim3A_1775, %lt3A_1777 : vector<16xi32>
        %add3A_1779 = arith.constant 16 : i32
        %add3A_1780 = vector.broadcast %add3A_1779 : i32 to vector<16xi32>
        %add3A_1781 = arith.addi %broadcast_in_dim3A_1775, %add3A_1780 : vector<16xi32>
        %select_n3A_1782 = arith.select %lt3A_1778, %add3A_1781, %broadcast_in_dim3A_1775 : vector<16xi1>, vector<16xi32>
        %broadcast_in_dim3A_1783 = vector.shape_cast %select_n3A_1782 : vector<16xi32> to vector<16x1xi32>
        %gather3A_1784 = vector.shape_cast %broadcast_in_dim3A_1783 : vector<16x1xi32> to vector<16xi32>
        %gather3A_1785 = tpu.dynamic_gather %get3A_1503[%gather3A_1784] in [0] : vector<16xf32>, vector<16xi32> -> vector<16xf32>
        %get3A_1786 = arith.index_cast %scan3A_192 : i32 to index
        %get3A_1787 = arith.constant 2320 : index
        %get3A_1788 = tpu.vector_load %arg11[%get3A_1786, %get3A_1787] {strides = array<i32>} : memref<9x2560xf32, #tpu.memory_space<vmem>>, vector<16xf32>,
        %mul3A_1789 = arith.mulf %get3A_1788, %gather3A_1785 : vector<16xf32>
        %add3A_1790 = arith.addf %add3A_1763, %mul3A_1789 : vector<16xf32>
        %get3A_1791 = arith.index_cast %scan3A_192 : i32 to index
        %get3A_1792 = arith.constant 2336 : index
        %get3A_1793 = tpu.vector_load %arg11[%get3A_1791, %get3A_1792] {strides = array<i32>} : memref<9x2560xf32, #tpu.memory_space<vmem>>, vector<16xf32>,
        %mul3A_1794 = arith.mulf %get3A_1793, %gather3A_1785 : vector<16xf32>
        %add3A_1795 = arith.addf %add3A_1768, %mul3A_1794 : vector<16xf32>
        %get3A_1796 = arith.index_cast %scan3A_192 : i32 to index
        %get3A_1797 = arith.constant 2344 : index
        %get3A_1798 = tpu.vector_load %arg11[%get3A_1796, %get3A_1797] {strides = array<i32>} : memref<9x2560xf32, #tpu.memory_space<vmem>>, vector<16xf32>,
        %mul3A_1799 = arith.mulf %get3A_1798, %gather3A_1785 : vector<16xf32>
        %add3A_1800 = arith.addf %add3A_1773, %mul3A_1799 : vector<16xf32>
        %broadcast_in_dim3A_1801 = arith.constant 11 : i32
        %broadcast_in_dim3A_1802 = vector.broadcast %broadcast_in_dim3A_1801 : i32 to vector<16xi32>
        %lt3A_1803 = arith.constant 0 : i32
        %lt3A_1804 = vector.broadcast %lt3A_1803 : i32 to vector<16xi32>
        %lt3A_1805 = arith.cmpi slt, %broadcast_in_dim3A_1802, %lt3A_1804 : vector<16xi32>
        %add3A_1806 = arith.constant 16 : i32
        %add3A_1807 = vector.broadcast %add3A_1806 : i32 to vector<16xi32>
        %add3A_1808 = arith.addi %broadcast_in_dim3A_1802, %add3A_1807 : vector<16xi32>
        %select_n3A_1809 = arith.select %lt3A_1805, %add3A_1808, %broadcast_in_dim3A_1802 : vector<16xi1>, vector<16xi32>
        %broadcast_in_dim3A_1810 = vector.shape_cast %select_n3A_1809 : vector<16xi32> to vector<16x1xi32>
        %gather3A_1811 = vector.shape_cast %broadcast_in_dim3A_1810 : vector<16x1xi32> to vector<16xi32>
        %gather3A_1812 = tpu.dynamic_gather %get3A_1503[%gather3A_1811] in [0] : vector<16xf32>, vector<16xi32> -> vector<16xf32>
        %get3A_1813 = arith.index_cast %scan3A_192 : i32 to index
        %get3A_1814 = arith.constant 2360 : index
        %get3A_1815 = tpu.vector_load %arg11[%get3A_1813, %get3A_1814] {strides = array<i32>} : memref<9x2560xf32, #tpu.memory_space<vmem>>, vector<16xf32>,
        %mul3A_1816 = arith.mulf %get3A_1815, %gather3A_1812 : vector<16xf32>
        %add3A_1817 = arith.addf %add3A_1790, %mul3A_1816 : vector<16xf32>
        %get3A_1818 = arith.index_cast %scan3A_192 : i32 to index
        %get3A_1819 = arith.constant 2376 : index
        %get3A_1820 = tpu.vector_load %arg11[%get3A_1818, %get3A_1819] {strides = array<i32>} : memref<9x2560xf32, #tpu.memory_space<vmem>>, vector<16xf32>,
        %mul3A_1821 = arith.mulf %get3A_1820, %gather3A_1812 : vector<16xf32>
        %add3A_1822 = arith.addf %add3A_1795, %mul3A_1821 : vector<16xf32>
        %get3A_1823 = arith.index_cast %scan3A_192 : i32 to index
        %get3A_1824 = arith.constant 2384 : index
        %get3A_1825 = tpu.vector_load %arg11[%get3A_1823, %get3A_1824] {strides = array<i32>} : memref<9x2560xf32, #tpu.memory_space<vmem>>, vector<16xf32>,
        %mul3A_1826 = arith.mulf %get3A_1825, %gather3A_1812 : vector<16xf32>
        %add3A_1827 = arith.addf %add3A_1800, %mul3A_1826 : vector<16xf32>
        %broadcast_in_dim3A_1828 = arith.constant 12 : i32
        %broadcast_in_dim3A_1829 = vector.broadcast %broadcast_in_dim3A_1828 : i32 to vector<16xi32>
        %lt3A_1830 = arith.constant 0 : i32
        %lt3A_1831 = vector.broadcast %lt3A_1830 : i32 to vector<16xi32>
        %lt3A_1832 = arith.cmpi slt, %broadcast_in_dim3A_1829, %lt3A_1831 : vector<16xi32>
        %add3A_1833 = arith.constant 16 : i32
        %add3A_1834 = vector.broadcast %add3A_1833 : i32 to vector<16xi32>
        %add3A_1835 = arith.addi %broadcast_in_dim3A_1829, %add3A_1834 : vector<16xi32>
        %select_n3A_1836 = arith.select %lt3A_1832, %add3A_1835, %broadcast_in_dim3A_1829 : vector<16xi1>, vector<16xi32>
        %broadcast_in_dim3A_1837 = vector.shape_cast %select_n3A_1836 : vector<16xi32> to vector<16x1xi32>
        %gather3A_1838 = vector.shape_cast %broadcast_in_dim3A_1837 : vector<16x1xi32> to vector<16xi32>
        %gather3A_1839 = tpu.dynamic_gather %get3A_1503[%gather3A_1838] in [0] : vector<16xf32>, vector<16xi32> -> vector<16xf32>
        %get3A_1840 = arith.index_cast %scan3A_192 : i32 to index
        %get3A_1841 = arith.constant 2400 : index
        %get3A_1842 = tpu.vector_load %arg11[%get3A_1840, %get3A_1841] {strides = array<i32>} : memref<9x2560xf32, #tpu.memory_space<vmem>>, vector<16xf32>,
        %mul3A_1843 = arith.mulf %get3A_1842, %gather3A_1839 : vector<16xf32>
        %add3A_1844 = arith.addf %add3A_1817, %mul3A_1843 : vector<16xf32>
        %get3A_1845 = arith.index_cast %scan3A_192 : i32 to index
        %get3A_1846 = arith.constant 2416 : index
        %get3A_1847 = tpu.vector_load %arg11[%get3A_1845, %get3A_1846] {strides = array<i32>} : memref<9x2560xf32, #tpu.memory_space<vmem>>, vector<16xf32>,
        %mul3A_1848 = arith.mulf %get3A_1847, %gather3A_1839 : vector<16xf32>
        %add3A_1849 = arith.addf %add3A_1822, %mul3A_1848 : vector<16xf32>
        %get3A_1850 = arith.index_cast %scan3A_192 : i32 to index
        %get3A_1851 = arith.constant 2424 : index
        %get3A_1852 = tpu.vector_load %arg11[%get3A_1850, %get3A_1851] {strides = array<i32>} : memref<9x2560xf32, #tpu.memory_space<vmem>>, vector<16xf32>,
        %mul3A_1853 = arith.mulf %get3A_1852, %gather3A_1839 : vector<16xf32>
        %add3A_1854 = arith.addf %add3A_1827, %mul3A_1853 : vector<16xf32>
        %broadcast_in_dim3A_1855 = arith.constant 13 : i32
        %broadcast_in_dim3A_1856 = vector.broadcast %broadcast_in_dim3A_1855 : i32 to vector<16xi32>
        %lt3A_1857 = arith.constant 0 : i32
        %lt3A_1858 = vector.broadcast %lt3A_1857 : i32 to vector<16xi32>
        %lt3A_1859 = arith.cmpi slt, %broadcast_in_dim3A_1856, %lt3A_1858 : vector<16xi32>
        %add3A_1860 = arith.constant 16 : i32
        %add3A_1861 = vector.broadcast %add3A_1860 : i32 to vector<16xi32>
        %add3A_1862 = arith.addi %broadcast_in_dim3A_1856, %add3A_1861 : vector<16xi32>
        %select_n3A_1863 = arith.select %lt3A_1859, %add3A_1862, %broadcast_in_dim3A_1856 : vector<16xi1>, vector<16xi32>
        %broadcast_in_dim3A_1864 = vector.shape_cast %select_n3A_1863 : vector<16xi32> to vector<16x1xi32>
        %gather3A_1865 = vector.shape_cast %broadcast_in_dim3A_1864 : vector<16x1xi32> to vector<16xi32>
        %gather3A_1866 = tpu.dynamic_gather %get3A_1503[%gather3A_1865] in [0] : vector<16xf32>, vector<16xi32> -> vector<16xf32>
        %get3A_1867 = arith.index_cast %scan3A_192 : i32 to index
        %get3A_1868 = arith.constant 2440 : index
        %get3A_1869 = tpu.vector_load %arg11[%get3A_1867, %get3A_1868] {strides = array<i32>} : memref<9x2560xf32, #tpu.memory_space<vmem>>, vector<16xf32>,
        %mul3A_1870 = arith.mulf %get3A_1869, %gather3A_1866 : vector<16xf32>
        %add3A_1871 = arith.addf %add3A_1844, %mul3A_1870 : vector<16xf32>
        %get3A_1872 = arith.index_cast %scan3A_192 : i32 to index
        %get3A_1873 = arith.constant 2456 : index
        %get3A_1874 = tpu.vector_load %arg11[%get3A_1872, %get3A_1873] {strides = array<i32>} : memref<9x2560xf32, #tpu.memory_space<vmem>>, vector<16xf32>,
        %mul3A_1875 = arith.mulf %get3A_1874, %gather3A_1866 : vector<16xf32>
        %add3A_1876 = arith.addf %add3A_1849, %mul3A_1875 : vector<16xf32>
        %get3A_1877 = arith.index_cast %scan3A_192 : i32 to index
        %get3A_1878 = arith.constant 2464 : index
        %get3A_1879 = tpu.vector_load %arg11[%get3A_1877, %get3A_1878] {strides = array<i32>} : memref<9x2560xf32, #tpu.memory_space<vmem>>, vector<16xf32>,
        %mul3A_1880 = arith.mulf %get3A_1879, %gather3A_1866 : vector<16xf32>
        %add3A_1881 = arith.addf %add3A_1854, %mul3A_1880 : vector<16xf32>
        %broadcast_in_dim3A_1882 = arith.constant 14 : i32
        %broadcast_in_dim3A_1883 = vector.broadcast %broadcast_in_dim3A_1882 : i32 to vector<16xi32>
        %lt3A_1884 = arith.constant 0 : i32
        %lt3A_1885 = vector.broadcast %lt3A_1884 : i32 to vector<16xi32>
        %lt3A_1886 = arith.cmpi slt, %broadcast_in_dim3A_1883, %lt3A_1885 : vector<16xi32>
        %add3A_1887 = arith.constant 16 : i32
        %add3A_1888 = vector.broadcast %add3A_1887 : i32 to vector<16xi32>
        %add3A_1889 = arith.addi %broadcast_in_dim3A_1883, %add3A_1888 : vector<16xi32>
        %select_n3A_1890 = arith.select %lt3A_1886, %add3A_1889, %broadcast_in_dim3A_1883 : vector<16xi1>, vector<16xi32>
        %broadcast_in_dim3A_1891 = vector.shape_cast %select_n3A_1890 : vector<16xi32> to vector<16x1xi32>
        %gather3A_1892 = vector.shape_cast %broadcast_in_dim3A_1891 : vector<16x1xi32> to vector<16xi32>
        %gather3A_1893 = tpu.dynamic_gather %get3A_1503[%gather3A_1892] in [0] : vector<16xf32>, vector<16xi32> -> vector<16xf32>
        %get3A_1894 = arith.index_cast %scan3A_192 : i32 to index
        %get3A_1895 = arith.constant 2480 : index
        %get3A_1896 = tpu.vector_load %arg11[%get3A_1894, %get3A_1895] {strides = array<i32>} : memref<9x2560xf32, #tpu.memory_space<vmem>>, vector<16xf32>,
        %mul3A_1897 = arith.mulf %get3A_1896, %gather3A_1893 : vector<16xf32>
        %add3A_1898 = arith.addf %add3A_1871, %mul3A_1897 : vector<16xf32>
        %get3A_1899 = arith.index_cast %scan3A_192 : i32 to index
        %get3A_1900 = arith.constant 2496 : index
        %get3A_1901 = tpu.vector_load %arg11[%get3A_1899, %get3A_1900] {strides = array<i32>} : memref<9x2560xf32, #tpu.memory_space<vmem>>, vector<16xf32>,
        %mul3A_1902 = arith.mulf %get3A_1901, %gather3A_1893 : vector<16xf32>
        %add3A_1903 = arith.addf %add3A_1876, %mul3A_1902 : vector<16xf32>
        %get3A_1904 = arith.index_cast %scan3A_192 : i32 to index
        %get3A_1905 = arith.constant 2504 : index
        %get3A_1906 = tpu.vector_load %arg11[%get3A_1904, %get3A_1905] {strides = array<i32>} : memref<9x2560xf32, #tpu.memory_space<vmem>>, vector<16xf32>,
        %mul3A_1907 = arith.mulf %get3A_1906, %gather3A_1893 : vector<16xf32>
        %add3A_1908 = arith.addf %add3A_1881, %mul3A_1907 : vector<16xf32>
        %broadcast_in_dim3A_1909 = arith.constant 15 : i32
        %broadcast_in_dim3A_1910 = vector.broadcast %broadcast_in_dim3A_1909 : i32 to vector<16xi32>
        %lt3A_1911 = arith.constant 0 : i32
        %lt3A_1912 = vector.broadcast %lt3A_1911 : i32 to vector<16xi32>
        %lt3A_1913 = arith.cmpi slt, %broadcast_in_dim3A_1910, %lt3A_1912 : vector<16xi32>
        %add3A_1914 = arith.constant 16 : i32
        %add3A_1915 = vector.broadcast %add3A_1914 : i32 to vector<16xi32>
        %add3A_1916 = arith.addi %broadcast_in_dim3A_1910, %add3A_1915 : vector<16xi32>
        %select_n3A_1917 = arith.select %lt3A_1913, %add3A_1916, %broadcast_in_dim3A_1910 : vector<16xi1>, vector<16xi32>
        %broadcast_in_dim3A_1918 = vector.shape_cast %select_n3A_1917 : vector<16xi32> to vector<16x1xi32>
        %gather3A_1919 = vector.shape_cast %broadcast_in_dim3A_1918 : vector<16x1xi32> to vector<16xi32>
        %gather3A_1920 = tpu.dynamic_gather %get3A_1503[%gather3A_1919] in [0] : vector<16xf32>, vector<16xi32> -> vector<16xf32>
        %get3A_1921 = arith.index_cast %scan3A_192 : i32 to index
        %get3A_1922 = arith.constant 2520 : index
        %get3A_1923 = tpu.vector_load %arg11[%get3A_1921, %get3A_1922] {strides = array<i32>} : memref<9x2560xf32, #tpu.memory_space<vmem>>, vector<16xf32>,
        %mul3A_1924 = arith.mulf %get3A_1923, %gather3A_1920 : vector<16xf32>
        %add3A_1925 = arith.addf %add3A_1898, %mul3A_1924 : vector<16xf32>
        %get3A_1926 = arith.index_cast %scan3A_192 : i32 to index
        %get3A_1927 = arith.constant 2536 : index
        %get3A_1928 = tpu.vector_load %arg11[%get3A_1926, %get3A_1927] {strides = array<i32>} : memref<9x2560xf32, #tpu.memory_space<vmem>>, vector<16xf32>,
        %mul3A_1929 = arith.mulf %get3A_1928, %gather3A_1920 : vector<16xf32>
        %add3A_1930 = arith.addf %add3A_1903, %mul3A_1929 : vector<16xf32>
        %get3A_1931 = arith.index_cast %scan3A_192 : i32 to index
        %get3A_1932 = arith.constant 2544 : index
        %get3A_1933 = tpu.vector_load %arg11[%get3A_1931, %get3A_1932] {strides = array<i32>} : memref<9x2560xf32, #tpu.memory_space<vmem>>, vector<16xf32>,
        %mul3A_1934 = arith.mulf %get3A_1933, %gather3A_1920 : vector<16xf32>
        %add3A_1935 = arith.addf %add3A_1908, %mul3A_1934 : vector<16xf32>
        %jit3A_1936 = arith.constant -1.000000e+30 : f32
        %broadcast_in_dim3A_1937 = vector.broadcast %jit3A_1936 : f32 to vector<16xf32>
        %select_n3A_1938 = arith.select %lt3A_4, %broadcast_in_dim3A_1937, %add3A_1935 : vector<16xi1>, vector<16xf32>
        %max3A_1939 = arith.maximumf %add3A_1925, %add3A_1930 : vector<16xf32>
        %max3A_1940 = arith.maximumf %max3A_1939, %select_n3A_1938 : vector<16xf32>
        %reduce_max3A_1941 = arith.constant true
        %reduce_max3A_1942 = vector.broadcast %reduce_max3A_1941 : i1 to vector<16xi1>
        %reduce_max3A_1943 = tpu.scan <max>, %max3A_1940 masked %reduce_max3A_1942 : vector<16xf32>, vector<16xi1> -> vector<16xf32>
        %reduce_max3A_1944 = vector.extract %reduce_max3A_1943[15] : f32 from vector<16xf32>
        %sub3A_1945 = vector.broadcast %reduce_max3A_1944 : f32 to vector<16xf32>
        %sub3A_1946 = arith.subf %add3A_1925, %sub3A_1945 : vector<16xf32>
        %exp3A_1947 = math.exp %sub3A_1946 : vector<16xf32>
        %sub3A_1948 = vector.broadcast %reduce_max3A_1944 : f32 to vector<16xf32>
        %sub3A_1949 = arith.subf %add3A_1930, %sub3A_1948 : vector<16xf32>
        %exp3A_1950 = math.exp %sub3A_1949 : vector<16xf32>
        %sub3A_1951 = vector.broadcast %reduce_max3A_1944 : f32 to vector<16xf32>
        %sub3A_1952 = arith.subf %select_n3A_1938, %sub3A_1951 : vector<16xf32>
        %exp3A_1953 = math.exp %sub3A_1952 : vector<16xf32>
        %add3A_1954 = arith.addf %exp3A_1947, %exp3A_1950 : vector<16xf32>
        %add3A_1955 = arith.addf %add3A_1954, %exp3A_1953 : vector<16xf32>
        %reduce_sum3A_1956 = arith.constant true
        %reduce_sum3A_1957 = vector.broadcast %reduce_sum3A_1956 : i1 to vector<16xi1>
        %reduce_sum3A_1958 = tpu.scan <sum>, %add3A_1955 masked %reduce_sum3A_1957 : vector<16xf32>, vector<16xi1> -> vector<16xf32>
        %reduce_sum3A_1959 = vector.extract %reduce_sum3A_1958[15] : f32 from vector<16xf32>
        %broadcast_in_dim3A_1960 = vector.broadcast %scan3A_192 : i32 to vector<16xi32>
        %lt3A_1961 = arith.constant 0 : i32
        %lt3A_1962 = vector.broadcast %lt3A_1961 : i32 to vector<16xi32>
        %lt3A_1963 = arith.cmpi slt, %broadcast_in_dim3A_1960, %lt3A_1962 : vector<16xi32>
        %add3A_1964 = arith.constant 16 : i32
        %add3A_1965 = vector.broadcast %add3A_1964 : i32 to vector<16xi32>
        %add3A_1966 = arith.addi %broadcast_in_dim3A_1960, %add3A_1965 : vector<16xi32>
        %select_n3A_1967 = arith.select %lt3A_1963, %add3A_1966, %broadcast_in_dim3A_1960 : vector<16xi1>, vector<16xi32>
        %broadcast_in_dim3A_1968 = vector.shape_cast %select_n3A_1967 : vector<16xi32> to vector<16x1xi32>
        %gather3A_1969 = vector.shape_cast %broadcast_in_dim3A_1968 : vector<16x1xi32> to vector<16xi32>
        %gather3A_1970 = tpu.dynamic_gather %get3A_129[%gather3A_1969] in [0] : vector<16xf32>, vector<16xi32> -> vector<16xf32>
        %broadcast_in_dim3A_1971 = vector.broadcast %reduce_sum3A_1959 : f32 to vector<16xf32>
        %div3A_1972 = arith.divf %gather3A_1970, %broadcast_in_dim3A_1971 : vector<16xf32>
        %mul3A_1973 = arith.mulf %div3A_1972, %exp3A_1947 : vector<16xf32>
        %add3A_1974 = arith.addf %scan3A_193, %mul3A_1973 : vector<16xf32>
        %mul3A_1975 = arith.mulf %div3A_1972, %exp3A_1950 : vector<16xf32>
        %add3A_1976 = arith.addf %scan3A_194, %mul3A_1975 : vector<16xf32>
        %mul3A_1977 = arith.mulf %div3A_1972, %exp3A_1953 : vector<16xf32>
        %add3A_1978 = arith.addf %scan3A_195, %mul3A_1977 : vector<16xf32>
        scf.yield %add3A_1974, %add3A_1976, %add3A_1978 : vector<16xf32>, vector<16xf32>, vector<16xf32>
      }
      %scan3A_135 = arith.constant 8 : i32
      %jit3A_136 = arith.constant -1.000000e+30 : f32
      %broadcast_in_dim3A_137 = vector.broadcast %jit3A_136 : f32 to vector<16xf32>
      %select_n3A_138 = arith.select %lt3A_4, %broadcast_in_dim3A_137, %scan3A_134#2 : vector<16xi1>, vector<16xf32>
      %max3A_139 = arith.maximumf %scan3A_134#0, %scan3A_134#1 : vector<16xf32>
      %max3A_140 = arith.maximumf %max3A_139, %select_n3A_138 : vector<16xf32>
      %reduce_max3A_141 = arith.constant true
      %reduce_max3A_142 = vector.broadcast %reduce_max3A_141 : i1 to vector<16xi1>
      %reduce_max3A_143 = tpu.scan <max>, %max3A_140 masked %reduce_max3A_142 : vector<16xf32>, vector<16xi1> -> vector<16xf32>
      %reduce_max3A_144 = vector.extract %reduce_max3A_143[15] : f32 from vector<16xf32>
      %sub3A_145 = vector.broadcast %reduce_max3A_144 : f32 to vector<16xf32>
      %sub3A_146 = arith.subf %scan3A_134#0, %sub3A_145 : vector<16xf32>
      %exp3A_147 = math.exp %sub3A_146 : vector<16xf32>
      %sub3A_148 = vector.broadcast %reduce_max3A_144 : f32 to vector<16xf32>
      %sub3A_149 = arith.subf %scan3A_134#1, %sub3A_148 : vector<16xf32>
      %exp3A_150 = math.exp %sub3A_149 : vector<16xf32>
      %sub3A_151 = vector.broadcast %reduce_max3A_144 : f32 to vector<16xf32>
      %sub3A_152 = arith.subf %select_n3A_138, %sub3A_151 : vector<16xf32>
      %exp3A_153 = math.exp %sub3A_152 : vector<16xf32>
      %broadcast_in_dim3A_154 = arith.constant 1.000000e+00 : f32
      %broadcast_in_dim3A_155 = vector.broadcast %broadcast_in_dim3A_154 : f32 to vector<16xf32>
      %add3A_156 = arith.addf %exp3A_147, %exp3A_150 : vector<16xf32>
      %add3A_157 = arith.addf %add3A_156, %exp3A_153 : vector<16xf32>
      %reduce_sum3A_158 = arith.constant true
      %reduce_sum3A_159 = vector.broadcast %reduce_sum3A_158 : i1 to vector<16xi1>
      %reduce_sum3A_160 = tpu.scan <sum>, %add3A_157 masked %reduce_sum3A_159 : vector<16xf32>, vector<16xi1> -> vector<16xf32>
      %reduce_sum3A_161 = vector.extract %reduce_sum3A_160[15] : f32 from vector<16xf32>
      %broadcast_in_dim3A_162 = vector.broadcast %reduce_sum3A_161 : f32 to vector<16xf32>
      %div3A_163 = arith.divf %broadcast_in_dim3A_155, %broadcast_in_dim3A_162 : vector<16xf32>
      %and3A_164 = arith.constant 7 : i32
      %and3A_165 = vector.broadcast %and3A_164 : i32 to vector<16xi32>
      %and3A_166 = arith.andi %iota3A, %and3A_165 : vector<16xi32>
      %add3A_167 = arith.constant 8 : i32
      %add3A_168 = vector.broadcast %add3A_167 : i32 to vector<16xi32>
      %add3A_169 = arith.addi %and3A_166, %add3A_168 : vector<16xi32>
      %lt3A_170 = arith.constant 0 : i32
      %lt3A_171 = vector.broadcast %lt3A_170 : i32 to vector<16xi32>
      %lt3A_172 = arith.cmpi slt, %add3A_169, %lt3A_171 : vector<16xi32>
      %add3A_173 = arith.constant 16 : i32
      %add3A_174 = vector.broadcast %add3A_173 : i32 to vector<16xi32>
      %add3A_175 = arith.addi %add3A_169, %add3A_174 : vector<16xi32>
      %select_n3A_176 = arith.select %lt3A_172, %add3A_175, %add3A_169 : vector<16xi1>, vector<16xi32>
      %broadcast_in_dim3A_177 = vector.shape_cast %select_n3A_176 : vector<16xi32> to vector<16x1xi32>
      %gather3A_178 = vector.shape_cast %broadcast_in_dim3A_177 : vector<16x1xi32> to vector<16xi32>
      %gather3A_179 = tpu.dynamic_gather %exp3A_153[%gather3A_178] in [0] : vector<16xf32>, vector<16xi32> -> vector<16xf32>
      %mul3A_180 = arith.mulf %exp3A_147, %div3A_163 : vector<16xf32>
      %swap3A_181 = arith.index_cast %add3A_110 : i32 to index
      %swap3A_182 = arith.constant 0 : index
      %swap3A_183 = tpu.vector_load %arg12[%swap3A_181, %swap3A_182] {strides = array<i32>} : memref<128x48xf32, #tpu.memory_space<vmem>>, vector<16xf32>,
      tpu.vector_store %arg12[%swap3A_181, %swap3A_182], %mul3A_180 {strides = array<i32>} : memref<128x48xf32, #tpu.memory_space<vmem>>, vector<16xf32>,
      %mul3A_184 = arith.mulf %exp3A_150, %div3A_163 : vector<16xf32>
      %swap3A_185 = arith.index_cast %add3A_110 : i32 to index
      %swap3A_186 = arith.constant 16 : index
      %swap3A_187 = tpu.vector_load %arg12[%swap3A_185, %swap3A_186] {strides = array<i32>} : memref<128x48xf32, #tpu.memory_space<vmem>>, vector<16xf32>,
      tpu.vector_store %arg12[%swap3A_185, %swap3A_186], %mul3A_184 {strides = array<i32>} : memref<128x48xf32, #tpu.memory_space<vmem>>, vector<16xf32>,
      %mul3A_188 = arith.mulf %gather3A_179, %div3A_163 : vector<16xf32>
      %swap3A_189 = arith.index_cast %add3A_110 : i32 to index
      %swap3A_190 = arith.constant 32 : index
      %swap3A_191 = tpu.vector_load %arg12[%swap3A_189, %swap3A_190] {strides = array<i32>} : memref<128x48xf32, #tpu.memory_space<vmem>>, vector<16xf32>,
      tpu.vector_store %arg12[%swap3A_189, %swap3A_190], %mul3A_188 {strides = array<i32>} : memref<128x48xf32, #tpu.memory_space<vmem>>, vector<16xf32>,
    }
    %scan3A_35 = arith.constant 64 : i32
    "tpu.region"() ({
      %run_scoped3A = tpu.sem_alloc : memref<!tpu.dma_semaphore, #tpu.memory_space<semaphore_mem>>
      %dma_start3A_36 = arith.constant 0 : i32
      %dma_start3A_37 = tpu.memref_slice %arg6[%mul3A_2, %dma_start3A_36] : memref<4096x48xf32, #tpu.memory_space<hbm>> -> memref<128x48xf32, #tpu.memory_space<hbm>>
      %dma_start3A_38 = arith.constant 0 : i32
      %dma_start3A_39 = tpu.memref_slice %arg6[%mul3A_2, %dma_start3A_38] : memref<4096x48xf32, #tpu.memory_space<hbm>> -> memref<128x48xf32, #tpu.memory_space<hbm>>
      tpu.enqueue_dma source(%arg12 : memref<128x48xf32, #tpu.memory_space<vmem>>) target(%dma_start3A_39 : memref<128x48xf32, #tpu.memory_space<hbm>>) target_semaphore(%run_scoped3A : memref<!tpu.dma_semaphore, #tpu.memory_space<semaphore_mem>>)
      %dma_wait3A = arith.constant 0 : i32
      %dma_wait3A_40 = tpu.memref_slice %arg6[%mul3A_2, %dma_wait3A] : memref<4096x48xf32, #tpu.memory_space<hbm>> -> memref<128x48xf32, #tpu.memory_space<hbm>>
      %dma_wait3A_41 = arith.constant 0 : i32
      %dma_wait3A_42 = tpu.memref_slice %arg6[%mul3A_2, %dma_wait3A_41] : memref<4096x48xf32, #tpu.memory_space<hbm>> -> memref<128x48xf32, #tpu.memory_space<hbm>>
      tpu.wait_dma2 semaphore(%run_scoped3A : memref<!tpu.dma_semaphore, #tpu.memory_space<semaphore_mem>>) src(%arg12 : memref<128x48xf32, #tpu.memory_space<vmem>>) dst(%dma_wait3A_42 : memref<128x48xf32, #tpu.memory_space<hbm>>)
      tpu.yield
    }) : () -> ()
    return
  }
}

module attributes {stable_mosaic.version = 14 : i64} {
  func.func @_transpose_body(%arg0: i32, %arg1: memref<8x40x64xf32, #tpu.memory_space<vmem>>, %arg2: memref<8x64x40xf32, #tpu.memory_space<vmem>>) attributes {dimension_semantics = [#tpu.dimension_semantics<arbitrary>], iteration_bounds = array<i64: 125>, scalar_prefetch = 0 : i64, scratch_operands = 0 : i64, tpu.core_type = #tpu.core_type<tc>, window_params = [{transform_indices = @transform_0, window_bounds = array<i64: 8, 40, 64>}, {transform_indices = @transform_1, window_bounds = array<i64: 8, 64, 40>}]} {
    %get3A = arith.constant 0 : index
    %get3A_0 = arith.constant 0 : index
    %get3A_1 = arith.constant 0 : index
    %get3A_2 = vector.load %arg1[%get3A, %get3A_0, %get3A_1] : memref<8x40x64xf32, #tpu.memory_space<vmem>>, vector<8x40x64xf32>
    %transpose3A = tpu.transpose %get3A_2, [0, 2, 1] : vector<8x40x64xf32> -> vector<8x64x40xf32>
    %swap3A = arith.constant 0 : index
    %swap3A_3 = arith.constant 0 : index
    %swap3A_4 = arith.constant 0 : index
    %swap3A_5 = vector.load %arg2[%swap3A, %swap3A_3, %swap3A_4] : memref<8x64x40xf32, #tpu.memory_space<vmem>>, vector<8x64x40xf32>
    tpu.vector_store %arg2[%swap3A, %swap3A_3, %swap3A_4], %transpose3A {strides = array<i32>} : memref<8x64x40xf32, #tpu.memory_space<vmem>>, vector<8x64x40xf32>,
    return
  }
  func.func @transform_0(%arg0: i32) -> (i32, i32, i32) {
    %c0_i32 = arith.constant 0 : i32
    %c0_i32_0 = arith.constant 0 : i32
    %c0_i32_1 = arith.constant 0 : i32
    return %arg0, %c0_i32, %c0_i32_0 : i32, i32, i32
  }
  func.func @transform_1(%arg0: i32) -> (i32, i32, i32) {
    %c0_i32 = arith.constant 0 : i32
    %c0_i32_0 = arith.constant 0 : i32
    %c0_i32_1 = arith.constant 0 : i32
    return %arg0, %c0_i32, %c0_i32_0 : i32, i32, i32
  }
}

module attributes {stable_mosaic.version = 14 : i64} {
  func.func @_score_topk_body(%arg0: i32, %arg1: memref<256x64xf32, #tpu.memory_space<vmem>>, %arg2: memref<1000x64xf32, #tpu.memory_space<vmem>>, %arg3: memref<32x64xf32, #tpu.memory_space<vmem>>, %arg4: memref<32x64xf32, #tpu.memory_space<vmem>>, %arg5: memref<256x8xf32, #tpu.memory_space<vmem>>, %arg6: memref<256x8xi32, #tpu.memory_space<vmem>>) attributes {dimension_semantics = [#tpu.dimension_semantics<arbitrary>], iteration_bounds = array<i64: 16>, scalar_prefetch = 0 : i64, scratch_operands = 0 : i64, tpu.core_type = #tpu.core_type<tc>, window_params = [{transform_indices = @transform_0, window_bounds = array<i64: 256, 64>}, {pipeline_mode = #tpu.pipeline_mode<synchronous>, transform_indices = @transform_1, window_bounds = array<i64: 1000, 64>}, {pipeline_mode = #tpu.pipeline_mode<synchronous>, transform_indices = @transform_2, window_bounds = array<i64: 32, 64>}, {pipeline_mode = #tpu.pipeline_mode<synchronous>, transform_indices = @transform_3, window_bounds = array<i64: 32, 64>}, {transform_indices = @transform_4, window_bounds = array<i64: 256, 8>}, {transform_indices = @transform_5, window_bounds = array<i64: 256, 8>}]} {
    %get3A = arith.constant 0 : index
    %get3A_0 = arith.constant 0 : index
    %get3A_1 = vector.load %arg4[%get3A, %get3A_0] : memref<32x64xf32, #tpu.memory_space<vmem>>, vector<32x64xf32>
    %get3A_2 = arith.constant 0 : index
    %get3A_3 = arith.constant 0 : index
    %get3A_4 = vector.load %arg3[%get3A_2, %get3A_3] : memref<32x64xf32, #tpu.memory_space<vmem>>, vector<32x64xf32>
    %dot_general3A = arith.constant dense<0.000000e+00> : vector<64x64xf32>
    %dot_general3A_5 = tpu.matmul %get3A_1, %get3A_4, %dot_general3A {dimension_numbers = #tpu.dot_dimension_numbers<[0], [0], [1], [1], [0, 1, 1, 1], [], []>, transpose_lhs_hint = false} : vector<32x64xf32>, vector<32x64xf32>, vector<64x64xf32> -> vector<64x64xf32>
    %get3A_6 = arith.constant 0 : index
    %get3A_7 = arith.constant 0 : index
    %get3A_8 = vector.load %arg1[%get3A_6, %get3A_7] : memref<256x64xf32, #tpu.memory_space<vmem>>, vector<256x64xf32>
    %dot_general3A_9 = arith.constant dense<0.000000e+00> : vector<256x64xf32>
    %dot_general3A_10 = tpu.matmul %get3A_8, %dot_general3A_5, %dot_general3A_9 {dimension_numbers = #tpu.dot_dimension_numbers<[1], [0], [0], [1], [0, 0, 1, 1], [], []>, transpose_lhs_hint = false} : vector<256x64xf32>, vector<64x64xf32>, vector<256x64xf32> -> vector<256x64xf32>
    %get3A_11 = arith.constant 0 : index
    %get3A_12 = arith.constant 0 : index
    %get3A_13 = vector.load %arg2[%get3A_11, %get3A_12] : memref<1000x64xf32, #tpu.memory_space<vmem>>, vector<1000x64xf32>
    %dot_general3A_14 = arith.constant dense<0.000000e+00> : vector<256x1000xf32>
    %dot_general3A_15 = tpu.matmul %dot_general3A_10, %get3A_13, %dot_general3A_14 {dimension_numbers = #tpu.dot_dimension_numbers<[1], [1], [0], [0], [0, 0, 1, 0], [], []>, transpose_lhs_hint = false} : vector<256x64xf32>, vector<1000x64xf32>, vector<256x1000xf32> -> vector<256x1000xf32>
    %reduce_max3A = arith.constant dense<0xFF800000> : vector<256xf32>
    %reduce_max3A_16 = vector.multi_reduction <maximumf>, %dot_general3A_15, %reduce_max3A [1] : vector<256x1000xf32> to vector<256xf32>
    %broadcast_in_dim3A = vector.shape_cast %reduce_max3A_16 : vector<256xf32> to vector<256x1xf32>
    %sub3A = vector.broadcast %broadcast_in_dim3A : vector<256x1xf32> to vector<256x1000xf32>
    %sub3A_17 = arith.subf %dot_general3A_15, %sub3A : vector<256x1000xf32>
    %exp3A = math.exp %sub3A_17 : vector<256x1000xf32>
    %reduce_sum3A = arith.constant dense<0.000000e+00> : vector<256xf32>
    %reduce_sum3A_18 = vector.multi_reduction <add>, %exp3A, %reduce_sum3A [1] : vector<256x1000xf32> to vector<256xf32>
    %broadcast_in_dim3A_19 = vector.shape_cast %reduce_sum3A_18 : vector<256xf32> to vector<256x1xf32>
    %div3A = vector.broadcast %broadcast_in_dim3A_19 : vector<256x1xf32> to vector<256x1000xf32>
    %div3A_20 = arith.divf %exp3A, %div3A : vector<256x1000xf32>
    %iota3A = tpu.iota {dimensions = array<i32: 1>} : vector<256x1000xi32>
    %reduce_max3A_21 = arith.constant dense<0xFF800000> : vector<256xf32>
    %reduce_max3A_22 = vector.multi_reduction <maximumf>, %div3A_20, %reduce_max3A_21 [1] : vector<256x1000xf32> to vector<256xf32>
    %broadcast_in_dim3A_23 = vector.shape_cast %reduce_max3A_22 : vector<256xf32> to vector<256x1xf32>
    %eq3A = vector.broadcast %broadcast_in_dim3A_23 : vector<256x1xf32> to vector<256x1000xf32>
    %eq3A_24 = arith.cmpf oeq, %div3A_20, %eq3A : vector<256x1000xf32>
    %jit3A = arith.constant 1000 : i32
    %broadcast_in_dim3A_25 = vector.broadcast %jit3A : i32 to vector<256x1000xi32>
    %select_n3A = arith.select %eq3A_24, %iota3A, %broadcast_in_dim3A_25 : vector<256x1000xi1>, vector<256x1000xi32>
    %reduce_min3A = arith.constant dense<2147483647> : vector<256xi32>
    %reduce_min3A_26 = vector.multi_reduction <minsi>, %select_n3A, %reduce_min3A [1] : vector<256x1000xi32> to vector<256xi32>
    %broadcast_in_dim3A_27 = vector.shape_cast %reduce_min3A_26 : vector<256xi32> to vector<256x1xi32>
    %eq3A_28 = vector.broadcast %broadcast_in_dim3A_27 : vector<256x1xi32> to vector<256x1000xi32>
    %eq3A_29 = arith.cmpi eq, %iota3A, %eq3A_28 : vector<256x1000xi32>
    %jit3A_30 = arith.constant -1.000000e+00 : f32
    %broadcast_in_dim3A_31 = vector.broadcast %jit3A_30 : f32 to vector<256x1000xf32>
    %select_n3A_32 = arith.select %eq3A_29, %broadcast_in_dim3A_31, %div3A_20 : vector<256x1000xi1>, vector<256x1000xf32>
    %reduce_max3A_33 = arith.constant dense<0xFF800000> : vector<256xf32>
    %reduce_max3A_34 = vector.multi_reduction <maximumf>, %select_n3A_32, %reduce_max3A_33 [1] : vector<256x1000xf32> to vector<256xf32>
    %broadcast_in_dim3A_35 = vector.shape_cast %reduce_max3A_34 : vector<256xf32> to vector<256x1xf32>
    %eq3A_36 = vector.broadcast %broadcast_in_dim3A_35 : vector<256x1xf32> to vector<256x1000xf32>
    %eq3A_37 = arith.cmpf oeq, %select_n3A_32, %eq3A_36 : vector<256x1000xf32>
    %jit3A_38 = arith.constant 1000 : i32
    %broadcast_in_dim3A_39 = vector.broadcast %jit3A_38 : i32 to vector<256x1000xi32>
    %select_n3A_40 = arith.select %eq3A_37, %iota3A, %broadcast_in_dim3A_39 : vector<256x1000xi1>, vector<256x1000xi32>
    %reduce_min3A_41 = arith.constant dense<2147483647> : vector<256xi32>
    %reduce_min3A_42 = vector.multi_reduction <minsi>, %select_n3A_40, %reduce_min3A_41 [1] : vector<256x1000xi32> to vector<256xi32>
    %broadcast_in_dim3A_43 = vector.shape_cast %reduce_min3A_42 : vector<256xi32> to vector<256x1xi32>
    %eq3A_44 = vector.broadcast %broadcast_in_dim3A_43 : vector<256x1xi32> to vector<256x1000xi32>
    %eq3A_45 = arith.cmpi eq, %iota3A, %eq3A_44 : vector<256x1000xi32>
    %jit3A_46 = arith.constant -1.000000e+00 : f32
    %broadcast_in_dim3A_47 = vector.broadcast %jit3A_46 : f32 to vector<256x1000xf32>
    %select_n3A_48 = arith.select %eq3A_45, %broadcast_in_dim3A_47, %select_n3A_32 : vector<256x1000xi1>, vector<256x1000xf32>
    %reduce_max3A_49 = arith.constant dense<0xFF800000> : vector<256xf32>
    %reduce_max3A_50 = vector.multi_reduction <maximumf>, %select_n3A_48, %reduce_max3A_49 [1] : vector<256x1000xf32> to vector<256xf32>
    %broadcast_in_dim3A_51 = vector.shape_cast %reduce_max3A_50 : vector<256xf32> to vector<256x1xf32>
    %eq3A_52 = vector.broadcast %broadcast_in_dim3A_51 : vector<256x1xf32> to vector<256x1000xf32>
    %eq3A_53 = arith.cmpf oeq, %select_n3A_48, %eq3A_52 : vector<256x1000xf32>
    %jit3A_54 = arith.constant 1000 : i32
    %broadcast_in_dim3A_55 = vector.broadcast %jit3A_54 : i32 to vector<256x1000xi32>
    %select_n3A_56 = arith.select %eq3A_53, %iota3A, %broadcast_in_dim3A_55 : vector<256x1000xi1>, vector<256x1000xi32>
    %reduce_min3A_57 = arith.constant dense<2147483647> : vector<256xi32>
    %reduce_min3A_58 = vector.multi_reduction <minsi>, %select_n3A_56, %reduce_min3A_57 [1] : vector<256x1000xi32> to vector<256xi32>
    %broadcast_in_dim3A_59 = vector.shape_cast %reduce_min3A_58 : vector<256xi32> to vector<256x1xi32>
    %eq3A_60 = vector.broadcast %broadcast_in_dim3A_59 : vector<256x1xi32> to vector<256x1000xi32>
    %eq3A_61 = arith.cmpi eq, %iota3A, %eq3A_60 : vector<256x1000xi32>
    %jit3A_62 = arith.constant -1.000000e+00 : f32
    %broadcast_in_dim3A_63 = vector.broadcast %jit3A_62 : f32 to vector<256x1000xf32>
    %select_n3A_64 = arith.select %eq3A_61, %broadcast_in_dim3A_63, %select_n3A_48 : vector<256x1000xi1>, vector<256x1000xf32>
    %reduce_max3A_65 = arith.constant dense<0xFF800000> : vector<256xf32>
    %reduce_max3A_66 = vector.multi_reduction <maximumf>, %select_n3A_64, %reduce_max3A_65 [1] : vector<256x1000xf32> to vector<256xf32>
    %broadcast_in_dim3A_67 = vector.shape_cast %reduce_max3A_66 : vector<256xf32> to vector<256x1xf32>
    %eq3A_68 = vector.broadcast %broadcast_in_dim3A_67 : vector<256x1xf32> to vector<256x1000xf32>
    %eq3A_69 = arith.cmpf oeq, %select_n3A_64, %eq3A_68 : vector<256x1000xf32>
    %jit3A_70 = arith.constant 1000 : i32
    %broadcast_in_dim3A_71 = vector.broadcast %jit3A_70 : i32 to vector<256x1000xi32>
    %select_n3A_72 = arith.select %eq3A_69, %iota3A, %broadcast_in_dim3A_71 : vector<256x1000xi1>, vector<256x1000xi32>
    %reduce_min3A_73 = arith.constant dense<2147483647> : vector<256xi32>
    %reduce_min3A_74 = vector.multi_reduction <minsi>, %select_n3A_72, %reduce_min3A_73 [1] : vector<256x1000xi32> to vector<256xi32>
    %broadcast_in_dim3A_75 = vector.shape_cast %reduce_min3A_74 : vector<256xi32> to vector<256x1xi32>
    %eq3A_76 = vector.broadcast %broadcast_in_dim3A_75 : vector<256x1xi32> to vector<256x1000xi32>
    %eq3A_77 = arith.cmpi eq, %iota3A, %eq3A_76 : vector<256x1000xi32>
    %jit3A_78 = arith.constant -1.000000e+00 : f32
    %broadcast_in_dim3A_79 = vector.broadcast %jit3A_78 : f32 to vector<256x1000xf32>
    %select_n3A_80 = arith.select %eq3A_77, %broadcast_in_dim3A_79, %select_n3A_64 : vector<256x1000xi1>, vector<256x1000xf32>
    %reduce_max3A_81 = arith.constant dense<0xFF800000> : vector<256xf32>
    %reduce_max3A_82 = vector.multi_reduction <maximumf>, %select_n3A_80, %reduce_max3A_81 [1] : vector<256x1000xf32> to vector<256xf32>
    %broadcast_in_dim3A_83 = vector.shape_cast %reduce_max3A_82 : vector<256xf32> to vector<256x1xf32>
    %eq3A_84 = vector.broadcast %broadcast_in_dim3A_83 : vector<256x1xf32> to vector<256x1000xf32>
    %eq3A_85 = arith.cmpf oeq, %select_n3A_80, %eq3A_84 : vector<256x1000xf32>
    %jit3A_86 = arith.constant 1000 : i32
    %broadcast_in_dim3A_87 = vector.broadcast %jit3A_86 : i32 to vector<256x1000xi32>
    %select_n3A_88 = arith.select %eq3A_85, %iota3A, %broadcast_in_dim3A_87 : vector<256x1000xi1>, vector<256x1000xi32>
    %reduce_min3A_89 = arith.constant dense<2147483647> : vector<256xi32>
    %reduce_min3A_90 = vector.multi_reduction <minsi>, %select_n3A_88, %reduce_min3A_89 [1] : vector<256x1000xi32> to vector<256xi32>
    %broadcast_in_dim3A_91 = vector.shape_cast %reduce_min3A_90 : vector<256xi32> to vector<256x1xi32>
    %eq3A_92 = vector.broadcast %broadcast_in_dim3A_91 : vector<256x1xi32> to vector<256x1000xi32>
    %eq3A_93 = arith.cmpi eq, %iota3A, %eq3A_92 : vector<256x1000xi32>
    %jit3A_94 = arith.constant -1.000000e+00 : f32
    %broadcast_in_dim3A_95 = vector.broadcast %jit3A_94 : f32 to vector<256x1000xf32>
    %select_n3A_96 = arith.select %eq3A_93, %broadcast_in_dim3A_95, %select_n3A_80 : vector<256x1000xi1>, vector<256x1000xf32>
    %reduce_max3A_97 = arith.constant dense<0xFF800000> : vector<256xf32>
    %reduce_max3A_98 = vector.multi_reduction <maximumf>, %select_n3A_96, %reduce_max3A_97 [1] : vector<256x1000xf32> to vector<256xf32>
    %broadcast_in_dim3A_99 = vector.shape_cast %reduce_max3A_98 : vector<256xf32> to vector<256x1xf32>
    %eq3A_100 = vector.broadcast %broadcast_in_dim3A_99 : vector<256x1xf32> to vector<256x1000xf32>
    %eq3A_101 = arith.cmpf oeq, %select_n3A_96, %eq3A_100 : vector<256x1000xf32>
    %jit3A_102 = arith.constant 1000 : i32
    %broadcast_in_dim3A_103 = vector.broadcast %jit3A_102 : i32 to vector<256x1000xi32>
    %select_n3A_104 = arith.select %eq3A_101, %iota3A, %broadcast_in_dim3A_103 : vector<256x1000xi1>, vector<256x1000xi32>
    %reduce_min3A_105 = arith.constant dense<2147483647> : vector<256xi32>
    %reduce_min3A_106 = vector.multi_reduction <minsi>, %select_n3A_104, %reduce_min3A_105 [1] : vector<256x1000xi32> to vector<256xi32>
    %broadcast_in_dim3A_107 = vector.shape_cast %reduce_min3A_106 : vector<256xi32> to vector<256x1xi32>
    %eq3A_108 = vector.broadcast %broadcast_in_dim3A_107 : vector<256x1xi32> to vector<256x1000xi32>
    %eq3A_109 = arith.cmpi eq, %iota3A, %eq3A_108 : vector<256x1000xi32>
    %jit3A_110 = arith.constant -1.000000e+00 : f32
    %broadcast_in_dim3A_111 = vector.broadcast %jit3A_110 : f32 to vector<256x1000xf32>
    %select_n3A_112 = arith.select %eq3A_109, %broadcast_in_dim3A_111, %select_n3A_96 : vector<256x1000xi1>, vector<256x1000xf32>
    %reduce_max3A_113 = arith.constant dense<0xFF800000> : vector<256xf32>
    %reduce_max3A_114 = vector.multi_reduction <maximumf>, %select_n3A_112, %reduce_max3A_113 [1] : vector<256x1000xf32> to vector<256xf32>
    %broadcast_in_dim3A_115 = vector.shape_cast %reduce_max3A_114 : vector<256xf32> to vector<256x1xf32>
    %eq3A_116 = vector.broadcast %broadcast_in_dim3A_115 : vector<256x1xf32> to vector<256x1000xf32>
    %eq3A_117 = arith.cmpf oeq, %select_n3A_112, %eq3A_116 : vector<256x1000xf32>
    %jit3A_118 = arith.constant 1000 : i32
    %broadcast_in_dim3A_119 = vector.broadcast %jit3A_118 : i32 to vector<256x1000xi32>
    %select_n3A_120 = arith.select %eq3A_117, %iota3A, %broadcast_in_dim3A_119 : vector<256x1000xi1>, vector<256x1000xi32>
    %reduce_min3A_121 = arith.constant dense<2147483647> : vector<256xi32>
    %reduce_min3A_122 = vector.multi_reduction <minsi>, %select_n3A_120, %reduce_min3A_121 [1] : vector<256x1000xi32> to vector<256xi32>
    %broadcast_in_dim3A_123 = vector.shape_cast %reduce_min3A_122 : vector<256xi32> to vector<256x1xi32>
    %eq3A_124 = vector.broadcast %broadcast_in_dim3A_123 : vector<256x1xi32> to vector<256x1000xi32>
    %eq3A_125 = arith.cmpi eq, %iota3A, %eq3A_124 : vector<256x1000xi32>
    %jit3A_126 = arith.constant -1.000000e+00 : f32
    %broadcast_in_dim3A_127 = vector.broadcast %jit3A_126 : f32 to vector<256x1000xf32>
    %select_n3A_128 = arith.select %eq3A_125, %broadcast_in_dim3A_127, %select_n3A_112 : vector<256x1000xi1>, vector<256x1000xf32>
    %reduce_max3A_129 = arith.constant dense<0xFF800000> : vector<256xf32>
    %reduce_max3A_130 = vector.multi_reduction <maximumf>, %select_n3A_128, %reduce_max3A_129 [1] : vector<256x1000xf32> to vector<256xf32>
    %broadcast_in_dim3A_131 = vector.shape_cast %reduce_max3A_130 : vector<256xf32> to vector<256x1xf32>
    %eq3A_132 = vector.broadcast %broadcast_in_dim3A_131 : vector<256x1xf32> to vector<256x1000xf32>
    %eq3A_133 = arith.cmpf oeq, %select_n3A_128, %eq3A_132 : vector<256x1000xf32>
    %jit3A_134 = arith.constant 1000 : i32
    %broadcast_in_dim3A_135 = vector.broadcast %jit3A_134 : i32 to vector<256x1000xi32>
    %select_n3A_136 = arith.select %eq3A_133, %iota3A, %broadcast_in_dim3A_135 : vector<256x1000xi1>, vector<256x1000xi32>
    %reduce_min3A_137 = arith.constant dense<2147483647> : vector<256xi32>
    %reduce_min3A_138 = vector.multi_reduction <minsi>, %select_n3A_136, %reduce_min3A_137 [1] : vector<256x1000xi32> to vector<256xi32>
    %broadcast_in_dim3A_139 = vector.shape_cast %reduce_min3A_138 : vector<256xi32> to vector<256x1xi32>
    %concatenate3A = tpu.concatenate %broadcast_in_dim3A_23, %broadcast_in_dim3A_35, %broadcast_in_dim3A_51, %broadcast_in_dim3A_67, %broadcast_in_dim3A_83, %broadcast_in_dim3A_99, %broadcast_in_dim3A_115, %broadcast_in_dim3A_131 in 1 : vector<256x1xf32>, vector<256x1xf32>, vector<256x1xf32>, vector<256x1xf32>, vector<256x1xf32>, vector<256x1xf32>, vector<256x1xf32>, vector<256x1xf32> -> vector<256x8xf32>
    %swap3A = arith.constant 0 : index
    %swap3A_140 = arith.constant 0 : index
    %swap3A_141 = vector.load %arg5[%swap3A, %swap3A_140] : memref<256x8xf32, #tpu.memory_space<vmem>>, vector<256x8xf32>
    tpu.vector_store %arg5[%swap3A, %swap3A_140], %concatenate3A {strides = array<i32>} : memref<256x8xf32, #tpu.memory_space<vmem>>, vector<256x8xf32>,
    %concatenate3A_142 = tpu.concatenate %broadcast_in_dim3A_27, %broadcast_in_dim3A_43, %broadcast_in_dim3A_59, %broadcast_in_dim3A_75, %broadcast_in_dim3A_91, %broadcast_in_dim3A_107, %broadcast_in_dim3A_123, %broadcast_in_dim3A_139 in 1 : vector<256x1xi32>, vector<256x1xi32>, vector<256x1xi32>, vector<256x1xi32>, vector<256x1xi32>, vector<256x1xi32>, vector<256x1xi32>, vector<256x1xi32> -> vector<256x8xi32>
    %swap3A_143 = arith.constant 0 : index
    %swap3A_144 = arith.constant 0 : index
    %swap3A_145 = vector.load %arg6[%swap3A_143, %swap3A_144] : memref<256x8xi32, #tpu.memory_space<vmem>>, vector<256x8xi32>
    tpu.vector_store %arg6[%swap3A_143, %swap3A_144], %concatenate3A_142 {strides = array<i32>} : memref<256x8xi32, #tpu.memory_space<vmem>>, vector<256x8xi32>,
    return
  }
  func.func @transform_0(%arg0: i32) -> (i32, i32) {
    %c0_i32 = arith.constant 0 : i32
    %c0_i32_0 = arith.constant 0 : i32
    return %arg0, %c0_i32 : i32, i32
  }
  func.func @transform_1(%arg0: i32) -> (i32, i32) {
    %c0_i32 = arith.constant 0 : i32
    %c0_i32_0 = arith.constant 0 : i32
    %c0_i32_1 = arith.constant 0 : i32
    return %c0_i32, %c0_i32_0 : i32, i32
  }
  func.func @transform_2(%arg0: i32) -> (i32, i32) {
    %c0_i32 = arith.constant 0 : i32
    %c0_i32_0 = arith.constant 0 : i32
    %c0_i32_1 = arith.constant 0 : i32
    return %c0_i32, %c0_i32_0 : i32, i32
  }
  func.func @transform_3(%arg0: i32) -> (i32, i32) {
    %c0_i32 = arith.constant 0 : i32
    %c0_i32_0 = arith.constant 0 : i32
    %c0_i32_1 = arith.constant 0 : i32
    return %c0_i32, %c0_i32_0 : i32, i32
  }
  func.func @transform_4(%arg0: i32) -> (i32, i32) {
    %c0_i32 = arith.constant 0 : i32
    %c0_i32_0 = arith.constant 0 : i32
    return %arg0, %c0_i32 : i32, i32
  }
  func.func @transform_5(%arg0: i32) -> (i32, i32) {
    %c0_i32 = arith.constant 0 : i32
    %c0_i32_0 = arith.constant 0 : i32
    return %arg0, %c0_i32 : i32, i32
  }
}

</mosaic_0001>

<sc_bundles>
// kernel: kernel.5.cloned.1.call-start
scs
__scs_entry_jumppad:
0x0: {  	(pc) =	sbr.rel $0x88, $3  }
0x1: {  	(tag) =	ssettag $0x0;
	lr =	simm.s32 $0x1  }
0x2: {  	[smem:$0x3F9B] =	sst lr;
	_ =	strace $0xD0000000  }
0x3: {  	_ = 	snop  }
0x4: {  	_ = 	snop  }
0x5: {  	_ = 	snop  }
0x6: {  	_ = 	snop  }
0x7: {  	_ = 	snop  }
__scs_overlays_trampoline_lowered:
0x8: {  	[smem:$0x3FAA] =	sst s0  }
0x9: {  	[smem:$0x3FAB] =	sst s1  }
0xa: {  	[smem:$0x3FAC] =	sst s2  }
0xb: {  	[smem:$0x3FAD] =	sst s3  }
0xc: {  	[smem:$0x3FAE] =	sst s4  }
0xd: {  	[smem:$0x3FAF] =	sst s5  }
0xe: {  	[smem:$0x3FB0] =	sst s6  }
0xf: {  	[smem:$0x3FB1] =	sst s7  }
0x10: {  	[smem:$0x3FB2] =	sst s8  }
0x11: {  	[smem:$0x3FB3] =	sst s9;
	s0 =	simm.s32 @!p0 $0x0  }
0x12: {  	s1 =	sld [smem:$0x3F99];
	s0 =	simm.s32 @p0 $0x1  }
0x13: {  	[smem:$0x3FB4] =	sst s0;
	s0 =	simm.s32 @!p1 $0x0  }
0x14: {  	s2 =	sld [smem:$0x3F98];
	s0 =	simm.s32 @p1 $0x1  }
0x15: {  	[smem:$0x3FB5] =	sst s0;
	s0 =	simm.s32 @!p2 $0x0  }
0x16: {  	s3 =	sld [smem:$0x3FDB];
	s0 =	simm.s32 @p2 $0x1  }
0x17: {  	s4 =	simm.s32 $0x1BF5;
	[smem:$0x3FB7] =	sst s0  }
0x18: {  	s0 =	sld [smem:$0x3F9A];
	_ =	swait.ge [sflag:s4], $0x0  }
0x19: {  	s7 =	sld [smem:$0x3F9B]  }
0x1a: {  	s8 =	sadd.s32 $0xFFFFE003, lr  }
0x1b: {  	s9 =	sadd.s32 $0xFFFFFEF7, lr;
	s5 =	simm.s32 $0xFFFFFFFF;
	p2 =	slt.u32 s8, $0xFFFFF086  }
0x1c: {  	p1 =	slt.u32 s9, $0xF7A;
	s5 =	simm.s32 @!p2 $0x0  }
0x1d: {  	s5 =	simm.s32 @p1 $0x1;
	p0 =	seq.s32 s7, s2  }
0x1e: {  	s7 =	smul.u32 @!p0 $0xF7A, s2;
	p2 =	seq.s32 @!p0 s5, $0x0  }
0x1f: {  	s9 =	smul.u32 $0xF7A, s1;
	s8 =	simm.s32 @!p0 $0x1BF5;
	p2 =	por !p2, p0  }
0x20: {  	[sflag:s8] =	ssyncset.s32 @!p0 $0xFFFFF086;
	s6 =	sadd.s32 @!p0 s3, s7;
	s7 =	simm.s32 @!p0 $0x108  }
0x21: {  	s3 =	sadd.s32 s3, s9;
	s6 =	sadd.s32 @!p0 $0x88, s6;
	s7 =	simm.s32 @p2 $0x1082  }
0x22: {  	[simem:s7], [sflag:s8] =	dma.local @!p0 [hbm:s6], $0xF7A  }
0x23: {  	s9 =	sor.u32 $0xD0000000, s2;
	s6 =	simm.s32 $0x108;
	_ =	swait.ge @!p0 [sflag:s8], $0x0  }
0x24: {  	s3 =	sadd.s32 $0x88, s3;
	s6 =	simm.s32 @!p1 $0x1082;
	[sflag:s4] =	ssyncset.s32 $0xFFFFF086  }
0x25: {  	[simem:s6], [sflag:s4] =	dma.local [hbm:s3], $0xF7A  }
0x26: {  	[smem:$0x3F9B] =	sst s1;
	(tag) =	ssettag s2;
	_ =	strace s9  }
0x27: {  	s1 =	sld [smem:$0x3FAB]  }
0x28: {  	s2 =	sld [smem:$0x3FAC]  }
0x29: {  	s4 =	sld [smem:$0x3FAE]  }
0x2a: {  	p0 =	seq.s32 s5, $0x0;
	s5 =	sld [smem:$0x3FAF]  }
0x2b: {  	s6 =	sld [smem:$0x3FB0]  }
0x2c: {  	s7 =	sld [smem:$0x3FB1]  }
0x2d: {  	s3 =	simm.s32 $0x108;
	s8 =	sld [smem:$0x3FB2]  }
0x2e: {  	s3 =	simm.s32 @!p0 $0x1082;
	s9 =	sld [smem:$0x3FB3]  }
0x2f: {  	lr =	sadd.s32 s0, s3;
	s0 =	sld [smem:$0x3FAA]  }
0x30: {  	s3 =	sld [smem:$0x3FAD]  }
0x31: {  	[smem:$0x3FB6] =	sst s10  }
0x32: {  	s10 =	sld [smem:$0x3FB4];
	_ =	sdelay $0x3  }
0x33: {  	p0 =	seq.s32 s10, $0x1;
	s10 =	sld [smem:$0x3FB6];
	_ =	sdelay $0x3  }
0x34: {  	[smem:$0x3FB6] =	sst s10  }
0x35: {  	s10 =	sld [smem:$0x3FB5];
	_ =	sdelay $0x3  }
0x36: {  	p1 =	seq.s32 s10, $0x1;
	s10 =	sld [smem:$0x3FB6];
	_ =	sdelay $0x3  }
0x37: {  	[smem:$0x3FB6] =	sst s10  }
0x38: {  	s10 =	sld [smem:$0x3FB7]  }
0x39: {  	_ = 	snop;
	(pc) =	sbr.ind lr, $3  }
0x3a: {  	_ = 	snop  }
0x3b: {  	_ = 	snop  }
0x3c: {  	p2 =	seq.s32 s10, $0x1;
	s10 =	sld [smem:$0x3FB6]  }
0x3d: {  	_ =	shalt  }
0x3e: {  	_ =	shalt  }
0x3f: {  	_ =	shalt  }
0x40: {  	_ =	shalt  }
0x41: {  	_ =	shalt  }
0x42: {  	_ =	shalt  }
0x43: {  	_ =	shalt  }
0x44: {  	_ =	shalt  }
0x45: {  	_ =	shalt  }
0x46: {  	_ =	shalt  }
0x47: {  	_ =	shalt  }
0x48: {  	_ =	shalt  }
0x49: {  	_ =	shalt  }
0x4a: {  	_ =	shalt  }
0x4b: {  	_ =	shalt  }
0x4c: {  	_ =	shalt  }
0x4d: {  	_ =	shalt  }
0x4e: {  	_ =	shalt  }
0x4f: {  	_ =	shalt  }
0x50: {  	_ =	shalt  }
0x51: {  	_ =	shalt  }
0x52: {  	_ =	shalt  }
0x53: {  	_ =	shalt  }
0x54: {  	_ =	shalt  }
0x55: {  	_ =	shalt  }
0x56: {  	_ =	shalt  }
0x57: {  	_ =	shalt  }
0x58: {  	_ =	shalt  }
0x59: {  	_ =	shalt  }
0x5a: {  	_ =	shalt  }
0x5b: {  	_ =	shalt  }
0x5c: {  	_ =	shalt  }
0x5d: {  	_ =	shalt  }
0x5e: {  	_ =	shalt  }
0x5f: {  	_ =	shalt  }
0x60: {  	_ =	shalt  }
0x61: {  	_ =	shalt  }
0x62: {  	_ =	shalt  }
0x63: {  	_ =	shalt  }
0x64: {  	_ =	shalt  }
0x65: {  	_ =	shalt  }
0x66: {  	_ =	shalt  }
0x67: {  	_ =	shalt  }
0x68: {  	_ =	shalt  }
0x69: {  	_ =	shalt  }
0x6a: {  	_ =	shalt  }
0x6b: {  	_ =	shalt  }
0x6c: {  	_ =	shalt  }
0x6d: {  	_ =	shalt  }
0x6e: {  	_ =	shalt  }
0x6f: {  	_ =	shalt  }
0x70: {  	_ =	shalt  }
0x71: {  	_ =	shalt  }
0x72: {  	_ =	shalt  }
0x73: {  	_ =	shalt  }
0x74: {  	_ =	shalt  }
0x75: {  	_ =	shalt  }
0x76: {  	_ =	shalt  }
0x77: {  	_ =	shalt  }
0x78: {  	_ =	shalt  }
0x79: {  	_ =	shalt  }
0x7a: {  	_ =	shalt  }
0x7b: {  	_ =	shalt  }
0x7c: {  	_ =	shalt  }
0x7d: {  	_ =	shalt  }
0x7e: {  	_ =	shalt  }
0x7f: {  	_ =	shalt  }
0x80: {  	_ =	shalt  }
0x81: {  	_ =	shalt  }
0x82: {  	_ =	shalt  }
0x83: {  	_ =	shalt  }
0x84: {  	_ =	shalt  }
0x85: {  	_ =	shalt  }
0x86: {  	_ =	shalt  }
0x87: {  	_ =	shalt  }
.Lfunc_end0:
.L_simem_size_0:
called_computation_lowered:
.L_overlay_start_0:
0x88: {  	s2 =	sld [smem:$0x3FD9]  }
0x89: {  	s3 =	sld [smem:$0x3FFE];
	_ =	sdelay $0x1  }
0x8a: {  	s1 =	srdreg.scid  }
0x8b: {  	s0 =	sand.u32 $0x1, s1  }
0x8c: {  	s17 =	sshll.u32 s0, $0xA;
	s2 =	sadd.s32 s3, s2  }
0x8d: {  	s2 =	sadd.s32 s2, s17  }
0x8e: {  	[smem:$0x3FC2] =	sst s2  }
0x8f: {  	_ = 	snop  }
0x90: {  	s2 =	sld [smem:$0x3FD0];
	(tm) =	ssettm $0x1  }
0x91: {  	s18 =	sld [smem:$0x3FFB];
	_ =	sdelay $0x3  }
0x92: {  	_ =	strace s18  }
0x93: {  	s3 =	sld [smem:$0x3FFC];
	_ =	sdelay $0x3  }
0x94: {  	_ =	strace s3  }
0x95: {  	s3 =	sld [smem:$0x3FFD];
	_ =	sdelay $0x3  }
0x96: {  	_ =	strace s3  }
0x97: {  	_ =	strace $0x8FFFFFFF  }
0x98: {  	s19 =	sld [smem:$0x3FDB];
	_ =	sdelay $0x1  }
0x99: {  	s4 =	simm.s32 $_scs_section_size  }
0x9a: {  	s5 =	simm.s32 $_size__tile_overlayer_lowered;
	s6 =	simm.s32 $_tile_overlayer_lowered  }
0x9b: {  	s22 =	simm.s32 $0x1BFF;
	s21 =	sshll.u32 s6, $0x1;
	s3 =	sadd.s32 s4, s19  }
0x9c: {  	s7 =	simm.s32 $0x0;
	s20 =	sshll.u32 s5, $0x1;
	s5 =	sadd.s32 s21, s3  }
0x9d: {  	[timem:s7], [sflag:s22] =	dma.local [hbm:s5], s20  }
0x9e: {  	_ =	swait.ge [sflag:s22], s20  }
0x9f: {  	s4 =	ssub.s32 $0x0, s20;
	[sflag:s22] =	ssyncset.done $0x0  }
0xa0: {  	[sflag:s22] =	ssyncadd.s32 s4;
	_ =	sdelay $0x1  }
0xa1: {  	s23 =	simm.s32 $0x1B8B  }
0xa2: {  	_ =	swait.ge [sflag:s23], $0x1  }
0xa3: {  	[sflag:s23] =	ssyncset.done $0x0  }
0xa4: {  	s25 =	simm.s32 $0x1B8E;
	s24 =	sld [smem:$0x3FFE];
	[sflag:s23] =	ssyncadd.s32 $0xFFFFFFFF  }
0xa5: {  	s26 =	simm.s32 $execute0_lowered;
	[smem:$0x3FD2] =	sst s25  }
0xa6: {  	s5 =	sshll.u32 s26, $0x1;
	_ =	strace $0x80000046;
	[dreg:$0x1] =	wrdreg $0xFFFFFFFF  }
0xa7: {  	s28 =	simm.s32 $_size_execute0_lowered;
	s3 =	sadd.s32 s3, s5;
	[dreg:$0x0] =	wrdreg $0x0  }
0xa8: {  	s5 =	sshll.u32 s28, $0x1;
	[dreg:$0x2] =	wrdreg s3  }
0xa9: {  	[dreg:$0x3] =	wrdreg s5  }
0xaa: {  	[dreg:$0x4] =	wrdreg $0xC0  }
0xab: {  	_ =	task [dreg:s7], $0x5FFFF  }
0xac: {  	[dreg:$0x1] =	wrdreg $0xFFFFFFFF  }
0xad: {  	[dreg:$0x0] =	wrdreg $0x60  }
0xae: {  	[dreg:$0x2] =	wrdreg s24  }
0xaf: {  	[dreg:$0x3] =	wrdreg s2  }
0xb0: {  	[dreg:$0x4] =	wrdreg $0x9  }
0xb1: {  	_ =	task.clear_ibuf [dreg:s7], $0x5FFFF;
	_ =	strace $0x90000046  }
0xb2: {  	s29 =	simm.s32 $0x9;
	_ =	strace $0x80000048  }
0xb3: {  	_ =	swait.ge [sflag:s29], $0x1  }
0xb4: {  	[sflag:s29] =	ssyncadd.s32 $0xFFFFFFFF  }
0xb5: {  	_ =	strace $0x90000048  }
0xb6: {  	_ =	sfence  }
0xb7: {  	s30 =	sld [smem:$0x0];
	_ =	sdelay $0x2  }
0xb8: {  	s31 =	sshll.u32 s1, $0xD;
	s1 =	sshrl.u32 s1, $0x2  }
0xb9: {  	s3 =	sand.u32 $0x4000, s31;
	s1 =	sadd.s32 s1, s30  }
0xba: {  	s0 =	sor.u32 s3, s0;
	s1 =	sshll.u32 s1, $0x11  }
0xbb: {  	s0 =	sor.u32 s1, s0  }
0xbc: {  	s0 =	sadd.s32 $0x8F2B, s0  }
0xbd: {  	[sflag:s0] =	ssyncadd.remote.s32 $0x1  }
0xbe: {  	_ =	sfence.sel $0xFFFF  }
0xbf: {  	[dreg:$0x0] =	wrdreg $0xFFFFFFFF;
	(pc) =	sbr.abs _section_cstart, $3  }
0xc0: {  	[dreg:$0x1] =	wrdreg $0xFFFFFFFF  }
0xc1: {  	_ =	task.clear_ibuf [dreg:s7], $0x2FFFF;
	_ =	strace $0x9FFFFFFF  }
0xc2: {  	(tm) =	ssettm $0x7FFFFFFF  }
0xc3: {  	_ =	shalt  }
tec
execute0_lowered:
.L_overlay_start_1:
0x0: {  	(tag) =	ssettag $0x1  }
0x1: {  	s4 =	rddreg [dreg:$0x0]  }
0x2: {  	s5 =	rddreg [dreg:$0x1]  }
0x3: {  	s0 =	rddreg [dreg:$0x2];
	s3 =	srdreg.scid  }
0x4: {  	s2 =	simm.s32 $0x0;
	s1 =	stileid.u32;
	s12 =	simm.s32 $0x8  }
0x5: {  	s13 =	simm.s32 $0x2C00;
	s14 =	simm.s32 $0x1;
	s15 =	simm.s32 $0x8600  }
0x6: {  	s16 =	simm.s32 $0x2;
	s17 =	simm.s32 $0xE000;
	s18 =	simm.s32 $0x0  }
0x7: {  	s6 =	sand.u32 $0x1, s3;
	[smem:$0x7FF] =	sst s2;
	s7 =	sshll.u32 s1, $0x8  }
0x8: {  	s3 =	sadd.s32 $0x1000, s4;
	s8 =	sshll.u32 s6, $0x7;
	s6 =	ssub.s32 $0x2, s6  }
0x9: {  	_ =	strace $0x80000047;
	s7 =	sor.u32 s8, s7;
	s11 =	sshrl.u32 s6, $0x1  }
0xa: {  	s8 =	sshll.u32 s7, $0x3;
	s9 =	smul.u32 $0x6, s7;
	s10 =	sadd.s32 s7, s4  }
0xb: {  	s11 =	ssub.s32 s6, s11;
	s31 =	sshll.u32 s7, $0x1;
	s8 =	sadd.s32 s8, s4  }
0xc: {  	v0 =	vlaneseq.u32;
	s5 =	sadd.s32 s5, s31;
	s9 =	sadd.s32 s9, s4;
	s4 =	sadd.s32 $0x4F200, s10  }
0xd: {  	v0 =	vor.u32 $0x8, v0;
	s6 =	sadd.s32 $0x50200, s8;
	s8 =	smax.u32 s11, $0x1;
	s10 =	simm.s32 $0x400  }
0xe: {  	vm0 =	vmmov $0xff;
	[tilespmem:$0x1FFF0] =	vst v0;
	s11 =	simm.s32 $0xC00;
	s7 =	sadd.s32 $0x58200, s9;
	s9 =	simm.s32 $0x3  }
.LBB2_1:
0xf: {  	[tilespmem:s2], [sflag:$0x3] =	stream.linear.gather [hbm4b:s4+s2], $0x400, $0x38;
	[tilespmem:$0xF800] =	vst v63  }
0x10: {  	_ =	swait.ge [sflag:s9], $0x400  }
0x11: {  	[sflag:s9] =	ssyncset.done $0x0  }
0x12: {  	[sflag:s9] =	ssyncadd.s32 $0xFFFFFC00  }
0x13: {  	[tilespmem:s10], [sflag:$0x3] =	stream.linear.gather [hbm4b:s5+s2], $0x800, $0x38;
	[tilespmem:$0xF800] =	vst v63  }
0x14: {  	_ =	swait.ge [sflag:s9], $0x800  }
0x15: {  	[sflag:s9] =	ssyncset.done $0x0  }
0x16: {  	[sflag:s9] =	ssyncadd.s32 $0xFFFFF800  }
0x17: {  	[tilespmem:s11], [sflag:$0x3] =	stream.linear.gather [hbm4b:s6+s2], $0x2000, $0x38;
	[tilespmem:$0xF800] =	vst v63  }
0x18: {  	_ =	swait.ge [sflag:s9], $0x2000  }
0x19: {  	[sflag:s9] =	ssyncset.done $0x0  }
0x1a: {  	s19 =	simm.s32 $0x0;
	[sflag:s9] =	ssyncadd.s32 $0xFFFFE000  }
0x1b: {  	[tilespmem:s13], [sflag:$0x1] =	stream.indirect.gather [hbm4b:s3+s12], $0xA00, s2, s12, $0xb8;
	[tilespmem:$0xF800] =	vst v63  }
.LBB2_2:
0x1c: {  	_ =	swait.ge [sflag:s14], $0x5000;
	s20 =	sshllo.u32 s19, $0x1  }
0x1d: {  	[sflag:s14] =	ssyncset.done $0x0;
	s21 =	sshll.u32 s20, $0x3  }
0x1e: {  	s31 =	sshll.u32 s19, $0x7;
	[sflag:s14] =	ssyncadd.s32 $0xFFFFB000;
	s21 =	sand.u32 $0x3FFFFFF8, s21  }
0x1f: {  	[tilespmem:s15], [sflag:$0x2] =	stream.indirect.gather [hbm4b:s3+s12], $0xA00, s21, s12, $0xb8;
	[tilespmem:$0xF800] =	vst v63  }
0x20: {  	s22 =	sshrl.u32 s31, $0x2;
	v20 =	vld [tilespmem:s31+$0xC00]  }
0x21: {  	v0 =	vld [tilespmem:s22+$0x400];
	_ =	sdelay $0x2  }
0x22: {  	v33 =	vimm.s32 $0x0  }
0x23: {  	v42 =	vimm.s32 $0x2;
	v10 =	vperm.xlane v20, v33  }
0x24: {  	v50 =	vimm.s32 $0x4;
	[tilespmem:$0x1FB10] =	vst v0;
	v12 =	vperm.xlane v20, v42  }
0x25: {  	v56 =	vimm.s32 $0x8;
	v13 =	vperm.xlane v20, v50;
	[tilespmem:$0x1FBF0] =	vst v10  }
0x26: {  	v62 =	vimm.s32 $0xC;
	v24 =	vld [tilespmem:s31+$0xC10];
	v14 =	vperm.xlane v20, v56;
	[tilespmem:$0x1FC10] =	vst v12  }
0x27: {  	v21 =	vimm.s32 $0xE;
	v17 =	vperm.xlane v20, v62;
	[tilespmem:$0x1FC30] =	vst v13  }
0x28: {  	v37 =	vimm.s32 $0x1;
	v51 =	vimm.s32 $0x5;
	v21 =	vperm.xlane v20, v21;
	[tilespmem:$0x1FC70] =	vst v14  }
0x29: {  	v46 =	vimm.s32 $0x3;
	v57 =	vimm.s32 $0x9;
	v13 =	vperm.xlane v20, v51;
	[tilespmem:$0x1FCB0] =	vst v17  }
0x2a: {  	v52 =	vimm.s32 $0x6;
	v54 =	vimm.s32 $0x7;
	v14 =	vperm.xlane v20, v57;
	[tilespmem:$0x1FCD0] =	vst v21  }
0x2b: {  	v60 =	vimm.s32 $0xA;
	v22 =	vperm.xlane v24, v56;
	[tilespmem:$0x1FC40] =	vst v13;
	v13 =	vperm.xlane v20, v52  }
0x2c: {  	v55 =	vimm.s32 $0xD;
	s21 =	simm.s32 $0x3100;
	v10 =	vperm.xlane v20, v37;
	[tilespmem:$0x1FC80] =	vst v14;
	v14 =	vperm.xlane v20, v60  }
0x2d: {  	v61 =	vimm.s32 $0xB;
	v0 =	vld [tilespmem:s21+$0x4D8];
	v12 =	vperm.xlane v20, v46;
	v17 =	vperm.xlane v20, v55;
	[tilespmem:$0x1FC50] =	vst v13  }
0x2e: {  	v21 =	vimm.s32 $0xF;
	v13 =	vperm.xlane v20, v54;
	[tilespmem:$0x1FC90] =	vst v14;
	v14 =	vperm.xlane v20, v61  }
0x2f: {  	v20 =	vperm.xlane v20, v21;
	v21 =	vperm.xlane v24, v33  }
0x30: {  	[tilespmem:$0x1FD70] =	vst v22  }
0x31: {  	[tilespmem:$0x1FCF0] =	vst v21;
	v21 =	vperm.xlane v24, v37  }
0x32: {  	v22 =	vperm.xlane v24, v57;
	[tilespmem:$0x1FB20] =	vst v0  }
0x33: {  	v0 =	vld [tilespmem:s21+$0x4B0];
	[tilespmem:$0x1FD00] =	vst v21;
	v21 =	vperm.xlane v24, v42  }
0x34: {  	[tilespmem:$0x1FD80] =	vst v22;
	v22 =	vperm.xlane v24, v60  }
0x35: {  	[tilespmem:$0x1FD10] =	vst v21;
	v21 =	vperm.xlane v24, v46  }
0x36: {  	[tilespmem:$0x1FD90] =	vst v22  }
0x37: {  	[tilespmem:$0x1FD20] =	vst v21;
	v21 =	vperm.xlane v24, v50  }
0x38: {  	v22 =	vperm.xlane v24, v61;
	[tilespmem:$0x1FB30] =	vst v0  }
0x39: {  	v0 =	vld [tilespmem:s21+$0x488];
	[tilespmem:$0x1FD30] =	vst v21;
	v21 =	vperm.xlane v24, v51  }
0x3a: {  	v25 =	vld [tilespmem:s31+$0xC20];
	[tilespmem:$0x1FDA0] =	vst v22;
	v22 =	vperm.xlane v24, v62  }
0x3b: {  	v26 =	vimm.s32 $0xE;
	[tilespmem:$0x1FD40] =	vst v21;
	v21 =	vperm.xlane v24, v52  }
0x3c: {  	v28 =	vimm.s32 $0xF;
	v26 =	vperm.xlane v24, v26;
	[tilespmem:$0x1FDB0] =	vst v22;
	v22 =	vperm.xlane v24, v55  }
0x3d: {  	[tilespmem:$0x1FD50] =	vst v21;
	v21 =	vperm.xlane v24, v54;
	v24 =	vperm.xlane v24, v28  }
0x3e: {  	[tilespmem:$0x1FB40] =	vst v0  }
0x3f: {  	v0 =	vld [tilespmem:s21+$0x460];
	[tilespmem:$0x1FDE0] =	vst v24;
	v24 =	vperm.xlane v25, v33  }
0x40: {  	v23 =	vld [tilespmem:s31+$0xC30]  }
0x41: {  	v59 =	vld [tilespmem:s21+$0x2D0];
	[tilespmem:$0x1FDF0] =	vst v24;
	v24 =	vperm.xlane v25, v37  }
0x42: {  	v63 =	vld [tilespmem:s21+$0x2A8]  }
0x43: {  	v2 =	vld [tilespmem:s21+$0x280];
	[tilespmem:$0x1FE00] =	vst v24;
	v24 =	vperm.xlane v25, v42  }
0x44: {  	v7 =	vld [tilespmem:s21+$0x258];
	[tilespmem:$0x1FB50] =	vst v0  }
0x45: {  	v0 =	vld [tilespmem:s21+$0x438];
	[tilespmem:$0x1FE10] =	vst v24;
	v24 =	vperm.xlane v25, v46  }
0x46: {  	v11 =	vld [tilespmem:s21+$0x230]  }
0x47: {  	v15 =	vld [tilespmem:s21+$0x208];
	[tilespmem:$0x1FE20] =	vst v24;
	v24 =	vperm.xlane v25, v50  }
0x48: {  	v30 =	vld [tilespmem:s21+$0x1E0]  }
0x49: {  	v36 =	vld [tilespmem:s21+$0x1B8];
	[tilespmem:$0x1FE30] =	vst v24;
	v24 =	vperm.xlane v25, v51  }
0x4a: {  	v41 =	vld [tilespmem:s21+$0x190];
	[tilespmem:$0x1FB60] =	vst v0  }
0x4b: {  	v0 =	vld [tilespmem:s21+$0x410];
	[tilespmem:$0x1FE40] =	vst v24;
	v24 =	vperm.xlane v25, v52  }
0x4c: {  	v48 =	vld [tilespmem:s21+$0x168]  }
0x4d: {  	v53 =	vld [tilespmem:s21+$0x140];
	[tilespmem:$0x1FE50] =	vst v24;
	v24 =	vperm.xlane v25, v54  }
0x4e: {  	v58 =	vld [tilespmem:s21+$0x118]  }
0x4f: {  	v16 =	vld [tilespmem:s21+$0xF0];
	[tilespmem:$0x1FE60] =	vst v24;
	v24 =	vperm.xlane v25, v56  }
0x50: {  	v1 =	vld [tilespmem:s21+$0xA0];
	[tilespmem:$0x1FB70] =	vst v0  }
0x51: {  	v0 =	vld [tilespmem:s21+$0x3E8];
	[tilespmem:$0x1FE70] =	vst v24;
	v24 =	vperm.xlane v25, v57  }
0x52: {  	v3 =	vld [tilespmem:s21+$0x78]  }
0x53: {  	v4 =	vld [tilespmem:s21+$0x50];
	[tilespmem:$0x1FE80] =	vst v24;
	v24 =	vperm.xlane v25, v60  }
0x54: {  	v5 =	vld [tilespmem:s21+$0x28]  }
0x55: {  	v6 =	vld [tilespmem:s21+$0x0];
	[tilespmem:$0x1FE90] =	vst v24;
	v24 =	vperm.xlane v25, v61  }
0x56: {  	v8 =	vld [tilespmem:s21+$0xFFFFFFD8];
	[tilespmem:$0x1FB80] =	vst v0  }
0x57: {  	v0 =	vld [tilespmem:s21+$0x3C0];
	[tilespmem:$0x1FEA0] =	vst v24;
	v24 =	vperm.xlane v25, v62  }
0x58: {  	v9 =	vld [tilespmem:s21+$0xFFFFFFB0]  }
0x59: {  	v18 =	vld [tilespmem:s21+$0xFFFFFF38];
	[tilespmem:$0x1FEB0] =	vst v24;
	v24 =	vperm.xlane v25, v55  }
0x5a: {  	v45 =	vimm.s32 $0xE;
	v19 =	vld [tilespmem:s21+$0xFFFFFEE8];
	[tilespmem:$0x1FDD0] =	vst v26  }
0x5b: {  	v27 =	vld [tilespmem:s21+$0xFFFFFE48];
	[tilespmem:$0x1FEC0] =	vst v24;
	v24 =	vperm.xlane v25, v45  }
0x5c: {  	v47 =	vimm.s32 $0xF;
	v29 =	vld [tilespmem:s21+$0xFFFFFE20];
	[tilespmem:$0x1FB90] =	vst v0  }
0x5d: {  	v0 =	vld [tilespmem:s21+$0x398];
	[tilespmem:$0x1FED0] =	vst v24;
	v24 =	vperm.xlane v25, v47  }
0x5e: {  	v31 =	vld [tilespmem:s21+$0xFFFFFDF8];
	[tilespmem:$0x1FC00] =	vst v10  }
0x5f: {  	v32 =	vld [tilespmem:s21+$0xFFFFFDA8];
	[tilespmem:$0x1FEE0] =	vst v24;
	v24 =	vperm.xlane v23, v33  }
0x60: {  	v34 =	vld [tilespmem:s21+$0xFFFFFD80];
	[tilespmem:$0x1FC20] =	vst v12  }
0x61: {  	v35 =	vld [tilespmem:s21+$0xFFFFFD30];
	[tilespmem:$0x1FEF0] =	vst v24;
	v24 =	vperm.xlane v23, v37  }
0x62: {  	v38 =	vld [tilespmem:s21+$0xFFFFFD08];
	[tilespmem:$0x1FBA0] =	vst v0  }
0x63: {  	v0 =	vld [tilespmem:s21+$0x370];
	[tilespmem:$0x1FF00] =	vst v24;
	v24 =	vperm.xlane v23, v42  }
0x64: {  	v39 =	vld [tilespmem:s21+$0xFFFFFCE0];
	[tilespmem:$0x1FCC0] =	vst v17  }
0x65: {  	v40 =	vld [tilespmem:s21+$0xFFFFFC90];
	[tilespmem:$0x1FF10] =	vst v24;
	v24 =	vperm.xlane v23, v46  }
0x66: {  	v43 =	vld [tilespmem:s21+$0xFFFFFC68];
	[tilespmem:$0x1FC60] =	vst v13  }
0x67: {  	v44 =	vld [tilespmem:s21+$0xFFFFFC40];
	[tilespmem:$0x1FF20] =	vst v24;
	v24 =	vperm.xlane v23, v50  }
0x68: {  	v49 =	vld [tilespmem:s21+$0xFFFFFBA0];
	[tilespmem:$0x1FBB0] =	vst v0  }
0x69: {  	v0 =	vld [tilespmem:s21+$0x348];
	[tilespmem:$0x1FF30] =	vst v24;
	v24 =	vperm.xlane v23, v51  }
0x6a: {  	v26 =	vld [tilespmem:s21+$0xFFFFFCB8];
	[tilespmem:$0x1FCA0] =	vst v14  }
0x6b: {  	v10 =	vld [tilespmem:s21+$0xFFFFFF88];
	[tilespmem:$0x1FF40] =	vst v24;
	v24 =	vperm.xlane v23, v52  }
0x6c: {  	v12 =	vld [tilespmem:s21+$0xFFFFFF60];
	[tilespmem:$0x1FCE0] =	vst v20  }
0x6d: {  	v17 =	vld [tilespmem:s21+$0xFFFFFE98];
	[tilespmem:$0x1FF50] =	vst v24;
	v24 =	vperm.xlane v23, v54  }
0x6e: {  	v13 =	vld [tilespmem:s21+$0xFFFFFF10];
	[tilespmem:$0x1FBC0] =	vst v0  }
0x6f: {  	v0 =	vld [tilespmem:s21+$0x320];
	[tilespmem:$0x1FF60] =	vst v24;
	v24 =	vperm.xlane v23, v56  }
0x70: {  	v14 =	vld [tilespmem:s21+$0xFFFFFEC0];
	[tilespmem:$0x1FDC0] =	vst v22  }
0x71: {  	v20 =	vld [tilespmem:s21+$0xFFFFFE70];
	[tilespmem:$0x1FF70] =	vst v24;
	v24 =	vperm.xlane v23, v57  }
0x72: {  	v22 =	vld [tilespmem:s21+$0xFFFFFD58];
	[tilespmem:$0x1FD60] =	vst v21  }
0x73: {  	v28 =	vld [tilespmem:s21+$0xFFFFFC18];
	[tilespmem:$0x1FF80] =	vst v24;
	v24 =	vperm.xlane v23, v60  }
0x74: {  	v21 =	vld [tilespmem:s21+$0xFFFFFDD0];
	[tilespmem:$0x1FBD0] =	vst v0  }
0x75: {  	v0 =	vld [tilespmem:s21+$0x2F8];
	[tilespmem:$0x1FF90] =	vst v24;
	v24 =	vperm.xlane v23, v61  }
0x76: {  	v45 =	vld [tilespmem:s21+$0xFFFFFBF0]  }
0x77: {  	v47 =	vld [tilespmem:s21+$0xFFFFFBC8];
	[tilespmem:$0x1FFA0] =	vst v24;
	v24 =	vperm.xlane v23, v62  }
0x78: {  	v33 =	vld [tilespmem:s21+$0xFFFFFB78]  }
0x79: {  	v37 =	vld [tilespmem:s21+$0xFFFFFB00];
	[tilespmem:$0x1FFB0] =	vst v24;
	v24 =	vperm.xlane v23, v55  }
0x7a: {  	v51 =	vld [tilespmem:s21+$0xFFFFFB50];
	[tilespmem:$0x1FBE0] =	vst v0  }
0x7b: {  	v0 =	vld [tilespmem:s21+$0xC8];
	[tilespmem:$0x1FFC0] =	vst v24;
	v24 =	vimm.s32 $0xE  }
0x7c: {  	v25 =	vimm.s32 $0xF;
	v52 =	vld [tilespmem:s21+$0xFFFFFB28];
	v24 =	vperm.xlane v23, v24  }
0x7d: {  	v54 =	vld [tilespmem:s21+$0xFFFFFB10];
	v23 =	vperm.xlane v23, v25  }
0x7e: {  	v56 =	vld [tilespmem:s21+$0xFFFFFB38];
	[tilespmem:$0x1FFD0] =	vst v24  }
0x7f: {  	s23 =	simm.s32 $0x1;
	s22 =	simm.s32 $0x0;
	v57 =	vld [tilespmem:s21+$0xFFFFFB18];
	v25 =	vimm.f32 $0.0e+00;
	[tilespmem:$0x1FFE0] =	vst v23;
	v23 =	vimm.f32 $0.0e+00;
	v24 =	vimm.f32 $0.0e+00  }
.LBB2_3:
0x80: {  	v46 =	vld [tilespmem:$0x1FBF0];
	_ =	sdelay $0x1  }
0x81: {  	v50 =	vld [tilespmem:$0x1FC00]  }
0x82: {  	v61 =	vld [tilespmem:s21+$0xFFFFFB68]  }
0x83: {  	v55 =	vld [tilespmem:$0x1FC10]  }
0x84: {  	v60 =	vld [tilespmem:s21+$0xFFFFFB60];
	v54 =	vmul.f32 v54, v46  }
0x85: {  	v37 =	vmul.f32 v37, v46  }
0x86: {  	v42 =	vld [tilespmem:s21+$0xFFFFFB40];
	v56 =	vmul.f32 v56, v50;
	v54 =	vadd.f32 $0.0e+00, v54  }
0x87: {  	v57 =	vmul.f32 v57, v46;
	v46 =	vld [tilespmem:s21+$0xFFFFFB88];
	v52 =	vmul.f32 v52, v50;
	v37 =	vadd.f32 $0.0e+00, v37  }
0x88: {  	v54 =	vadd.f32 v56, v54;
	v56 =	vmul.f32 v61, v55;
	v61 =	vld [tilespmem:$0x1FC20]  }
0x89: {  	v37 =	vadd.f32 v52, v37;
	v52 =	vmul.f32 v60, v55;
	v60 =	vld [tilespmem:s21+$0xFFFFFBB8]  }
0x8a: {  	v51 =	vmul.f32 v51, v55;
	v55 =	vld [tilespmem:$0x1FC30];
	_ =	sdelay $0x1  }
0x8b: {  	v62 =	vld [tilespmem:s21+$0xFFFFFB90];
	v42 =	vmul.f32 v42, v50;
	v57 =	vadd.f32 $0.0e+00, v57  }
0x8c: {  	v50 =	vld [tilespmem:s21+$0xFFFFFBB0];
	v52 =	vadd.f32 v52, v54;
	v46 =	vmul.f32 v46, v61  }
0x8d: {  	v42 =	vadd.f32 v42, v57;
	v57 =	vld [tilespmem:s21+$0xFFFFFBD8]  }
0x8e: {  	v46 =	vadd.f32 v46, v52;
	v52 =	vmul.f32 v60, v55;
	v60 =	vld [tilespmem:$0x1FC40]  }
0x8f: {  	v37 =	vadd.f32 v51, v37;
	v51 =	vld [tilespmem:s21+$0xFFFFFBE0];
	_ =	sdelay $0x1  }
0x90: {  	v54 =	vmul.f32 v62, v61  }
0x91: {  	v62 =	vmul.f32 v49, v55;
	v49 =	vmul.f32 v50, v55  }
0x92: {  	v42 =	vadd.f32 v56, v42;
	v56 =	vld [tilespmem:s21+$0xFFFFFC00];
	v55 =	vmul.f32 v47, v60  }
0x93: {  	v46 =	vadd.f32 v49, v46;
	v47 =	vmul.f32 v57, v60;
	v49 =	vmul.f32 v51, v60;
	v60 =	vld [tilespmem:$0x1FC50]  }
0x94: {  	v33 =	vmul.f32 v33, v61;
	v50 =	vld [tilespmem:s21+$0xFFFFFC08]  }
0x95: {  	v42 =	vadd.f32 v54, v42  }
0x96: {  	v33 =	vadd.f32 v33, v37;
	v54 =	vld [tilespmem:s21+$0xFFFFFC28]  }
0x97: {  	v42 =	vadd.f32 v52, v42;
	v52 =	vld [tilespmem:s21+$0xFFFFFC58]  }
0x98: {  	v33 =	vadd.f32 v62, v33;
	v57 =	vld [tilespmem:s21+$0xFFFFFC30];
	v37 =	vmul.f32 v45, v60  }
0x99: {  	v42 =	vadd.f32 v49, v42;
	v61 =	vmul.f32 v56, v60;
	v62 =	vmul.f32 v50, v60;
	v60 =	vld [tilespmem:$0x1FC60]  }
0x9a: {  	v51 =	vld [tilespmem:s21+$0xFFFFFC50]  }
0x9b: {  	v42 =	vadd.f32 v62, v42;
	v62 =	vld [tilespmem:$0x1FC70]  }
0x9c: {  	v33 =	vadd.f32 v55, v33;
	v49 =	vld [tilespmem:s21+$0xFFFFFC78]  }
0x9d: {  	v46 =	vadd.f32 v47, v46;
	v47 =	vld [tilespmem:s21+$0xFFFFFCA0]  }
0x9e: {  	v50 =	vld [tilespmem:s21+$0xFFFFFC80];
	v33 =	vadd.f32 v37, v33;
	v28 =	vmul.f32 v28, v60  }
0x9f: {  	v45 =	vadd.f32 v61, v46;
	v46 =	vld [tilespmem:s21+$0xFFFFFCC8];
	v37 =	vmul.f32 v54, v60;
	v61 =	vmul.f32 v57, v60  }
0xa0: {  	v54 =	vld [tilespmem:$0x1FCA0];
	v57 =	vmul.f32 v44, v62;
	v60 =	vmul.f32 v51, v62  }
0xa1: {  	v37 =	vadd.f32 v37, v45;
	v42 =	vadd.f32 v61, v42;
	v61 =	vmul.f32 v52, v62;
	v62 =	vld [tilespmem:$0x1FC80]  }
0xa2: {  	v51 =	vld [tilespmem:s21+$0xFFFFFCA8]  }
0xa3: {  	v37 =	vadd.f32 v60, v37;
	v60 =	vld [tilespmem:$0x1FC90]  }
0xa4: {  	v45 =	vld [tilespmem:s21+$0xFFFFFCF0]  }
0xa5: {  	v28 =	vadd.f32 v28, v33;
	v44 =	vld [tilespmem:s21+$0xFFFFFD18]  }
0xa6: {  	v56 =	vmul.f32 v49, v62;
	v49 =	vld [tilespmem:s21+$0xFFFFFCD0]  }
0xa7: {  	v28 =	vadd.f32 v57, v28;
	v55 =	vmul.f32 v43, v62;
	v43 =	vld [tilespmem:s21+$0xFFFFFD40]  }
0xa8: {  	v42 =	vadd.f32 v61, v42;
	v57 =	vmul.f32 v50, v62;
	v62 =	vmul.f32 v47, v60;
	v47 =	vld [tilespmem:s21+$0xFFFFFCF8]  }
0xa9: {  	v28 =	vadd.f32 v55, v28;
	v55 =	vmul.f32 v46, v54;
	v46 =	vld [tilespmem:s21+$0xFFFFFD20]  }
0xaa: {  	v61 =	vmul.f32 v40, v60;
	v42 =	vadd.f32 v57, v42;
	v52 =	vmul.f32 v51, v60;
	v60 =	vld [tilespmem:$0x1FCB0]  }
0xab: {  	v37 =	vadd.f32 v56, v37;
	v51 =	vld [tilespmem:s21+$0xFFFFFD68]  }
0xac: {  	v56 =	vadd.f32 v52, v42;
	v52 =	vld [tilespmem:$0x1FCC0]  }
0xad: {  	v37 =	vadd.f32 v62, v37;
	v42 =	vld [tilespmem:s21+$0xFFFFFE80]  }
0xae: {  	v57 =	vmul.f32 v49, v54;
	v49 =	vld [tilespmem:s21+$0xFFFFFDB8]  }
0xaf: {  	v33 =	vadd.f32 v55, v37;
	v55 =	vld [tilespmem:s21+$0xFFFFFD70]  }
0xb0: {  	v26 =	vmul.f32 v26, v54;
	v28 =	vadd.f32 v61, v28;
	v61 =	vmul.f32 v45, v60;
	v45 =	vld [tilespmem:s21+$0xFFFFFD48]  }
0xb1: {  	v62 =	vadd.f32 v57, v56;
	v50 =	vmul.f32 v47, v60;
	v57 =	vld [tilespmem:s21+$0xFFFFFD90]  }
0xb2: {  	v26 =	vadd.f32 v26, v28;
	v28 =	vmul.f32 v39, v60;
	v60 =	vld [tilespmem:$0x1FCD0]  }
0xb3: {  	v37 =	vadd.f32 v50, v62;
	v50 =	vld [tilespmem:$0x1FCE0]  }
0xb4: {  	v56 =	vmul.f32 v46, v52;
	v46 =	vld [tilespmem:$0x1FD00]  }
0xb5: {  	v26 =	vadd.f32 v28, v26;
	v28 =	vmul.f32 v38, v52;
	v54 =	vmul.f32 v44, v52;
	v44 =	vld [tilespmem:s21+$0xFFFFFE88]  }
0xb6: {  	v33 =	vadd.f32 v61, v33;
	v37 =	vadd.f32 v56, v37;
	v56 =	vld [tilespmem:$0x1FCF0]  }
0xb7: {  	v26 =	vadd.f32 v28, v26;
	v28 =	vmul.f32 v35, v60;
	v61 =	vmul.f32 v43, v60;
	v43 =	vld [tilespmem:s21+$0xFFFFFD98]  }
0xb8: {  	v62 =	vmul.f32 v45, v60;
	v60 =	vld [tilespmem:s21+$0xFFFFFDE8]  }
0xb9: {  	v33 =	vadd.f32 v54, v33;
	v45 =	vld [tilespmem:s21+$0xFFFFFE08];
	v26 =	vadd.f32 v28, v26  }
0xba: {  	v28 =	vmul.f32 v51, v50;
	v51 =	vld [tilespmem:s21+$0xFFFFFDC0];
	v52 =	vadd.f32 v62, v37;
	v54 =	vmul.f32 v55, v50  }
0xbb: {  	v55 =	vld [tilespmem:s21+$0xFFFFFDE0]  }
0xbc: {  	v33 =	vadd.f32 v61, v33;
	v61 =	vadd.f32 v54, v52;
	v52 =	vld [tilespmem:$0x1FD10]  }
0xbd: {  	v22 =	vmul.f32 v22, v50;
	v47 =	vmul.f32 v49, v46;
	v49 =	vld [tilespmem:s21+$0xFFFFFE10]  }
0xbe: {  	v57 =	vmul.f32 v57, v56;
	v28 =	vadd.f32 v28, v33;
	v54 =	vld [tilespmem:s21+$0xFFFFFE38]  }
0xbf: {  	v22 =	vadd.f32 v22, v26;
	v26 =	vmul.f32 v34, v56;
	v62 =	vmul.f32 v43, v56;
	v43 =	vld [tilespmem:$0x1FD30]  }
0xc0: {  	v28 =	vadd.f32 v57, v28;
	v57 =	vld [tilespmem:s21+$0xFFFFFE58]  }
0xc1: {  	v22 =	vadd.f32 v26, v22;
	v26 =	vmul.f32 v32, v46;
	v56 =	vmul.f32 v60, v52;
	v60 =	vld [tilespmem:$0x1FD20]  }
0xc2: {  	v50 =	vmul.f32 v51, v46;
	v51 =	vld [tilespmem:s21+$0xFFFFFE30]  }
0xc3: {  	v33 =	vadd.f32 v62, v61;
	v61 =	vld [tilespmem:s21+$0xFFFFFE60];
	v22 =	vadd.f32 v26, v22  }
0xc4: {  	v46 =	vld [tilespmem:$0x1FD40];
	v28 =	vadd.f32 v47, v28;
	v21 =	vmul.f32 v21, v52;
	v26 =	vmul.f32 v55, v52  }
0xc5: {  	v47 =	vld [tilespmem:s21+$0xFFFFFEB0];
	v55 =	vadd.f32 v50, v33  }
0xc6: {  	v50 =	vld [tilespmem:s21+$0xFFFFFED8];
	v21 =	vadd.f32 v21, v22;
	v26 =	vadd.f32 v26, v28;
	v22 =	vmul.f32 v31, v60  }
0xc7: {  	v28 =	vadd.f32 v56, v55;
	v31 =	vmul.f32 v45, v60;
	v62 =	vmul.f32 v49, v60;
	v49 =	vld [tilespmem:$0x1FD50]  }
0xc8: {  	v45 =	vld [tilespmem:s21+$0xFFFFFEA8];
	v21 =	vadd.f32 v22, v21;
	v22 =	vmul.f32 v29, v43;
	v29 =	vmul.f32 v51, v43  }
0xc9: {  	v26 =	vadd.f32 v31, v26;
	v28 =	vadd.f32 v62, v28;
	v31 =	vmul.f32 v54, v43;
	v51 =	vld [tilespmem:$0x1FD60]  }
0xca: {  	v54 =	vld [tilespmem:$0x1FD70];
	v21 =	vadd.f32 v22, v21;
	v22 =	vmul.f32 v27, v46;
	v27 =	vmul.f32 v57, v46  }
0xcb: {  	v26 =	vadd.f32 v29, v26;
	v28 =	vadd.f32 v31, v28;
	v29 =	vmul.f32 v61, v46;
	v31 =	vld [tilespmem:s21+$0xFFFFFED0]  }
0xcc: {  	v55 =	vld [tilespmem:$0x1FD80];
	v20 =	vmul.f32 v20, v49;
	v21 =	vadd.f32 v22, v21;
	v22 =	vmul.f32 v42, v49  }
0xcd: {  	v26 =	vadd.f32 v27, v26;
	v27 =	vadd.f32 v29, v28;
	v28 =	vmul.f32 v44, v49;
	v29 =	vld [tilespmem:s21+$0xFFFFFEF8]  }
0xce: {  	v52 =	vld [tilespmem:s21+$0xFFFFFF00];
	v17 =	vmul.f32 v17, v51;
	v20 =	vadd.f32 v20, v21;
	v21 =	vmul.f32 v45, v51  }
0xcf: {  	v56 =	vld [tilespmem:$0x1FD90];
	v22 =	vadd.f32 v22, v26;
	v26 =	vadd.f32 v28, v27;
	v27 =	vmul.f32 v47, v51  }
0xd0: {  	v14 =	vmul.f32 v14, v54;
	v17 =	vadd.f32 v17, v20;
	v20 =	vmul.f32 v31, v54;
	v31 =	vld [tilespmem:s21+$0xFFFFFF28]  }
0xd1: {  	v21 =	vadd.f32 v21, v22;
	v22 =	vadd.f32 v27, v26;
	v26 =	vmul.f32 v50, v54  }
0xd2: {  	v14 =	vadd.f32 v14, v17;
	v17 =	vmul.f32 v19, v55;
	v19 =	vmul.f32 v29, v55  }
0xd3: {  	v28 =	vld [tilespmem:s21+$0xFFFFFF20];
	v20 =	vadd.f32 v20, v21;
	v21 =	vadd.f32 v26, v22;
	v22 =	vmul.f32 v52, v55  }
0xd4: {  	v29 =	vld [tilespmem:s21+$0xFFFFFF50]  }
0xd5: {  	v19 =	vadd.f32 v19, v20;
	v20 =	vadd.f32 v22, v21;
	v21 =	vmul.f32 v31, v56;
	v31 =	vld [tilespmem:$0x1FDA0];
	_ =	sdelay $0x2  }
0xd6: {  	v27 =	vld [tilespmem:s21+$0xFFFFFF48];
	v14 =	vadd.f32 v17, v14;
	v17 =	vmul.f32 v28, v56  }
0xd7: {  	v28 =	vld [tilespmem:s21+$0xFFFFFF78]  }
0xd8: {  	v17 =	vadd.f32 v17, v19;
	v19 =	vadd.f32 v21, v20;
	v20 =	vmul.f32 v29, v31;
	v29 =	vld [tilespmem:$0x1FDB0]  }
0xd9: {  	v13 =	vmul.f32 v13, v56;
	_ =	sdelay $0x1  }
0xda: {  	v26 =	vld [tilespmem:s21+$0xFFFFFF70];
	v13 =	vadd.f32 v13, v14;
	v14 =	vmul.f32 v18, v31;
	v18 =	vmul.f32 v27, v31  }
0xdb: {  	v27 =	vld [tilespmem:s21+$0xFFFFFFA0]  }
0xdc: {  	v17 =	vadd.f32 v18, v17;
	v18 =	vadd.f32 v20, v19;
	v19 =	vmul.f32 v28, v29;
	v28 =	vld [tilespmem:$0x1FDC0];
	_ =	sdelay $0x2  }
0xdd: {  	v22 =	vld [tilespmem:s21+$0xFFFFFF98];
	v13 =	vadd.f32 v14, v13;
	v14 =	vmul.f32 v26, v29  }
0xde: {  	v26 =	vld [tilespmem:s21+$0xFFFFFFC8]  }
0xdf: {  	v14 =	vadd.f32 v14, v17;
	v17 =	vadd.f32 v19, v18;
	v18 =	vmul.f32 v27, v28;
	v27 =	vld [tilespmem:$0x1FDD0]  }
0xe0: {  	v12 =	vmul.f32 v12, v29;
	_ =	sdelay $0x1  }
0xe1: {  	v21 =	vld [tilespmem:s21+$0xFFFFFFC0];
	v12 =	vadd.f32 v12, v13;
	v13 =	vmul.f32 v22, v28  }
0xe2: {  	v22 =	vld [tilespmem:s21+$0xFFFFFFF0]  }
0xe3: {  	v13 =	vadd.f32 v13, v14;
	v14 =	vadd.f32 v18, v17;
	v17 =	vmul.f32 v26, v27;
	v26 =	vld [tilespmem:$0x1FDE0]  }
0xe4: {  	v10 =	vmul.f32 v10, v28;
	_ =	sdelay $0x1  }
0xe5: {  	v20 =	vld [tilespmem:s21+$0xFFFFFFE8];
	v10 =	vadd.f32 v10, v12;
	v12 =	vmul.f32 v21, v27  }
0xe6: {  	v21 =	vld [tilespmem:s21+$0x18]  }
0xe7: {  	v12 =	vadd.f32 v12, v13;
	v13 =	vadd.f32 v17, v14;
	v14 =	vmul.f32 v22, v26;
	v22 =	vld [tilespmem:$0x1FDF0]  }
0xe8: {  	v9 =	vmul.f32 v9, v27;
	_ =	sdelay $0x1  }
0xe9: {  	v19 =	vld [tilespmem:s21+$0x10];
	v9 =	vadd.f32 v9, v10;
	v10 =	vmul.f32 v20, v26  }
0xea: {  	v20 =	vld [tilespmem:s21+$0x40]  }
0xeb: {  	v10 =	vadd.f32 v10, v12;
	v12 =	vadd.f32 v14, v13;
	v13 =	vmul.f32 v21, v22;
	v21 =	vld [tilespmem:$0x1FE00]  }
0xec: {  	v8 =	vmul.f32 v8, v26;
	_ =	sdelay $0x1  }
0xed: {  	v18 =	vld [tilespmem:s21+$0x38];
	v8 =	vadd.f32 v8, v9;
	v9 =	vmul.f32 v19, v22  }
0xee: {  	v19 =	vld [tilespmem:s21+$0x68]  }
0xef: {  	v9 =	vadd.f32 v9, v10;
	v10 =	vadd.f32 v13, v12;
	v12 =	vmul.f32 v20, v21;
	v20 =	vld [tilespmem:$0x1FE10]  }
0xf0: {  	v6 =	vmul.f32 v6, v22;
	_ =	sdelay $0x1  }
0xf1: {  	v17 =	vld [tilespmem:s21+$0x60];
	v6 =	vadd.f32 v6, v8;
	v8 =	vmul.f32 v18, v21  }
0xf2: {  	v18 =	vld [tilespmem:s21+$0x90]  }
0xf3: {  	v8 =	vadd.f32 v8, v9;
	v9 =	vadd.f32 v12, v10;
	v10 =	vmul.f32 v19, v20;
	v19 =	vld [tilespmem:$0x1FE20]  }
0xf4: {  	v5 =	vmul.f32 v5, v21;
	_ =	sdelay $0x1  }
0xf5: {  	v14 =	vld [tilespmem:s21+$0x88];
	v5 =	vadd.f32 v5, v6;
	v6 =	vmul.f32 v17, v20  }
0xf6: {  	v17 =	vld [tilespmem:s21+$0xB8]  }
0xf7: {  	v6 =	vadd.f32 v6, v8;
	v8 =	vadd.f32 v10, v9;
	v9 =	vmul.f32 v18, v19;
	v18 =	vld [tilespmem:$0x1FE30]  }
0xf8: {  	v4 =	vmul.f32 v4, v20;
	_ =	sdelay $0x1  }
0xf9: {  	v13 =	vld [tilespmem:s21+$0xB0];
	v4 =	vadd.f32 v4, v5;
	v5 =	vmul.f32 v14, v19  }
0xfa: {  	v12 =	vld [tilespmem:s21+$0xD8]  }
0xfb: {  	v5 =	vadd.f32 v5, v6;
	v6 =	vadd.f32 v9, v8;
	v8 =	vmul.f32 v17, v18;
	v17 =	vld [tilespmem:$0x1FE40]  }
0xfc: {  	v3 =	vmul.f32 v3, v19;
	v14 =	vld [tilespmem:s21+$0xE0];
	_ =	sdelay $0x1  }
0xfd: {  	v3 =	vadd.f32 v3, v4;
	v1 =	vmul.f32 v1, v18;
	v4 =	vmul.f32 v13, v18;
	_ =	sdelay $0x1  }
0xfe: {  	v1 =	vadd.f32 v1, v3;
	v4 =	vadd.f32 v4, v5;
	v0 =	vmul.f32 v0, v17  }
0xff: {  	v5 =	vadd.f32 v8, v6;
	v3 =	vmul.f32 v12, v17;
	v6 =	vmul.f32 v14, v17;
	v17 =	vld [tilespmem:$0x1FE50];
	_ =	sdelay $0x2  }
0x100: {  	v9 =	vld [tilespmem:s21+$0x128]  }
0x101: {  	v13 =	vld [tilespmem:s21+$0x108]  }
0x102: {  	v0 =	vadd.f32 v0, v1;
	v1 =	vmul.f32 v16, v17;
	v16 =	vld [tilespmem:$0x1FE60]  }
0x103: {  	v12 =	vld [tilespmem:s21+$0x130];
	_ =	sdelay $0x2  }
0x104: {  	v3 =	vadd.f32 v3, v4;
	v4 =	vadd.f32 v6, v5;
	v5 =	vmul.f32 v13, v17  }
0x105: {  	v8 =	vld [tilespmem:s21+$0x150];
	v0 =	vadd.f32 v1, v0;
	v1 =	vmul.f32 v58, v16  }
0x106: {  	v4 =	vadd.f32 v5, v4;
	v9 =	vmul.f32 v9, v16;
	v5 =	vmul.f32 v12, v16;
	v16 =	vld [tilespmem:$0x1FE70]  }
0x107: {  	v14 =	vld [tilespmem:s21+$0x158];
	_ =	sdelay $0x2  }
0x108: {  	v10 =	vld [tilespmem:s21+$0x100]  }
0x109: {  	v6 =	vld [tilespmem:s21+$0x178];
	v0 =	vadd.f32 v1, v0;
	v1 =	vmul.f32 v53, v16  }
0x10a: {  	v4 =	vadd.f32 v5, v4;
	v8 =	vmul.f32 v8, v16;
	v5 =	vmul.f32 v14, v16;
	v16 =	vld [tilespmem:$0x1FE80]  }
0x10b: {  	v13 =	vld [tilespmem:s21+$0x180];
	_ =	sdelay $0x1  }
0x10c: {  	v10 =	vmul.f32 v10, v17;
	_ =	sdelay $0x1  }
0x10d: {  	v3 =	vadd.f32 v10, v3;
	v10 =	vld [tilespmem:s21+$0x1A0];
	v0 =	vadd.f32 v1, v0;
	v1 =	vmul.f32 v48, v16  }
0x10e: {  	v4 =	vadd.f32 v5, v4;
	v6 =	vmul.f32 v6, v16;
	v5 =	vmul.f32 v13, v16;
	v16 =	vld [tilespmem:$0x1FE90]  }
0x10f: {  	v12 =	vld [tilespmem:s21+$0x1A8];
	_ =	sdelay $0x3  }
0x110: {  	v3 =	vadd.f32 v9, v3;
	v9 =	vld [tilespmem:s21+$0x1C8];
	v0 =	vadd.f32 v1, v0;
	v1 =	vmul.f32 v41, v16  }
0x111: {  	v4 =	vadd.f32 v5, v4;
	v10 =	vmul.f32 v10, v16;
	v5 =	vmul.f32 v12, v16;
	v16 =	vld [tilespmem:$0x1FEA0]  }
0x112: {  	v14 =	vld [tilespmem:s21+$0x1D0];
	_ =	sdelay $0x3  }
0x113: {  	v3 =	vadd.f32 v8, v3;
	v8 =	vld [tilespmem:s21+$0x1F0];
	v0 =	vadd.f32 v1, v0;
	v1 =	vmul.f32 v36, v16  }
0x114: {  	v4 =	vadd.f32 v5, v4;
	v9 =	vmul.f32 v9, v16;
	v5 =	vmul.f32 v14, v16;
	v16 =	vld [tilespmem:$0x1FEB0]  }
0x115: {  	v13 =	vld [tilespmem:s21+$0x1F8];
	_ =	sdelay $0x3  }
0x116: {  	v12 =	vld [tilespmem:s21+$0x220];
	v0 =	vadd.f32 v1, v0;
	v1 =	vmul.f32 v30, v16  }
0x117: {  	v4 =	vadd.f32 v5, v4;
	v8 =	vmul.f32 v8, v16;
	v5 =	vmul.f32 v13, v16;
	v16 =	vld [tilespmem:$0x1FEC0];
	_ =	sdelay $0x1  }
0x118: {  	v3 =	vadd.f32 v6, v3;
	_ =	sdelay $0x1  }
0x119: {  	v3 =	vadd.f32 v10, v3;
	v10 =	vld [tilespmem:s21+$0x240]  }
0x11a: {  	v4 =	vadd.f32 v5, v4;
	v5 =	vmul.f32 v12, v16;
	v12 =	vld [tilespmem:$0x1FED0]  }
0x11b: {  	v14 =	vld [tilespmem:s21+$0x248];
	_ =	sdelay $0x1  }
0x11c: {  	v0 =	vadd.f32 v1, v0;
	v1 =	vmul.f32 v15, v16;
	_ =	sdelay $0x1  }
0x11d: {  	v3 =	vadd.f32 v9, v3;
	v9 =	vld [tilespmem:s21+$0x268];
	v0 =	vadd.f32 v1, v0;
	v1 =	vmul.f32 v11, v12  }
0x11e: {  	v4 =	vadd.f32 v5, v4;
	v10 =	vmul.f32 v10, v12;
	v5 =	vmul.f32 v14, v12;
	v12 =	vld [tilespmem:$0x1FEE0]  }
0x11f: {  	v13 =	vld [tilespmem:s21+$0x270];
	_ =	sdelay $0x2  }
0x120: {  	v6 =	vld [tilespmem:s21+$0x218]  }
0x121: {  	v3 =	vadd.f32 v8, v3;
	v8 =	vld [tilespmem:s21+$0x290];
	v0 =	vadd.f32 v1, v0;
	v1 =	vmul.f32 v7, v12  }
0x122: {  	v4 =	vadd.f32 v5, v4;
	v7 =	vmul.f32 v9, v12;
	v5 =	vmul.f32 v13, v12;
	v12 =	vld [tilespmem:$0x1FEF0]  }
0x123: {  	v11 =	vld [tilespmem:s21+$0x298];
	_ =	sdelay $0x1  }
0x124: {  	v6 =	vmul.f32 v6, v16;
	_ =	sdelay $0x1  }
0x125: {  	v3 =	vadd.f32 v6, v3;
	v6 =	vld [tilespmem:s21+$0x2B8];
	v0 =	vadd.f32 v1, v0;
	v1 =	vmul.f32 v2, v12  }
0x126: {  	v4 =	vadd.f32 v5, v4;
	v2 =	vmul.f32 v8, v12;
	v5 =	vmul.f32 v11, v12;
	v12 =	vld [tilespmem:$0x1FF00]  }
0x127: {  	v3 =	vadd.f32 v10, v3;
	v9 =	vld [tilespmem:s21+$0x2C0];
	_ =	sdelay $0x1  }
0x128: {  	v3 =	vadd.f32 v7, v3;
	_ =	sdelay $0x1  }
0x129: {  	v10 =	vld [tilespmem:s21+$0x2E0];
	v0 =	vadd.f32 v1, v0;
	v2 =	vadd.f32 v2, v3;
	v1 =	vmul.f32 v63, v12  }
0x12a: {  	v3 =	vadd.f32 v5, v4;
	v6 =	vmul.f32 v6, v12;
	v4 =	vmul.f32 v9, v12;
	v12 =	vld [tilespmem:$0x1FF10]  }
0x12b: {  	v8 =	vld [tilespmem:s21+$0x2E8];
	_ =	sdelay $0x3  }
0x12c: {  	v7 =	vld [tilespmem:s21+$0x308];
	v0 =	vadd.f32 v1, v0;
	v1 =	vmul.f32 v59, v12  }
0x12d: {  	v3 =	vadd.f32 v4, v3;
	v9 =	vmul.f32 v10, v12;
	v4 =	vmul.f32 v8, v12;
	v12 =	vld [tilespmem:$0x1FF20]  }
0x12e: {  	v0 =	vadd.f32 v1, v0;
	v1 =	vld [tilespmem:$0x1FBE0]  }
0x12f: {  	v11 =	vld [tilespmem:s21+$0x310];
	_ =	sdelay $0x3  }
0x130: {  	v5 =	vld [tilespmem:s21+$0x330];
	v1 =	vmul.f32 v1, v12  }
0x131: {  	v3 =	vadd.f32 v4, v3;
	v7 =	vmul.f32 v7, v12;
	v4 =	vmul.f32 v11, v12;
	v12 =	vld [tilespmem:$0x1FF30]  }
0x132: {  	v0 =	vadd.f32 v1, v0;
	v1 =	vld [tilespmem:$0x1FBD0]  }
0x133: {  	v10 =	vld [tilespmem:s21+$0x338];
	_ =	sdelay $0x3  }
0x134: {  	v2 =	vadd.f32 v6, v2;
	v6 =	vld [tilespmem:s21+$0x358];
	v1 =	vmul.f32 v1, v12  }
0x135: {  	v3 =	vadd.f32 v4, v3;
	v5 =	vmul.f32 v5, v12;
	v4 =	vmul.f32 v10, v12;
	v12 =	vld [tilespmem:$0x1FF40]  }
0x136: {  	v0 =	vadd.f32 v1, v0;
	v1 =	vld [tilespmem:$0x1FBC0]  }
0x137: {  	v8 =	vld [tilespmem:s21+$0x360];
	_ =	sdelay $0x3  }
0x138: {  	v2 =	vadd.f32 v9, v2;
	v9 =	vld [tilespmem:s21+$0x380];
	v1 =	vmul.f32 v1, v12  }
0x139: {  	v3 =	vadd.f32 v4, v3;
	v6 =	vmul.f32 v6, v12;
	v4 =	vmul.f32 v8, v12;
	v12 =	vld [tilespmem:$0x1FF50]  }
0x13a: {  	v0 =	vadd.f32 v1, v0;
	v1 =	vld [tilespmem:$0x1FBB0]  }
0x13b: {  	v11 =	vld [tilespmem:s21+$0x388];
	_ =	sdelay $0x3  }
0x13c: {  	v2 =	vadd.f32 v7, v2;
	v7 =	vld [tilespmem:s21+$0x3A8];
	v1 =	vmul.f32 v1, v12  }
0x13d: {  	v3 =	vadd.f32 v4, v3;
	v8 =	vmul.f32 v9, v12;
	v4 =	vmul.f32 v11, v12;
	v12 =	vld [tilespmem:$0x1FF60]  }
0x13e: {  	v0 =	vadd.f32 v1, v0;
	v1 =	vld [tilespmem:$0x1FBA0]  }
0x13f: {  	v10 =	vld [tilespmem:s21+$0x3B0];
	_ =	sdelay $0x3  }
0x140: {  	v2 =	vadd.f32 v5, v2;
	v5 =	vld [tilespmem:s21+$0x3D0];
	v1 =	vmul.f32 v1, v12  }
0x141: {  	v3 =	vadd.f32 v4, v3;
	v7 =	vmul.f32 v7, v12;
	v4 =	vmul.f32 v10, v12;
	v12 =	vld [tilespmem:$0x1FF70]  }
0x142: {  	v0 =	vadd.f32 v1, v0;
	v1 =	vld [tilespmem:$0x1FB90]  }
0x143: {  	v9 =	vld [tilespmem:s21+$0x3D8];
	_ =	sdelay $0x3  }
0x144: {  	v2 =	vadd.f32 v6, v2;
	v6 =	vld [tilespmem:s21+$0x3F8];
	v1 =	vmul.f32 v1, v12  }
0x145: {  	v3 =	vadd.f32 v4, v3;
	v5 =	vmul.f32 v5, v12;
	v4 =	vmul.f32 v9, v12;
	v12 =	vld [tilespmem:$0x1FF80]  }
0x146: {  	v0 =	vadd.f32 v1, v0;
	v1 =	vld [tilespmem:$0x1FB80]  }
0x147: {  	v11 =	vld [tilespmem:s21+$0x400];
	_ =	sdelay $0x3  }
0x148: {  	v2 =	vadd.f32 v8, v2;
	v8 =	vld [tilespmem:s21+$0x420];
	v1 =	vmul.f32 v1, v12  }
0x149: {  	v3 =	vadd.f32 v4, v3;
	v6 =	vmul.f32 v6, v12;
	v4 =	vmul.f32 v11, v12;
	v12 =	vld [tilespmem:$0x1FF90]  }
0x14a: {  	v0 =	vadd.f32 v1, v0;
	v1 =	vld [tilespmem:$0x1FB70]  }
0x14b: {  	v10 =	vld [tilespmem:s21+$0x428];
	_ =	sdelay $0x3  }
0x14c: {  	v2 =	vadd.f32 v7, v2;
	v7 =	vld [tilespmem:s21+$0x448];
	v1 =	vmul.f32 v1, v12  }
0x14d: {  	v3 =	vadd.f32 v4, v3;
	v8 =	vmul.f32 v8, v12;
	v4 =	vmul.f32 v10, v12;
	v12 =	vld [tilespmem:$0x1FFA0]  }
0x14e: {  	v0 =	vadd.f32 v1, v0;
	v1 =	vld [tilespmem:$0x1FB60]  }
0x14f: {  	v9 =	vld [tilespmem:s21+$0x450];
	_ =	sdelay $0x2  }
0x150: {  	v13 =	vld [tilespmem:$0x1FFC0]  }
0x151: {  	v2 =	vadd.f32 v5, v2;
	v5 =	vld [tilespmem:s21+$0x470];
	v1 =	vmul.f32 v1, v12  }
0x152: {  	v3 =	vadd.f32 v4, v3;
	v7 =	vmul.f32 v7, v12;
	v4 =	vmul.f32 v9, v12;
	v12 =	vld [tilespmem:$0x1FFB0]  }
0x153: {  	v0 =	vadd.f32 v1, v0;
	v1 =	vld [tilespmem:$0x1FB50]  }
0x154: {  	v11 =	vld [tilespmem:s21+$0x478]  }
0x155: {  	v2 =	vadd.f32 v6, v2;
	v6 =	vld [tilespmem:s21+$0x498]  }
0x156: {  	v10 =	vld [tilespmem:s21+$0x4A0]  }
0x157: {  	v2 =	vadd.f32 v8, v2;
	v8 =	vld [tilespmem:s21+$0x4C0]  }
0x158: {  	v9 =	vld [tilespmem:s21+$0x4C8];
	v1 =	vmul.f32 v1, v12  }
0x159: {  	v2 =	vadd.f32 v7, v2;
	v7 =	vld [tilespmem:s21+$0x4E8]  }
0x15a: {  	v3 =	vadd.f32 v4, v3;
	v4 =	vmul.f32 v11, v12;
	v0 =	vadd.f32 v1, v0;
	v1 =	vld [tilespmem:$0x1FB40]  }
0x15b: {  	v5 =	vmul.f32 v5, v12;
	v11 =	vld [tilespmem:s21+$0x4F0]  }
0x15c: {  	s21 =	sadd.s32 $0xA00, s21;
	v3 =	vadd.f32 v4, v3;
	v4 =	vmul.f32 v10, v13;
	v10 =	vld [tilespmem:$0x1FFD0]  }
0x15d: {  	v2 =	vadd.f32 v5, v2;
	v5 =	vld [tilespmem:s21+$0x4B0];
	_ =	sdelay $0x1  }
0x15e: {  	v1 =	vmul.f32 v1, v13;
	_ =	sdelay $0x1  }
0x15f: {  	v0 =	vadd.f32 v1, v0;
	v1 =	vld [tilespmem:$0x1FB30]  }
0x160: {  	[tilespmem:$0x1FB30] =	vst v5;
	v5 =	vmul.f32 v8, v10;
	v8 =	vld [tilespmem:s21+$0x488];
	_ =	sdelay $0x3  }
0x161: {  	v12 =	vld [tilespmem:s21+$0x4D8];
	v1 =	vmul.f32 v1, v10  }
0x162: {  	[tilespmem:$0x1FB40] =	vst v8;
	v8 =	vld [tilespmem:$0x1FFE0]  }
0x163: {  	v0 =	vadd.f32 v1, v0;
	v1 =	vld [tilespmem:$0x1FB20];
	_ =	sdelay $0x1  }
0x164: {  	v6 =	vmul.f32 v6, v13;
	_ =	sdelay $0x1  }
0x165: {  	v2 =	vadd.f32 v6, v2;
	v6 =	vld [tilespmem:s21+$0x460]  }
0x166: {  	v3 =	vadd.f32 v4, v3;
	v4 =	vmul.f32 v9, v10;
	v9 =	vmul.f32 v1, v8;
	v1 =	vmovc v12  }
0x167: {  	[tilespmem:$0x1FB20] =	vst v1;
	v1 =	vld [tilespmem:s21+$0x3E8];
	_ =	sdelay $0x1  }
0x168: {  	v3 =	vadd.f32 v4, v3  }
0x169: {  	[tilespmem:$0x1FB50] =	vst v6;
	v2 =	vadd.f32 v5, v2;
	v6 =	vmul.f32 v7, v8;
	v4 =	vmul.f32 v11, v8;
	_ =	sdelay $0x1  }
0x16a: {  	[tilespmem:$0x1FB80] =	vst v1;
	v1 =	vadd.f32 v6, v2;
	v2 =	vadd.f32 v4, v3;
	v3 =	vld [tilespmem:s21+$0x3C0];
	_ =	sdelay $0x4  }
0x16b: {  	[tilespmem:$0x1FB90] =	vst v3;
	v3 =	vld [tilespmem:s21+$0x398];
	_ =	sdelay $0x2  }
0x16c: {  	v0 =	vadd.f32 v9, v0;
	v4 =	vld [tilespmem:s21+$0x370]  }
0x16d: {  	v60 =	vld [tilespmem:$0x1FB10]  }
0x16e: {  	v59 =	vld [tilespmem:s21+$0x2D0];
	[tilespmem:$0x1FBA0] =	vst v3;
	v3 =	vsel vm0, $0xF149F2CA, v2;
	v2 =	vmax.f32 v0, v1  }
0x16f: {  	v63 =	vld [tilespmem:s21+$0x2A8];
	v2 =	vmax.f32 v2, v3  }
0x170: {  	v15 =	vld [tilespmem:s21+$0x208];
	(xrf0) =	vmax.scan.msk.f32 $0xffff, v2  }
0x171: {  	[tilespmem:$0x1FBB0] =	vst v4;
	v4 =	vld [tilespmem:s21+$0x348]  }
0x172: {  	v30 =	vld [tilespmem:s21+$0x1E0]  }
0x173: {  	v36 =	vld [tilespmem:s21+$0x1B8]  }
0x174: {  	v41 =	vld [tilespmem:s21+$0x190]  }
0x175: {  	v48 =	vld [tilespmem:s21+$0x168]  }
0x176: {  	v53 =	vld [tilespmem:s21+$0x140];
	[tilespmem:$0x1FBC0] =	vst v4;
	v4, _, _ =	vpop (xrf0)  }
0x177: {  	v58 =	vld [tilespmem:s21+$0x118];
	v4 =	vbroadcast v4, $0xF  }
0x178: {  	v16 =	vld [tilespmem:s21+$0xF0]  }
0x179: {  	v18 =	vld [tilespmem:s21+$0xFFFFFF38];
	v0 =	vsub.f32 v0, v4  }
0x17a: {  	v19 =	vld [tilespmem:s21+$0xFFFFFEE8];
	v1 =	vsub.f32 v1, v4  }
0x17b: {  	v17 =	vld [tilespmem:s21+$0xFFFFFE98];
	v0 =	vmul.f32 $1.442695020e+00, v0  }
0x17c: {  	v20 =	vld [tilespmem:s21+$0xFFFFFE70];
	v3 =	vsub.f32 v3, v4;
	v1 =	vmul.f32 $1.442695020e+00, v1  }
0x17d: {  	v27 =	vld [tilespmem:s21+$0xFFFFFE48];
	(erf) = vpow2.f32 v0  }
0x17e: {  	v29 =	vld [tilespmem:s21+$0xFFFFFE20];
	v3 =	vmul.f32 $1.442695020e+00, v3;
	(erf) = vpow2.f32 v1  }
0x17f: {  	v31 =	vld [tilespmem:s21+$0xFFFFFDF8]  }
0x180: {  	v21 =	vld [tilespmem:s21+$0xFFFFFDD0];
	(erf) = vpow2.f32 v3  }
0x181: {  	v32 =	vld [tilespmem:s21+$0xFFFFFDA8]  }
0x182: {  	v34 =	vld [tilespmem:s21+$0xFFFFFD80]  }
0x183: {  	v22 =	vld [tilespmem:s21+$0xFFFFFD58]  }
0x184: {  	v35 =	vld [tilespmem:s21+$0xFFFFFD30]  }
0x185: {  	v38 =	vld [tilespmem:s21+$0xFFFFFD08]  }
0x186: {  	v39 =	vld [tilespmem:s21+$0xFFFFFCE0];
	v42 =	vpop (erf)  }
0x187: {  	v40 =	vld [tilespmem:s21+$0xFFFFFC90];
	v46 =	vpop (erf)  }
0x188: {  	v43 =	vld [tilespmem:s21+$0xFFFFFC68];
	v13 =	vadd.f32 v46, v42  }
0x189: {  	v44 =	vld [tilespmem:s21+$0xFFFFFC40];
	v50 =	vpop (erf)  }
0x18a: {  	v28 =	vld [tilespmem:s21+$0xFFFFFC18];
	v14 =	vadd.f32 v13, v50  }
0x18b: {  	v45 =	vld [tilespmem:s21+$0xFFFFFBF0]  }
0x18c: {  	v47 =	vld [tilespmem:s21+$0xFFFFFBC8];
	(xrf2) =	vadd.scan.msk.f32 $0xffff, v14  }
0x18d: {  	v49 =	vld [tilespmem:s21+$0xFFFFFBA0]  }
0x18e: {  	v33 =	vld [tilespmem:s21+$0xFFFFFB78]  }
0x18f: {  	v51 =	vld [tilespmem:s21+$0xFFFFFB50]  }
0x190: {  	v52 =	vld [tilespmem:s21+$0xFFFFFB28]  }
0x191: {  	v5 =	vld [tilespmem:s21+$0x410]  }
0x192: {  	v57 =	vmov s22;
	v54 =	vld [tilespmem:s21+$0xFFFFFB10]  }
0x193: {  	v37 =	vperm.xlane v60, v57;
	v57 =	vld [tilespmem:s21+$0xFFFFFB18]  }
0x194: {  	v56 =	vld [tilespmem:s21+$0xFFFFFB38]  }
0x195: {  	v10 =	vld [tilespmem:s21+$0xFFFFFF88]  }
0x196: {  	[tilespmem:$0x1FB70] =	vst v5;
	v5 =	vld [tilespmem:s21+$0x28];
	v26, _, _ =	vpop (xrf2)  }
0x197: {  	v2 =	vld [tilespmem:s21+$0x320];
	v26 =	vbroadcast v26, $0xF  }
0x198: {  	v7 =	vld [tilespmem:s21+$0x438]  }
0x199: {  	v11 =	vld [tilespmem:s21+$0x230];
	(erf) = vrcp.f32 v26  }
0x19a: {  	v8 =	vld [tilespmem:s21+$0xFFFFFFD8]  }
0x19b: {  	v12 =	vld [tilespmem:s21+$0xFFFFFF60]  }
0x19c: {  	[tilespmem:$0x1FBD0] =	vst v2;
	v2 =	vld [tilespmem:s21+$0x2F8]  }
0x19d: {  	v9 =	vld [tilespmem:s21+$0xFFFFFFB0]  }
0x19e: {  	[tilespmem:$0x1FB60] =	vst v7;
	v7 =	vld [tilespmem:s21+$0x258]  }
0x19f: {  	v6 =	vld [tilespmem:s21+$0x0]  }
0x1a0: {  	v4 =	vld [tilespmem:s21+$0x50]  }
0x1a1: {  	[tilespmem:$0x1FBE0] =	vst v2;
	v2 =	vld [tilespmem:s21+$0x280]  }
0x1a2: {  	v0 =	vld [tilespmem:s21+$0xC8];
	v61 =	vpop (erf)  }
0x1a3: {  	p0 =	sne.s32 s23, $0x7;
	v1 =	vld [tilespmem:s21+$0xA0];
	v62 =	vmul.f32 v61, v37  }
.Ltmp0:
0x1a4: {  	v3 =	vld [tilespmem:s21+$0x78];
	(pc) =	sbr.rel @p0 .LBB2_3-.Ltmp0, $4  }
0x1a5: {  	v13 =	vld [tilespmem:s21+$0xFFFFFF10];
	v42 =	vmul.f32 v62, v42  }
0x1a6: {  	v14 =	vld [tilespmem:s21+$0xFFFFFEC0];
	v50 =	vmul.f32 v62, v50;
	v46 =	vmul.f32 v62, v46  }
0x1a7: {  	v26 =	vld [tilespmem:s21+$0xFFFFFCB8];
	v23 =	vadd.f32 v42, v23  }
0x1a8: {  	s22 =	smov.u32 s23;
	s23 =	sadd.s32 $0x1, s23;
	v37 =	vld [tilespmem:s21+$0xFFFFFB00];
	v24 =	vadd.f32 v50, v24;
	v25 =	vadd.f32 v46, v25  }
0x1a9: {  	v55 =	vld [tilespmem:$0x1FBF0];
	_ =	sdelay $0x4  }
0x1aa: {  	v37 =	vmul.f32 v37, v55  }
0x1ab: {  	v50 =	vmul.f32 v54, v55;
	v57 =	vmul.f32 v57, v55;
	v55 =	vld [tilespmem:$0x1FC00]  }
0x1ac: {  	v42 =	vld [tilespmem:s21+$0xFFFFFB40];
	_ =	sdelay $0x2  }
0x1ad: {  	v62 =	vld [tilespmem:$0x1FC10]  }
0x1ae: {  	v60 =	vld [tilespmem:s21+$0xFFFFFB88];
	v52 =	vmul.f32 v52, v55  }
0x1af: {  	v56 =	vmul.f32 v56, v55;
	v42 =	vmul.f32 v42, v55;
	v55 =	vld [tilespmem:$0x1FC20]  }
0x1b0: {  	v46 =	vld [tilespmem:s21+$0xFFFFFB60];
	v37 =	vadd.f32 $0.0e+00, v37  }
0x1b1: {  	v54 =	vld [tilespmem:s21+$0xFFFFFB68]  }
0x1b2: {  	v51 =	vmul.f32 v51, v62;
	v37 =	vadd.f32 v52, v37;
	_ =	sdelay $0x1  }
0x1b3: {  	v50 =	vadd.f32 $0.0e+00, v50;
	v37 =	vadd.f32 v51, v37;
	v51 =	vmul.f32 v60, v55;
	v60 =	vld [tilespmem:$0x1FC30]  }
0x1b4: {  	v61 =	vld [tilespmem:s21+$0xFFFFFB90];
	v52 =	vadd.f32 $0.0e+00, v57  }
0x1b5: {  	v46 =	vmul.f32 v46, v62;
	v62 =	vmul.f32 v54, v62;
	v54 =	vld [tilespmem:s21+$0xFFFFFBB8];
	v50 =	vadd.f32 v56, v50  }
0x1b6: {  	v56 =	vld [tilespmem:s21+$0xFFFFFBB0];
	v42 =	vadd.f32 v42, v52;
	v33 =	vmul.f32 v33, v55  }
0x1b7: {  	v57 =	vld [tilespmem:s21+$0xFFFFFBE0];
	v46 =	vadd.f32 v46, v50  }
0x1b8: {  	v50 =	vld [tilespmem:s21+$0xFFFFFBD8];
	v42 =	vadd.f32 v62, v42;
	v33 =	vadd.f32 v33, v37;
	v62 =	vmul.f32 v49, v60  }
0x1b9: {  	v49 =	vld [tilespmem:s21+$0xFFFFFC00]  }
0x1ba: {  	v33 =	vadd.f32 v62, v33;
	v62 =	vld [tilespmem:$0x1FC40]  }
0x1bb: {  	v52 =	vmul.f32 v61, v55;
	v61 =	vmul.f32 v56, v60;
	v56 =	vld [tilespmem:$0x1FC50]  }
0x1bc: {  	v55 =	vld [tilespmem:s21+$0xFFFFFC80];
	v46 =	vadd.f32 v51, v46  }
0x1bd: {  	v42 =	vadd.f32 v52, v42;
	v52 =	vld [tilespmem:s21+$0xFFFFFC08];
	v54 =	vmul.f32 v54, v60  }
0x1be: {  	v51 =	vld [tilespmem:s21+$0xFFFFFC30];
	v46 =	vadd.f32 v61, v46  }
0x1bf: {  	v42 =	vadd.f32 v54, v42;
	v60 =	vmul.f32 v47, v62;
	v47 =	vld [tilespmem:s21+$0xFFFFFC28];
	v61 =	vmul.f32 v57, v62  }
0x1c0: {  	v50 =	vmul.f32 v50, v62;
	v57 =	vmul.f32 v49, v56;
	v49 =	vld [tilespmem:s21+$0xFFFFFD48]  }
0x1c1: {  	v42 =	vadd.f32 v61, v42;
	v61 =	vld [tilespmem:$0x1FC60]  }
0x1c2: {  	v45 =	vmul.f32 v45, v56;
	v62 =	vadd.f32 v50, v46;
	v50 =	vmul.f32 v52, v56;
	v56 =	vld [tilespmem:$0x1FC70]  }
0x1c3: {  	v33 =	vadd.f32 v60, v33;
	v60 =	vld [tilespmem:s21+$0xFFFFFC50]  }
0x1c4: {  	v52 =	vld [tilespmem:s21+$0xFFFFFC58]  }
0x1c5: {  	v46 =	vld [tilespmem:s21+$0xFFFFFCD0];
	v33 =	vadd.f32 v45, v33  }
0x1c6: {  	v37 =	vadd.f32 v57, v62;
	v45 =	vld [tilespmem:s21+$0xFFFFFC78];
	v28 =	vmul.f32 v28, v61;
	v62 =	vmul.f32 v47, v61  }
0x1c7: {  	v57 =	vmul.f32 v44, v56;
	v44 =	vld [tilespmem:s21+$0xFFFFFCA0]  }
0x1c8: {  	v28 =	vadd.f32 v28, v33;
	v37 =	vadd.f32 v62, v37;
	v62 =	vld [tilespmem:$0x1FC80]  }
0x1c9: {  	v47 =	vld [tilespmem:s21+$0xFFFFFCA8]  }
0x1ca: {  	v28 =	vadd.f32 v57, v28;
	v57 =	vld [tilespmem:$0x1FC90]  }
0x1cb: {  	v42 =	vadd.f32 v50, v42;
	v54 =	vmul.f32 v51, v61;
	v61 =	vmul.f32 v52, v56;
	v52 =	vld [tilespmem:s21+$0xFFFFFD18]  }
0x1cc: {  	v60 =	vmul.f32 v60, v56;
	v51 =	vld [tilespmem:$0x1FCC0]  }
0x1cd: {  	v42 =	vadd.f32 v54, v42;
	v54 =	vmul.f32 v43, v62;
	v43 =	vld [tilespmem:s21+$0xFFFFFCC8]  }
0x1ce: {  	v37 =	vadd.f32 v60, v37;
	v45 =	vmul.f32 v45, v62;
	v55 =	vmul.f32 v55, v62;
	v62 =	vld [tilespmem:$0x1FCA0]  }
0x1cf: {  	v42 =	vadd.f32 v61, v42;
	v28 =	vadd.f32 v54, v28;
	v61 =	vmul.f32 v44, v57;
	v44 =	vld [tilespmem:s21+$0xFFFFFCF0]  }
0x1d0: {  	v56 =	vadd.f32 v45, v37;
	v60 =	vmul.f32 v40, v57;
	v45 =	vmul.f32 v47, v57;
	v47 =	vld [tilespmem:s21+$0xFFFFFCF8]  }
0x1d1: {  	v57 =	vld [tilespmem:s21+$0xFFFFFD20]  }
0x1d2: {  	v42 =	vadd.f32 v55, v42;
	v28 =	vadd.f32 v60, v28;
	v60 =	vld [tilespmem:$0x1FCB0]  }
0x1d3: {  	v33 =	vadd.f32 v61, v56;
	v61 =	vld [tilespmem:s21+$0xFFFFFD40]  }
0x1d4: {  	v54 =	vadd.f32 v45, v42;
	v42 =	vld [tilespmem:s21+$0xFFFFFD70];
	v56 =	vmul.f32 v46, v62  }
0x1d5: {  	v46 =	vld [tilespmem:$0x1FD10]  }
0x1d6: {  	v26 =	vmul.f32 v26, v62;
	v40 =	vadd.f32 v56, v54;
	v54 =	vld [tilespmem:$0x1FCD0]  }
0x1d7: {  	v37 =	vmul.f32 v52, v51;
	v55 =	vmul.f32 v43, v62;
	v43 =	vld [tilespmem:$0x1FD50]  }
0x1d8: {  	v26 =	vadd.f32 v26, v28;
	v52 =	vmul.f32 v57, v51;
	v57 =	vld [tilespmem:s21+$0xFFFFFD90];
	v28 =	vmul.f32 v39, v60  }
0x1d9: {  	v62 =	vmul.f32 v44, v60;
	v50 =	vmul.f32 v47, v60;
	v44 =	vld [tilespmem:s21+$0xFFFFFE10]  }
0x1da: {  	v33 =	vadd.f32 v55, v33;
	v26 =	vadd.f32 v28, v26;
	v28 =	vmul.f32 v38, v51;
	v38 =	vld [tilespmem:s21+$0xFFFFFD68]  }
0x1db: {  	v40 =	vadd.f32 v50, v40;
	v56 =	vmul.f32 v61, v54;
	v61 =	vmul.f32 v49, v54;
	v49 =	vld [tilespmem:$0x1FCE0]  }
0x1dc: {  	v33 =	vadd.f32 v62, v33;
	v62 =	vld [tilespmem:s21+$0xFFFFFD98];
	v55 =	vmul.f32 v35, v54;
	v26 =	vadd.f32 v28, v26  }
0x1dd: {  	v50 =	vld [tilespmem:s21+$0xFFFFFDB8];
	v60 =	vadd.f32 v52, v40  }
0x1de: {  	v26 =	vadd.f32 v55, v26;
	v55 =	vld [tilespmem:$0x1FCF0]  }
0x1df: {  	v28 =	vadd.f32 v37, v33;
	v51 =	vadd.f32 v61, v60;
	v61 =	vld [tilespmem:$0x1FD00]  }
0x1e0: {  	v54 =	vld [tilespmem:s21+$0xFFFFFDC0];
	v22 =	vmul.f32 v22, v49;
	v52 =	vmul.f32 v42, v49  }
0x1e1: {  	v28 =	vadd.f32 v56, v28;
	v56 =	vld [tilespmem:s21+$0xFFFFFDE0];
	v38 =	vmul.f32 v38, v49  }
0x1e2: {  	v22 =	vadd.f32 v22, v26;
	v35 =	vadd.f32 v52, v51;
	v52 =	vld [tilespmem:$0x1FD20]  }
0x1e3: {  	v28 =	vadd.f32 v38, v28;
	v26 =	vmul.f32 v34, v55;
	v37 =	vmul.f32 v57, v55;
	v57 =	vld [tilespmem:s21+$0xFFFFFDE8]  }
0x1e4: {  	v60 =	vmul.f32 v62, v55;
	v62 =	vld [tilespmem:s21+$0xFFFFFE08];
	v33 =	vmul.f32 v50, v61  }
0x1e5: {  	v47 =	vld [tilespmem:s21+$0xFFFFFE30];
	v22 =	vadd.f32 v26, v22;
	v26 =	vmul.f32 v32, v61;
	v28 =	vadd.f32 v37, v28  }
0x1e6: {  	v40 =	vld [tilespmem:s21+$0xFFFFFEB0];
	v45 =	vmul.f32 v54, v61;
	v35 =	vadd.f32 v60, v35  }
0x1e7: {  	v22 =	vadd.f32 v26, v22;
	v26 =	vadd.f32 v33, v28;
	v28 =	vmul.f32 v56, v46;
	v56 =	vld [tilespmem:$0x1FD30]  }
0x1e8: {  	v21 =	vmul.f32 v21, v46;
	v51 =	vld [tilespmem:s21+$0xFFFFFE38]  }
0x1e9: {  	v49 =	vadd.f32 v45, v35;
	v50 =	vmul.f32 v57, v46;
	v32 =	vmul.f32 v62, v52;
	v62 =	vld [tilespmem:$0x1FD40]  }
0x1ea: {  	v21 =	vadd.f32 v21, v22;
	v22 =	vadd.f32 v28, v26;
	v26 =	vmul.f32 v31, v52;
	v28 =	vld [tilespmem:s21+$0xFFFFFE58]  }
0x1eb: {  	v55 =	vld [tilespmem:s21+$0xFFFFFE60];
	v54 =	vmul.f32 v44, v52  }
0x1ec: {  	v60 =	vld [tilespmem:s21+$0xFFFFFE88];
	v31 =	vadd.f32 v50, v49;
	v21 =	vadd.f32 v26, v21;
	v26 =	vmul.f32 v29, v56  }
0x1ed: {  	v22 =	vadd.f32 v32, v22;
	v29 =	vld [tilespmem:s21+$0xFFFFFE80];
	v57 =	vmul.f32 v47, v56  }
0x1ee: {  	v44 =	vld [tilespmem:s21+$0xFFFFFED8];
	v31 =	vadd.f32 v54, v31;
	v61 =	vmul.f32 v51, v56;
	v21 =	vadd.f32 v26, v21  }
0x1ef: {  	v45 =	vld [tilespmem:$0x1FD60];
	v26 =	vmul.f32 v27, v62;
	v22 =	vadd.f32 v57, v22;
	v28 =	vmul.f32 v28, v62  }
0x1f0: {  	v46 =	vld [tilespmem:$0x1FD70];
	v42 =	vmul.f32 v55, v62;
	v31 =	vadd.f32 v61, v31  }
0x1f1: {  	v20 =	vmul.f32 v20, v43;
	v27 =	vld [tilespmem:s21+$0xFFFFFEA8];
	v21 =	vadd.f32 v26, v21;
	v22 =	vadd.f32 v28, v22  }
0x1f2: {  	v47 =	vld [tilespmem:$0x1FD80];
	v26 =	vmul.f32 v29, v43;
	v29 =	vadd.f32 v42, v31;
	v31 =	vmul.f32 v60, v43  }
0x1f3: {  	v28 =	vld [tilespmem:s21+$0xFFFFFED0];
	v20 =	vadd.f32 v20, v21  }
0x1f4: {  	v17 =	vmul.f32 v17, v45;
	v21 =	vadd.f32 v26, v22;
	v26 =	vadd.f32 v31, v29;
	v31 =	vld [tilespmem:s21+$0xFFFFFF00]  }
0x1f5: {  	v22 =	vld [tilespmem:s21+$0xFFFFFEF8];
	v29 =	vmul.f32 v40, v45  }
0x1f6: {  	v14 =	vmul.f32 v14, v46;
	v27 =	vmul.f32 v27, v45;
	v17 =	vadd.f32 v17, v20  }
0x1f7: {  	v26 =	vadd.f32 v29, v26;
	v29 =	vmul.f32 v44, v46  }
0x1f8: {  	v20 =	vld [tilespmem:s21+$0xFFFFFF20];
	v21 =	vadd.f32 v27, v21;
	v27 =	vmul.f32 v28, v46;
	v14 =	vadd.f32 v14, v17  }
0x1f9: {  	v17 =	vmul.f32 v19, v47;
	v26 =	vadd.f32 v29, v26;
	v29 =	vmul.f32 v31, v47;
	v31 =	vld [tilespmem:$0x1FD90]  }
0x1fa: {  	v28 =	vld [tilespmem:s21+$0xFFFFFF28];
	v21 =	vadd.f32 v27, v21;
	v22 =	vmul.f32 v22, v47  }
0x1fb: {  	v27 =	vld [tilespmem:s21+$0xFFFFFF50];
	v14 =	vadd.f32 v17, v14  }
0x1fc: {  	v17 =	vadd.f32 v22, v21;
	v22 =	vadd.f32 v29, v26;
	v29 =	vld [tilespmem:$0x1FDA0];
	_ =	sdelay $0x1  }
0x1fd: {  	v13 =	vmul.f32 v13, v31  }
0x1fe: {  	v19 =	vld [tilespmem:s21+$0xFFFFFF48];
	v20 =	vmul.f32 v20, v31;
	v26 =	vmul.f32 v28, v31  }
0x1ff: {  	v21 =	vld [tilespmem:s21+$0xFFFFFF70];
	v13 =	vadd.f32 v13, v14  }
0x200: {  	v14 =	vadd.f32 v20, v17;
	v20 =	vadd.f32 v26, v22;
	v22 =	vmul.f32 v27, v29;
	v27 =	vld [tilespmem:$0x1FDB0]  }
0x201: {  	v28 =	vld [tilespmem:s21+$0xFFFFFF78];
	_ =	sdelay $0x1  }
0x202: {  	v19 =	vmul.f32 v19, v29;
	_ =	sdelay $0x1  }
0x203: {  	v17 =	vmul.f32 v18, v29;
	v26 =	vld [tilespmem:s21+$0xFFFFFFA0];
	v14 =	vadd.f32 v19, v14;
	v12 =	vmul.f32 v12, v27  }
0x204: {  	v19 =	vadd.f32 v22, v20;
	v20 =	vmul.f32 v21, v27;
	v22 =	vmul.f32 v28, v27;
	v27 =	vld [tilespmem:$0x1FDC0]  }
0x205: {  	v18 =	vld [tilespmem:s21+$0xFFFFFF98]  }
0x206: {  	v13 =	vadd.f32 v17, v13;
	_ =	sdelay $0x1  }
0x207: {  	v17 =	vld [tilespmem:s21+$0xFFFFFFC0];
	v12 =	vadd.f32 v12, v13  }
0x208: {  	v19 =	vadd.f32 v22, v19;
	v10 =	vmul.f32 v10, v27;
	v22 =	vmul.f32 v26, v27;
	v26 =	vld [tilespmem:$0x1FDD0]  }
0x209: {  	v21 =	vld [tilespmem:s21+$0xFFFFFFC8];
	v14 =	vadd.f32 v20, v14;
	v18 =	vmul.f32 v18, v27  }
0x20a: {  	v20 =	vld [tilespmem:s21+$0xFFFFFFF0];
	v10 =	vadd.f32 v10, v12  }
0x20b: {  	v12 =	vadd.f32 v18, v14;
	v18 =	vadd.f32 v22, v19;
	v22 =	vld [tilespmem:$0x1FDE0];
	_ =	sdelay $0x1  }
0x20c: {  	v9 =	vmul.f32 v9, v26  }
0x20d: {  	v13 =	vld [tilespmem:s21+$0xFFFFFFE8];
	v14 =	vmul.f32 v17, v26;
	v19 =	vmul.f32 v21, v26  }
0x20e: {  	v17 =	vld [tilespmem:s21+$0x10];
	v9 =	vadd.f32 v9, v10  }
0x20f: {  	v10 =	vadd.f32 v14, v12;
	v14 =	vadd.f32 v19, v18;
	v18 =	vmul.f32 v20, v22;
	v20 =	vld [tilespmem:$0x1FDF0]  }
0x210: {  	v21 =	vld [tilespmem:s21+$0x18];
	_ =	sdelay $0x1  }
0x211: {  	v13 =	vmul.f32 v13, v22;
	_ =	sdelay $0x1  }
0x212: {  	v8 =	vmul.f32 v8, v22;
	v19 =	vld [tilespmem:s21+$0x40];
	v10 =	vadd.f32 v13, v10;
	v6 =	vmul.f32 v6, v20  }
0x213: {  	v13 =	vadd.f32 v18, v14;
	v14 =	vmul.f32 v17, v20;
	v18 =	vmul.f32 v21, v20;
	v20 =	vld [tilespmem:$0x1FE00]  }
0x214: {  	v12 =	vld [tilespmem:s21+$0x38]  }
0x215: {  	v8 =	vadd.f32 v8, v9;
	_ =	sdelay $0x1  }
0x216: {  	v9 =	vld [tilespmem:s21+$0x60];
	v6 =	vadd.f32 v6, v8  }
0x217: {  	v13 =	vadd.f32 v18, v13;
	v5 =	vmul.f32 v5, v20;
	v18 =	vmul.f32 v19, v20;
	v19 =	vld [tilespmem:$0x1FE10]  }
0x218: {  	v17 =	vld [tilespmem:s21+$0x68];
	v10 =	vadd.f32 v14, v10;
	v12 =	vmul.f32 v12, v20  }
0x219: {  	v14 =	vld [tilespmem:s21+$0x90];
	v5 =	vadd.f32 v5, v6  }
0x21a: {  	v6 =	vadd.f32 v12, v10;
	v12 =	vadd.f32 v18, v13;
	v18 =	vld [tilespmem:$0x1FE20];
	_ =	sdelay $0x1  }
0x21b: {  	v4 =	vmul.f32 v4, v19  }
0x21c: {  	v8 =	vld [tilespmem:s21+$0x88];
	v9 =	vmul.f32 v9, v19;
	v13 =	vmul.f32 v17, v19  }
0x21d: {  	v10 =	vld [tilespmem:s21+$0xB0];
	v4 =	vadd.f32 v4, v5  }
0x21e: {  	v5 =	vadd.f32 v9, v6;
	v9 =	vadd.f32 v13, v12;
	v12 =	vmul.f32 v14, v18;
	v14 =	vld [tilespmem:$0x1FE30]  }
0x21f: {  	v17 =	vld [tilespmem:s21+$0xB8];
	_ =	sdelay $0x1  }
0x220: {  	v8 =	vmul.f32 v8, v18;
	_ =	sdelay $0x1  }
0x221: {  	v6 =	vld [tilespmem:s21+$0xD8];
	v5 =	vadd.f32 v8, v5;
	v1 =	vmul.f32 v1, v14  }
0x222: {  	v8 =	vadd.f32 v12, v9;
	v9 =	vmul.f32 v10, v14;
	v12 =	vmul.f32 v17, v14;
	v14 =	vld [tilespmem:$0x1FE40]  }
0x223: {  	v13 =	vld [tilespmem:s21+$0xE0];
	_ =	sdelay $0x1  }
0x224: {  	v3 =	vmul.f32 v3, v18;
	_ =	sdelay $0x1  }
0x225: {  	v3 =	vadd.f32 v3, v4;
	v4 =	vld [tilespmem:s21+$0x100];
	v0 =	vmul.f32 v0, v14  }
0x226: {  	v8 =	vadd.f32 v12, v8;
	v6 =	vmul.f32 v6, v14;
	v12 =	vmul.f32 v13, v14;
	v14 =	vld [tilespmem:$0x1FE50]  }
0x227: {  	v10 =	vld [tilespmem:s21+$0x108];
	_ =	sdelay $0x1  }
0x228: {  	v5 =	vadd.f32 v9, v5  }
0x229: {  	v1 =	vadd.f32 v1, v3;
	v3 =	vld [tilespmem:s21+$0x128]  }
0x22a: {  	v9 =	vld [tilespmem:s21+$0x130];
	v5 =	vadd.f32 v6, v5;
	v6 =	vmul.f32 v16, v14  }
0x22b: {  	v4 =	vmul.f32 v4, v14;
	v10 =	vmul.f32 v10, v14;
	v14 =	vld [tilespmem:$0x1FE60]  }
0x22c: {  	v0 =	vadd.f32 v0, v1;
	v1 =	vld [tilespmem:s21+$0x150]  }
0x22d: {  	v16 =	vld [tilespmem:$0x1FE70]  }
0x22e: {  	v13 =	vld [tilespmem:s21+$0x158]  }
0x22f: {  	v8 =	vadd.f32 v12, v8  }
0x230: {  	v0 =	vadd.f32 v6, v0;
	v4 =	vadd.f32 v4, v5;
	v6 =	vmul.f32 v58, v14  }
0x231: {  	v8 =	vadd.f32 v10, v8;
	v3 =	vmul.f32 v3, v14;
	v9 =	vmul.f32 v9, v14  }
0x232: {  	v12 =	vld [tilespmem:s21+$0x178];
	v1 =	vmul.f32 v1, v16;
	v0 =	vadd.f32 v6, v0;
	v6 =	vmul.f32 v53, v16  }
0x233: {  	v3 =	vadd.f32 v3, v4;
	v4 =	vadd.f32 v9, v8;
	v8 =	vmul.f32 v13, v16;
	v16 =	vld [tilespmem:$0x1FE80]  }
0x234: {  	v5 =	vld [tilespmem:s21+$0x180];
	_ =	sdelay $0x3  }
0x235: {  	v10 =	vld [tilespmem:s21+$0x1A0];
	v0 =	vadd.f32 v6, v0;
	v1 =	vadd.f32 v1, v3;
	v6 =	vmul.f32 v48, v16  }
0x236: {  	v3 =	vadd.f32 v8, v4;
	v12 =	vmul.f32 v12, v16;
	v4 =	vmul.f32 v5, v16;
	v16 =	vld [tilespmem:$0x1FE90]  }
0x237: {  	v14 =	vld [tilespmem:s21+$0x1A8];
	_ =	sdelay $0x3  }
0x238: {  	v9 =	vld [tilespmem:s21+$0x1C8];
	v0 =	vadd.f32 v6, v0;
	v6 =	vmul.f32 v41, v16  }
0x239: {  	v3 =	vadd.f32 v4, v3;
	v8 =	vmul.f32 v10, v16;
	v4 =	vmul.f32 v14, v16;
	v16 =	vld [tilespmem:$0x1FEA0]  }
0x23a: {  	v13 =	vld [tilespmem:s21+$0x1D0];
	_ =	sdelay $0x3  }
0x23b: {  	v5 =	vld [tilespmem:s21+$0x1F0];
	v0 =	vadd.f32 v6, v0;
	v6 =	vmul.f32 v36, v16  }
0x23c: {  	v3 =	vadd.f32 v4, v3;
	v9 =	vmul.f32 v9, v16;
	v4 =	vmul.f32 v13, v16;
	v16 =	vld [tilespmem:$0x1FEB0]  }
0x23d: {  	v10 =	vld [tilespmem:s21+$0x1F8];
	_ =	sdelay $0x3  }
0x23e: {  	v14 =	vld [tilespmem:s21+$0x220];
	v0 =	vadd.f32 v6, v0;
	v6 =	vmul.f32 v30, v16  }
0x23f: {  	v3 =	vadd.f32 v4, v3;
	v5 =	vmul.f32 v5, v16;
	v4 =	vmul.f32 v10, v16;
	v16 =	vld [tilespmem:$0x1FEC0];
	_ =	sdelay $0x2  }
0x240: {  	v1 =	vadd.f32 v12, v1;
	v12 =	vld [tilespmem:s21+$0x218]  }
0x241: {  	v13 =	vld [tilespmem:s21+$0x248]  }
0x242: {  	v3 =	vadd.f32 v4, v3;
	v4 =	vmul.f32 v14, v16;
	v14 =	vld [tilespmem:$0x1FED0];
	_ =	sdelay $0x3  }
0x243: {  	v10 =	vmul.f32 v12, v16;
	v12 =	vld [tilespmem:s21+$0x270]  }
0x244: {  	v1 =	vadd.f32 v8, v1;
	v3 =	vadd.f32 v4, v3;
	v4 =	vmul.f32 v13, v14;
	v13 =	vld [tilespmem:$0x1FEE0];
	_ =	sdelay $0x1  }
0x245: {  	v1 =	vadd.f32 v9, v1;
	_ =	sdelay $0x1  }
0x246: {  	v0 =	vadd.f32 v6, v0;
	v1 =	vadd.f32 v5, v1;
	v5 =	vld [tilespmem:s21+$0x290];
	v6 =	vmul.f32 v15, v16  }
0x247: {  	v3 =	vadd.f32 v4, v3;
	v4 =	vmul.f32 v12, v13;
	v12 =	vld [tilespmem:$0x1FEF0]  }
0x248: {  	v0 =	vadd.f32 v6, v0;
	v6 =	vmul.f32 v11, v14;
	v11 =	vld [tilespmem:s21+$0x298]  }
0x249: {  	v9 =	vld [tilespmem:s21+$0x268];
	_ =	sdelay $0x1  }
0x24a: {  	v8 =	vld [tilespmem:s21+$0x240]  }
0x24b: {  	v1 =	vadd.f32 v10, v1;
	v10 =	vld [tilespmem:s21+$0x2B8];
	v2 =	vmul.f32 v2, v12  }
0x24c: {  	v3 =	vadd.f32 v4, v3;
	v5 =	vmul.f32 v5, v12;
	v4 =	vmul.f32 v11, v12;
	v12 =	vld [tilespmem:$0x1FF00]  }
0x24d: {  	v0 =	vadd.f32 v6, v0;
	v6 =	vmul.f32 v7, v13;
	v7 =	vmul.f32 v9, v13;
	v9 =	vld [tilespmem:s21+$0x2C0];
	_ =	sdelay $0x1  }
0x24e: {  	v8 =	vmul.f32 v8, v14;
	v0 =	vadd.f32 v6, v0;
	_ =	sdelay $0x1  }
0x24f: {  	v1 =	vadd.f32 v8, v1;
	v8 =	vld [tilespmem:s21+$0x2E0];
	v0 =	vadd.f32 v2, v0;
	v2 =	vmul.f32 v63, v12  }
0x250: {  	v3 =	vadd.f32 v4, v3;
	v10 =	vmul.f32 v10, v12;
	v4 =	vmul.f32 v9, v12;
	v12 =	vld [tilespmem:$0x1FF10]  }
0x251: {  	v6 =	vld [tilespmem:s21+$0x2E8];
	_ =	sdelay $0x3  }
0x252: {  	v1 =	vadd.f32 v7, v1;
	v7 =	vld [tilespmem:s21+$0x308];
	v0 =	vadd.f32 v2, v0;
	v2 =	vmul.f32 v59, v12  }
0x253: {  	v3 =	vadd.f32 v4, v3;
	v8 =	vmul.f32 v8, v12;
	v4 =	vmul.f32 v6, v12;
	v12 =	vld [tilespmem:$0x1FF20]  }
0x254: {  	v0 =	vadd.f32 v2, v0;
	v2 =	vld [tilespmem:$0x1FBE0]  }
0x255: {  	v11 =	vld [tilespmem:s21+$0x310];
	_ =	sdelay $0x3  }
0x256: {  	v1 =	vadd.f32 v5, v1;
	v5 =	vld [tilespmem:s21+$0x330];
	v2 =	vmul.f32 v2, v12  }
0x257: {  	v3 =	vadd.f32 v4, v3;
	v7 =	vmul.f32 v7, v12;
	v4 =	vmul.f32 v11, v12;
	v12 =	vld [tilespmem:$0x1FF30]  }
0x258: {  	v0 =	vadd.f32 v2, v0;
	v2 =	vld [tilespmem:$0x1FBD0]  }
0x259: {  	v9 =	vld [tilespmem:s21+$0x338];
	_ =	sdelay $0x3  }
0x25a: {  	v1 =	vadd.f32 v10, v1;
	v10 =	vld [tilespmem:s21+$0x360];
	v2 =	vmul.f32 v2, v12  }
0x25b: {  	v3 =	vadd.f32 v4, v3;
	v5 =	vmul.f32 v5, v12;
	v4 =	vmul.f32 v9, v12;
	v12 =	vld [tilespmem:$0x1FF40]  }
0x25c: {  	v0 =	vadd.f32 v2, v0;
	v2 =	vld [tilespmem:$0x1FBC0]  }
0x25d: {  	v6 =	vld [tilespmem:s21+$0x358];
	_ =	sdelay $0x3  }
0x25e: {  	v1 =	vadd.f32 v8, v1;
	v8 =	vld [tilespmem:s21+$0x380];
	v2 =	vmul.f32 v2, v12  }
0x25f: {  	v3 =	vadd.f32 v4, v3;
	v6 =	vmul.f32 v6, v12;
	v4 =	vmul.f32 v10, v12;
	v12 =	vld [tilespmem:$0x1FF50]  }
0x260: {  	v0 =	vadd.f32 v2, v0;
	v2 =	vld [tilespmem:$0x1FBB0]  }
0x261: {  	v11 =	vld [tilespmem:s21+$0x388];
	_ =	sdelay $0x3  }
0x262: {  	v1 =	vadd.f32 v7, v1;
	v7 =	vld [tilespmem:s21+$0x3A8];
	v2 =	vmul.f32 v2, v12  }
0x263: {  	v3 =	vadd.f32 v4, v3;
	v8 =	vmul.f32 v8, v12;
	v4 =	vmul.f32 v11, v12;
	v12 =	vld [tilespmem:$0x1FF60]  }
0x264: {  	v0 =	vadd.f32 v2, v0;
	v2 =	vld [tilespmem:$0x1FBA0]  }
0x265: {  	v9 =	vld [tilespmem:s21+$0x3B0];
	_ =	sdelay $0x3  }
0x266: {  	v1 =	vadd.f32 v5, v1;
	v5 =	vld [tilespmem:s21+$0x3D0];
	v2 =	vmul.f32 v2, v12  }
0x267: {  	v3 =	vadd.f32 v4, v3;
	v7 =	vmul.f32 v7, v12;
	v4 =	vmul.f32 v9, v12;
	v12 =	vld [tilespmem:$0x1FF70]  }
0x268: {  	v0 =	vadd.f32 v2, v0;
	v2 =	vld [tilespmem:$0x1FB90]  }
0x269: {  	v10 =	vld [tilespmem:s21+$0x3D8];
	_ =	sdelay $0x3  }
0x26a: {  	v1 =	vadd.f32 v6, v1;
	v6 =	vld [tilespmem:s21+$0x3F8];
	v2 =	vmul.f32 v2, v12  }
0x26b: {  	v3 =	vadd.f32 v4, v3;
	v5 =	vmul.f32 v5, v12;
	v4 =	vmul.f32 v10, v12;
	v12 =	vld [tilespmem:$0x1FF80]  }
0x26c: {  	v0 =	vadd.f32 v2, v0;
	v2 =	vld [tilespmem:$0x1FB80]  }
0x26d: {  	v11 =	vld [tilespmem:s21+$0x400];
	_ =	sdelay $0x3  }
0x26e: {  	v1 =	vadd.f32 v8, v1;
	v8 =	vld [tilespmem:s21+$0x420];
	v2 =	vmul.f32 v2, v12  }
0x26f: {  	v3 =	vadd.f32 v4, v3;
	v6 =	vmul.f32 v6, v12;
	v4 =	vmul.f32 v11, v12;
	v12 =	vld [tilespmem:$0x1FF90]  }
0x270: {  	v0 =	vadd.f32 v2, v0;
	v2 =	vld [tilespmem:$0x1FB70]  }
0x271: {  	v9 =	vld [tilespmem:s21+$0x428];
	_ =	sdelay $0x3  }
0x272: {  	v1 =	vadd.f32 v7, v1;
	v7 =	vld [tilespmem:s21+$0x448];
	v2 =	vmul.f32 v2, v12  }
0x273: {  	v3 =	vadd.f32 v4, v3;
	v8 =	vmul.f32 v8, v12;
	v4 =	vmul.f32 v9, v12;
	v12 =	vld [tilespmem:$0x1FFA0]  }
0x274: {  	v0 =	vadd.f32 v2, v0;
	v2 =	vld [tilespmem:$0x1FB60]  }
0x275: {  	v10 =	vld [tilespmem:s21+$0x450];
	_ =	sdelay $0x3  }
0x276: {  	v1 =	vadd.f32 v5, v1;
	v5 =	vld [tilespmem:s21+$0x470];
	v2 =	vmul.f32 v2, v12  }
0x277: {  	v3 =	vadd.f32 v4, v3;
	v7 =	vmul.f32 v7, v12;
	v4 =	vmul.f32 v10, v12;
	v12 =	vld [tilespmem:$0x1FFB0]  }
0x278: {  	v0 =	vadd.f32 v2, v0;
	v2 =	vld [tilespmem:$0x1FB50]  }
0x279: {  	v11 =	vld [tilespmem:s21+$0x478];
	_ =	sdelay $0x3  }
0x27a: {  	v2 =	vmul.f32 v2, v12  }
0x27b: {  	v3 =	vadd.f32 v4, v3;
	v5 =	vmul.f32 v5, v12;
	v4 =	vmul.f32 v11, v12;
	v12 =	vld [tilespmem:$0x1FFC0]  }
0x27c: {  	v0 =	vadd.f32 v2, v0;
	v2 =	vld [tilespmem:$0x1FB40]  }
0x27d: {  	v9 =	vld [tilespmem:s21+$0x4A0];
	_ =	sdelay $0x3  }
0x27e: {  	v2 =	vmul.f32 v2, v12  }
0x27f: {  	v1 =	vadd.f32 v6, v1;
	v3 =	vadd.f32 v4, v3;
	v4 =	vmul.f32 v9, v12;
	v9 =	vld [tilespmem:$0x1FFD0]  }
0x280: {  	v0 =	vadd.f32 v2, v0;
	v2 =	vld [tilespmem:$0x1FB30]  }
0x281: {  	v1 =	vadd.f32 v8, v1;
	v8 =	vld [tilespmem:s21+$0x4C0]  }
0x282: {  	v6 =	vld [tilespmem:s21+$0x498]  }
0x283: {  	v10 =	vld [tilespmem:s21+$0x4C8]  }
0x284: {  	v1 =	vadd.f32 v7, v1;
	v7 =	vld [tilespmem:s21+$0x4E8]  }
0x285: {  	v11 =	vld [tilespmem:s21+$0x4F0];
	v2 =	vmul.f32 v2, v9  }
0x286: {  	v1 =	vadd.f32 v5, v1;
	v5 =	vmul.f32 v8, v9;
	v8 =	vld [tilespmem:$0x1FFE0]  }
0x287: {  	v6 =	vmul.f32 v6, v12;
	v0 =	vadd.f32 v2, v0;
	v2 =	vld [tilespmem:$0x1FB20];
	_ =	sdelay $0x1  }
0x288: {  	v1 =	vadd.f32 v6, v1  }
0x289: {  	v3 =	vadd.f32 v4, v3;
	v4 =	vmul.f32 v10, v9  }
0x28a: {  	v1 =	vadd.f32 v5, v1;
	v6 =	vmul.f32 v7, v8  }
0x28b: {  	v3 =	vadd.f32 v4, v3;
	v4 =	vmul.f32 v11, v8;
	v2 =	vmul.f32 v2, v8  }
0x28c: {  	v1 =	vadd.f32 v6, v1  }
0x28d: {  	v0 =	vadd.f32 v2, v0;
	v2 =	vadd.f32 v4, v3;
	_ =	sdelay $0x1  }
0x28e: {  	v2 =	vsel vm0, $0xF149F2CA, v2;
	v3 =	vmax.f32 v0, v1  }
0x28f: {  	v3 =	vmax.f32 v3, v2  }
0x290: {  	(xrf0) =	vmax.scan.msk.f32 $0xffff, v3;
	_ =	sdelay $0x5  }
0x291: {  	v3, _, _ =	vpop (xrf0)  }
0x292: {  	v3 =	vbroadcast v3, $0xF;
	_ =	sdelay $0x1  }
0x293: {  	v0 =	vsub.f32 v0, v3  }
0x294: {  	v1 =	vsub.f32 v1, v3  }
0x295: {  	v0 =	vmul.f32 $1.442695020e+00, v0  }
0x296: {  	v2 =	vsub.f32 v2, v3;
	v1 =	vmul.f32 $1.442695020e+00, v1  }
0x297: {  	(erf) = vpow2.f32 v0  }
0x298: {  	v0 =	vmul.f32 $1.442695020e+00, v2;
	(erf) = vpow2.f32 v1;
	_ =	sdelay $0x1  }
0x299: {  	(erf) = vpow2.f32 v0;
	_ =	sdelay $0x5  }
0x29a: {  	v0 =	vpop (erf)  }
0x29b: {  	v1 =	vpop (erf)  }
0x29c: {  	v2 =	vadd.f32 v1, v0  }
0x29d: {  	v3 =	vpop (erf)  }
0x29e: {  	v2 =	vadd.f32 v2, v3;
	_ =	sdelay $0x1  }
0x29f: {  	(xrf2) =	vadd.scan.msk.f32 $0xffff, v2;
	_ =	sdelay $0x9  }
0x2a0: {  	v2, _, _ =	vpop (xrf2)  }
0x2a1: {  	v2 =	vbroadcast v2, $0xF;
	_ =	sdelay $0x1  }
0x2a2: {  	(erf) = vrcp.f32 v2;
	_ =	sdelay $0x2  }
0x2a3: {  	v4 =	vld [tilespmem:$0x1FB10];
	_ =	sdelay $0x3  }
0x2a4: {  	v2 =	vmov s22  }
0x2a5: {  	v2 =	vperm.xlane v4, v2  }
0x2a6: {  	v4 =	vpop (erf)  }
0x2a7: {  	v2 =	vmul.f32 v4, v2;
	_ =	sdelay $0x1  }
0x2a8: {  	v0 =	vmul.f32 v2, v0  }
0x2a9: {  	v3 =	vmul.f32 v2, v3;
	v1 =	vmul.f32 v2, v1  }
0x2aa: {  	v0 =	vadd.f32 v0, v23  }
0x2ab: {  	v2 =	vadd.f32 v3, v24;
	v1 =	vadd.f32 v1, v25;
	_ =	sdelay $0x1  }
0x2ac: {  	v2 =	vsel vm0, $0xF149F2CA, v2;
	v3 =	vmax.f32 v0, v1  }
0x2ad: {  	v3 =	vmax.f32 v3, v2  }
0x2ae: {  	(xrf0) =	vmax.scan.msk.f32 $0xffff, v3;
	_ =	sdelay $0x5  }
0x2af: {  	v3, _, _ =	vpop (xrf0)  }
0x2b0: {  	v3 =	vbroadcast v3, $0xF;
	_ =	sdelay $0x1  }
0x2b1: {  	v0 =	vsub.f32 v0, v3  }
0x2b2: {  	v1 =	vsub.f32 v1, v3  }
0x2b3: {  	v0 =	vmul.f32 $1.442695020e+00, v0  }
0x2b4: {  	v2 =	vsub.f32 v2, v3;
	v1 =	vmul.f32 $1.442695020e+00, v1  }
0x2b5: {  	(erf) = vpow2.f32 v0  }
0x2b6: {  	v0 =	vmul.f32 $1.442695020e+00, v2;
	(erf) = vpow2.f32 v1;
	_ =	sdelay $0x1  }
0x2b7: {  	(erf) = vpow2.f32 v0;
	_ =	sdelay $0x5  }
0x2b8: {  	v0 =	vpop (erf)  }
0x2b9: {  	v1 =	vpop (erf)  }
0x2ba: {  	v2 =	vadd.f32 v1, v0  }
0x2bb: {  	v3 =	vpop (erf)  }
0x2bc: {  	v2 =	vadd.f32 v2, v3;
	_ =	sdelay $0x1  }
0x2bd: {  	(xrf2) =	vadd.scan.msk.f32 $0xffff, v2;
	_ =	sdelay $0x9  }
0x2be: {  	v2, _, _ =	vpop (xrf2)  }
0x2bf: {  	v2 =	vbroadcast v2, $0xF;
	_ =	sdelay $0x1  }
0x2c0: {  	(erf) = vrcp.f32 v2;
	_ =	sdelay $0x4  }
0x2c1: {  	v4 =	vld [tilespmem:$0x1FFF0];
	_ =	sdelay $0x3  }
0x2c2: {  	s29 =	smul.u32 $0x180, s19;
	v2 =	vpop (erf)  }
0x2c3: {  	v3 =	vperm.xlane v3, v4;
	v0 =	vmul.f32 v2, v0  }
0x2c4: {  	s21 =	sshra.s32 s29, $0x2;
	v1 =	vmul.f32 v2, v1  }
0x2c5: {  	[tilespmem:s21+$0xE000] =	vst v0;
	v0 =	vmul.f32 v3, v2  }
0x2c6: {  	[tilespmem:s21+$0xE010] =	vst v1  }
0x2c7: {  	p0 =	seq.s32 s19, $0x3F;
	[tilespmem:s21+$0xE020] =	vst v0  }
0x2c8: {  	s30 =	sshll.u32 s20, $0x6;
	s21 =	sshll.u32 @!p0 s19, $0x4;
	_ =	swait.ge [sflag:s16], $0x5000  }
0x2c9: {  	s23 =	simm.s32 @!p0 $0x2C00;
	s21 =	sand.u32 @!p0 $0x3FFFFFF0, s21;
	[sflag:s16] =	ssyncset.done $0x0  }
0x2ca: {  	s22 =	simm.s32 @!p0 $0x8;
	s21 =	sadd.s32 @!p0 $0x10, s21;
	[sflag:s16] =	ssyncadd.s32 $0xFFFFB000  }
0x2cb: {  	[tilespmem:s23], [sflag:$0x1] =	stream.indirect.gather @!p0 [hbm4b:s3+s22], $0xA00, s21, s22, $0xb8;
	[tilespmem:$0xF800] =	vst v63  }
0x2cc: {  	v20 =	vld [tilespmem:s30+$0xC00];
	_ =	sdelay $0x3  }
0x2cd: {  	v33 =	vimm.s32 $0x0  }
0x2ce: {  	v41 =	vimm.s32 $0x2;
	v10 =	vperm.xlane v20, v33  }
0x2cf: {  	v50 =	vimm.s32 $0x4;
	v12 =	vperm.xlane v20, v41  }
0x2d0: {  	v56 =	vimm.s32 $0x8;
	v13 =	vperm.xlane v20, v50;
	[tilespmem:$0x1F710] =	vst v10  }
0x2d1: {  	v62 =	vimm.s32 $0xC;
	v24 =	vld [tilespmem:s30+$0xC10];
	v14 =	vperm.xlane v20, v56;
	[tilespmem:$0x1F730] =	vst v12  }
0x2d2: {  	v21 =	vimm.s32 $0xE;
	v17 =	vperm.xlane v20, v62;
	[tilespmem:$0x1F750] =	vst v13  }
0x2d3: {  	v37 =	vimm.s32 $0x1;
	v51 =	vimm.s32 $0x5;
	v21 =	vperm.xlane v20, v21;
	[tilespmem:$0x1F790] =	vst v14  }
0x2d4: {  	s31 =	sshrl.u32 s30, $0x2;
	v52 =	vimm.s32 $0x6;
	v57 =	vimm.s32 $0x9;
	v13 =	vperm.xlane v20, v51;
	[tilespmem:$0x1F7D0] =	vst v17  }
0x2d5: {  	v54 =	vimm.s32 $0xD;
	v55 =	vimm.s32 $0x7;
	v0 =	vld [tilespmem:s31+$0x400];
	v14 =	vperm.xlane v20, v57;
	[tilespmem:$0x1F7F0] =	vst v21  }
0x2d6: {  	v60 =	vimm.s32 $0xA;
	v22 =	vperm.xlane v24, v56;
	[tilespmem:$0x1F760] =	vst v13;
	v13 =	vperm.xlane v20, v52  }
0x2d7: {  	v46 =	vimm.s32 $0x3;
	v10 =	vperm.xlane v20, v37;
	[tilespmem:$0x1F7A0] =	vst v14;
	v14 =	vperm.xlane v20, v60  }
0x2d8: {  	v61 =	vimm.s32 $0xB;
	v12 =	vperm.xlane v20, v46;
	v17 =	vperm.xlane v20, v54;
	[tilespmem:$0x1F770] =	vst v13  }
0x2d9: {  	s21 =	simm.s32 $0x8B00;
	v21 =	vimm.s32 $0xF;
	v13 =	vperm.xlane v20, v55;
	[tilespmem:$0x1F7B0] =	vst v14;
	v14 =	vperm.xlane v20, v61  }
0x2da: {  	[tilespmem:$0x1F630] =	vst v0;
	v0 =	vld [tilespmem:s21+$0x4D8];
	v20 =	vperm.xlane v20, v21;
	v21 =	vperm.xlane v24, v33  }
0x2db: {  	[tilespmem:$0x1F890] =	vst v22;
	v22 =	vperm.xlane v24, v57  }
0x2dc: {  	[tilespmem:$0x1F810] =	vst v21;
	v21 =	vperm.xlane v24, v37  }
0x2dd: {  	[tilespmem:$0x1F8A0] =	vst v22  }
0x2de: {  	[tilespmem:$0x1F820] =	vst v21;
	v21 =	vperm.xlane v24, v41  }
0x2df: {  	v22 =	vperm.xlane v24, v60;
	[tilespmem:$0x1F640] =	vst v0  }
0x2e0: {  	v0 =	vld [tilespmem:s21+$0x4B0];
	[tilespmem:$0x1F830] =	vst v21;
	v21 =	vperm.xlane v24, v46  }
0x2e1: {  	[tilespmem:$0x1F8B0] =	vst v22;
	v22 =	vperm.xlane v24, v61  }
0x2e2: {  	[tilespmem:$0x1F840] =	vst v21;
	v21 =	vperm.xlane v24, v50  }
0x2e3: {  	[tilespmem:$0x1F8C0] =	vst v22  }
0x2e4: {  	[tilespmem:$0x1F850] =	vst v21;
	v21 =	vperm.xlane v24, v51  }
0x2e5: {  	v25 =	vld [tilespmem:s30+$0xC20];
	v22 =	vperm.xlane v24, v62;
	[tilespmem:$0x1F650] =	vst v0  }
0x2e6: {  	v26 =	vimm.s32 $0xE;
	v0 =	vld [tilespmem:s21+$0x488];
	[tilespmem:$0x1F860] =	vst v21;
	v21 =	vperm.xlane v24, v52  }
0x2e7: {  	v28 =	vimm.s32 $0xF;
	v26 =	vperm.xlane v24, v26;
	[tilespmem:$0x1F8D0] =	vst v22;
	v22 =	vperm.xlane v24, v54  }
0x2e8: {  	[tilespmem:$0x1F870] =	vst v21;
	v21 =	vperm.xlane v24, v55;
	v24 =	vperm.xlane v24, v28;
	_ =	sdelay $0x1  }
0x2e9: {  	v23 =	vld [tilespmem:s30+$0xC30];
	[tilespmem:$0x1F900] =	vst v24;
	v24 =	vperm.xlane v25, v33  }
0x2ea: {  	v59 =	vld [tilespmem:s21+$0x2D0];
	[tilespmem:$0x1F660] =	vst v0  }
0x2eb: {  	v0 =	vld [tilespmem:s21+$0x460];
	[tilespmem:$0x1F910] =	vst v24;
	v24 =	vperm.xlane v25, v37  }
0x2ec: {  	v63 =	vld [tilespmem:s21+$0x2A8]  }
0x2ed: {  	v2 =	vld [tilespmem:s21+$0x280];
	[tilespmem:$0x1F920] =	vst v24;
	v24 =	vperm.xlane v25, v41  }
0x2ee: {  	v6 =	vld [tilespmem:s21+$0x258]  }
0x2ef: {  	v11 =	vld [tilespmem:s21+$0x230];
	[tilespmem:$0x1F930] =	vst v24;
	v24 =	vperm.xlane v25, v46  }
0x2f0: {  	v15 =	vld [tilespmem:s21+$0x208];
	[tilespmem:$0x1F670] =	vst v0  }
0x2f1: {  	v0 =	vld [tilespmem:s21+$0x438];
	[tilespmem:$0x1F940] =	vst v24;
	v24 =	vperm.xlane v25, v50  }
0x2f2: {  	v30 =	vld [tilespmem:s21+$0x1E0]  }
0x2f3: {  	v36 =	vld [tilespmem:s21+$0x1B8];
	[tilespmem:$0x1F950] =	vst v24;
	v24 =	vperm.xlane v25, v51  }
0x2f4: {  	v42 =	vld [tilespmem:s21+$0x190]  }
0x2f5: {  	v48 =	vld [tilespmem:s21+$0x168];
	[tilespmem:$0x1F960] =	vst v24;
	v24 =	vperm.xlane v25, v52  }
0x2f6: {  	v53 =	vld [tilespmem:s21+$0x140];
	[tilespmem:$0x1F680] =	vst v0  }
0x2f7: {  	v0 =	vld [tilespmem:s21+$0x410];
	[tilespmem:$0x1F970] =	vst v24;
	v24 =	vperm.xlane v25, v55  }
0x2f8: {  	v58 =	vld [tilespmem:s21+$0x118]  }
0x2f9: {  	v16 =	vld [tilespmem:s21+$0xF0];
	[tilespmem:$0x1F980] =	vst v24;
	v24 =	vperm.xlane v25, v56  }
0x2fa: {  	v1 =	vld [tilespmem:s21+$0xA0]  }
0x2fb: {  	v3 =	vld [tilespmem:s21+$0x78];
	[tilespmem:$0x1F990] =	vst v24;
	v24 =	vperm.xlane v25, v57  }
0x2fc: {  	v4 =	vld [tilespmem:s21+$0x50];
	[tilespmem:$0x1F690] =	vst v0  }
0x2fd: {  	v0 =	vld [tilespmem:s21+$0x3E8];
	[tilespmem:$0x1F9A0] =	vst v24;
	v24 =	vperm.xlane v25, v60  }
0x2fe: {  	v5 =	vld [tilespmem:s21+$0x28]  }
0x2ff: {  	v7 =	vld [tilespmem:s21+$0x0];
	[tilespmem:$0x1F9B0] =	vst v24;
	v24 =	vperm.xlane v25, v61  }
0x300: {  	v8 =	vld [tilespmem:s21+$0xFFFFFFD8]  }
0x301: {  	v9 =	vld [tilespmem:s21+$0xFFFFFFB0];
	[tilespmem:$0x1F9C0] =	vst v24;
	v24 =	vperm.xlane v25, v62  }
0x302: {  	v18 =	vld [tilespmem:s21+$0xFFFFFF38];
	[tilespmem:$0x1F6A0] =	vst v0  }
0x303: {  	v0 =	vld [tilespmem:s21+$0x3C0];
	[tilespmem:$0x1F9D0] =	vst v24;
	v24 =	vperm.xlane v25, v54  }
0x304: {  	v45 =	vimm.s32 $0xE;
	v19 =	vld [tilespmem:s21+$0xFFFFFEE8]  }
0x305: {  	v27 =	vld [tilespmem:s21+$0xFFFFFE48];
	[tilespmem:$0x1F9E0] =	vst v24;
	v24 =	vperm.xlane v25, v45  }
0x306: {  	v49 =	vimm.s32 $0xF;
	v29 =	vld [tilespmem:s21+$0xFFFFFE20];
	[tilespmem:$0x1F8F0] =	vst v26  }
0x307: {  	v31 =	vld [tilespmem:s21+$0xFFFFFDF8];
	[tilespmem:$0x1F9F0] =	vst v24;
	v24 =	vperm.xlane v25, v49  }
0x308: {  	v32 =	vld [tilespmem:s21+$0xFFFFFDA8];
	[tilespmem:$0x1F6B0] =	vst v0  }
0x309: {  	v0 =	vld [tilespmem:s21+$0x398];
	[tilespmem:$0x1FA00] =	vst v24;
	v24 =	vperm.xlane v23, v33  }
0x30a: {  	v34 =	vld [tilespmem:s21+$0xFFFFFD80];
	[tilespmem:$0x1F720] =	vst v10  }
0x30b: {  	v35 =	vld [tilespmem:s21+$0xFFFFFD30];
	[tilespmem:$0x1FA10] =	vst v24;
	v24 =	vperm.xlane v23, v37  }
0x30c: {  	v38 =	vld [tilespmem:s21+$0xFFFFFD08];
	[tilespmem:$0x1F740] =	vst v12  }
0x30d: {  	v39 =	vld [tilespmem:s21+$0xFFFFFCE0];
	[tilespmem:$0x1FA20] =	vst v24;
	v24 =	vperm.xlane v23, v41  }
0x30e: {  	v40 =	vld [tilespmem:s21+$0xFFFFFC90];
	[tilespmem:$0x1F6C0] =	vst v0  }
0x30f: {  	v0 =	vld [tilespmem:s21+$0x370];
	[tilespmem:$0x1FA30] =	vst v24;
	v24 =	vperm.xlane v23, v46  }
0x310: {  	v43 =	vld [tilespmem:s21+$0xFFFFFC68];
	[tilespmem:$0x1F7E0] =	vst v17  }
0x311: {  	v44 =	vld [tilespmem:s21+$0xFFFFFC40];
	[tilespmem:$0x1FA40] =	vst v24;
	v24 =	vperm.xlane v23, v50  }
0x312: {  	v47 =	vld [tilespmem:s21+$0xFFFFFBC8];
	[tilespmem:$0x1F780] =	vst v13  }
0x313: {  	v26 =	vld [tilespmem:s21+$0xFFFFFCB8];
	[tilespmem:$0x1FA50] =	vst v24;
	v24 =	vperm.xlane v23, v51  }
0x314: {  	v10 =	vld [tilespmem:s21+$0xFFFFFF88];
	[tilespmem:$0x1F6D0] =	vst v0  }
0x315: {  	v0 =	vld [tilespmem:s21+$0x348];
	[tilespmem:$0x1FA60] =	vst v24;
	v24 =	vperm.xlane v23, v52  }
0x316: {  	v12 =	vld [tilespmem:s21+$0xFFFFFF60];
	[tilespmem:$0x1F7C0] =	vst v14  }
0x317: {  	v17 =	vld [tilespmem:s21+$0xFFFFFE98];
	[tilespmem:$0x1FA70] =	vst v24;
	v24 =	vperm.xlane v23, v55  }
0x318: {  	v13 =	vld [tilespmem:s21+$0xFFFFFF10];
	[tilespmem:$0x1F800] =	vst v20  }
0x319: {  	v14 =	vld [tilespmem:s21+$0xFFFFFEC0];
	[tilespmem:$0x1FA80] =	vst v24;
	v24 =	vperm.xlane v23, v56  }
0x31a: {  	v20 =	vld [tilespmem:s21+$0xFFFFFE70];
	[tilespmem:$0x1F6E0] =	vst v0  }
0x31b: {  	v0 =	vld [tilespmem:s21+$0x320];
	[tilespmem:$0x1FA90] =	vst v24;
	v24 =	vperm.xlane v23, v57  }
0x31c: {  	[tilespmem:$0x1F8E0] =	vst v22;
	v22 =	vld [tilespmem:s21+$0xFFFFFD58]  }
0x31d: {  	v28 =	vld [tilespmem:s21+$0xFFFFFC18];
	[tilespmem:$0x1FAA0] =	vst v24;
	v24 =	vperm.xlane v23, v60  }
0x31e: {  	[tilespmem:$0x1F880] =	vst v21;
	v21 =	vld [tilespmem:s21+$0xFFFFFDD0]  }
0x31f: {  	v45 =	vld [tilespmem:s21+$0xFFFFFBF0];
	[tilespmem:$0x1FAB0] =	vst v24;
	v24 =	vperm.xlane v23, v61  }
0x320: {  	v49 =	vld [tilespmem:s21+$0xFFFFFBA0];
	[tilespmem:$0x1F6F0] =	vst v0  }
0x321: {  	v0 =	vld [tilespmem:s21+$0x2F8];
	[tilespmem:$0x1FAC0] =	vst v24;
	v24 =	vperm.xlane v23, v62  }
0x322: {  	v33 =	vld [tilespmem:s21+$0xFFFFFB78]  }
0x323: {  	v37 =	vld [tilespmem:s21+$0xFFFFFB00];
	[tilespmem:$0x1FAD0] =	vst v24;
	v24 =	vperm.xlane v23, v54  }
0x324: {  	v41 =	vld [tilespmem:s21+$0xFFFFFB18]  }
0x325: {  	v51 =	vld [tilespmem:s21+$0xFFFFFB50];
	[tilespmem:$0x1FAE0] =	vst v24;
	v24 =	vimm.s32 $0xE  }
0x326: {  	v25 =	vimm.s32 $0xF;
	[tilespmem:$0x1F700] =	vst v0;
	v0 =	vld [tilespmem:s21+$0xC8];
	v24 =	vperm.xlane v23, v24  }
0x327: {  	v52 =	vld [tilespmem:s21+$0xFFFFFB28];
	v23 =	vperm.xlane v23, v25  }
0x328: {  	v55 =	vld [tilespmem:s21+$0xFFFFFB10];
	[tilespmem:$0x1FAF0] =	vst v24  }
0x329: {  	s22 =	simm.s32 $0x0;
	s23 =	simm.s32 $0x1;
	v56 =	vld [tilespmem:s21+$0xFFFFFB38];
	v25 =	vimm.f32 $0.0e+00;
	[tilespmem:$0x1FB00] =	vst v23;
	v23 =	vimm.f32 $0.0e+00;
	v24 =	vimm.f32 $0.0e+00  }
.LBB2_5:
0x32a: {  	v46 =	vld [tilespmem:$0x1F710];
	_ =	sdelay $0x1  }
0x32b: {  	v50 =	vld [tilespmem:$0x1F720]  }
0x32c: {  	v61 =	vld [tilespmem:s21+$0xFFFFFB68]  }
0x32d: {  	v54 =	vld [tilespmem:$0x1F730]  }
0x32e: {  	v60 =	vld [tilespmem:s21+$0xFFFFFB60];
	v55 =	vmul.f32 v55, v46  }
0x32f: {  	v37 =	vmul.f32 v37, v46  }
0x330: {  	v57 =	vld [tilespmem:s21+$0xFFFFFB40];
	v56 =	vmul.f32 v56, v50;
	v55 =	vadd.f32 $0.0e+00, v55  }
0x331: {  	v41 =	vmul.f32 v41, v46;
	v46 =	vld [tilespmem:s21+$0xFFFFFB88];
	v52 =	vmul.f32 v52, v50;
	v37 =	vadd.f32 $0.0e+00, v37  }
0x332: {  	v55 =	vadd.f32 v56, v55;
	v56 =	vmul.f32 v61, v54;
	v61 =	vld [tilespmem:$0x1F740]  }
0x333: {  	v37 =	vadd.f32 v52, v37;
	v52 =	vmul.f32 v60, v54;
	v60 =	vld [tilespmem:s21+$0xFFFFFBB8]  }
0x334: {  	v51 =	vmul.f32 v51, v54;
	v54 =	vld [tilespmem:$0x1F750];
	_ =	sdelay $0x1  }
0x335: {  	v62 =	vld [tilespmem:s21+$0xFFFFFB90];
	v57 =	vmul.f32 v57, v50;
	v41 =	vadd.f32 $0.0e+00, v41  }
0x336: {  	v50 =	vld [tilespmem:s21+$0xFFFFFBB0];
	v52 =	vadd.f32 v52, v55;
	v46 =	vmul.f32 v46, v61  }
0x337: {  	v41 =	vadd.f32 v57, v41;
	v57 =	vld [tilespmem:s21+$0xFFFFFBD8]  }
0x338: {  	v46 =	vadd.f32 v46, v52;
	v52 =	vmul.f32 v60, v54;
	v60 =	vld [tilespmem:$0x1F760]  }
0x339: {  	v37 =	vadd.f32 v51, v37;
	v51 =	vld [tilespmem:s21+$0xFFFFFBE0];
	_ =	sdelay $0x1  }
0x33a: {  	v55 =	vmul.f32 v62, v61  }
0x33b: {  	v62 =	vmul.f32 v49, v54;
	v49 =	vmul.f32 v50, v54  }
0x33c: {  	v41 =	vadd.f32 v56, v41;
	v56 =	vld [tilespmem:s21+$0xFFFFFC00];
	v54 =	vmul.f32 v47, v60  }
0x33d: {  	v46 =	vadd.f32 v49, v46;
	v47 =	vmul.f32 v57, v60;
	v49 =	vmul.f32 v51, v60;
	v60 =	vld [tilespmem:$0x1F770]  }
0x33e: {  	v33 =	vmul.f32 v33, v61;
	v50 =	vld [tilespmem:s21+$0xFFFFFC08]  }
0x33f: {  	v41 =	vadd.f32 v55, v41  }
0x340: {  	v33 =	vadd.f32 v33, v37;
	v55 =	vld [tilespmem:s21+$0xFFFFFC28]  }
0x341: {  	v41 =	vadd.f32 v52, v41;
	v52 =	vld [tilespmem:s21+$0xFFFFFC58]  }
0x342: {  	v33 =	vadd.f32 v62, v33;
	v57 =	vld [tilespmem:s21+$0xFFFFFC30];
	v37 =	vmul.f32 v45, v60  }
0x343: {  	v41 =	vadd.f32 v49, v41;
	v61 =	vmul.f32 v56, v60;
	v62 =	vmul.f32 v50, v60;
	v60 =	vld [tilespmem:$0x1F780]  }
0x344: {  	v51 =	vld [tilespmem:s21+$0xFFFFFC50]  }
0x345: {  	v41 =	vadd.f32 v62, v41;
	v62 =	vld [tilespmem:$0x1F790]  }
0x346: {  	v33 =	vadd.f32 v54, v33;
	v49 =	vld [tilespmem:s21+$0xFFFFFC78]  }
0x347: {  	v46 =	vadd.f32 v47, v46;
	v47 =	vld [tilespmem:s21+$0xFFFFFCA0]  }
0x348: {  	v50 =	vld [tilespmem:s21+$0xFFFFFC80];
	v33 =	vadd.f32 v37, v33;
	v28 =	vmul.f32 v28, v60  }
0x349: {  	v45 =	vadd.f32 v61, v46;
	v46 =	vld [tilespmem:s21+$0xFFFFFCC8];
	v37 =	vmul.f32 v55, v60;
	v61 =	vmul.f32 v57, v60  }
0x34a: {  	v57 =	vmul.f32 v44, v62;
	v60 =	vmul.f32 v51, v62;
	v51 =	vld [tilespmem:s21+$0xFFFFFCA8]  }
0x34b: {  	v37 =	vadd.f32 v37, v45;
	v41 =	vadd.f32 v61, v41;
	v61 =	vmul.f32 v52, v62;
	v62 =	vld [tilespmem:$0x1F7A0]  }
0x34c: {  	v45 =	vld [tilespmem:s21+$0xFFFFFCF0]  }
0x34d: {  	v37 =	vadd.f32 v60, v37;
	v60 =	vld [tilespmem:$0x1F7B0]  }
0x34e: {  	v28 =	vadd.f32 v28, v33;
	v52 =	vld [tilespmem:s21+$0xFFFFFCF8]  }
0x34f: {  	v44 =	vld [tilespmem:s21+$0xFFFFFD18]  }
0x350: {  	v28 =	vadd.f32 v57, v28;
	v55 =	vmul.f32 v43, v62;
	v56 =	vmul.f32 v49, v62;
	v49 =	vld [tilespmem:s21+$0xFFFFFCD0]  }
0x351: {  	v43 =	vld [tilespmem:s21+$0xFFFFFD40]  }
0x352: {  	v41 =	vadd.f32 v61, v41;
	v28 =	vadd.f32 v55, v28;
	v61 =	vmul.f32 v40, v60;
	v55 =	vld [tilespmem:$0x1F7C0]  }
0x353: {  	v57 =	vmul.f32 v50, v62;
	v50 =	vld [tilespmem:s21+$0xFFFFFD48]  }
0x354: {  	v28 =	vadd.f32 v61, v28;
	v61 =	vld [tilespmem:$0x1F7D0]  }
0x355: {  	v40 =	vld [tilespmem:s21+$0xFFFFFD90]  }
0x356: {  	v62 =	vmul.f32 v47, v60;
	v41 =	vadd.f32 v57, v41;
	v54 =	vmul.f32 v51, v60;
	v47 =	vld [tilespmem:s21+$0xFFFFFE08]  }
0x357: {  	v37 =	vadd.f32 v56, v37;
	v26 =	vmul.f32 v26, v55;
	v56 =	vmul.f32 v46, v55;
	v46 =	vld [tilespmem:s21+$0xFFFFFD20]  }
0x358: {  	v57 =	vadd.f32 v54, v41;
	v60 =	vmul.f32 v49, v55;
	v55 =	vld [tilespmem:$0x1F7E0]  }
0x359: {  	v37 =	vadd.f32 v62, v37;
	v54 =	vld [tilespmem:s21+$0xFFFFFD68];
	v26 =	vadd.f32 v26, v28;
	v28 =	vmul.f32 v39, v61  }
0x35a: {  	v62 =	vmul.f32 v45, v61;
	v51 =	vadd.f32 v60, v57;
	v52 =	vmul.f32 v52, v61;
	v61 =	vld [tilespmem:$0x1F7F0]  }
0x35b: {  	v49 =	vld [tilespmem:s21+$0xFFFFFD98]  }
0x35c: {  	v33 =	vadd.f32 v56, v37;
	v37 =	vadd.f32 v52, v51;
	v52 =	vld [tilespmem:$0x1F800]  }
0x35d: {  	v57 =	vld [tilespmem:s21+$0xFFFFFD70];
	v26 =	vadd.f32 v28, v26;
	v28 =	vmul.f32 v38, v55;
	v60 =	vmul.f32 v46, v55  }
0x35e: {  	v33 =	vadd.f32 v62, v33;
	v51 =	vld [tilespmem:s21+$0xFFFFFDB8];
	v56 =	vmul.f32 v44, v55  }
0x35f: {  	v26 =	vadd.f32 v28, v26;
	v28 =	vmul.f32 v35, v61;
	v37 =	vadd.f32 v60, v37;
	v60 =	vld [tilespmem:$0x1F810]  }
0x360: {  	v62 =	vmul.f32 v43, v61;
	v50 =	vmul.f32 v50, v61;
	v43 =	vld [tilespmem:s21+$0xFFFFFE60]  }
0x361: {  	v33 =	vadd.f32 v56, v33;
	v26 =	vadd.f32 v28, v26;
	v28 =	vmul.f32 v54, v52;
	v54 =	vld [tilespmem:s21+$0xFFFFFDC0]  }
0x362: {  	v55 =	vadd.f32 v50, v37;
	v56 =	vmul.f32 v57, v52;
	v57 =	vld [tilespmem:s21+$0xFFFFFDE0]  }
0x363: {  	v33 =	vadd.f32 v62, v33;
	v62 =	vld [tilespmem:s21+$0xFFFFFDE8]  }
0x364: {  	v45 =	vadd.f32 v56, v55;
	v55 =	vld [tilespmem:$0x1F830]  }
0x365: {  	v28 =	vadd.f32 v28, v33;
	v56 =	vld [tilespmem:s21+$0xFFFFFE38];
	v61 =	vmul.f32 v40, v60  }
0x366: {  	v46 =	vmul.f32 v49, v60;
	v49 =	vld [tilespmem:$0x1F820]  }
0x367: {  	v28 =	vadd.f32 v61, v28;
	v61 =	vld [tilespmem:s21+$0xFFFFFE58]  }
0x368: {  	v22 =	vmul.f32 v22, v52;
	v33 =	vadd.f32 v46, v45;
	v45 =	vld [tilespmem:s21+$0xFFFFFE80]  }
0x369: {  	v46 =	vld [tilespmem:$0x1F850]  }
0x36a: {  	v22 =	vadd.f32 v22, v26;
	v26 =	vmul.f32 v34, v60;
	v60 =	vmul.f32 v62, v55;
	v62 =	vld [tilespmem:$0x1F840]  }
0x36b: {  	v50 =	vmul.f32 v51, v49;
	v51 =	vld [tilespmem:s21+$0xFFFFFE10]  }
0x36c: {  	v22 =	vadd.f32 v26, v22;
	v26 =	vmul.f32 v32, v49;
	v52 =	vmul.f32 v54, v49;
	v54 =	vld [tilespmem:s21+$0xFFFFFE30]  }
0x36d: {  	v49 =	vld [tilespmem:s21+$0xFFFFFEA8]  }
0x36e: {  	v21 =	vmul.f32 v21, v55;
	v22 =	vadd.f32 v26, v22;
	v28 =	vadd.f32 v50, v28;
	v50 =	vld [tilespmem:$0x1F860]  }
0x36f: {  	v26 =	vmul.f32 v57, v55;
	v57 =	vadd.f32 v52, v33;
	v52 =	vld [tilespmem:$0x1F870]  }
0x370: {  	v55 =	vld [tilespmem:$0x1F880];
	v21 =	vadd.f32 v21, v22;
	v22 =	vmul.f32 v31, v62;
	v31 =	vmul.f32 v47, v62  }
0x371: {  	v26 =	vadd.f32 v26, v28;
	v28 =	vadd.f32 v60, v57;
	v47 =	vld [tilespmem:s21+$0xFFFFFE88];
	v44 =	vmul.f32 v51, v62  }
0x372: {  	v57 =	vld [tilespmem:$0x1F890];
	v21 =	vadd.f32 v22, v21;
	v22 =	vmul.f32 v29, v46;
	v29 =	vmul.f32 v54, v46  }
0x373: {  	v60 =	vld [tilespmem:$0x1F8A0];
	v26 =	vadd.f32 v31, v26;
	v31 =	vmul.f32 v56, v46;
	v28 =	vadd.f32 v44, v28  }
0x374: {  	v51 =	vld [tilespmem:s21+$0xFFFFFEB0];
	v21 =	vadd.f32 v22, v21;
	v22 =	vmul.f32 v27, v50;
	v27 =	vmul.f32 v61, v50  }
0x375: {  	v26 =	vadd.f32 v29, v26;
	v29 =	vmul.f32 v43, v50;
	v28 =	vadd.f32 v31, v28;
	v31 =	vld [tilespmem:s21+$0xFFFFFED0]  }
0x376: {  	v54 =	vld [tilespmem:s21+$0xFFFFFED8];
	v20 =	vmul.f32 v20, v52;
	v21 =	vadd.f32 v22, v21;
	v22 =	vmul.f32 v45, v52  }
0x377: {  	v26 =	vadd.f32 v27, v26;
	v27 =	vadd.f32 v29, v28;
	v28 =	vmul.f32 v47, v52;
	v29 =	vld [tilespmem:s21+$0xFFFFFEF8]  }
0x378: {  	v56 =	vld [tilespmem:s21+$0xFFFFFF00];
	v17 =	vmul.f32 v17, v55;
	v20 =	vadd.f32 v20, v21;
	v21 =	vmul.f32 v49, v55  }
0x379: {  	v61 =	vld [tilespmem:$0x1F8B0];
	v22 =	vadd.f32 v22, v26;
	v26 =	vadd.f32 v28, v27;
	v27 =	vmul.f32 v51, v55  }
0x37a: {  	v14 =	vmul.f32 v14, v57;
	v17 =	vadd.f32 v17, v20;
	v20 =	vmul.f32 v31, v57;
	v31 =	vld [tilespmem:s21+$0xFFFFFF28]  }
0x37b: {  	v21 =	vadd.f32 v21, v22;
	v22 =	vadd.f32 v27, v26;
	v26 =	vmul.f32 v54, v57  }
0x37c: {  	v14 =	vadd.f32 v14, v17;
	v17 =	vmul.f32 v19, v60;
	v19 =	vmul.f32 v29, v60  }
0x37d: {  	v28 =	vld [tilespmem:s21+$0xFFFFFF20];
	v20 =	vadd.f32 v20, v21;
	v21 =	vadd.f32 v26, v22;
	v22 =	vmul.f32 v56, v60  }
0x37e: {  	v29 =	vld [tilespmem:s21+$0xFFFFFF50]  }
0x37f: {  	v19 =	vadd.f32 v19, v20;
	v20 =	vadd.f32 v22, v21;
	v21 =	vmul.f32 v31, v61;
	v31 =	vld [tilespmem:$0x1F8C0];
	_ =	sdelay $0x2  }
0x380: {  	v27 =	vld [tilespmem:s21+$0xFFFFFF48];
	v14 =	vadd.f32 v17, v14;
	v17 =	vmul.f32 v28, v61  }
0x381: {  	v28 =	vld [tilespmem:s21+$0xFFFFFF78]  }
0x382: {  	v17 =	vadd.f32 v17, v19;
	v19 =	vadd.f32 v21, v20;
	v20 =	vmul.f32 v29, v31;
	v29 =	vld [tilespmem:$0x1F8D0]  }
0x383: {  	v13 =	vmul.f32 v13, v61;
	_ =	sdelay $0x1  }
0x384: {  	v26 =	vld [tilespmem:s21+$0xFFFFFF70];
	v13 =	vadd.f32 v13, v14;
	v14 =	vmul.f32 v18, v31;
	v18 =	vmul.f32 v27, v31  }
0x385: {  	v27 =	vld [tilespmem:s21+$0xFFFFFFA0]  }
0x386: {  	v17 =	vadd.f32 v18, v17;
	v18 =	vadd.f32 v20, v19;
	v19 =	vmul.f32 v28, v29;
	v28 =	vld [tilespmem:$0x1F8E0];
	_ =	sdelay $0x2  }
0x387: {  	v22 =	vld [tilespmem:s21+$0xFFFFFF98];
	v13 =	vadd.f32 v14, v13;
	v14 =	vmul.f32 v26, v29  }
0x388: {  	v26 =	vld [tilespmem:s21+$0xFFFFFFC8]  }
0x389: {  	v14 =	vadd.f32 v14, v17;
	v17 =	vadd.f32 v19, v18;
	v18 =	vmul.f32 v27, v28;
	v27 =	vld [tilespmem:$0x1F8F0]  }
0x38a: {  	v12 =	vmul.f32 v12, v29;
	_ =	sdelay $0x1  }
0x38b: {  	v21 =	vld [tilespmem:s21+$0xFFFFFFC0];
	v12 =	vadd.f32 v12, v13;
	v13 =	vmul.f32 v22, v28  }
0x38c: {  	v22 =	vld [tilespmem:s21+$0xFFFFFFF0]  }
0x38d: {  	v13 =	vadd.f32 v13, v14;
	v14 =	vadd.f32 v18, v17;
	v17 =	vmul.f32 v26, v27;
	v26 =	vld [tilespmem:$0x1F900]  }
0x38e: {  	v10 =	vmul.f32 v10, v28;
	_ =	sdelay $0x1  }
0x38f: {  	v20 =	vld [tilespmem:s21+$0xFFFFFFE8];
	v10 =	vadd.f32 v10, v12;
	v12 =	vmul.f32 v21, v27  }
0x390: {  	v21 =	vld [tilespmem:s21+$0x18]  }
0x391: {  	v12 =	vadd.f32 v12, v13;
	v13 =	vadd.f32 v17, v14;
	v14 =	vmul.f32 v22, v26;
	v22 =	vld [tilespmem:$0x1F910]  }
0x392: {  	v9 =	vmul.f32 v9, v27;
	_ =	sdelay $0x1  }
0x393: {  	v19 =	vld [tilespmem:s21+$0x10];
	v9 =	vadd.f32 v9, v10;
	v10 =	vmul.f32 v20, v26  }
0x394: {  	v20 =	vld [tilespmem:s21+$0x40]  }
0x395: {  	v10 =	vadd.f32 v10, v12;
	v12 =	vadd.f32 v14, v13;
	v13 =	vmul.f32 v21, v22;
	v21 =	vld [tilespmem:$0x1F920]  }
0x396: {  	v8 =	vmul.f32 v8, v26;
	_ =	sdelay $0x1  }
0x397: {  	v18 =	vld [tilespmem:s21+$0x38];
	v8 =	vadd.f32 v8, v9;
	v9 =	vmul.f32 v19, v22  }
0x398: {  	v19 =	vld [tilespmem:s21+$0x68]  }
0x399: {  	v9 =	vadd.f32 v9, v10;
	v10 =	vadd.f32 v13, v12;
	v12 =	vmul.f32 v20, v21;
	v20 =	vld [tilespmem:$0x1F930]  }
0x39a: {  	v7 =	vmul.f32 v7, v22;
	_ =	sdelay $0x1  }
0x39b: {  	v17 =	vld [tilespmem:s21+$0x60];
	v7 =	vadd.f32 v7, v8;
	v8 =	vmul.f32 v18, v21  }
0x39c: {  	v18 =	vld [tilespmem:s21+$0x90]  }
0x39d: {  	v8 =	vadd.f32 v8, v9;
	v9 =	vadd.f32 v12, v10;
	v10 =	vmul.f32 v19, v20;
	v19 =	vld [tilespmem:$0x1F940]  }
0x39e: {  	v5 =	vmul.f32 v5, v21;
	_ =	sdelay $0x1  }
0x39f: {  	v14 =	vld [tilespmem:s21+$0x88];
	v5 =	vadd.f32 v5, v7;
	v7 =	vmul.f32 v17, v20  }
0x3a0: {  	v17 =	vld [tilespmem:s21+$0xB8]  }
0x3a1: {  	v7 =	vadd.f32 v7, v8;
	v8 =	vadd.f32 v10, v9;
	v9 =	vmul.f32 v18, v19;
	v18 =	vld [tilespmem:$0x1F950]  }
0x3a2: {  	v4 =	vmul.f32 v4, v20;
	_ =	sdelay $0x1  }
0x3a3: {  	v13 =	vld [tilespmem:s21+$0xB0];
	v4 =	vadd.f32 v4, v5;
	v5 =	vmul.f32 v14, v19  }
0x3a4: {  	v12 =	vld [tilespmem:s21+$0xD8]  }
0x3a5: {  	v5 =	vadd.f32 v5, v7;
	v7 =	vadd.f32 v9, v8;
	v8 =	vmul.f32 v17, v18;
	v17 =	vld [tilespmem:$0x1F960]  }
0x3a6: {  	v3 =	vmul.f32 v3, v19;
	v14 =	vld [tilespmem:s21+$0xE0];
	_ =	sdelay $0x1  }
0x3a7: {  	v3 =	vadd.f32 v3, v4;
	v1 =	vmul.f32 v1, v18;
	v4 =	vmul.f32 v13, v18;
	_ =	sdelay $0x1  }
0x3a8: {  	v1 =	vadd.f32 v1, v3;
	v4 =	vadd.f32 v4, v5;
	v0 =	vmul.f32 v0, v17  }
0x3a9: {  	v5 =	vadd.f32 v8, v7;
	v3 =	vmul.f32 v12, v17;
	v7 =	vmul.f32 v14, v17;
	v17 =	vld [tilespmem:$0x1F970];
	_ =	sdelay $0x2  }
0x3aa: {  	v9 =	vld [tilespmem:s21+$0x128]  }
0x3ab: {  	v13 =	vld [tilespmem:s21+$0x108]  }
0x3ac: {  	v0 =	vadd.f32 v0, v1;
	v1 =	vmul.f32 v16, v17;
	v16 =	vld [tilespmem:$0x1F980]  }
0x3ad: {  	v12 =	vld [tilespmem:s21+$0x130];
	_ =	sdelay $0x2  }
0x3ae: {  	v3 =	vadd.f32 v3, v4;
	v4 =	vadd.f32 v7, v5;
	v5 =	vmul.f32 v13, v17  }
0x3af: {  	v8 =	vld [tilespmem:s21+$0x150];
	v0 =	vadd.f32 v1, v0;
	v1 =	vmul.f32 v58, v16  }
0x3b0: {  	v4 =	vadd.f32 v5, v4;
	v9 =	vmul.f32 v9, v16;
	v5 =	vmul.f32 v12, v16;
	v16 =	vld [tilespmem:$0x1F990]  }
0x3b1: {  	v14 =	vld [tilespmem:s21+$0x158];
	_ =	sdelay $0x2  }
0x3b2: {  	v10 =	vld [tilespmem:s21+$0x100]  }
0x3b3: {  	v7 =	vld [tilespmem:s21+$0x178];
	v0 =	vadd.f32 v1, v0;
	v1 =	vmul.f32 v53, v16  }
0x3b4: {  	v4 =	vadd.f32 v5, v4;
	v8 =	vmul.f32 v8, v16;
	v5 =	vmul.f32 v14, v16;
	v16 =	vld [tilespmem:$0x1F9A0]  }
0x3b5: {  	v13 =	vld [tilespmem:s21+$0x180];
	_ =	sdelay $0x1  }
0x3b6: {  	v10 =	vmul.f32 v10, v17;
	_ =	sdelay $0x1  }
0x3b7: {  	v3 =	vadd.f32 v10, v3;
	v10 =	vld [tilespmem:s21+$0x1A0];
	v0 =	vadd.f32 v1, v0;
	v1 =	vmul.f32 v48, v16  }
0x3b8: {  	v4 =	vadd.f32 v5, v4;
	v7 =	vmul.f32 v7, v16;
	v5 =	vmul.f32 v13, v16;
	v16 =	vld [tilespmem:$0x1F9B0]  }
0x3b9: {  	v12 =	vld [tilespmem:s21+$0x1A8];
	_ =	sdelay $0x3  }
0x3ba: {  	v3 =	vadd.f32 v9, v3;
	v9 =	vld [tilespmem:s21+$0x1C8];
	v0 =	vadd.f32 v1, v0;
	v1 =	vmul.f32 v42, v16  }
0x3bb: {  	v4 =	vadd.f32 v5, v4;
	v10 =	vmul.f32 v10, v16;
	v5 =	vmul.f32 v12, v16;
	v16 =	vld [tilespmem:$0x1F9C0]  }
0x3bc: {  	v14 =	vld [tilespmem:s21+$0x1D0];
	_ =	sdelay $0x3  }
0x3bd: {  	v3 =	vadd.f32 v8, v3;
	v8 =	vld [tilespmem:s21+$0x1F0];
	v0 =	vadd.f32 v1, v0;
	v1 =	vmul.f32 v36, v16  }
0x3be: {  	v4 =	vadd.f32 v5, v4;
	v9 =	vmul.f32 v9, v16;
	v5 =	vmul.f32 v14, v16;
	v16 =	vld [tilespmem:$0x1F9D0]  }
0x3bf: {  	v13 =	vld [tilespmem:s21+$0x1F8];
	_ =	sdelay $0x3  }
0x3c0: {  	v12 =	vld [tilespmem:s21+$0x220];
	v0 =	vadd.f32 v1, v0;
	v1 =	vmul.f32 v30, v16  }
0x3c1: {  	v4 =	vadd.f32 v5, v4;
	v8 =	vmul.f32 v8, v16;
	v5 =	vmul.f32 v13, v16;
	v16 =	vld [tilespmem:$0x1F9E0];
	_ =	sdelay $0x1  }
0x3c2: {  	v3 =	vadd.f32 v7, v3;
	_ =	sdelay $0x1  }
0x3c3: {  	v3 =	vadd.f32 v10, v3;
	v10 =	vld [tilespmem:s21+$0x240]  }
0x3c4: {  	v4 =	vadd.f32 v5, v4;
	v5 =	vmul.f32 v12, v16;
	v12 =	vld [tilespmem:$0x1F9F0]  }
0x3c5: {  	v14 =	vld [tilespmem:s21+$0x248];
	_ =	sdelay $0x1  }
0x3c6: {  	v0 =	vadd.f32 v1, v0;
	v1 =	vmul.f32 v15, v16;
	_ =	sdelay $0x1  }
0x3c7: {  	v3 =	vadd.f32 v9, v3;
	v9 =	vld [tilespmem:s21+$0x268];
	v0 =	vadd.f32 v1, v0;
	v1 =	vmul.f32 v11, v12  }
0x3c8: {  	v4 =	vadd.f32 v5, v4;
	v10 =	vmul.f32 v10, v12;
	v5 =	vmul.f32 v14, v12;
	v12 =	vld [tilespmem:$0x1FA00]  }
0x3c9: {  	v13 =	vld [tilespmem:s21+$0x270];
	_ =	sdelay $0x2  }
0x3ca: {  	v7 =	vld [tilespmem:s21+$0x218]  }
0x3cb: {  	v3 =	vadd.f32 v8, v3;
	v8 =	vld [tilespmem:s21+$0x290];
	v0 =	vadd.f32 v1, v0;
	v1 =	vmul.f32 v6, v12  }
0x3cc: {  	v4 =	vadd.f32 v5, v4;
	v6 =	vmul.f32 v9, v12;
	v5 =	vmul.f32 v13, v12;
	v12 =	vld [tilespmem:$0x1FA10]  }
0x3cd: {  	v11 =	vld [tilespmem:s21+$0x298];
	_ =	sdelay $0x1  }
0x3ce: {  	v7 =	vmul.f32 v7, v16;
	_ =	sdelay $0x1  }
0x3cf: {  	v3 =	vadd.f32 v7, v3;
	v7 =	vld [tilespmem:s21+$0x2B8];
	v0 =	vadd.f32 v1, v0;
	v1 =	vmul.f32 v2, v12  }
0x3d0: {  	v4 =	vadd.f32 v5, v4;
	v2 =	vmul.f32 v8, v12;
	v5 =	vmul.f32 v11, v12;
	v12 =	vld [tilespmem:$0x1FA20]  }
0x3d1: {  	v3 =	vadd.f32 v10, v3;
	v9 =	vld [tilespmem:s21+$0x2C0];
	_ =	sdelay $0x1  }
0x3d2: {  	v3 =	vadd.f32 v6, v3;
	_ =	sdelay $0x1  }
0x3d3: {  	v10 =	vld [tilespmem:s21+$0x2E0];
	v0 =	vadd.f32 v1, v0;
	v2 =	vadd.f32 v2, v3;
	v1 =	vmul.f32 v63, v12  }
0x3d4: {  	v3 =	vadd.f32 v5, v4;
	v7 =	vmul.f32 v7, v12;
	v4 =	vmul.f32 v9, v12;
	v12 =	vld [tilespmem:$0x1FA30]  }
0x3d5: {  	v8 =	vld [tilespmem:s21+$0x2E8];
	_ =	sdelay $0x3  }
0x3d6: {  	v6 =	vld [tilespmem:s21+$0x308];
	v0 =	vadd.f32 v1, v0;
	v1 =	vmul.f32 v59, v12  }
0x3d7: {  	v3 =	vadd.f32 v4, v3;
	v9 =	vmul.f32 v10, v12;
	v4 =	vmul.f32 v8, v12;
	v12 =	vld [tilespmem:$0x1FA40]  }
0x3d8: {  	v0 =	vadd.f32 v1, v0;
	v1 =	vld [tilespmem:$0x1F700]  }
0x3d9: {  	v11 =	vld [tilespmem:s21+$0x310];
	_ =	sdelay $0x3  }
0x3da: {  	v5 =	vld [tilespmem:s21+$0x330];
	v1 =	vmul.f32 v1, v12  }
0x3db: {  	v3 =	vadd.f32 v4, v3;
	v6 =	vmul.f32 v6, v12;
	v4 =	vmul.f32 v11, v12;
	v12 =	vld [tilespmem:$0x1FA50]  }
0x3dc: {  	v0 =	vadd.f32 v1, v0;
	v1 =	vld [tilespmem:$0x1F6F0]  }
0x3dd: {  	v10 =	vld [tilespmem:s21+$0x338];
	_ =	sdelay $0x3  }
0x3de: {  	v2 =	vadd.f32 v7, v2;
	v7 =	vld [tilespmem:s21+$0x358];
	v1 =	vmul.f32 v1, v12  }
0x3df: {  	v3 =	vadd.f32 v4, v3;
	v5 =	vmul.f32 v5, v12;
	v4 =	vmul.f32 v10, v12;
	v12 =	vld [tilespmem:$0x1FA60]  }
0x3e0: {  	v0 =	vadd.f32 v1, v0;
	v1 =	vld [tilespmem:$0x1F6E0]  }
0x3e1: {  	v8 =	vld [tilespmem:s21+$0x360];
	_ =	sdelay $0x3  }
0x3e2: {  	v2 =	vadd.f32 v9, v2;
	v9 =	vld [tilespmem:s21+$0x380];
	v1 =	vmul.f32 v1, v12  }
0x3e3: {  	v3 =	vadd.f32 v4, v3;
	v7 =	vmul.f32 v7, v12;
	v4 =	vmul.f32 v8, v12;
	v12 =	vld [tilespmem:$0x1FA70]  }
0x3e4: {  	v0 =	vadd.f32 v1, v0;
	v1 =	vld [tilespmem:$0x1F6D0]  }
0x3e5: {  	v11 =	vld [tilespmem:s21+$0x388];
	_ =	sdelay $0x3  }
0x3e6: {  	v2 =	vadd.f32 v6, v2;
	v6 =	vld [tilespmem:s21+$0x3A8];
	v1 =	vmul.f32 v1, v12  }
0x3e7: {  	v3 =	vadd.f32 v4, v3;
	v8 =	vmul.f32 v9, v12;
	v4 =	vmul.f32 v11, v12;
	v12 =	vld [tilespmem:$0x1FA80]  }
0x3e8: {  	v0 =	vadd.f32 v1, v0;
	v1 =	vld [tilespmem:$0x1F6C0]  }
0x3e9: {  	v10 =	vld [tilespmem:s21+$0x3B0];
	_ =	sdelay $0x3  }
0x3ea: {  	v2 =	vadd.f32 v5, v2;
	v5 =	vld [tilespmem:s21+$0x3D0];
	v1 =	vmul.f32 v1, v12  }
0x3eb: {  	v3 =	vadd.f32 v4, v3;
	v6 =	vmul.f32 v6, v12;
	v4 =	vmul.f32 v10, v12;
	v12 =	vld [tilespmem:$0x1FA90]  }
0x3ec: {  	v0 =	vadd.f32 v1, v0;
	v1 =	vld [tilespmem:$0x1F6B0]  }
0x3ed: {  	v9 =	vld [tilespmem:s21+$0x3D8];
	_ =	sdelay $0x3  }
0x3ee: {  	v2 =	vadd.f32 v7, v2;
	v7 =	vld [tilespmem:s21+$0x3F8];
	v1 =	vmul.f32 v1, v12  }
0x3ef: {  	v3 =	vadd.f32 v4, v3;
	v5 =	vmul.f32 v5, v12;
	v4 =	vmul.f32 v9, v12;
	v12 =	vld [tilespmem:$0x1FAA0]  }
0x3f0: {  	v0 =	vadd.f32 v1, v0;
	v1 =	vld [tilespmem:$0x1F6A0]  }
0x3f1: {  	v11 =	vld [tilespmem:s21+$0x400];
	_ =	sdelay $0x3  }
0x3f2: {  	v2 =	vadd.f32 v8, v2;
	v8 =	vld [tilespmem:s21+$0x420];
	v1 =	vmul.f32 v1, v12  }
0x3f3: {  	v3 =	vadd.f32 v4, v3;
	v7 =	vmul.f32 v7, v12;
	v4 =	vmul.f32 v11, v12;
	v12 =	vld [tilespmem:$0x1FAB0]  }
0x3f4: {  	v0 =	vadd.f32 v1, v0;
	v1 =	vld [tilespmem:$0x1F690]  }
0x3f5: {  	v10 =	vld [tilespmem:s21+$0x428];
	_ =	sdelay $0x3  }
0x3f6: {  	v2 =	vadd.f32 v6, v2;
	v6 =	vld [tilespmem:s21+$0x448];
	v1 =	vmul.f32 v1, v12  }
0x3f7: {  	v3 =	vadd.f32 v4, v3;
	v8 =	vmul.f32 v8, v12;
	v4 =	vmul.f32 v10, v12;
	v12 =	vld [tilespmem:$0x1FAC0]  }
0x3f8: {  	v0 =	vadd.f32 v1, v0;
	v1 =	vld [tilespmem:$0x1F680]  }
0x3f9: {  	v9 =	vld [tilespmem:s21+$0x450];
	_ =	sdelay $0x2  }
0x3fa: {  	v13 =	vld [tilespmem:$0x1FAE0]  }
0x3fb: {  	v2 =	vadd.f32 v5, v2;
	v5 =	vld [tilespmem:s21+$0x470];
	v1 =	vmul.f32 v1, v12  }
0x3fc: {  	v3 =	vadd.f32 v4, v3;
	v6 =	vmul.f32 v6, v12;
	v4 =	vmul.f32 v9, v12;
	v12 =	vld [tilespmem:$0x1FAD0]  }
0x3fd: {  	v0 =	vadd.f32 v1, v0;
	v1 =	vld [tilespmem:$0x1F670]  }
0x3fe: {  	v11 =	vld [tilespmem:s21+$0x478]  }
0x3ff: {  	v2 =	vadd.f32 v7, v2;
	v7 =	vld [tilespmem:s21+$0x498]  }
0x400: {  	v10 =	vld [tilespmem:s21+$0x4A0]  }
0x401: {  	v2 =	vadd.f32 v8, v2;
	v8 =	vld [tilespmem:s21+$0x4C0]  }
0x402: {  	v9 =	vld [tilespmem:s21+$0x4C8];
	v1 =	vmul.f32 v1, v12  }
0x403: {  	v2 =	vadd.f32 v6, v2;
	v6 =	vld [tilespmem:s21+$0x4E8]  }
0x404: {  	v3 =	vadd.f32 v4, v3;
	v4 =	vmul.f32 v11, v12;
	v0 =	vadd.f32 v1, v0;
	v1 =	vld [tilespmem:$0x1F660]  }
0x405: {  	v5 =	vmul.f32 v5, v12;
	v11 =	vld [tilespmem:s21+$0x4F0]  }
0x406: {  	s21 =	sadd.s32 $0xA00, s21;
	v3 =	vadd.f32 v4, v3;
	v4 =	vmul.f32 v10, v13;
	v10 =	vld [tilespmem:$0x1FAF0]  }
0x407: {  	v2 =	vadd.f32 v5, v2;
	v5 =	vld [tilespmem:s21+$0x4B0];
	_ =	sdelay $0x1  }
0x408: {  	v1 =	vmul.f32 v1, v13;
	_ =	sdelay $0x1  }
0x409: {  	v0 =	vadd.f32 v1, v0;
	v1 =	vld [tilespmem:$0x1F650]  }
0x40a: {  	[tilespmem:$0x1F650] =	vst v5;
	v5 =	vmul.f32 v8, v10;
	v8 =	vld [tilespmem:s21+$0x488];
	_ =	sdelay $0x3  }
0x40b: {  	v12 =	vld [tilespmem:s21+$0x4D8];
	v1 =	vmul.f32 v1, v10  }
0x40c: {  	[tilespmem:$0x1F660] =	vst v8;
	v8 =	vld [tilespmem:$0x1FB00]  }
0x40d: {  	v0 =	vadd.f32 v1, v0;
	v1 =	vld [tilespmem:$0x1F640];
	_ =	sdelay $0x3  }
0x40e: {  	v7 =	vmul.f32 v7, v13  }
0x40f: {  	v3 =	vadd.f32 v4, v3;
	v4 =	vmul.f32 v9, v10;
	v9 =	vmul.f32 v1, v8;
	v1 =	vmovc v12  }
0x410: {  	[tilespmem:$0x1F640] =	vst v1;
	v1 =	vld [tilespmem:s21+$0x3E8]  }
0x411: {  	v2 =	vadd.f32 v7, v2  }
0x412: {  	v3 =	vadd.f32 v4, v3  }
0x413: {  	v2 =	vadd.f32 v5, v2;
	v6 =	vmul.f32 v6, v8;
	v4 =	vmul.f32 v11, v8;
	_ =	sdelay $0x1  }
0x414: {  	[tilespmem:$0x1F6A0] =	vst v1;
	v1 =	vadd.f32 v6, v2;
	v2 =	vadd.f32 v4, v3;
	v3 =	vld [tilespmem:s21+$0x3C0];
	_ =	sdelay $0x4  }
0x415: {  	[tilespmem:$0x1F6B0] =	vst v3;
	v3 =	vld [tilespmem:s21+$0x398];
	_ =	sdelay $0x1  }
0x416: {  	v57 =	vld [tilespmem:$0x1F630]  }
0x417: {  	v0 =	vadd.f32 v9, v0;
	v4 =	vld [tilespmem:s21+$0x370]  }
0x418: {  	v59 =	vld [tilespmem:s21+$0x2D0]  }
0x419: {  	v63 =	vld [tilespmem:s21+$0x2A8];
	[tilespmem:$0x1F6C0] =	vst v3;
	v3 =	vsel vm0, $0xF149F2CA, v2;
	v2 =	vmax.f32 v0, v1  }
0x41a: {  	v15 =	vld [tilespmem:s21+$0x208];
	v2 =	vmax.f32 v2, v3  }
0x41b: {  	v30 =	vld [tilespmem:s21+$0x1E0];
	(xrf0) =	vmax.scan.msk.f32 $0xffff, v2  }
0x41c: {  	[tilespmem:$0x1F6D0] =	vst v4;
	v4 =	vld [tilespmem:s21+$0x348]  }
0x41d: {  	v36 =	vld [tilespmem:s21+$0x1B8]  }
0x41e: {  	v42 =	vld [tilespmem:s21+$0x190]  }
0x41f: {  	v48 =	vld [tilespmem:s21+$0x168]  }
0x420: {  	v53 =	vld [tilespmem:s21+$0x140]  }
0x421: {  	v58 =	vld [tilespmem:s21+$0x118];
	[tilespmem:$0x1F6E0] =	vst v4;
	v4, _, _ =	vpop (xrf0)  }
0x422: {  	v16 =	vld [tilespmem:s21+$0xF0];
	v4 =	vbroadcast v4, $0xF  }
0x423: {  	v18 =	vld [tilespmem:s21+$0xFFFFFF38]  }
0x424: {  	v19 =	vld [tilespmem:s21+$0xFFFFFEE8];
	v0 =	vsub.f32 v0, v4  }
0x425: {  	v17 =	vld [tilespmem:s21+$0xFFFFFE98];
	v1 =	vsub.f32 v1, v4  }
0x426: {  	v20 =	vld [tilespmem:s21+$0xFFFFFE70];
	v0 =	vmul.f32 $1.442695020e+00, v0  }
0x427: {  	v27 =	vld [tilespmem:s21+$0xFFFFFE48];
	v3 =	vsub.f32 v3, v4;
	v1 =	vmul.f32 $1.442695020e+00, v1  }
0x428: {  	v29 =	vld [tilespmem:s21+$0xFFFFFE20];
	(erf) = vpow2.f32 v0  }
0x429: {  	v31 =	vld [tilespmem:s21+$0xFFFFFDF8];
	v3 =	vmul.f32 $1.442695020e+00, v3;
	(erf) = vpow2.f32 v1  }
0x42a: {  	v21 =	vld [tilespmem:s21+$0xFFFFFDD0]  }
0x42b: {  	v32 =	vld [tilespmem:s21+$0xFFFFFDA8];
	(erf) = vpow2.f32 v3  }
0x42c: {  	v34 =	vld [tilespmem:s21+$0xFFFFFD80]  }
0x42d: {  	v22 =	vld [tilespmem:s21+$0xFFFFFD58]  }
0x42e: {  	v35 =	vld [tilespmem:s21+$0xFFFFFD30]  }
0x42f: {  	v38 =	vld [tilespmem:s21+$0xFFFFFD08]  }
0x430: {  	v39 =	vld [tilespmem:s21+$0xFFFFFCE0]  }
0x431: {  	v40 =	vld [tilespmem:s21+$0xFFFFFC90];
	v62 =	vpop (erf)  }
0x432: {  	v43 =	vld [tilespmem:s21+$0xFFFFFC68];
	v46 =	vpop (erf)  }
0x433: {  	v44 =	vld [tilespmem:s21+$0xFFFFFC40];
	v13 =	vadd.f32 v46, v62  }
0x434: {  	v28 =	vld [tilespmem:s21+$0xFFFFFC18];
	v50 =	vpop (erf)  }
0x435: {  	v45 =	vld [tilespmem:s21+$0xFFFFFBF0];
	v14 =	vadd.f32 v13, v50  }
0x436: {  	v47 =	vld [tilespmem:s21+$0xFFFFFBC8]  }
0x437: {  	v7 =	vld [tilespmem:s21+$0x460];
	(xrf2) =	vadd.scan.msk.f32 $0xffff, v14  }
0x438: {  	v49 =	vld [tilespmem:s21+$0xFFFFFBA0]  }
0x439: {  	v33 =	vld [tilespmem:s21+$0xFFFFFB78]  }
0x43a: {  	v51 =	vld [tilespmem:s21+$0xFFFFFB50]  }
0x43b: {  	v52 =	vld [tilespmem:s21+$0xFFFFFB28]  }
0x43c: {  	[tilespmem:$0x1F670] =	vst v7;
	v7 =	vld [tilespmem:s21+$0x438]  }
0x43d: {  	v55 =	vld [tilespmem:s21+$0xFFFFFB10]  }
0x43e: {  	v41 =	vld [tilespmem:s21+$0xFFFFFB18]  }
0x43f: {  	v56 =	vmov s22;
	v5 =	vld [tilespmem:s21+$0x410]  }
0x440: {  	v37 =	vperm.xlane v57, v56;
	v56 =	vld [tilespmem:s21+$0xFFFFFB38]  }
0x441: {  	[tilespmem:$0x1F680] =	vst v7;
	v7 =	vld [tilespmem:s21+$0x0];
	v26, _, _ =	vpop (xrf2)  }
0x442: {  	v2 =	vld [tilespmem:s21+$0x320];
	v26 =	vbroadcast v26, $0xF  }
0x443: {  	v10 =	vld [tilespmem:s21+$0xFFFFFF88]  }
0x444: {  	[tilespmem:$0x1F690] =	vst v5;
	v5 =	vld [tilespmem:s21+$0x28];
	(erf) = vrcp.f32 v26  }
0x445: {  	v11 =	vld [tilespmem:s21+$0x230]  }
0x446: {  	v8 =	vld [tilespmem:s21+$0xFFFFFFD8]  }
0x447: {  	[tilespmem:$0x1F6F0] =	vst v2;
	v2 =	vld [tilespmem:s21+$0x2F8]  }
0x448: {  	v12 =	vld [tilespmem:s21+$0xFFFFFF60]  }
0x449: {  	v9 =	vld [tilespmem:s21+$0xFFFFFFB0]  }
0x44a: {  	v6 =	vld [tilespmem:s21+$0x258]  }
0x44b: {  	v4 =	vld [tilespmem:s21+$0x50]  }
0x44c: {  	[tilespmem:$0x1F700] =	vst v2;
	v2 =	vld [tilespmem:s21+$0x280]  }
0x44d: {  	v0 =	vld [tilespmem:s21+$0xC8];
	v60 =	vpop (erf)  }
0x44e: {  	p0 =	sne.s32 s23, $0x7;
	v1 =	vld [tilespmem:s21+$0xA0];
	v61 =	vmul.f32 v60, v37  }
.Ltmp1:
0x44f: {  	v3 =	vld [tilespmem:s21+$0x78];
	(pc) =	sbr.rel @p0 .LBB2_5-.Ltmp1, $4  }
0x450: {  	v13 =	vld [tilespmem:s21+$0xFFFFFF10];
	v62 =	vmul.f32 v61, v62  }
0x451: {  	v14 =	vld [tilespmem:s21+$0xFFFFFEC0];
	v50 =	vmul.f32 v61, v50;
	v46 =	vmul.f32 v61, v46  }
0x452: {  	v26 =	vld [tilespmem:s21+$0xFFFFFCB8];
	v23 =	vadd.f32 v62, v23  }
0x453: {  	s22 =	smov.u32 s23;
	s23 =	sadd.s32 $0x1, s23;
	v37 =	vld [tilespmem:s21+$0xFFFFFB00];
	v24 =	vadd.f32 v50, v24;
	v25 =	vadd.f32 v46, v25  }
0x454: {  	v54 =	vld [tilespmem:$0x1F710]  }
0x455: {  	v50 =	vld [tilespmem:s21+$0xFFFFFB60]  }
0x456: {  	v62 =	vld [tilespmem:$0x1F730]  }
0x457: {  	v57 =	vld [tilespmem:s21+$0xFFFFFB68];
	_ =	sdelay $0x1  }
0x458: {  	v46 =	vld [tilespmem:s21+$0xFFFFFB40];
	v37 =	vmul.f32 v37, v54  }
0x459: {  	v55 =	vmul.f32 v55, v54;
	v41 =	vmul.f32 v41, v54;
	v54 =	vld [tilespmem:$0x1F720]  }
0x45a: {  	v60 =	vld [tilespmem:s21+$0xFFFFFB88];
	v51 =	vmul.f32 v51, v62  }
0x45b: {  	v50 =	vmul.f32 v50, v62;
	v62 =	vmul.f32 v57, v62;
	v57 =	vld [tilespmem:$0x1F740];
	_ =	sdelay $0x2  }
0x45c: {  	v41 =	vadd.f32 $0.0e+00, v41;
	v46 =	vmul.f32 v46, v54  }
0x45d: {  	v37 =	vadd.f32 $0.0e+00, v37;
	v52 =	vmul.f32 v52, v54  }
0x45e: {  	v41 =	vadd.f32 v46, v41;
	v46 =	vmul.f32 v60, v57;
	v60 =	vld [tilespmem:$0x1F750]  }
0x45f: {  	v37 =	vadd.f32 v52, v37  }
0x460: {  	v55 =	vadd.f32 $0.0e+00, v55;
	v56 =	vmul.f32 v56, v54  }
0x461: {  	v33 =	vmul.f32 v33, v57;
	v37 =	vadd.f32 v51, v37  }
0x462: {  	v61 =	vld [tilespmem:s21+$0xFFFFFB90];
	v52 =	vadd.f32 v56, v55  }
0x463: {  	v55 =	vld [tilespmem:s21+$0xFFFFFBB0];
	v41 =	vadd.f32 v62, v41;
	v33 =	vadd.f32 v33, v37;
	v62 =	vmul.f32 v49, v60  }
0x464: {  	v56 =	vld [tilespmem:s21+$0xFFFFFBB8]  }
0x465: {  	v33 =	vadd.f32 v62, v33;
	v62 =	vld [tilespmem:$0x1F760];
	_ =	sdelay $0x2  }
0x466: {  	v50 =	vadd.f32 v50, v52;
	v51 =	vld [tilespmem:s21+$0xFFFFFBD8];
	v52 =	vmul.f32 v61, v57  }
0x467: {  	v57 =	vld [tilespmem:s21+$0xFFFFFBE0];
	v61 =	vmul.f32 v55, v60  }
0x468: {  	v41 =	vadd.f32 v52, v41;
	v52 =	vld [tilespmem:s21+$0xFFFFFC08];
	v55 =	vmul.f32 v56, v60;
	v60 =	vmul.f32 v47, v62  }
0x469: {  	v46 =	vadd.f32 v46, v50;
	v49 =	vld [tilespmem:s21+$0xFFFFFC00]  }
0x46a: {  	v33 =	vadd.f32 v60, v33;
	v60 =	vld [tilespmem:$0x1F770]  }
0x46b: {  	v56 =	vld [tilespmem:$0x1F7A0];
	v46 =	vadd.f32 v61, v46  }
0x46c: {  	v41 =	vadd.f32 v55, v41;
	v47 =	vld [tilespmem:s21+$0xFFFFFC28];
	v61 =	vmul.f32 v51, v62;
	v62 =	vmul.f32 v57, v62  }
0x46d: {  	v51 =	vld [tilespmem:s21+$0xFFFFFC30]  }
0x46e: {  	v41 =	vadd.f32 v62, v41;
	v62 =	vld [tilespmem:$0x1F780]  }
0x46f: {  	v57 =	vadd.f32 v61, v46;
	v61 =	vmul.f32 v49, v60;
	v49 =	vld [tilespmem:s21+$0xFFFFFC50]  }
0x470: {  	v50 =	vmul.f32 v52, v60;
	v52 =	vld [tilespmem:s21+$0xFFFFFC58]  }
0x471: {  	v45 =	vmul.f32 v45, v60;
	v37 =	vadd.f32 v61, v57;
	v61 =	vld [tilespmem:$0x1F790]  }
0x472: {  	v41 =	vadd.f32 v50, v41;
	v50 =	vld [tilespmem:s21+$0xFFFFFC80]  }
0x473: {  	v33 =	vadd.f32 v45, v33;
	v45 =	vld [tilespmem:s21+$0xFFFFFC78]  }
0x474: {  	v46 =	vld [tilespmem:s21+$0xFFFFFCD0];
	v28 =	vmul.f32 v28, v62  }
0x475: {  	v60 =	vmul.f32 v51, v62;
	v57 =	vmul.f32 v47, v62;
	v47 =	vld [tilespmem:s21+$0xFFFFFCA8]  }
0x476: {  	v62 =	vmul.f32 v44, v61;
	v44 =	vld [tilespmem:s21+$0xFFFFFCA0];
	v54 =	vmul.f32 v49, v61  }
0x477: {  	v55 =	vmul.f32 v52, v61;
	v61 =	vmul.f32 v50, v56;
	v50 =	vld [tilespmem:$0x1F7B0]  }
0x478: {  	v37 =	vadd.f32 v57, v37;
	v57 =	vmul.f32 v43, v56;
	v45 =	vmul.f32 v45, v56;
	v56 =	vld [tilespmem:$0x1F7C0]  }
0x479: {  	v41 =	vadd.f32 v60, v41;
	v60 =	vld [tilespmem:s21+$0xFFFFFCC8]  }
0x47a: {  	v28 =	vadd.f32 v28, v33;
	v49 =	vld [tilespmem:$0x1F7D0]  }
0x47b: {  	v37 =	vadd.f32 v54, v37;
	v54 =	vld [tilespmem:s21+$0xFFFFFCF0]  }
0x47c: {  	v28 =	vadd.f32 v62, v28;
	v41 =	vadd.f32 v55, v41;
	v55 =	vld [tilespmem:s21+$0xFFFFFCF8]  }
0x47d: {  	v62 =	vadd.f32 v45, v37;
	v37 =	vld [tilespmem:s21+$0xFFFFFD18];
	v52 =	vmul.f32 v44, v50;
	v26 =	vmul.f32 v26, v56  }
0x47e: {  	v41 =	vadd.f32 v61, v41;
	v60 =	vmul.f32 v60, v56;
	v61 =	vmul.f32 v46, v56;
	v56 =	vld [tilespmem:$0x1F7E0]  }
0x47f: {  	v44 =	vld [tilespmem:$0x1F810]  }
0x480: {  	v33 =	vadd.f32 v52, v62;
	v62 =	vld [tilespmem:s21+$0xFFFFFD20]  }
0x481: {  	v28 =	vadd.f32 v57, v28;
	v51 =	vmul.f32 v40, v50;
	v46 =	vld [tilespmem:s21+$0xFFFFFDE0]  }
0x482: {  	v45 =	vmul.f32 v47, v50;
	v47 =	vld [tilespmem:s21+$0xFFFFFDE8]  }
0x483: {  	v28 =	vadd.f32 v51, v28;
	v51 =	vld [tilespmem:s21+$0xFFFFFD40]  }
0x484: {  	v50 =	vmul.f32 v39, v49;
	v57 =	vadd.f32 v45, v41;
	v52 =	vmul.f32 v54, v49;
	v54 =	vld [tilespmem:s21+$0xFFFFFD48]  }
0x485: {  	v26 =	vadd.f32 v26, v28;
	v33 =	vadd.f32 v60, v33;
	v60 =	vmul.f32 v62, v56;
	v62 =	vld [tilespmem:$0x1F7F0]  }
0x486: {  	v55 =	vmul.f32 v55, v49;
	v41 =	vld [tilespmem:s21+$0xFFFFFD70];
	v40 =	vadd.f32 v61, v57  }
0x487: {  	v57 =	vmul.f32 v38, v56;
	v38 =	vld [tilespmem:s21+$0xFFFFFD68];
	v26 =	vadd.f32 v50, v26  }
0x488: {  	v37 =	vmul.f32 v37, v56;
	v33 =	vadd.f32 v52, v33;
	v40 =	vadd.f32 v55, v40;
	v55 =	vld [tilespmem:s21+$0xFFFFFD98]  }
0x489: {  	v56 =	vld [tilespmem:$0x1F800]  }
0x48a: {  	v26 =	vadd.f32 v57, v26;
	v61 =	vadd.f32 v37, v33;
	v57 =	vld [tilespmem:s21+$0xFFFFFDB8];
	v50 =	vmul.f32 v51, v62  }
0x48b: {  	v51 =	vld [tilespmem:s21+$0xFFFFFD90]  }
0x48c: {  	v52 =	vadd.f32 v60, v40;
	v54 =	vmul.f32 v54, v62;
	v28 =	vadd.f32 v50, v61;
	v50 =	vld [tilespmem:$0x1F820]  }
0x48d: {  	v49 =	vmul.f32 v35, v62;
	v62 =	vld [tilespmem:s21+$0xFFFFFDC0]  }
0x48e: {  	v60 =	vadd.f32 v54, v52;
	v52 =	vld [tilespmem:s21+$0xFFFFFE08]  }
0x48f: {  	v54 =	vld [tilespmem:s21+$0xFFFFFE10]  }
0x490: {  	v38 =	vmul.f32 v38, v56;
	v61 =	vmul.f32 v41, v56;
	v41 =	vld [tilespmem:s21+$0xFFFFFEA8]  }
0x491: {  	v26 =	vadd.f32 v49, v26;
	v49 =	vmul.f32 v55, v44;
	v33 =	vmul.f32 v57, v50;
	v57 =	vld [tilespmem:$0x1F830]  }
0x492: {  	v28 =	vadd.f32 v38, v28;
	v35 =	vadd.f32 v61, v60;
	v61 =	vld [tilespmem:s21+$0xFFFFFE30];
	v37 =	vmul.f32 v51, v44  }
0x493: {  	v45 =	vmul.f32 v34, v44;
	v22 =	vmul.f32 v22, v56;
	v38 =	vld [tilespmem:s21+$0xFFFFFF28]  }
0x494: {  	v44 =	vld [tilespmem:s21+$0xFFFFFE38];
	v35 =	vadd.f32 v49, v35;
	v28 =	vadd.f32 v37, v28;
	v55 =	vmul.f32 v62, v50  }
0x495: {  	v22 =	vadd.f32 v22, v26;
	v49 =	vld [tilespmem:s21+$0xFFFFFE58]  }
0x496: {  	v56 =	vadd.f32 v33, v28;
	v62 =	vadd.f32 v55, v35;
	v35 =	vld [tilespmem:s21+$0xFFFFFFC8];
	v60 =	vmul.f32 v46, v57  }
0x497: {  	v46 =	vld [tilespmem:$0x1F840]  }
0x498: {  	v22 =	vadd.f32 v45, v22;
	v43 =	vmul.f32 v47, v57;
	v45 =	vadd.f32 v60, v56;
	v56 =	vld [tilespmem:s21+$0xFFFFFE80]  }
0x499: {  	v51 =	vmul.f32 v32, v50;
	v60 =	vld [tilespmem:s21+$0xFFFFFE88]  }
0x49a: {  	v50 =	vadd.f32 v43, v62;
	v62 =	vld [tilespmem:$0x1F860]  }
0x49b: {  	v22 =	vadd.f32 v51, v22;
	v21 =	vmul.f32 v21, v57;
	v43 =	vld [tilespmem:s21+$0xFFFFFEB0]  }
0x49c: {  	v32 =	vmul.f32 v52, v46;
	v51 =	vmul.f32 v54, v46;
	v54 =	vld [tilespmem:$0x1F850]  }
0x49d: {  	v21 =	vadd.f32 v21, v22;
	v47 =	vmul.f32 v31, v46;
	v52 =	vld [tilespmem:s21+$0xFFFFFE60]  }
0x49e: {  	v22 =	vadd.f32 v32, v45;
	v45 =	vld [tilespmem:$0x1F870]  }
0x49f: {  	v21 =	vadd.f32 v47, v21;
	v47 =	vld [tilespmem:s21+$0xFFFFFED0]  }
0x4a0: {  	v31 =	vadd.f32 v51, v50;
	v51 =	vld [tilespmem:s21+$0xFFFFFED8]  }
0x4a1: {  	v40 =	vmul.f32 v27, v62;
	v32 =	vld [tilespmem:s21+$0xFFFFFFC0];
	v55 =	vmul.f32 v29, v54  }
0x4a2: {  	v57 =	vmul.f32 v61, v54;
	v61 =	vmul.f32 v44, v54;
	v54 =	vld [tilespmem:$0x1F880]  }
0x4a3: {  	v28 =	vmul.f32 v49, v62;
	v44 =	vmul.f32 v52, v62;
	v62 =	vld [tilespmem:s21+$0xFFFFFF20]  }
0x4a4: {  	v29 =	vld [tilespmem:$0x1F920]  }
0x4a5: {  	v21 =	vadd.f32 v55, v21;
	v55 =	vld [tilespmem:s21+$0xFFFFFEF8]  }
0x4a6: {  	v50 =	vmul.f32 v60, v45;
	v60 =	vld [tilespmem:s21+$0xFFFFFF00]  }
0x4a7: {  	v31 =	vadd.f32 v61, v31;
	v61 =	vld [tilespmem:$0x1F890]  }
0x4a8: {  	v22 =	vadd.f32 v57, v22;
	v21 =	vadd.f32 v40, v21;
	v40 =	vld [tilespmem:$0x1F8A0]  }
0x4a9: {  	v49 =	vadd.f32 v44, v31;
	v44 =	vld [tilespmem:s21+$0xFFFFFF50]  }
0x4aa: {  	v46 =	vmul.f32 v56, v45;
	v22 =	vadd.f32 v28, v22;
	v31 =	vld [tilespmem:$0x1F8D0]  }
0x4ab: {  	v20 =	vmul.f32 v20, v45;
	v57 =	vmul.f32 v43, v54;
	v43 =	vld [tilespmem:s21+$0xFFFFFF48]  }
0x4ac: {  	v27 =	vmul.f32 v41, v54;
	v52 =	vadd.f32 v46, v22;
	v56 =	vadd.f32 v50, v49;
	v49 =	vld [tilespmem:s21+$0xFFFFFF70]  }
0x4ad: {  	v37 =	vmul.f32 v47, v61;
	v47 =	vld [tilespmem:$0x1F8B0]  }
0x4ae: {  	v20 =	vadd.f32 v20, v21;
	v21 =	vadd.f32 v27, v52;
	v52 =	vld [tilespmem:s21+$0xFFFFFF78]  }
0x4af: {  	v26 =	vadd.f32 v57, v56;
	v57 =	vld [tilespmem:s21+$0xFFFFFF98]  }
0x4b0: {  	v17 =	vmul.f32 v17, v54;
	v14 =	vmul.f32 v14, v61;
	v27 =	vld [tilespmem:s21+$0x68]  }
0x4b1: {  	v39 =	vmul.f32 v51, v61;
	v22 =	vmul.f32 v55, v40;
	v55 =	vld [tilespmem:$0x1F8C0]  }
0x4b2: {  	v17 =	vadd.f32 v17, v20;
	v41 =	vmul.f32 v19, v40;
	v45 =	vmul.f32 v60, v40;
	v40 =	vld [tilespmem:s21+$0xFFFFFFF0]  }
0x4b3: {  	v26 =	vadd.f32 v39, v26;
	v39 =	vld [tilespmem:s21+$0xFFFFFFE8]  }
0x4b4: {  	v14 =	vadd.f32 v14, v17;
	v17 =	vld [tilespmem:$0x1F970]  }
0x4b5: {  	v21 =	vadd.f32 v37, v21;
	v20 =	vmul.f32 v62, v47;
	v62 =	vld [tilespmem:s21+$0xFFFFFFA0]  }
0x4b6: {  	v51 =	vmul.f32 v38, v47;
	v38 =	vld [tilespmem:$0x1F8E0]  }
0x4b7: {  	v46 =	vadd.f32 v22, v21;
	v21 =	vld [tilespmem:s21+$0x178]  }
0x4b8: {  	v22 =	vld [tilespmem:$0x1F980]  }
0x4b9: {  	v37 =	vmul.f32 v52, v31;
	v52 =	vld [tilespmem:$0x1F900]  }
0x4ba: {  	v12 =	vmul.f32 v12, v31;
	v34 =	vmul.f32 v49, v31;
	v31 =	vld [tilespmem:s21+$0x88]  }
0x4bb: {  	v50 =	vadd.f32 v45, v26;
	v61 =	vmul.f32 v44, v55;
	v44 =	vld [tilespmem:$0x1F8F0]  }
0x4bc: {  	v14 =	vadd.f32 v41, v14;
	v54 =	vadd.f32 v20, v46;
	v46 =	vld [tilespmem:s21+$0x10]  }
0x4bd: {  	v13 =	vmul.f32 v13, v47;
	v60 =	vadd.f32 v51, v50;
	v19 =	vmul.f32 v43, v55;
	v50 =	vld [tilespmem:s21+$0x18]  }
0x4be: {  	v20 =	vld [tilespmem:s21+$0x158]  }
0x4bf: {  	v13 =	vadd.f32 v13, v14;
	v14 =	vadd.f32 v19, v54;
	v54 =	vld [tilespmem:s21+$0x38]  }
0x4c0: {  	v33 =	vadd.f32 v61, v60;
	v60 =	vld [tilespmem:$0x1F910]  }
0x4c1: {  	v61 =	vld [tilespmem:s21+$0x60]  }
0x4c2: {  	v56 =	vmul.f32 v18, v55;
	v18 =	vmul.f32 v57, v38;
	v57 =	vld [tilespmem:s21+$0x40]  }
0x4c3: {  	v19 =	vadd.f32 v37, v33;
	v37 =	vld [tilespmem:s21+$0xB0]  }
0x4c4: {  	v13 =	vadd.f32 v56, v13;
	v56 =	vmul.f32 v40, v52;
	v40 =	vld [tilespmem:s21+$0xB8]  }
0x4c5: {  	v45 =	vmul.f32 v32, v44;
	v32 =	vld [tilespmem:s21+$0x90]  }
0x4c6: {  	v41 =	vmul.f32 v62, v38;
	v49 =	vmul.f32 v35, v44;
	v35 =	vld [tilespmem:$0x1F930]  }
0x4c7: {  	v14 =	vadd.f32 v34, v14;
	v9 =	vmul.f32 v9, v44;
	v44 =	vld [tilespmem:s21+$0xD8]  }
0x4c8: {  	v47 =	vadd.f32 v41, v19;
	v19 =	vld [tilespmem:s21+$0x150]  }
0x4c9: {  	v43 =	vadd.f32 v18, v14;
	v18 =	vmul.f32 v16, v17;
	v16 =	vld [tilespmem:s21+$0x290]  }
0x4ca: {  	v10 =	vmul.f32 v10, v38;
	v12 =	vadd.f32 v12, v13;
	v14 =	vld [tilespmem:s21+$0x428]  }
0x4cb: {  	v28 =	vmul.f32 v50, v60;
	v50 =	vld [tilespmem:s21+$0x100]  }
0x4cc: {  	v10 =	vadd.f32 v10, v12;
	v12 =	vmul.f32 v54, v29;
	v54 =	vld [tilespmem:s21+$0x108]  }
0x4cd: {  	v7 =	vmul.f32 v7, v60;
	v26 =	vmul.f32 v46, v60;
	v60 =	vld [tilespmem:s21+$0x130]  }
0x4ce: {  	v51 =	vadd.f32 v45, v43;
	v43 =	vld [tilespmem:$0x1F940]  }
0x4cf: {  	v55 =	vadd.f32 v49, v47;
	v47 =	vld [tilespmem:s21+$0xE0]  }
0x4d0: {  	v49 =	vld [tilespmem:$0x1F950]  }
0x4d1: {  	v33 =	vmul.f32 v57, v29;
	v57 =	vld [tilespmem:s21+$0x128]  }
0x4d2: {  	v5 =	vmul.f32 v5, v29;
	v13 =	vmul.f32 v39, v52;
	v29 =	vld [tilespmem:$0x1F990]  }
0x4d3: {  	v62 =	vadd.f32 v56, v55;
	v56 =	vld [tilespmem:$0x1F960]  }
0x4d4: {  	v9 =	vadd.f32 v9, v10;
	v10 =	vadd.f32 v13, v51;
	v39 =	vmul.f32 v27, v35;
	v27 =	vld [tilespmem:s21+$0x180]  }
0x4d5: {  	v8 =	vmul.f32 v8, v52;
	v13 =	vadd.f32 v28, v62;
	v28 =	vld [tilespmem:s21+$0x1A0]  }
0x4d6: {  	v10 =	vadd.f32 v26, v10;
	v26 =	vmul.f32 v58, v22;
	v58 =	vld [tilespmem:$0x1F9E0]  }
0x4d7: {  	v8 =	vadd.f32 v8, v9;
	v52 =	vmul.f32 v37, v49;
	v37 =	vld [tilespmem:s21+$0x1C8]  }
0x4d8: {  	v3 =	vmul.f32 v3, v43;
	v55 =	vmul.f32 v40, v49;
	v40 =	vld [tilespmem:s21+$0x1D0]  }
0x4d9: {  	v7 =	vadd.f32 v7, v8;
	v8 =	vmul.f32 v31, v43;
	v46 =	vmul.f32 v32, v43;
	v43 =	vld [tilespmem:s21+$0x1F0]  }
0x4da: {  	v31 =	vmul.f32 v53, v29;
	v53 =	vld [tilespmem:$0x1F9D0]  }
0x4db: {  	v4 =	vmul.f32 v4, v35;
	v32 =	vmul.f32 v19, v29;
	v19 =	vld [tilespmem:s21+$0x2B8]  }
0x4dc: {  	v9 =	vmul.f32 v61, v35;
	v35 =	vmul.f32 v20, v29;
	v20 =	vld [tilespmem:$0x1FA00]  }
0x4dd: {  	v34 =	vadd.f32 v12, v10;
	v12 =	vld [tilespmem:$0x1FA90]  }
0x4de: {  	v5 =	vadd.f32 v5, v7;
	v7 =	vmul.f32 v44, v56;
	v44 =	vld [tilespmem:$0x1F9B0]  }
0x4df: {  	v38 =	vadd.f32 v33, v13;
	v61 =	vmul.f32 v47, v56;
	v47 =	vld [tilespmem:s21+$0x218]  }
0x4e0: {  	v41 =	vadd.f32 v9, v34;
	v34 =	vld [tilespmem:s21+$0x1A8]  }
0x4e1: {  	v45 =	vadd.f32 v39, v38;
	v38 =	vld [tilespmem:$0x1F9A0]  }
0x4e2: {  	v4 =	vadd.f32 v4, v5;
	v9 =	vmul.f32 v60, v22;
	v60 =	vmul.f32 v15, v58;
	v15 =	vld [tilespmem:s21+$0x448]  }
0x4e3: {  	v51 =	vadd.f32 v46, v45;
	v46 =	vld [tilespmem:s21+$0x1F8]  }
0x4e4: {  	v10 =	vmul.f32 v54, v17;
	v3 =	vadd.f32 v3, v4;
	v4 =	vmul.f32 v50, v17;
	v17 =	vld [tilespmem:$0x1F9F0]  }
0x4e5: {  	v5 =	vadd.f32 v8, v41;
	v54 =	vmul.f32 v30, v53;
	v30 =	vld [tilespmem:s21+$0x308]  }
0x4e6: {  	v8 =	vadd.f32 v55, v51;
	v51 =	vld [tilespmem:s21+$0x220]  }
0x4e7: {  	v1 =	vmul.f32 v1, v49;
	v5 =	vadd.f32 v52, v5;
	v52 =	vld [tilespmem:s21+$0x240]  }
0x4e8: {  	v55 =	vld [tilespmem:s21+$0x248]  }
0x4e9: {  	v1 =	vadd.f32 v1, v3;
	v3 =	vmul.f32 v57, v22;
	v57 =	vld [tilespmem:s21+$0x268]  }
0x4ea: {  	v22 =	vld [tilespmem:s21+$0x2C0]  }
0x4eb: {  	v39 =	vmul.f32 v48, v38;
	v48 =	vld [tilespmem:$0x1F9C0]  }
0x4ec: {  	v0 =	vmul.f32 v0, v56;
	v41 =	vmul.f32 v27, v38;
	v27 =	vld [tilespmem:$0x1FA10]  }
0x4ed: {  	v8 =	vadd.f32 v61, v8;
	v61 =	vld [tilespmem:s21+$0x270]  }
0x4ee: {  	v0 =	vadd.f32 v0, v1;
	v62 =	vadd.f32 v7, v5;
	v5 =	vmul.f32 v28, v44;
	v28 =	vld [tilespmem:s21+$0x2E8]  }
0x4ef: {  	v56 =	vmul.f32 v46, v53;
	v46 =	vld [tilespmem:$0x1F6F0]  }
0x4f0: {  	v0 =	vadd.f32 v18, v0;
	v18 =	vld [tilespmem:s21+$0x298]  }
0x4f1: {  	v1 =	vadd.f32 v4, v62;
	v4 =	vmul.f32 v21, v38;
	v38 =	vld [tilespmem:s21+$0x338]  }
0x4f2: {  	v62 =	vmul.f32 v51, v58;
	v51 =	vld [tilespmem:$0x1F6E0]  }
0x4f3: {  	v8 =	vadd.f32 v10, v8;
	v10 =	vmul.f32 v52, v17;
	v52 =	vld [tilespmem:s21+$0x3B0]  }
0x4f4: {  	v21 =	vmul.f32 v57, v20;
	v57 =	vld [tilespmem:s21+$0x3F8]  }
0x4f5: {  	v0 =	vadd.f32 v26, v0;
	v26 =	vld [tilespmem:s21+$0x2E0]  }
0x4f6: {  	v49 =	vmul.f32 v36, v48;
	v36 =	vld [tilespmem:$0x1FA30]  }
0x4f7: {  	v1 =	vadd.f32 v3, v1;
	v3 =	vmul.f32 v40, v48;
	v40 =	vld [tilespmem:$0x1FA40]  }
0x4f8: {  	v45 =	vmul.f32 v42, v44;
	v33 =	vadd.f32 v9, v8;
	v8 =	vmul.f32 v34, v44;
	v44 =	vld [tilespmem:s21+$0x380]  }
0x4f9: {  	v50 =	vmul.f32 v37, v48;
	v48 =	vld [tilespmem:s21+$0x388]  }
0x4fa: {  	v0 =	vadd.f32 v31, v0;
	v1 =	vadd.f32 v32, v1;
	v31 =	vld [tilespmem:$0x1FA20]  }
0x4fb: {  	v7 =	vadd.f32 v35, v33;
	v33 =	vld [tilespmem:s21+$0x310]  }
0x4fc: {  	v35 =	vld [tilespmem:s21+$0x330];
	v0 =	vadd.f32 v39, v0;
	v1 =	vadd.f32 v4, v1  }
0x4fd: {  	v29 =	vmul.f32 v18, v27;
	v18 =	vld [tilespmem:s21+$0x450];
	v7 =	vadd.f32 v41, v7  }
0x4fe: {  	v39 =	vld [tilespmem:s21+$0x358];
	v0 =	vadd.f32 v45, v0;
	v1 =	vadd.f32 v5, v1  }
0x4ff: {  	v41 =	vld [tilespmem:$0x1F700];
	v7 =	vadd.f32 v8, v7  }
0x500: {  	v4 =	vmul.f32 v43, v53;
	v43 =	vld [tilespmem:s21+$0x360];
	v0 =	vadd.f32 v49, v0;
	v1 =	vadd.f32 v50, v1  }
0x501: {  	v53 =	vld [tilespmem:s21+$0x3D0];
	v37 =	vmul.f32 v59, v36;
	v3 =	vadd.f32 v3, v7  }
0x502: {  	v59 =	vld [tilespmem:$0x1FA80];
	v5 =	vmul.f32 v47, v58;
	v0 =	vadd.f32 v54, v0;
	v1 =	vadd.f32 v4, v1  }
0x503: {  	v6 =	vmul.f32 v6, v20;
	v11 =	vmul.f32 v11, v17;
	v45 =	vld [tilespmem:$0x1FA50];
	v3 =	vadd.f32 v56, v3  }
0x504: {  	v2 =	vmul.f32 v2, v27;
	v58 =	vld [tilespmem:$0x1F6C0];
	v0 =	vadd.f32 v60, v0;
	v1 =	vadd.f32 v5, v1  }
0x505: {  	v32 =	vmul.f32 v63, v31;
	v63 =	vld [tilespmem:$0x1F6B0];
	v7 =	vmul.f32 v55, v17;
	v3 =	vadd.f32 v62, v3  }
0x506: {  	v34 =	vmul.f32 v22, v31;
	v22 =	vld [tilespmem:$0x1FAB0];
	v0 =	vadd.f32 v11, v0;
	v1 =	vadd.f32 v10, v1  }
0x507: {  	v42 =	vmul.f32 v33, v40;
	v33 =	vld [tilespmem:$0x1F670];
	v4 =	vmul.f32 v61, v20;
	v3 =	vadd.f32 v7, v3  }
0x508: {  	v49 =	vld [tilespmem:s21+$0x3A8];
	v5 =	vmul.f32 v16, v27;
	v0 =	vadd.f32 v6, v0;
	v1 =	vadd.f32 v21, v1  }
0x509: {  	v50 =	vld [tilespmem:$0x1FA60];
	v3 =	vadd.f32 v4, v3  }
0x50a: {  	v55 =	vld [tilespmem:$0x1F6D0];
	v10 =	vmul.f32 v19, v31;
	v0 =	vadd.f32 v2, v0;
	v1 =	vadd.f32 v5, v1  }
0x50b: {  	v17 =	vld [tilespmem:$0x1FAA0];
	v3 =	vadd.f32 v29, v3  }
0x50c: {  	v54 =	vld [tilespmem:$0x1FA70];
	v6 =	vmul.f32 v26, v36;
	v0 =	vadd.f32 v32, v0;
	v1 =	vadd.f32 v10, v1  }
0x50d: {  	v9 =	vmul.f32 v41, v40;
	v56 =	vld [tilespmem:s21+$0x3D8];
	v4 =	vmul.f32 v28, v36;
	v3 =	vadd.f32 v34, v3  }
0x50e: {  	v61 =	vld [tilespmem:s21+$0x400];
	v2 =	vmul.f32 v30, v40;
	v0 =	vadd.f32 v37, v0;
	v1 =	vadd.f32 v6, v1  }
0x50f: {  	v20 =	vld [tilespmem:s21+$0x470];
	v47 =	vmul.f32 v35, v45;
	v3 =	vadd.f32 v4, v3  }
0x510: {  	v62 =	vld [tilespmem:s21+$0x420];
	v10 =	vmul.f32 v46, v45;
	v0 =	vadd.f32 v9, v0;
	v1 =	vadd.f32 v2, v1  }
0x511: {  	v16 =	vld [tilespmem:$0x1F6A0];
	v7 =	vmul.f32 v38, v45;
	v6 =	vmul.f32 v39, v50;
	v3 =	vadd.f32 v42, v3  }
0x512: {  	v27 =	vld [tilespmem:s21+$0x498];
	v0 =	vadd.f32 v10, v0;
	v10 =	vmul.f32 v51, v50;
	v1 =	vadd.f32 v47, v1  }
0x513: {  	v31 =	vld [tilespmem:s21+$0x4A0];
	v5 =	vmul.f32 v43, v50;
	v9 =	vmul.f32 v44, v54;
	v3 =	vadd.f32 v7, v3  }
0x514: {  	v38 =	vld [tilespmem:$0x1F660];
	v7 =	vmul.f32 v55, v54;
	v0 =	vadd.f32 v10, v0;
	v1 =	vadd.f32 v6, v1  }
0x515: {  	v60 =	vmul.f32 v49, v59;
	v21 =	vld [tilespmem:$0x1F690];
	v4 =	vmul.f32 v48, v54;
	v3 =	vadd.f32 v5, v3  }
0x516: {  	v26 =	vld [tilespmem:s21+$0x478];
	v0 =	vadd.f32 v7, v0;
	v1 =	vadd.f32 v9, v1;
	v9 =	vmul.f32 v58, v59  }
0x517: {  	v13 =	vmul.f32 v53, v12;
	v28 =	vld [tilespmem:$0x1F680];
	v2 =	vmul.f32 v52, v59;
	v3 =	vadd.f32 v4, v3  }
0x518: {  	v36 =	vld [tilespmem:s21+$0x4C8];
	v10 =	vmul.f32 v63, v12;
	v0 =	vadd.f32 v9, v0;
	v1 =	vadd.f32 v60, v1  }
0x519: {  	v29 =	vld [tilespmem:$0x1FAC0];
	v5 =	vmul.f32 v56, v12;
	v7 =	vmul.f32 v57, v17;
	v2 =	vadd.f32 v2, v3  }
0x51a: {  	v43 =	vld [tilespmem:$0x1FAF0];
	v0 =	vadd.f32 v10, v0;
	v10 =	vmul.f32 v16, v17;
	v1 =	vadd.f32 v13, v1  }
0x51b: {  	v19 =	vmul.f32 v61, v17;
	v34 =	vld [tilespmem:$0x1FAD0];
	v8 =	vmul.f32 v21, v22;
	v2 =	vadd.f32 v5, v2  }
0x51c: {  	v32 =	vld [tilespmem:s21+$0x4C0];
	v9 =	vmul.f32 v62, v22;
	v0 =	vadd.f32 v10, v0;
	v1 =	vadd.f32 v7, v1  }
0x51d: {  	v39 =	vld [tilespmem:$0x1FAE0];
	v3 =	vmul.f32 v14, v22;
	v2 =	vadd.f32 v19, v2  }
0x51e: {  	v45 =	vld [tilespmem:$0x1F640];
	v0 =	vadd.f32 v8, v0;
	v1 =	vadd.f32 v9, v1;
	v9 =	vmul.f32 v28, v29  }
0x51f: {  	v30 =	vmul.f32 v15, v29;
	v42 =	vld [tilespmem:$0x1F650];
	v4 =	vmul.f32 v18, v29;
	v2 =	vadd.f32 v3, v2  }
0x520: {  	v46 =	vld [tilespmem:$0x1FB00];
	v35 =	vmul.f32 v20, v34;
	v10 =	vmul.f32 v33, v34;
	v0 =	vadd.f32 v9, v0  }
0x521: {  	v37 =	vld [tilespmem:s21+$0x4E8];
	v5 =	vmul.f32 v26, v34;
	v1 =	vadd.f32 v30, v1;
	v2 =	vadd.f32 v4, v2  }
0x522: {  	v40 =	vld [tilespmem:s21+$0x4F0];
	v41 =	vmul.f32 v31, v39;
	v0 =	vadd.f32 v10, v0;
	v10 =	vmul.f32 v38, v39  }
0x523: {  	v8 =	vmul.f32 v27, v39;
	v1 =	vadd.f32 v35, v1;
	v2 =	vadd.f32 v5, v2  }
0x524: {  	v44 =	vmul.f32 v32, v43;
	v6 =	vmul.f32 v42, v43;
	v0 =	vadd.f32 v10, v0  }
0x525: {  	v4 =	vmul.f32 v36, v43;
	v1 =	vadd.f32 v8, v1;
	v2 =	vadd.f32 v41, v2  }
0x526: {  	v47 =	vmul.f32 v37, v46;
	v5 =	vmul.f32 v45, v46;
	v0 =	vadd.f32 v6, v0  }
0x527: {  	v3 =	vmul.f32 v40, v46;
	v1 =	vadd.f32 v44, v1;
	v2 =	vadd.f32 v4, v2  }
0x528: {  	v0 =	vadd.f32 v5, v0  }
0x529: {  	v1 =	vadd.f32 v47, v1;
	v2 =	vadd.f32 v3, v2;
	_ =	sdelay $0x1  }
0x52a: {  	v2 =	vsel vm0, $0xF149F2CA, v2;
	v48 =	vmax.f32 v0, v1  }
0x52b: {  	v3 =	vmax.f32 v48, v2  }
0x52c: {  	(xrf0) =	vmax.scan.msk.f32 $0xffff, v3;
	_ =	sdelay $0x5  }
0x52d: {  	v3, _, _ =	vpop (xrf0)  }
0x52e: {  	v3 =	vbroadcast v3, $0xF;
	_ =	sdelay $0x1  }
0x52f: {  	v0 =	vsub.f32 v0, v3  }
0x530: {  	v1 =	vsub.f32 v1, v3  }
0x531: {  	v0 =	vmul.f32 $1.442695020e+00, v0  }
0x532: {  	v2 =	vsub.f32 v2, v3;
	v1 =	vmul.f32 $1.442695020e+00, v1  }
0x533: {  	(erf) = vpow2.f32 v0  }
0x534: {  	v49 =	vmul.f32 $1.442695020e+00, v2;
	(erf) = vpow2.f32 v1;
	_ =	sdelay $0x1  }
0x535: {  	(erf) = vpow2.f32 v49;
	_ =	sdelay $0x5  }
0x536: {  	v50 =	vpop (erf)  }
0x537: {  	v1 =	vpop (erf)  }
0x538: {  	v51 =	vadd.f32 v1, v50  }
0x539: {  	v52 =	vpop (erf)  }
0x53a: {  	v2 =	vadd.f32 v51, v52;
	_ =	sdelay $0x1  }
0x53b: {  	(xrf2) =	vadd.scan.msk.f32 $0xffff, v2;
	_ =	sdelay $0x9  }
0x53c: {  	v2, _, _ =	vpop (xrf2)  }
0x53d: {  	v2 =	vbroadcast v2, $0xF;
	_ =	sdelay $0x1  }
0x53e: {  	(erf) = vrcp.f32 v2;
	_ =	sdelay $0x2  }
0x53f: {  	v54 =	vld [tilespmem:$0x1F630];
	_ =	sdelay $0x3  }
0x540: {  	v53 =	vmov s22  }
0x541: {  	v2 =	vperm.xlane v54, v53  }
0x542: {  	v55 =	vpop (erf)  }
0x543: {  	v2 =	vmul.f32 v55, v2;
	_ =	sdelay $0x1  }
0x544: {  	v0 =	vmul.f32 v2, v50  }
0x545: {  	v3 =	vmul.f32 v2, v52;
	v1 =	vmul.f32 v2, v1  }
0x546: {  	v0 =	vadd.f32 v0, v23  }
0x547: {  	v56 =	vadd.f32 v3, v24;
	v1 =	vadd.f32 v1, v25;
	_ =	sdelay $0x1  }
0x548: {  	v2 =	vsel vm0, $0xF149F2CA, v56;
	v57 =	vmax.f32 v0, v1  }
0x549: {  	v3 =	vmax.f32 v57, v2  }
0x54a: {  	(xrf0) =	vmax.scan.msk.f32 $0xffff, v3;
	_ =	sdelay $0x5  }
0x54b: {  	v3, _, _ =	vpop (xrf0)  }
0x54c: {  	v3 =	vbroadcast v3, $0xF;
	_ =	sdelay $0x1  }
0x54d: {  	v0 =	vsub.f32 v0, v3  }
0x54e: {  	v1 =	vsub.f32 v1, v3  }
0x54f: {  	v0 =	vmul.f32 $1.442695020e+00, v0  }
0x550: {  	v2 =	vsub.f32 v2, v3;
	v1 =	vmul.f32 $1.442695020e+00, v1  }
0x551: {  	(erf) = vpow2.f32 v0  }
0x552: {  	v58 =	vmul.f32 $1.442695020e+00, v2;
	(erf) = vpow2.f32 v1;
	_ =	sdelay $0x1  }
0x553: {  	(erf) = vpow2.f32 v58;
	_ =	sdelay $0x5  }
0x554: {  	v59 =	vpop (erf)  }
0x555: {  	v1 =	vpop (erf)  }
0x556: {  	v60 =	vadd.f32 v1, v59  }
0x557: {  	v61 =	vpop (erf)  }
0x558: {  	v2 =	vadd.f32 v60, v61;
	_ =	sdelay $0x1  }
0x559: {  	(xrf2) =	vadd.scan.msk.f32 $0xffff, v2;
	_ =	sdelay $0x9  }
0x55a: {  	v2, _, _ =	vpop (xrf2)  }
0x55b: {  	v2 =	vbroadcast v2, $0xF;
	_ =	sdelay $0x1  }
0x55c: {  	(erf) = vrcp.f32 v2;
	_ =	sdelay $0x4  }
0x55d: {  	v62 =	vld [tilespmem:$0x1FFF0];
	_ =	sdelay $0x2  }
0x55e: {  	s19 =	sadd.s32 $0x1, s19  }
0x55f: {  	s20 =	smul.u32 $0xC0, s20;
	p0 =	sne.s32 s19, $0x40;
	v2 =	vpop (erf)  }
.Ltmp2:
0x560: {  	v3 =	vperm.xlane v61, v62;
	v0 =	vmul.f32 v2, v59;
	(pc) =	sbr.rel @p0 .LBB2_2-.Ltmp2, $4  }
0x561: {  	s20 =	sshra.s32 s20, $0x2;
	v1 =	vmul.f32 v2, v1  }
0x562: {  	v63 =	vmul.f32 v3, v2;
	[tilespmem:s20+$0xE000] =	vst v0  }
0x563: {  	[tilespmem:s20+$0xE010] =	vst v1  }
0x564: {  	[tilespmem:s20+$0xE020] =	vst v63  }
0x565: {  	s18 =	sadd.s32 $0x1, s18  }
0x566: {  	p0 =	sne.s32 s18, s8  }
.Ltmp3:
0x567: {  	_ = 	snop;
	(pc) =	sbr.rel @p0 .LBB2_1-.Ltmp3, $4  }
0x568: {  	[hbm4b:s7+s2] =	stream.linear.scatter [tilespmem:s17], [sflag:$0x3], $0x1800, $0x38;
	[tilespmem:$0xF800] =	vst v63  }
0x569: {  	_ =	swait.ge [sflag:s9], $0x1800  }
0x56a: {  	[sflag:s9] =	ssyncset.done $0x0  }
0x56b: {  	[sflag:s9] =	ssyncadd.s32 $0xFFFFE800  }
0x56c: {  	_ =	sfence.sel $0x180000  }
0x56d: {  	[bflag:$0x0] =	sbarrier.arrive $0xFFFF  }
0x56e: {  	p0 =	sne.s32 s1, $0x0;
	_ =	strace $0x90000047  }
0x56f: {  	s0 =	sadd.s32 @!p0 $0x100000, s0;
	[bflag:$0x2] =	sbarrier.arrive $0xFFFF  }
0x570: {  	[sflag:s0] =	ssyncadd.tile.s32 @!p0 $0x1;
	_ =	shalt  }
.Lfunc_end2:
_tile_overlayer_lowered:
.L_overlay_start_2:
0x571: {  	(tag) =	ssettag $0x2  }
0x572: {  	s0 =	rddreg [dreg:$0x0];
	s2 =	stileid.u32  }
0x573: {  	s1 =	rddreg [dreg:$0x1];
	p0 =	sne.s32 s2, $0x0  }
0x574: {  	s3 =	rddreg [dreg:$0x2];
	[bflag:$0x3] =	sbarrier.arrive $0xFFFF;
	s2 =	simm.s32 @!p0 $0x1C03  }
0x575: {  	[timem:s3], [sflag:s2] =	dma.local @!p0 [hbm:s0], s1  }
0x576: {  	s0 =	simm.s32 @!p0 $0x3  }
0x577: {  	_ =	swait.ge @!p0 [sflag:s0], s1  }
0x578: {  	s1 =	ssub.s32 @!p0 $0x0, s1;
	[sflag:s0] =	ssyncset.done @!p0 $0x0  }
0x579: {  	[sflag:s0] =	ssyncadd.s32 @!p0 s1  }
0x57a: {  	[bflag:$0x3] =	sbarrier.arrive $0xFFFF  }
0x57b: {  	_ =	shalt  }

</sc_bundles>
